<compile_context>
chip_gen: v7x
topology: tpu7x:2x2x1
jax: 0.10.2.dev20260603
libtpu: 0.0.44.dev20260713+nightly
codegen_flags: <defaults>
</compile_context>

<pallas_src>
import functools

import jax
import jax.numpy as jnp
from jax import lax
from jax.experimental import pallas as pl
from jax.experimental.pallas import tpu as pltpu
from jax.experimental.pallas import tpu_sc as plsc

S = 7
B = 2
NC = 20
IMG = 448.0
GRID = 64.0
COORD = 5.0
NOOBJ = 0.5
N = 128
NGT = 30
NCELL = S * S
L = 16
NTILES = 16
NBQ = 4
GPT = 2
CPT = 14


def _fsqrt(x):
    i = lax.bitcast_convert_type(x, jnp.int32)
    y = lax.bitcast_convert_type((i >> 1) + 0x1FBD1DF5, jnp.float32)
    y = 0.5 * (y + x / y)
    y = 0.5 * (y + x / y)
    return y


def _clip01(v):
    return jnp.minimum(jnp.maximum(v, 0.0), IMG - 1.0)


def _body(conf_h, box_h, cls_h, gt_h, lab_h, out_h,
          conf_v, box_v, cls_v, gt_v, lab_v,
          obj_s, ox_s, oy_s, ow_s, oh_s, lm_s,
          part_v, red_v, out_v, shared, sem):
    wid = lax.axis_index("s") + lax.axis_index("c")
    bq = wid % NBQ
    rg = wid // NBQ
    ilo = jnp.minimum(2 * rg, S - 2)
    vlo = CPT * rg
    vhi = jnp.minimum(vlo + CPT - 1, NCELL - 1)
    co7 = ilo * S
    cp_first = [pltpu.async_copy(lab_h, lab_v, sem),
                pltpu.async_copy(gt_h, gt_v, sem)]
    cp_rest = [pltpu.async_copy(box_h.at[pl.ds(ilo * (S * 8), 2 * S * 8)], box_v, sem)]
    for r in range(2):
        for cx in range(S):
            cp_rest.append(pltpu.async_copy(
                conf_h.at[ilo + r, cx], conf_v.at[pl.ds((r * S + cx) * B, B)], sem))
        for cc in range(NC):
            cp_rest.append(pltpu.async_copy(
                cls_h.at[ilo + r, cc], cls_v.at[pl.ds((r * NC + cc) * S, S)], sem))

    iota = lax.iota(jnp.int32, L)
    zf = jnp.zeros((L,), jnp.float32)
    zi = jnp.zeros((L,), jnp.int32)
    ones = jnp.ones((L,), jnp.float32)

    for k in range(CPT * GPT):
        sl = pl.ds(k * L, L)
        obj_s[sl] = zf
        ox_s[sl] = zf
        oy_s[sl] = zf
        ow_s[sl] = zf
        oh_s[sl] = zf
        lm_s[sl] = zi

    for cp in cp_first:
        cp.wait()

    def ebody(it, carry):
        grp = it // NGT
        j = it - grp * NGT
        n0 = pl.multiple_of(bq * (GPT * L) + grp * L, L)
        nsl = pl.ds(n0, L)
        x1 = gt_v[j * 4 + 0, nsl]
        y1 = gt_v[j * 4 + 1, nsl]
        x2 = gt_v[j * 4 + 2, nsl]
        y2 = gt_v[j * 4 + 3, nsl]
        lb = lab_v[j, nsl]
        w = x2 - x1
        h = y2 - y1
        x = x1 + w * 0.5
        y = y1 + h * 0.5
        cx = (x / GRID).astype(jnp.int32)
        cy = (y / GRID).astype(jnp.int32)
        cell = cy * S + cx
        m = (cell >= vlo) & (cell <= vhi)
        idx = (jnp.clip(cell - co7, 0, CPT - 1) * GPT + grp) * L + iota
        plsc.store_scatter(obj_s, [idx], ones, mask=m)
        plsc.store_scatter(ox_s, [idx], (x - cx.astype(jnp.float32) * GRID) / GRID, mask=m)
        plsc.store_scatter(oy_s, [idx], (y - cy.astype(jnp.float32) * GRID) / GRID, mask=m)
        plsc.store_scatter(ow_s, [idx], w / IMG, mask=m)
        plsc.store_scatter(oh_s, [idx], h / IMG, mask=m)
        cur = plsc.load_gather(lm_s, [idx], mask=m)
        plsc.store_scatter(lm_s, [idx], cur | jnp.left_shift(jnp.int32(1), lb), mask=m)
        return carry

    lax.fori_loop(0, GPT * NGT, ebody, 0)

    for cp in cp_rest:
        cp.wait()

    def cbody(it, acc):
        ci = it // GPT
        grp = it - ci * GPT
        n0 = pl.multiple_of(bq * (GPT * L) + grp * L, L)
        nsl = pl.ds(n0, L)
        lr = lax.div(ci, S)
        cxi = ci - lr * S
        cg = co7 + ci
        validf = jnp.where((cg >= vlo) & (cg <= vhi), 1.0, 0.0)
        ltx = cxi.astype(jnp.float32) * GRID
        lty = (ilo + lr).astype(jnp.float32) * GRID
        sl = pl.ds((ci * GPT + grp) * L, L)
        obj = obj_s[sl]
        gx = ox_s[sl]
        gy = oy_s[sl]
        gw = ow_s[sl]
        gh = oh_s[sl]
        lm = lm_s[sl]
        gcx = gx * GRID + ltx
        gcy = gy * GRID + lty
        gww = gw * IMG
        ghh = gh * IMG
        gx1 = _clip01(gcx - gww * 0.5)
        gy1 = _clip01(gcy - ghh * 0.5)
        gx2 = _clip01(gcx + gww * 0.5)
        gy2 = _clip01(gcy + ghh * 0.5)
        garea = (gx2 - gx1) * (gy2 - gy1)
        es, cfs, ious = [], [], []
        for b in range(B):
            ex = box_v[ci * 8 + b * 4 + 0, nsl]
            ey = box_v[ci * 8 + b * 4 + 1, nsl]
            ew = box_v[ci * 8 + b * 4 + 2, nsl]
            eh = box_v[ci * 8 + b * 4 + 3, nsl]
            cf = conf_v[ci * B + b, nsl]
            pcx = ex * GRID + ltx
            pcy = ey * GRID + lty
            pww = ew * IMG
            phh = eh * IMG
            px1 = _clip01(pcx - pww * 0.5)
            py1 = _clip01(pcy - phh * 0.5)
            px2 = _clip01(pcx + pww * 0.5)
            py2 = _clip01(pcy + phh * 0.5)
            parea = (px2 - px1) * (py2 - py1)
            ix = jnp.maximum(jnp.minimum(px2, gx2) - jnp.maximum(px1, gx1), 0.0)
            iy = jnp.maximum(jnp.minimum(py2, gy2) - jnp.maximum(py1, gy1), 0.0)
            inter = ix * iy
            ious.append(inter / (parea + garea - inter + 1e-4))
            es.append((ex, ey, ew, eh))
            cfs.append(cf)
        sel = jnp.where(ious[1] > ious[0], 1.0, 0.0)
        ioumax = jnp.maximum(ious[0], ious[1])
        bom = (obj * (1.0 - sel), obj * sel)
        sgw = _fsqrt(jnp.maximum(gw, 1e-8))
        sgh = _fsqrt(jnp.maximum(gh, 1e-8))
        contrib = zf
        sq = lambda v: v * v
        for b in range(B):
            ex, ey, ew, eh = es[b]
            cf = cfs[b]
            xy = sq(ex - gx) + sq(ey - gy)
            wwh = (sq(_fsqrt(jnp.maximum(ew, 1e-8)) - sgw)
                   + sq(_fsqrt(jnp.maximum(eh, 1e-8)) - sgh))
            co = sq(cf - ioumax)
            contrib = (contrib + bom[b] * (COORD * (xy + wwh) + co)
                       + NOOBJ * (1.0 - bom[b]) * cf * cf)
        ca = zf
        crow = lr * (NC * S) + cxi
        for cc in range(NC):
            clsv = cls_v[crow + cc * S, nsl]
            bit = (jnp.right_shift(lm, cc) & 1).astype(jnp.float32)
            d = clsv - bit
            ca = ca + d * d
        contrib = contrib + obj * ca
        return acc + contrib * validf

    acc = lax.fori_loop(0, CPT * GPT, cbody, zf)
    part_v[...] = acc
    pltpu.sync_copy(part_v, shared.at[pl.ds(wid * L, L)])
    plsc.subcore_barrier()

    @pl.when(wid == 0)
    def _():
        pltpu.sync_copy(shared, red_v)
        tot = zf
        for t in range(NTILES):
            tot = tot + red_v[pl.ds(t * L, L)]
        total = jnp.sum(tot) * jnp.float32(1.0 / N)
        out_v[...] = jnp.where(iota == 0, total, 0.0)
        pltpu.sync_copy(out_v, out_h)


_mesh = plsc.VectorSubcoreMesh(core_axis_name="c", subcore_axis_name="s",
                               num_cores=1, num_subcores=NTILES)

_sc_loss = functools.partial(
    pl.kernel,
    out_type=jax.ShapeDtypeStruct((L,), jnp.float32),
    mesh=_mesh,
    compiler_params=pltpu.CompilerParams(needs_layout_passes=False),
    scratch_types=[
        pltpu.VMEM((2 * S * B, 128), jnp.float32),
        pltpu.VMEM((2 * S * 8, 128), jnp.float32),
        pltpu.VMEM((2 * NC * S, 128), jnp.float32),
        pltpu.VMEM((NGT * 4, 128), jnp.float32),
        pltpu.VMEM((NGT, 128), jnp.int32),
        pltpu.VMEM((CPT * GPT * L,), jnp.float32),
        pltpu.VMEM((CPT * GPT * L,), jnp.float32),
        pltpu.VMEM((CPT * GPT * L,), jnp.float32),
        pltpu.VMEM((CPT * GPT * L,), jnp.float32),
        pltpu.VMEM((CPT * GPT * L,), jnp.float32),
        pltpu.VMEM((CPT * GPT * L,), jnp.int32),
        pltpu.VMEM((L,), jnp.float32),
        pltpu.VMEM((NTILES * L,), jnp.float32),
        pltpu.VMEM((L,), jnp.float32),
        pltpu.VMEM_SHARED((NTILES * L,), jnp.float32),
        pltpu.SemaphoreType.DMA,
    ],
)(_body)


def kernel(preConfidence, preBoxes, preCondClasses, groundTruth, groundLabels):
    confT = jnp.transpose(preConfidence, (1, 2, 3, 0))
    boxT = jnp.transpose(preBoxes, (1, 2, 3, 0)).reshape(S * S * B * 4, N)
    clsT = jnp.transpose(preCondClasses, (1, 3, 2, 0))
    gtT = jnp.transpose(groundTruth, (1, 2, 0)).reshape(NGT * 4, N)
    labT = jnp.transpose(groundLabels.astype(jnp.int32), (1, 0))
    out = _sc_loss(confT, boxT, clsT, gtT, labT)
    return out[0]

# --- scband reference (transcript-rebuilt; emitter-appended) ---
"""Pipeline reference for scband-yolo-loss-84215718740121 (READ-ONLY COPY).

The authoritative reference and input builder live on the scoring server;
editing this copy changes nothing except your own understanding.
"""

import jax, jax.numpy as jnp
import numpy as np

S = 7
B = 2
NC = 20
IMG = 448
GRID = IMG // S
COORD = 5.0
NOOBJ = 0.5
N_BATCH = 128
N_GT = 30


def _ltp():
    ii, jj = jnp.meshgrid(jnp.arange(S), jnp.arange(S), indexing='ij')
    return jnp.stack([jj * GRID, ii * GRID], axis=-1).astype(jnp.float32)


def _transform_pred(preBoxes):
    e = preBoxes.reshape(-1, S, S, B, 4)
    ltp = _ltp()[None, :, :, None, :]
    cxy = e[..., :2] * GRID + ltp
    wh = e[..., 2:] * IMG
    x1 = jnp.clip(cxy[..., 0] - wh[..., 0] / 2.0, 0, IMG - 1)
    y1 = jnp.clip(cxy[..., 1] - wh[..., 1] / 2.0, 0, IMG - 1)
    x2 = jnp.clip(cxy[..., 0] + wh[..., 0] / 2.0, 0, IMG - 1)
    y2 = jnp.clip(cxy[..., 1] + wh[..., 1] / 2.0, 0, IMG - 1)
    return jnp.stack([x1, y1, x2, y2], axis=-1)


def _transform_gt(gtOrd):
    ltp = _ltp()[None]
    cxy = gtOrd[..., :2] * GRID + ltp
    wh = gtOrd[..., 2:] * IMG
    x1 = jnp.clip(cxy[..., 0] - wh[..., 0] / 2.0, 0, IMG - 1)
    y1 = jnp.clip(cxy[..., 1] - wh[..., 1] / 2.0, 0, IMG - 1)
    x2 = jnp.clip(cxy[..., 0] + wh[..., 0] / 2.0, 0, IMG - 1)
    y2 = jnp.clip(cxy[..., 1] + wh[..., 1] / 2.0, 0, IMG - 1)
    return jnp.stack([x1, y1, x2, y2], axis=-1)


def _encode(groundTruth, groundLabels):
    n, g = groundTruth.shape[0], groundTruth.shape[1]
    x1 = groundTruth[..., 0]
    y1 = groundTruth[..., 1]
    x2 = groundTruth[..., 2]
    y2 = groundTruth[..., 3]
    w = x2 - x1
    h = y2 - y1
    x = x1 + w / 2.0
    y = y1 + h / 2.0
    cellX = jnp.floor(x / GRID).astype(jnp.int32)
    cellY = jnp.floor(y / GRID).astype(jnp.int32)
    offset = jnp.stack([
        (x - cellX * GRID) / GRID,
        (y - cellY * GRID) / GRID,
        w / IMG,
        h / IMG,
    ], axis=-1).astype(jnp.float32)
    gtOrd = jnp.zeros((n, S, S, 4), jnp.float32)
    gtLab = jnp.zeros((n, S, S, NC), jnp.float32)
    bidx = jnp.arange(n)
    for j in range(g):  # same last-write-wins order as the torch loops
        gtOrd = gtOrd.at[bidx, cellY[:, j], cellX[:, j]].set(offset[:, j])
        gtLab = gtLab.at[bidx, cellY[:, j], cellX[:, j], groundLabels[:, j]].set(1.0)
    objMask = (gtLab.sum(axis=-1) != 0).astype(jnp.float32)
    return objMask, gtOrd, gtLab


def _best_iou(objMask, gtOrd, preBoxes):
    boxes = _transform_pred(preBoxes)          # [N,S,S,B,4]
    gts = _transform_gt(gtOrd)[..., None, :]   # [N,S,S,1,4]
    lt = jnp.maximum(boxes[..., :2], gts[..., :2])
    rb = jnp.minimum(boxes[..., 2:], gts[..., 2:])
    wh = jnp.clip(rb - lt, 0.0)
    inter = wh[..., 0] * wh[..., 1]
    a1 = (boxes[..., 2] - boxes[..., 0]) * (boxes[..., 3] - boxes[..., 1])
    a2 = (gts[..., 2] - gts[..., 0]) * (gts[..., 3] - gts[..., 1])
    iou = inter / (a1 + a2 - inter + 0.0001)   # [N,S,S,B]
    idx = jnp.argmax(iou, axis=-1)
    oh = jax.nn.one_hot(idx, B, dtype=jnp.float32)
    m = objMask[..., None]
    boxObjMask = oh * m
    boxIouMax = oh * jnp.max(iou, axis=-1, keepdims=True) * m
    return boxObjMask, boxIouMax


def _yolo_loss(preConfidence, preBoxes, preCondClasses, groundTruth, groundLabels):
    objMask, gtOrd, gtLab = _encode(groundTruth, groundLabels)
    objMask = jax.lax.stop_gradient(objMask)
    gtOrd = jax.lax.stop_gradient(gtOrd)
    gtLab = jax.lax.stop_gradient(gtLab)
    bom, biv = _best_iou(objMask, gtOrd, jax.lax.stop_gradient(preBoxes))
    bom = jax.lax.stop_gradient(bom)
    biv = jax.lax.stop_gradient(biv)
    e = preBoxes.reshape(-1, S, S, B, 4)
    gt_e = gtOrd[..., None, :]
    xy_loss = jnp.sum(bom * jnp.sum((e[..., :2] - gt_e[..., :2]) ** 2, axis=-1))
    wh_loss = jnp.sum(bom * jnp.sum((jnp.sqrt(jnp.maximum(e[..., 2:], 1e-8)) - jnp.sqrt(jnp.maximum(gt_e[..., 2:], 1e-8))) ** 2, axis=-1))
    conf_obj = jnp.sum(bom * (preConfidence - biv) ** 2)
    conf_noobj = NOOBJ * jnp.sum((1.0 - bom) * preConfidence ** 2)
    cls_loss = jnp.sum(objMask[..., None] * (preCondClasses - gtLab) ** 2)
    n = preConfidence.shape[0]
    return (COORD * (xy_loss + wh_loss) + conf_obj + conf_noobj + cls_loss) / n


def setup_inputs(seed: int = 0) -> dict:
    key = jax.random.key(seed)
    ks = jax.random.split(key, 8)
    preConfidence = jax.random.uniform(ks[0], (N_BATCH, S, S, B), dtype=jnp.float32)
    preBoxes = jax.random.uniform(ks[1], (N_BATCH, S, S, B * 4), dtype=jnp.float32)
    preCondClasses = jax.random.uniform(ks[2], (N_BATCH, S, S, NC), dtype=jnp.float32)
    cx = jax.random.uniform(ks[3], (N_BATCH, N_GT), dtype=jnp.float32) * IMG
    cy = jax.random.uniform(ks[4], (N_BATCH, N_GT), dtype=jnp.float32) * IMG
    w = jax.random.uniform(ks[5], (N_BATCH, N_GT), dtype=jnp.float32) * 80.0 + 8.0
    h = jax.random.uniform(ks[6], (N_BATCH, N_GT), dtype=jnp.float32) * 80.0 + 8.0
    x1 = jnp.clip(cx - w / 2.0, 0, IMG - 1)
    y1 = jnp.clip(cy - h / 2.0, 0, IMG - 1)
    x2 = jnp.clip(cx + w / 2.0, 0, IMG - 1)
    y2 = jnp.clip(cy + h / 2.0, 0, IMG - 1)
    groundTruth = jnp.stack([x1, y1, x2, y2], axis=-1)
    groundLabels = jax.random.randint(ks[7], (N_BATCH, N_GT), 0, NC)
    return {
        'preConfidence': preConfidence,
        'preBoxes': preBoxes,
        'preCondClasses': preCondClasses,
        'groundTruth': groundTruth,
        'groundLabels': groundLabels,
    }


def reference(preConfidence, preBoxes, preCondClasses, groundTruth, groundLabels):
    return _yolo_loss(preConfidence, preBoxes, preCondClasses, groundTruth, groundLabels)

if __name__ == "__main__":
    import jax
    _d = setup_inputs()
    print(jax.jit(kernel)(*tuple(_d.values())))

</pallas_src>

<mosaic_0001>
#map = affine_map<(d0, d1) -> (0, 0, 0, 0)>
#map1 = affine_map<(d0, d1) -> (0, 0)>
#map2 = affine_map<(d0, d1) -> (0)>
module attributes {stable_mosaic.version = 14 : i64} {
  func.func @_body(%arg0: i32, %arg1: i32, %arg2: memref<7x7x2x128xf32, #tpu.memory_space<hbm>>, %arg3: memref<392x128xf32, #tpu.memory_space<hbm>>, %arg4: memref<7x20x7x128xf32, #tpu.memory_space<hbm>>, %arg5: memref<120x128xf32, #tpu.memory_space<hbm>>, %arg6: memref<30x128xi32, #tpu.memory_space<hbm>>, %arg7: memref<16xf32, #tpu.memory_space<hbm>>, %arg8: memref<28x128xf32, #tpu.memory_space<vmem>>, %arg9: memref<112x128xf32, #tpu.memory_space<vmem>>, %arg10: memref<280x128xf32, #tpu.memory_space<vmem>>, %arg11: memref<120x128xf32, #tpu.memory_space<vmem>>, %arg12: memref<30x128xi32, #tpu.memory_space<vmem>>, %arg13: memref<448xf32, #tpu.memory_space<vmem>>, %arg14: memref<448xf32, #tpu.memory_space<vmem>>, %arg15: memref<448xf32, #tpu.memory_space<vmem>>, %arg16: memref<448xf32, #tpu.memory_space<vmem>>, %arg17: memref<448xf32, #tpu.memory_space<vmem>>, %arg18: memref<448xi32, #tpu.memory_space<vmem>>, %arg19: memref<16xf32, #tpu.memory_space<vmem>>, %arg20: memref<256xf32, #tpu.memory_space<vmem>>, %arg21: memref<16xf32, #tpu.memory_space<vmem>>, %arg22: memref<256xf32, #tpu.memory_space<vmem_shared>>, %arg23: memref<!tpu.dma_semaphore, #tpu.memory_space<semaphore_mem>>) attributes {dimension_semantics = [#tpu.dimension_semantics<core_parallel>, #tpu.dimension_semantics<subcore_parallel>], iteration_bounds = array<i64: 1, 16>, scalar_prefetch = 0 : i64, scratch_operands = 16 : i64, tpu.core_type = #tpu.core_type<sc_vector_subcore>, window_params = [{transform_indices = #map}, {transform_indices = #map1}, {transform_indices = #map}, {transform_indices = #map1}, {transform_indices = #map1}, {transform_indices = #map2}]} {
    %add3A = arith.addi %arg1, %arg0 : i32
    %jit3A = arith.constant 4 : i32
    %eq3A = arith.constant 0 : i32
    %eq3A_0 = arith.cmpi eq, %jit3A, %eq3A : i32
    %jit3A_1 = arith.constant 1 : i32
    %select_n3A = arith.select %eq3A_0, %jit3A_1, %jit3A : i32
    %rem3A = arith.remsi %add3A, %select_n3A : i32
    %ne3A = arith.constant 0 : i32
    %ne3A_2 = arith.cmpi ne, %rem3A, %ne3A : i32
    %lt3A = arith.constant 0 : i32
    %lt3A_3 = arith.cmpi slt, %rem3A, %lt3A : i32
    %lt3A_4 = arith.constant 0 : i32
    %lt3A_5 = arith.cmpi slt, %select_n3A, %lt3A_4 : i32
    %ne3A_6 = arith.xori %lt3A_3, %lt3A_5 : i1
    %and3A = arith.andi %ne3A_6, %ne3A_2 : i1
    %add3A_7 = arith.addi %rem3A, %select_n3A : i32
    %select_n3A_8 = arith.select %and3A, %add3A_7, %rem3A : i32
    %jit3A_9 = arith.constant 4 : i32
    %div3A = arith.divsi %add3A, %jit3A_9 : i32
    %sign3A = arith.constant 0 : i32
    %sign3A_10 = arith.cmpi sgt, %add3A, %sign3A : i32
    %sign3A_11 = arith.extui %sign3A_10 : i1 to i32
    %sign3A_12 = arith.constant 0 : i32
    %sign3A_13 = arith.cmpi slt, %add3A, %sign3A_12 : i32
    %sign3A_14 = arith.extui %sign3A_13 : i1 to i32
    %sign3A_15 = arith.subi %sign3A_11, %sign3A_14 : i32
    %sign3A_16 = arith.constant 0 : i32
    %sign3A_17 = arith.cmpi sgt, %jit3A_9, %sign3A_16 : i32
    %sign3A_18 = arith.extui %sign3A_17 : i1 to i32
    %sign3A_19 = arith.constant 0 : i32
    %sign3A_20 = arith.cmpi slt, %jit3A_9, %sign3A_19 : i32
    %sign3A_21 = arith.extui %sign3A_20 : i1 to i32
    %sign3A_22 = arith.subi %sign3A_18, %sign3A_21 : i32
    %ne3A_23 = arith.cmpi ne, %sign3A_15, %sign3A_22 : i32
    %rem3A_24 = arith.remsi %add3A, %jit3A_9 : i32
    %ne3A_25 = arith.constant 0 : i32
    %ne3A_26 = arith.cmpi ne, %rem3A_24, %ne3A_25 : i32
    %and3A_27 = arith.andi %ne3A_23, %ne3A_26 : i1
    %sub3A = arith.constant 1 : i32
    %sub3A_28 = arith.subi %div3A, %sub3A : i32
    %select_n3A_29 = arith.select %and3A_27, %sub3A_28, %div3A : i32
    %mul3A = arith.constant 2 : i32
    %mul3A_30 = arith.muli %mul3A, %select_n3A_29 : i32
    %min3A = arith.constant 5 : i32
    %min3A_31 = arith.minsi %mul3A_30, %min3A : i32
    %mul3A_32 = arith.constant 14 : i32
    %mul3A_33 = arith.muli %mul3A_32, %select_n3A_29 : i32
    %add3A_34 = arith.constant 14 : i32
    %add3A_35 = arith.addi %mul3A_33, %add3A_34 : i32
    %sub3A_36 = arith.constant 1 : i32
    %sub3A_37 = arith.subi %add3A_35, %sub3A_36 : i32
    %min3A_38 = arith.constant 48 : i32
    %min3A_39 = arith.minsi %sub3A_37, %min3A_38 : i32
    %mul3A_40 = arith.constant 7 : i32
    %mul3A_41 = arith.muli %min3A_31, %mul3A_40 : i32
    tpu.enqueue_dma source(%arg6 : memref<30x128xi32, #tpu.memory_space<hbm>>) target(%arg12 : memref<30x128xi32, #tpu.memory_space<vmem>>) target_semaphore(%arg23 : memref<!tpu.dma_semaphore, #tpu.memory_space<semaphore_mem>>)
    tpu.enqueue_dma source(%arg5 : memref<120x128xf32, #tpu.memory_space<hbm>>) target(%arg11 : memref<120x128xf32, #tpu.memory_space<vmem>>) target_semaphore(%arg23 : memref<!tpu.dma_semaphore, #tpu.memory_space<semaphore_mem>>)
    %mul3A_42 = arith.constant 56 : i32
    %mul3A_43 = arith.muli %min3A_31, %mul3A_42 : i32
    %dma_start3A = arith.constant 0 : i32
    %dma_start3A_44 = tpu.memref_slice %arg3[%mul3A_43, %dma_start3A] : memref<392x128xf32, #tpu.memory_space<hbm>> -> memref<112x128xf32, #tpu.memory_space<hbm>>
    %dma_start3A_45 = arith.constant 0 : i32
    %dma_start3A_46 = tpu.memref_slice %arg3[%mul3A_43, %dma_start3A_45] : memref<392x128xf32, #tpu.memory_space<hbm>> -> memref<112x128xf32, #tpu.memory_space<hbm>>
    tpu.enqueue_dma source(%dma_start3A_46 : memref<112x128xf32, #tpu.memory_space<hbm>>) target(%arg9 : memref<112x128xf32, #tpu.memory_space<vmem>>) target_semaphore(%arg23 : memref<!tpu.dma_semaphore, #tpu.memory_space<semaphore_mem>>)
    %add3A_47 = arith.constant 0 : i32
    %add3A_48 = arith.addi %min3A_31, %add3A_47 : i32
    %dma_start3A_49 = arith.constant 0 : i32
    %dma_start3A_50 = arith.constant 0 : i32
    %dma_start3A_51 = arith.constant 0 : i32
    %dma_start3A_52 = tpu.memref_slice %arg8[%dma_start3A_50, %dma_start3A_51] : memref<28x128xf32, #tpu.memory_space<vmem>> -> memref<2x128xf32, #tpu.memory_space<vmem>>
    %dma_start3A_53 = arith.constant 0 : i32
    %dma_start3A_54 = arith.constant 0 : i32
    %dma_start3A_55 = tpu.memref_slice %arg2[%add3A_48, %dma_start3A_49, %dma_start3A_53, %dma_start3A_54] : memref<7x7x2x128xf32, #tpu.memory_space<hbm>> -> memref<1x1x2x128xf32, #tpu.memory_space<hbm>>
    %dma_start3A_56 = tpu.memref_squeeze %dma_start3A_55 : memref<1x1x2x128xf32, #tpu.memory_space<hbm>> -> memref<2x128xf32, #tpu.memory_space<hbm>>
    %dma_start3A_57 = arith.constant 0 : i32
    %dma_start3A_58 = arith.constant 0 : i32
    %dma_start3A_59 = tpu.memref_slice %arg8[%dma_start3A_57, %dma_start3A_58] : memref<28x128xf32, #tpu.memory_space<vmem>> -> memref<2x128xf32, #tpu.memory_space<vmem>>
    %dma_start3A_60 = arith.constant 0 : i32
    %dma_start3A_61 = arith.constant 0 : i32
    %dma_start3A_62 = tpu.memref_slice %arg2[%add3A_48, %dma_start3A_49, %dma_start3A_60, %dma_start3A_61] : memref<7x7x2x128xf32, #tpu.memory_space<hbm>> -> memref<1x1x2x128xf32, #tpu.memory_space<hbm>>
    %dma_start3A_63 = tpu.memref_squeeze %dma_start3A_62 : memref<1x1x2x128xf32, #tpu.memory_space<hbm>> -> memref<2x128xf32, #tpu.memory_space<hbm>>
    tpu.enqueue_dma source(%dma_start3A_63 : memref<2x128xf32, #tpu.memory_space<hbm>>) target(%dma_start3A_59 : memref<2x128xf32, #tpu.memory_space<vmem>>) target_semaphore(%arg23 : memref<!tpu.dma_semaphore, #tpu.memory_space<semaphore_mem>>)
    %add3A_64 = arith.constant 0 : i32
    %add3A_65 = arith.addi %min3A_31, %add3A_64 : i32
    %dma_start3A_66 = arith.constant 1 : i32
    %dma_start3A_67 = arith.constant 2 : i32
    %dma_start3A_68 = arith.constant 0 : i32
    %dma_start3A_69 = tpu.memref_slice %arg8[%dma_start3A_67, %dma_start3A_68] : memref<28x128xf32, #tpu.memory_space<vmem>> -> memref<2x128xf32, #tpu.memory_space<vmem>>
    %dma_start3A_70 = arith.constant 0 : i32
    %dma_start3A_71 = arith.constant 0 : i32
    %dma_start3A_72 = tpu.memref_slice %arg2[%add3A_65, %dma_start3A_66, %dma_start3A_70, %dma_start3A_71] : memref<7x7x2x128xf32, #tpu.memory_space<hbm>> -> memref<1x1x2x128xf32, #tpu.memory_space<hbm>>
    %dma_start3A_73 = tpu.memref_squeeze %dma_start3A_72 : memref<1x1x2x128xf32, #tpu.memory_space<hbm>> -> memref<2x128xf32, #tpu.memory_space<hbm>>
    %dma_start3A_74 = arith.constant 2 : i32
    %dma_start3A_75 = arith.constant 0 : i32
    %dma_start3A_76 = tpu.memref_slice %arg8[%dma_start3A_74, %dma_start3A_75] : memref<28x128xf32, #tpu.memory_space<vmem>> -> memref<2x128xf32, #tpu.memory_space<vmem>>
    %dma_start3A_77 = arith.constant 0 : i32
    %dma_start3A_78 = arith.constant 0 : i32
    %dma_start3A_79 = tpu.memref_slice %arg2[%add3A_65, %dma_start3A_66, %dma_start3A_77, %dma_start3A_78] : memref<7x7x2x128xf32, #tpu.memory_space<hbm>> -> memref<1x1x2x128xf32, #tpu.memory_space<hbm>>
    %dma_start3A_80 = tpu.memref_squeeze %dma_start3A_79 : memref<1x1x2x128xf32, #tpu.memory_space<hbm>> -> memref<2x128xf32, #tpu.memory_space<hbm>>
    tpu.enqueue_dma source(%dma_start3A_80 : memref<2x128xf32, #tpu.memory_space<hbm>>) target(%dma_start3A_76 : memref<2x128xf32, #tpu.memory_space<vmem>>) target_semaphore(%arg23 : memref<!tpu.dma_semaphore, #tpu.memory_space<semaphore_mem>>)
    %add3A_81 = arith.constant 0 : i32
    %add3A_82 = arith.addi %min3A_31, %add3A_81 : i32
    %dma_start3A_83 = arith.constant 2 : i32
    %dma_start3A_84 = arith.constant 4 : i32
    %dma_start3A_85 = arith.constant 0 : i32
    %dma_start3A_86 = tpu.memref_slice %arg8[%dma_start3A_84, %dma_start3A_85] : memref<28x128xf32, #tpu.memory_space<vmem>> -> memref<2x128xf32, #tpu.memory_space<vmem>>
    %dma_start3A_87 = arith.constant 0 : i32
    %dma_start3A_88 = arith.constant 0 : i32
    %dma_start3A_89 = tpu.memref_slice %arg2[%add3A_82, %dma_start3A_83, %dma_start3A_87, %dma_start3A_88] : memref<7x7x2x128xf32, #tpu.memory_space<hbm>> -> memref<1x1x2x128xf32, #tpu.memory_space<hbm>>
    %dma_start3A_90 = tpu.memref_squeeze %dma_start3A_89 : memref<1x1x2x128xf32, #tpu.memory_space<hbm>> -> memref<2x128xf32, #tpu.memory_space<hbm>>
    %dma_start3A_91 = arith.constant 4 : i32
    %dma_start3A_92 = arith.constant 0 : i32
    %dma_start3A_93 = tpu.memref_slice %arg8[%dma_start3A_91, %dma_start3A_92] : memref<28x128xf32, #tpu.memory_space<vmem>> -> memref<2x128xf32, #tpu.memory_space<vmem>>
    %dma_start3A_94 = arith.constant 0 : i32
    %dma_start3A_95 = arith.constant 0 : i32
    %dma_start3A_96 = tpu.memref_slice %arg2[%add3A_82, %dma_start3A_83, %dma_start3A_94, %dma_start3A_95] : memref<7x7x2x128xf32, #tpu.memory_space<hbm>> -> memref<1x1x2x128xf32, #tpu.memory_space<hbm>>
    %dma_start3A_97 = tpu.memref_squeeze %dma_start3A_96 : memref<1x1x2x128xf32, #tpu.memory_space<hbm>> -> memref<2x128xf32, #tpu.memory_space<hbm>>
    tpu.enqueue_dma source(%dma_start3A_97 : memref<2x128xf32, #tpu.memory_space<hbm>>) target(%dma_start3A_93 : memref<2x128xf32, #tpu.memory_space<vmem>>) target_semaphore(%arg23 : memref<!tpu.dma_semaphore, #tpu.memory_space<semaphore_mem>>)
    %add3A_98 = arith.constant 0 : i32
    %add3A_99 = arith.addi %min3A_31, %add3A_98 : i32
    %dma_start3A_100 = arith.constant 3 : i32
    %dma_start3A_101 = arith.constant 6 : i32
    %dma_start3A_102 = arith.constant 0 : i32
    %dma_start3A_103 = tpu.memref_slice %arg8[%dma_start3A_101, %dma_start3A_102] : memref<28x128xf32, #tpu.memory_space<vmem>> -> memref<2x128xf32, #tpu.memory_space<vmem>>
    %dma_start3A_104 = arith.constant 0 : i32
    %dma_start3A_105 = arith.constant 0 : i32
    %dma_start3A_106 = tpu.memref_slice %arg2[%add3A_99, %dma_start3A_100, %dma_start3A_104, %dma_start3A_105] : memref<7x7x2x128xf32, #tpu.memory_space<hbm>> -> memref<1x1x2x128xf32, #tpu.memory_space<hbm>>
    %dma_start3A_107 = tpu.memref_squeeze %dma_start3A_106 : memref<1x1x2x128xf32, #tpu.memory_space<hbm>> -> memref<2x128xf32, #tpu.memory_space<hbm>>
    %dma_start3A_108 = arith.constant 6 : i32
    %dma_start3A_109 = arith.constant 0 : i32
    %dma_start3A_110 = tpu.memref_slice %arg8[%dma_start3A_108, %dma_start3A_109] : memref<28x128xf32, #tpu.memory_space<vmem>> -> memref<2x128xf32, #tpu.memory_space<vmem>>
    %dma_start3A_111 = arith.constant 0 : i32
    %dma_start3A_112 = arith.constant 0 : i32
    %dma_start3A_113 = tpu.memref_slice %arg2[%add3A_99, %dma_start3A_100, %dma_start3A_111, %dma_start3A_112] : memref<7x7x2x128xf32, #tpu.memory_space<hbm>> -> memref<1x1x2x128xf32, #tpu.memory_space<hbm>>
    %dma_start3A_114 = tpu.memref_squeeze %dma_start3A_113 : memref<1x1x2x128xf32, #tpu.memory_space<hbm>> -> memref<2x128xf32, #tpu.memory_space<hbm>>
    tpu.enqueue_dma source(%dma_start3A_114 : memref<2x128xf32, #tpu.memory_space<hbm>>) target(%dma_start3A_110 : memref<2x128xf32, #tpu.memory_space<vmem>>) target_semaphore(%arg23 : memref<!tpu.dma_semaphore, #tpu.memory_space<semaphore_mem>>)
    %add3A_115 = arith.constant 0 : i32
    %add3A_116 = arith.addi %min3A_31, %add3A_115 : i32
    %dma_start3A_117 = arith.constant 4 : i32
    %dma_start3A_118 = arith.constant 8 : i32
    %dma_start3A_119 = arith.constant 0 : i32
    %dma_start3A_120 = tpu.memref_slice %arg8[%dma_start3A_118, %dma_start3A_119] : memref<28x128xf32, #tpu.memory_space<vmem>> -> memref<2x128xf32, #tpu.memory_space<vmem>>
    %dma_start3A_121 = arith.constant 0 : i32
    %dma_start3A_122 = arith.constant 0 : i32
    %dma_start3A_123 = tpu.memref_slice %arg2[%add3A_116, %dma_start3A_117, %dma_start3A_121, %dma_start3A_122] : memref<7x7x2x128xf32, #tpu.memory_space<hbm>> -> memref<1x1x2x128xf32, #tpu.memory_space<hbm>>
    %dma_start3A_124 = tpu.memref_squeeze %dma_start3A_123 : memref<1x1x2x128xf32, #tpu.memory_space<hbm>> -> memref<2x128xf32, #tpu.memory_space<hbm>>
    %dma_start3A_125 = arith.constant 8 : i32
    %dma_start3A_126 = arith.constant 0 : i32
    %dma_start3A_127 = tpu.memref_slice %arg8[%dma_start3A_125, %dma_start3A_126] : memref<28x128xf32, #tpu.memory_space<vmem>> -> memref<2x128xf32, #tpu.memory_space<vmem>>
    %dma_start3A_128 = arith.constant 0 : i32
    %dma_start3A_129 = arith.constant 0 : i32
    %dma_start3A_130 = tpu.memref_slice %arg2[%add3A_116, %dma_start3A_117, %dma_start3A_128, %dma_start3A_129] : memref<7x7x2x128xf32, #tpu.memory_space<hbm>> -> memref<1x1x2x128xf32, #tpu.memory_space<hbm>>
    %dma_start3A_131 = tpu.memref_squeeze %dma_start3A_130 : memref<1x1x2x128xf32, #tpu.memory_space<hbm>> -> memref<2x128xf32, #tpu.memory_space<hbm>>
    tpu.enqueue_dma source(%dma_start3A_131 : memref<2x128xf32, #tpu.memory_space<hbm>>) target(%dma_start3A_127 : memref<2x128xf32, #tpu.memory_space<vmem>>) target_semaphore(%arg23 : memref<!tpu.dma_semaphore, #tpu.memory_space<semaphore_mem>>)
    %add3A_132 = arith.constant 0 : i32
    %add3A_133 = arith.addi %min3A_31, %add3A_132 : i32
    %dma_start3A_134 = arith.constant 5 : i32
    %dma_start3A_135 = arith.constant 10 : i32
    %dma_start3A_136 = arith.constant 0 : i32
    %dma_start3A_137 = tpu.memref_slice %arg8[%dma_start3A_135, %dma_start3A_136] : memref<28x128xf32, #tpu.memory_space<vmem>> -> memref<2x128xf32, #tpu.memory_space<vmem>>
    %dma_start3A_138 = arith.constant 0 : i32
    %dma_start3A_139 = arith.constant 0 : i32
    %dma_start3A_140 = tpu.memref_slice %arg2[%add3A_133, %dma_start3A_134, %dma_start3A_138, %dma_start3A_139] : memref<7x7x2x128xf32, #tpu.memory_space<hbm>> -> memref<1x1x2x128xf32, #tpu.memory_space<hbm>>
    %dma_start3A_141 = tpu.memref_squeeze %dma_start3A_140 : memref<1x1x2x128xf32, #tpu.memory_space<hbm>> -> memref<2x128xf32, #tpu.memory_space<hbm>>
    %dma_start3A_142 = arith.constant 10 : i32
    %dma_start3A_143 = arith.constant 0 : i32
    %dma_start3A_144 = tpu.memref_slice %arg8[%dma_start3A_142, %dma_start3A_143] : memref<28x128xf32, #tpu.memory_space<vmem>> -> memref<2x128xf32, #tpu.memory_space<vmem>>
    %dma_start3A_145 = arith.constant 0 : i32
    %dma_start3A_146 = arith.constant 0 : i32
    %dma_start3A_147 = tpu.memref_slice %arg2[%add3A_133, %dma_start3A_134, %dma_start3A_145, %dma_start3A_146] : memref<7x7x2x128xf32, #tpu.memory_space<hbm>> -> memref<1x1x2x128xf32, #tpu.memory_space<hbm>>
    %dma_start3A_148 = tpu.memref_squeeze %dma_start3A_147 : memref<1x1x2x128xf32, #tpu.memory_space<hbm>> -> memref<2x128xf32, #tpu.memory_space<hbm>>
    tpu.enqueue_dma source(%dma_start3A_148 : memref<2x128xf32, #tpu.memory_space<hbm>>) target(%dma_start3A_144 : memref<2x128xf32, #tpu.memory_space<vmem>>) target_semaphore(%arg23 : memref<!tpu.dma_semaphore, #tpu.memory_space<semaphore_mem>>)
    %add3A_149 = arith.constant 0 : i32
    %add3A_150 = arith.addi %min3A_31, %add3A_149 : i32
    %dma_start3A_151 = arith.constant 6 : i32
    %dma_start3A_152 = arith.constant 12 : i32
    %dma_start3A_153 = arith.constant 0 : i32
    %dma_start3A_154 = tpu.memref_slice %arg8[%dma_start3A_152, %dma_start3A_153] : memref<28x128xf32, #tpu.memory_space<vmem>> -> memref<2x128xf32, #tpu.memory_space<vmem>>
    %dma_start3A_155 = arith.constant 0 : i32
    %dma_start3A_156 = arith.constant 0 : i32
    %dma_start3A_157 = tpu.memref_slice %arg2[%add3A_150, %dma_start3A_151, %dma_start3A_155, %dma_start3A_156] : memref<7x7x2x128xf32, #tpu.memory_space<hbm>> -> memref<1x1x2x128xf32, #tpu.memory_space<hbm>>
    %dma_start3A_158 = tpu.memref_squeeze %dma_start3A_157 : memref<1x1x2x128xf32, #tpu.memory_space<hbm>> -> memref<2x128xf32, #tpu.memory_space<hbm>>
    %dma_start3A_159 = arith.constant 12 : i32
    %dma_start3A_160 = arith.constant 0 : i32
    %dma_start3A_161 = tpu.memref_slice %arg8[%dma_start3A_159, %dma_start3A_160] : memref<28x128xf32, #tpu.memory_space<vmem>> -> memref<2x128xf32, #tpu.memory_space<vmem>>
    %dma_start3A_162 = arith.constant 0 : i32
    %dma_start3A_163 = arith.constant 0 : i32
    %dma_start3A_164 = tpu.memref_slice %arg2[%add3A_150, %dma_start3A_151, %dma_start3A_162, %dma_start3A_163] : memref<7x7x2x128xf32, #tpu.memory_space<hbm>> -> memref<1x1x2x128xf32, #tpu.memory_space<hbm>>
    %dma_start3A_165 = tpu.memref_squeeze %dma_start3A_164 : memref<1x1x2x128xf32, #tpu.memory_space<hbm>> -> memref<2x128xf32, #tpu.memory_space<hbm>>
    tpu.enqueue_dma source(%dma_start3A_165 : memref<2x128xf32, #tpu.memory_space<hbm>>) target(%dma_start3A_161 : memref<2x128xf32, #tpu.memory_space<vmem>>) target_semaphore(%arg23 : memref<!tpu.dma_semaphore, #tpu.memory_space<semaphore_mem>>)
    %add3A_166 = arith.constant 0 : i32
    %add3A_167 = arith.addi %min3A_31, %add3A_166 : i32
    %dma_start3A_168 = arith.constant 0 : i32
    %dma_start3A_169 = arith.constant 0 : i32
    %dma_start3A_170 = arith.constant 0 : i32
    %dma_start3A_171 = tpu.memref_slice %arg10[%dma_start3A_169, %dma_start3A_170] : memref<280x128xf32, #tpu.memory_space<vmem>> -> memref<7x128xf32, #tpu.memory_space<vmem>>
    %dma_start3A_172 = arith.constant 0 : i32
    %dma_start3A_173 = arith.constant 0 : i32
    %dma_start3A_174 = tpu.memref_slice %arg4[%add3A_167, %dma_start3A_168, %dma_start3A_172, %dma_start3A_173] : memref<7x20x7x128xf32, #tpu.memory_space<hbm>> -> memref<1x1x7x128xf32, #tpu.memory_space<hbm>>
    %dma_start3A_175 = tpu.memref_squeeze %dma_start3A_174 : memref<1x1x7x128xf32, #tpu.memory_space<hbm>> -> memref<7x128xf32, #tpu.memory_space<hbm>>
    %dma_start3A_176 = arith.constant 0 : i32
    %dma_start3A_177 = arith.constant 0 : i32
    %dma_start3A_178 = tpu.memref_slice %arg10[%dma_start3A_176, %dma_start3A_177] : memref<280x128xf32, #tpu.memory_space<vmem>> -> memref<7x128xf32, #tpu.memory_space<vmem>>
    %dma_start3A_179 = arith.constant 0 : i32
    %dma_start3A_180 = arith.constant 0 : i32
    %dma_start3A_181 = tpu.memref_slice %arg4[%add3A_167, %dma_start3A_168, %dma_start3A_179, %dma_start3A_180] : memref<7x20x7x128xf32, #tpu.memory_space<hbm>> -> memref<1x1x7x128xf32, #tpu.memory_space<hbm>>
    %dma_start3A_182 = tpu.memref_squeeze %dma_start3A_181 : memref<1x1x7x128xf32, #tpu.memory_space<hbm>> -> memref<7x128xf32, #tpu.memory_space<hbm>>
    tpu.enqueue_dma source(%dma_start3A_182 : memref<7x128xf32, #tpu.memory_space<hbm>>) target(%dma_start3A_178 : memref<7x128xf32, #tpu.memory_space<vmem>>) target_semaphore(%arg23 : memref<!tpu.dma_semaphore, #tpu.memory_space<semaphore_mem>>)
    %add3A_183 = arith.constant 0 : i32
    %add3A_184 = arith.addi %min3A_31, %add3A_183 : i32
    %dma_start3A_185 = arith.constant 1 : i32
    %dma_start3A_186 = arith.constant 7 : i32
    %dma_start3A_187 = arith.constant 0 : i32
    %dma_start3A_188 = tpu.memref_slice %arg10[%dma_start3A_186, %dma_start3A_187] : memref<280x128xf32, #tpu.memory_space<vmem>> -> memref<7x128xf32, #tpu.memory_space<vmem>>
    %dma_start3A_189 = arith.constant 0 : i32
    %dma_start3A_190 = arith.constant 0 : i32
    %dma_start3A_191 = tpu.memref_slice %arg4[%add3A_184, %dma_start3A_185, %dma_start3A_189, %dma_start3A_190] : memref<7x20x7x128xf32, #tpu.memory_space<hbm>> -> memref<1x1x7x128xf32, #tpu.memory_space<hbm>>
    %dma_start3A_192 = tpu.memref_squeeze %dma_start3A_191 : memref<1x1x7x128xf32, #tpu.memory_space<hbm>> -> memref<7x128xf32, #tpu.memory_space<hbm>>
    %dma_start3A_193 = arith.constant 7 : i32
    %dma_start3A_194 = arith.constant 0 : i32
    %dma_start3A_195 = tpu.memref_slice %arg10[%dma_start3A_193, %dma_start3A_194] : memref<280x128xf32, #tpu.memory_space<vmem>> -> memref<7x128xf32, #tpu.memory_space<vmem>>
    %dma_start3A_196 = arith.constant 0 : i32
    %dma_start3A_197 = arith.constant 0 : i32
    %dma_start3A_198 = tpu.memref_slice %arg4[%add3A_184, %dma_start3A_185, %dma_start3A_196, %dma_start3A_197] : memref<7x20x7x128xf32, #tpu.memory_space<hbm>> -> memref<1x1x7x128xf32, #tpu.memory_space<hbm>>
    %dma_start3A_199 = tpu.memref_squeeze %dma_start3A_198 : memref<1x1x7x128xf32, #tpu.memory_space<hbm>> -> memref<7x128xf32, #tpu.memory_space<hbm>>
    tpu.enqueue_dma source(%dma_start3A_199 : memref<7x128xf32, #tpu.memory_space<hbm>>) target(%dma_start3A_195 : memref<7x128xf32, #tpu.memory_space<vmem>>) target_semaphore(%arg23 : memref<!tpu.dma_semaphore, #tpu.memory_space<semaphore_mem>>)
    %add3A_200 = arith.constant 0 : i32
    %add3A_201 = arith.addi %min3A_31, %add3A_200 : i32
    %dma_start3A_202 = arith.constant 2 : i32
    %dma_start3A_203 = arith.constant 14 : i32
    %dma_start3A_204 = arith.constant 0 : i32
    %dma_start3A_205 = tpu.memref_slice %arg10[%dma_start3A_203, %dma_start3A_204] : memref<280x128xf32, #tpu.memory_space<vmem>> -> memref<7x128xf32, #tpu.memory_space<vmem>>
    %dma_start3A_206 = arith.constant 0 : i32
    %dma_start3A_207 = arith.constant 0 : i32
    %dma_start3A_208 = tpu.memref_slice %arg4[%add3A_201, %dma_start3A_202, %dma_start3A_206, %dma_start3A_207] : memref<7x20x7x128xf32, #tpu.memory_space<hbm>> -> memref<1x1x7x128xf32, #tpu.memory_space<hbm>>
    %dma_start3A_209 = tpu.memref_squeeze %dma_start3A_208 : memref<1x1x7x128xf32, #tpu.memory_space<hbm>> -> memref<7x128xf32, #tpu.memory_space<hbm>>
    %dma_start3A_210 = arith.constant 14 : i32
    %dma_start3A_211 = arith.constant 0 : i32
    %dma_start3A_212 = tpu.memref_slice %arg10[%dma_start3A_210, %dma_start3A_211] : memref<280x128xf32, #tpu.memory_space<vmem>> -> memref<7x128xf32, #tpu.memory_space<vmem>>
    %dma_start3A_213 = arith.constant 0 : i32
    %dma_start3A_214 = arith.constant 0 : i32
    %dma_start3A_215 = tpu.memref_slice %arg4[%add3A_201, %dma_start3A_202, %dma_start3A_213, %dma_start3A_214] : memref<7x20x7x128xf32, #tpu.memory_space<hbm>> -> memref<1x1x7x128xf32, #tpu.memory_space<hbm>>
    %dma_start3A_216 = tpu.memref_squeeze %dma_start3A_215 : memref<1x1x7x128xf32, #tpu.memory_space<hbm>> -> memref<7x128xf32, #tpu.memory_space<hbm>>
    tpu.enqueue_dma source(%dma_start3A_216 : memref<7x128xf32, #tpu.memory_space<hbm>>) target(%dma_start3A_212 : memref<7x128xf32, #tpu.memory_space<vmem>>) target_semaphore(%arg23 : memref<!tpu.dma_semaphore, #tpu.memory_space<semaphore_mem>>)
    %add3A_217 = arith.constant 0 : i32
    %add3A_218 = arith.addi %min3A_31, %add3A_217 : i32
    %dma_start3A_219 = arith.constant 3 : i32
    %dma_start3A_220 = arith.constant 21 : i32
    %dma_start3A_221 = arith.constant 0 : i32
    %dma_start3A_222 = tpu.memref_slice %arg10[%dma_start3A_220, %dma_start3A_221] : memref<280x128xf32, #tpu.memory_space<vmem>> -> memref<7x128xf32, #tpu.memory_space<vmem>>
    %dma_start3A_223 = arith.constant 0 : i32
    %dma_start3A_224 = arith.constant 0 : i32
    %dma_start3A_225 = tpu.memref_slice %arg4[%add3A_218, %dma_start3A_219, %dma_start3A_223, %dma_start3A_224] : memref<7x20x7x128xf32, #tpu.memory_space<hbm>> -> memref<1x1x7x128xf32, #tpu.memory_space<hbm>>
    %dma_start3A_226 = tpu.memref_squeeze %dma_start3A_225 : memref<1x1x7x128xf32, #tpu.memory_space<hbm>> -> memref<7x128xf32, #tpu.memory_space<hbm>>
    %dma_start3A_227 = arith.constant 21 : i32
    %dma_start3A_228 = arith.constant 0 : i32
    %dma_start3A_229 = tpu.memref_slice %arg10[%dma_start3A_227, %dma_start3A_228] : memref<280x128xf32, #tpu.memory_space<vmem>> -> memref<7x128xf32, #tpu.memory_space<vmem>>
    %dma_start3A_230 = arith.constant 0 : i32
    %dma_start3A_231 = arith.constant 0 : i32
    %dma_start3A_232 = tpu.memref_slice %arg4[%add3A_218, %dma_start3A_219, %dma_start3A_230, %dma_start3A_231] : memref<7x20x7x128xf32, #tpu.memory_space<hbm>> -> memref<1x1x7x128xf32, #tpu.memory_space<hbm>>
    %dma_start3A_233 = tpu.memref_squeeze %dma_start3A_232 : memref<1x1x7x128xf32, #tpu.memory_space<hbm>> -> memref<7x128xf32, #tpu.memory_space<hbm>>
    tpu.enqueue_dma source(%dma_start3A_233 : memref<7x128xf32, #tpu.memory_space<hbm>>) target(%dma_start3A_229 : memref<7x128xf32, #tpu.memory_space<vmem>>) target_semaphore(%arg23 : memref<!tpu.dma_semaphore, #tpu.memory_space<semaphore_mem>>)
    %add3A_234 = arith.constant 0 : i32
    %add3A_235 = arith.addi %min3A_31, %add3A_234 : i32
    %dma_start3A_236 = arith.constant 4 : i32
    %dma_start3A_237 = arith.constant 28 : i32
    %dma_start3A_238 = arith.constant 0 : i32
    %dma_start3A_239 = tpu.memref_slice %arg10[%dma_start3A_237, %dma_start3A_238] : memref<280x128xf32, #tpu.memory_space<vmem>> -> memref<7x128xf32, #tpu.memory_space<vmem>>
    %dma_start3A_240 = arith.constant 0 : i32
    %dma_start3A_241 = arith.constant 0 : i32
    %dma_start3A_242 = tpu.memref_slice %arg4[%add3A_235, %dma_start3A_236, %dma_start3A_240, %dma_start3A_241] : memref<7x20x7x128xf32, #tpu.memory_space<hbm>> -> memref<1x1x7x128xf32, #tpu.memory_space<hbm>>
    %dma_start3A_243 = tpu.memref_squeeze %dma_start3A_242 : memref<1x1x7x128xf32, #tpu.memory_space<hbm>> -> memref<7x128xf32, #tpu.memory_space<hbm>>
    %dma_start3A_244 = arith.constant 28 : i32
    %dma_start3A_245 = arith.constant 0 : i32
    %dma_start3A_246 = tpu.memref_slice %arg10[%dma_start3A_244, %dma_start3A_245] : memref<280x128xf32, #tpu.memory_space<vmem>> -> memref<7x128xf32, #tpu.memory_space<vmem>>
    %dma_start3A_247 = arith.constant 0 : i32
    %dma_start3A_248 = arith.constant 0 : i32
    %dma_start3A_249 = tpu.memref_slice %arg4[%add3A_235, %dma_start3A_236, %dma_start3A_247, %dma_start3A_248] : memref<7x20x7x128xf32, #tpu.memory_space<hbm>> -> memref<1x1x7x128xf32, #tpu.memory_space<hbm>>
    %dma_start3A_250 = tpu.memref_squeeze %dma_start3A_249 : memref<1x1x7x128xf32, #tpu.memory_space<hbm>> -> memref<7x128xf32, #tpu.memory_space<hbm>>
    tpu.enqueue_dma source(%dma_start3A_250 : memref<7x128xf32, #tpu.memory_space<hbm>>) target(%dma_start3A_246 : memref<7x128xf32, #tpu.memory_space<vmem>>) target_semaphore(%arg23 : memref<!tpu.dma_semaphore, #tpu.memory_space<semaphore_mem>>)
    %add3A_251 = arith.constant 0 : i32
    %add3A_252 = arith.addi %min3A_31, %add3A_251 : i32
    %dma_start3A_253 = arith.constant 5 : i32
    %dma_start3A_254 = arith.constant 35 : i32
    %dma_start3A_255 = arith.constant 0 : i32
    %dma_start3A_256 = tpu.memref_slice %arg10[%dma_start3A_254, %dma_start3A_255] : memref<280x128xf32, #tpu.memory_space<vmem>> -> memref<7x128xf32, #tpu.memory_space<vmem>>
    %dma_start3A_257 = arith.constant 0 : i32
    %dma_start3A_258 = arith.constant 0 : i32
    %dma_start3A_259 = tpu.memref_slice %arg4[%add3A_252, %dma_start3A_253, %dma_start3A_257, %dma_start3A_258] : memref<7x20x7x128xf32, #tpu.memory_space<hbm>> -> memref<1x1x7x128xf32, #tpu.memory_space<hbm>>
    %dma_start3A_260 = tpu.memref_squeeze %dma_start3A_259 : memref<1x1x7x128xf32, #tpu.memory_space<hbm>> -> memref<7x128xf32, #tpu.memory_space<hbm>>
    %dma_start3A_261 = arith.constant 35 : i32
    %dma_start3A_262 = arith.constant 0 : i32
    %dma_start3A_263 = tpu.memref_slice %arg10[%dma_start3A_261, %dma_start3A_262] : memref<280x128xf32, #tpu.memory_space<vmem>> -> memref<7x128xf32, #tpu.memory_space<vmem>>
    %dma_start3A_264 = arith.constant 0 : i32
    %dma_start3A_265 = arith.constant 0 : i32
    %dma_start3A_266 = tpu.memref_slice %arg4[%add3A_252, %dma_start3A_253, %dma_start3A_264, %dma_start3A_265] : memref<7x20x7x128xf32, #tpu.memory_space<hbm>> -> memref<1x1x7x128xf32, #tpu.memory_space<hbm>>
    %dma_start3A_267 = tpu.memref_squeeze %dma_start3A_266 : memref<1x1x7x128xf32, #tpu.memory_space<hbm>> -> memref<7x128xf32, #tpu.memory_space<hbm>>
    tpu.enqueue_dma source(%dma_start3A_267 : memref<7x128xf32, #tpu.memory_space<hbm>>) target(%dma_start3A_263 : memref<7x128xf32, #tpu.memory_space<vmem>>) target_semaphore(%arg23 : memref<!tpu.dma_semaphore, #tpu.memory_space<semaphore_mem>>)
    %add3A_268 = arith.constant 0 : i32
    %add3A_269 = arith.addi %min3A_31, %add3A_268 : i32
    %dma_start3A_270 = arith.constant 6 : i32
    %dma_start3A_271 = arith.constant 42 : i32
    %dma_start3A_272 = arith.constant 0 : i32
    %dma_start3A_273 = tpu.memref_slice %arg10[%dma_start3A_271, %dma_start3A_272] : memref<280x128xf32, #tpu.memory_space<vmem>> -> memref<7x128xf32, #tpu.memory_space<vmem>>
    %dma_start3A_274 = arith.constant 0 : i32
    %dma_start3A_275 = arith.constant 0 : i32
    %dma_start3A_276 = tpu.memref_slice %arg4[%add3A_269, %dma_start3A_270, %dma_start3A_274, %dma_start3A_275] : memref<7x20x7x128xf32, #tpu.memory_space<hbm>> -> memref<1x1x7x128xf32, #tpu.memory_space<hbm>>
    %dma_start3A_277 = tpu.memref_squeeze %dma_start3A_276 : memref<1x1x7x128xf32, #tpu.memory_space<hbm>> -> memref<7x128xf32, #tpu.memory_space<hbm>>
    %dma_start3A_278 = arith.constant 42 : i32
    %dma_start3A_279 = arith.constant 0 : i32
    %dma_start3A_280 = tpu.memref_slice %arg10[%dma_start3A_278, %dma_start3A_279] : memref<280x128xf32, #tpu.memory_space<vmem>> -> memref<7x128xf32, #tpu.memory_space<vmem>>
    %dma_start3A_281 = arith.constant 0 : i32
    %dma_start3A_282 = arith.constant 0 : i32
    %dma_start3A_283 = tpu.memref_slice %arg4[%add3A_269, %dma_start3A_270, %dma_start3A_281, %dma_start3A_282] : memref<7x20x7x128xf32, #tpu.memory_space<hbm>> -> memref<1x1x7x128xf32, #tpu.memory_space<hbm>>
    %dma_start3A_284 = tpu.memref_squeeze %dma_start3A_283 : memref<1x1x7x128xf32, #tpu.memory_space<hbm>> -> memref<7x128xf32, #tpu.memory_space<hbm>>
    tpu.enqueue_dma source(%dma_start3A_284 : memref<7x128xf32, #tpu.memory_space<hbm>>) target(%dma_start3A_280 : memref<7x128xf32, #tpu.memory_space<vmem>>) target_semaphore(%arg23 : memref<!tpu.dma_semaphore, #tpu.memory_space<semaphore_mem>>)
    %add3A_285 = arith.constant 0 : i32
    %add3A_286 = arith.addi %min3A_31, %add3A_285 : i32
    %dma_start3A_287 = arith.constant 7 : i32
    %dma_start3A_288 = arith.constant 49 : i32
    %dma_start3A_289 = arith.constant 0 : i32
    %dma_start3A_290 = tpu.memref_slice %arg10[%dma_start3A_288, %dma_start3A_289] : memref<280x128xf32, #tpu.memory_space<vmem>> -> memref<7x128xf32, #tpu.memory_space<vmem>>
    %dma_start3A_291 = arith.constant 0 : i32
    %dma_start3A_292 = arith.constant 0 : i32
    %dma_start3A_293 = tpu.memref_slice %arg4[%add3A_286, %dma_start3A_287, %dma_start3A_291, %dma_start3A_292] : memref<7x20x7x128xf32, #tpu.memory_space<hbm>> -> memref<1x1x7x128xf32, #tpu.memory_space<hbm>>
    %dma_start3A_294 = tpu.memref_squeeze %dma_start3A_293 : memref<1x1x7x128xf32, #tpu.memory_space<hbm>> -> memref<7x128xf32, #tpu.memory_space<hbm>>
    %dma_start3A_295 = arith.constant 49 : i32
    %dma_start3A_296 = arith.constant 0 : i32
    %dma_start3A_297 = tpu.memref_slice %arg10[%dma_start3A_295, %dma_start3A_296] : memref<280x128xf32, #tpu.memory_space<vmem>> -> memref<7x128xf32, #tpu.memory_space<vmem>>
    %dma_start3A_298 = arith.constant 0 : i32
    %dma_start3A_299 = arith.constant 0 : i32
    %dma_start3A_300 = tpu.memref_slice %arg4[%add3A_286, %dma_start3A_287, %dma_start3A_298, %dma_start3A_299] : memref<7x20x7x128xf32, #tpu.memory_space<hbm>> -> memref<1x1x7x128xf32, #tpu.memory_space<hbm>>
    %dma_start3A_301 = tpu.memref_squeeze %dma_start3A_300 : memref<1x1x7x128xf32, #tpu.memory_space<hbm>> -> memref<7x128xf32, #tpu.memory_space<hbm>>
    tpu.enqueue_dma source(%dma_start3A_301 : memref<7x128xf32, #tpu.memory_space<hbm>>) target(%dma_start3A_297 : memref<7x128xf32, #tpu.memory_space<vmem>>) target_semaphore(%arg23 : memref<!tpu.dma_semaphore, #tpu.memory_space<semaphore_mem>>)
    %add3A_302 = arith.constant 0 : i32
    %add3A_303 = arith.addi %min3A_31, %add3A_302 : i32
    %dma_start3A_304 = arith.constant 8 : i32
    %dma_start3A_305 = arith.constant 56 : i32
    %dma_start3A_306 = arith.constant 0 : i32
    %dma_start3A_307 = tpu.memref_slice %arg10[%dma_start3A_305, %dma_start3A_306] : memref<280x128xf32, #tpu.memory_space<vmem>> -> memref<7x128xf32, #tpu.memory_space<vmem>>
    %dma_start3A_308 = arith.constant 0 : i32
    %dma_start3A_309 = arith.constant 0 : i32
    %dma_start3A_310 = tpu.memref_slice %arg4[%add3A_303, %dma_start3A_304, %dma_start3A_308, %dma_start3A_309] : memref<7x20x7x128xf32, #tpu.memory_space<hbm>> -> memref<1x1x7x128xf32, #tpu.memory_space<hbm>>
    %dma_start3A_311 = tpu.memref_squeeze %dma_start3A_310 : memref<1x1x7x128xf32, #tpu.memory_space<hbm>> -> memref<7x128xf32, #tpu.memory_space<hbm>>
    %dma_start3A_312 = arith.constant 56 : i32
    %dma_start3A_313 = arith.constant 0 : i32
    %dma_start3A_314 = tpu.memref_slice %arg10[%dma_start3A_312, %dma_start3A_313] : memref<280x128xf32, #tpu.memory_space<vmem>> -> memref<7x128xf32, #tpu.memory_space<vmem>>
    %dma_start3A_315 = arith.constant 0 : i32
    %dma_start3A_316 = arith.constant 0 : i32
    %dma_start3A_317 = tpu.memref_slice %arg4[%add3A_303, %dma_start3A_304, %dma_start3A_315, %dma_start3A_316] : memref<7x20x7x128xf32, #tpu.memory_space<hbm>> -> memref<1x1x7x128xf32, #tpu.memory_space<hbm>>
    %dma_start3A_318 = tpu.memref_squeeze %dma_start3A_317 : memref<1x1x7x128xf32, #tpu.memory_space<hbm>> -> memref<7x128xf32, #tpu.memory_space<hbm>>
    tpu.enqueue_dma source(%dma_start3A_318 : memref<7x128xf32, #tpu.memory_space<hbm>>) target(%dma_start3A_314 : memref<7x128xf32, #tpu.memory_space<vmem>>) target_semaphore(%arg23 : memref<!tpu.dma_semaphore, #tpu.memory_space<semaphore_mem>>)
    %add3A_319 = arith.constant 0 : i32
    %add3A_320 = arith.addi %min3A_31, %add3A_319 : i32
    %dma_start3A_321 = arith.constant 9 : i32
    %dma_start3A_322 = arith.constant 63 : i32
    %dma_start3A_323 = arith.constant 0 : i32
    %dma_start3A_324 = tpu.memref_slice %arg10[%dma_start3A_322, %dma_start3A_323] : memref<280x128xf32, #tpu.memory_space<vmem>> -> memref<7x128xf32, #tpu.memory_space<vmem>>
    %dma_start3A_325 = arith.constant 0 : i32
    %dma_start3A_326 = arith.constant 0 : i32
    %dma_start3A_327 = tpu.memref_slice %arg4[%add3A_320, %dma_start3A_321, %dma_start3A_325, %dma_start3A_326] : memref<7x20x7x128xf32, #tpu.memory_space<hbm>> -> memref<1x1x7x128xf32, #tpu.memory_space<hbm>>
    %dma_start3A_328 = tpu.memref_squeeze %dma_start3A_327 : memref<1x1x7x128xf32, #tpu.memory_space<hbm>> -> memref<7x128xf32, #tpu.memory_space<hbm>>
    %dma_start3A_329 = arith.constant 63 : i32
    %dma_start3A_330 = arith.constant 0 : i32
    %dma_start3A_331 = tpu.memref_slice %arg10[%dma_start3A_329, %dma_start3A_330] : memref<280x128xf32, #tpu.memory_space<vmem>> -> memref<7x128xf32, #tpu.memory_space<vmem>>
    %dma_start3A_332 = arith.constant 0 : i32
    %dma_start3A_333 = arith.constant 0 : i32
    %dma_start3A_334 = tpu.memref_slice %arg4[%add3A_320, %dma_start3A_321, %dma_start3A_332, %dma_start3A_333] : memref<7x20x7x128xf32, #tpu.memory_space<hbm>> -> memref<1x1x7x128xf32, #tpu.memory_space<hbm>>
    %dma_start3A_335 = tpu.memref_squeeze %dma_start3A_334 : memref<1x1x7x128xf32, #tpu.memory_space<hbm>> -> memref<7x128xf32, #tpu.memory_space<hbm>>
    tpu.enqueue_dma source(%dma_start3A_335 : memref<7x128xf32, #tpu.memory_space<hbm>>) target(%dma_start3A_331 : memref<7x128xf32, #tpu.memory_space<vmem>>) target_semaphore(%arg23 : memref<!tpu.dma_semaphore, #tpu.memory_space<semaphore_mem>>)
    %add3A_336 = arith.constant 0 : i32
    %add3A_337 = arith.addi %min3A_31, %add3A_336 : i32
    %dma_start3A_338 = arith.constant 10 : i32
    %dma_start3A_339 = arith.constant 70 : i32
    %dma_start3A_340 = arith.constant 0 : i32
    %dma_start3A_341 = tpu.memref_slice %arg10[%dma_start3A_339, %dma_start3A_340] : memref<280x128xf32, #tpu.memory_space<vmem>> -> memref<7x128xf32, #tpu.memory_space<vmem>>
    %dma_start3A_342 = arith.constant 0 : i32
    %dma_start3A_343 = arith.constant 0 : i32
    %dma_start3A_344 = tpu.memref_slice %arg4[%add3A_337, %dma_start3A_338, %dma_start3A_342, %dma_start3A_343] : memref<7x20x7x128xf32, #tpu.memory_space<hbm>> -> memref<1x1x7x128xf32, #tpu.memory_space<hbm>>
    %dma_start3A_345 = tpu.memref_squeeze %dma_start3A_344 : memref<1x1x7x128xf32, #tpu.memory_space<hbm>> -> memref<7x128xf32, #tpu.memory_space<hbm>>
    %dma_start3A_346 = arith.constant 70 : i32
    %dma_start3A_347 = arith.constant 0 : i32
    %dma_start3A_348 = tpu.memref_slice %arg10[%dma_start3A_346, %dma_start3A_347] : memref<280x128xf32, #tpu.memory_space<vmem>> -> memref<7x128xf32, #tpu.memory_space<vmem>>
    %dma_start3A_349 = arith.constant 0 : i32
    %dma_start3A_350 = arith.constant 0 : i32
    %dma_start3A_351 = tpu.memref_slice %arg4[%add3A_337, %dma_start3A_338, %dma_start3A_349, %dma_start3A_350] : memref<7x20x7x128xf32, #tpu.memory_space<hbm>> -> memref<1x1x7x128xf32, #tpu.memory_space<hbm>>
    %dma_start3A_352 = tpu.memref_squeeze %dma_start3A_351 : memref<1x1x7x128xf32, #tpu.memory_space<hbm>> -> memref<7x128xf32, #tpu.memory_space<hbm>>
    tpu.enqueue_dma source(%dma_start3A_352 : memref<7x128xf32, #tpu.memory_space<hbm>>) target(%dma_start3A_348 : memref<7x128xf32, #tpu.memory_space<vmem>>) target_semaphore(%arg23 : memref<!tpu.dma_semaphore, #tpu.memory_space<semaphore_mem>>)
    %add3A_353 = arith.constant 0 : i32
    %add3A_354 = arith.addi %min3A_31, %add3A_353 : i32
    %dma_start3A_355 = arith.constant 11 : i32
    %dma_start3A_356 = arith.constant 77 : i32
    %dma_start3A_357 = arith.constant 0 : i32
    %dma_start3A_358 = tpu.memref_slice %arg10[%dma_start3A_356, %dma_start3A_357] : memref<280x128xf32, #tpu.memory_space<vmem>> -> memref<7x128xf32, #tpu.memory_space<vmem>>
    %dma_start3A_359 = arith.constant 0 : i32
    %dma_start3A_360 = arith.constant 0 : i32
    %dma_start3A_361 = tpu.memref_slice %arg4[%add3A_354, %dma_start3A_355, %dma_start3A_359, %dma_start3A_360] : memref<7x20x7x128xf32, #tpu.memory_space<hbm>> -> memref<1x1x7x128xf32, #tpu.memory_space<hbm>>
    %dma_start3A_362 = tpu.memref_squeeze %dma_start3A_361 : memref<1x1x7x128xf32, #tpu.memory_space<hbm>> -> memref<7x128xf32, #tpu.memory_space<hbm>>
    %dma_start3A_363 = arith.constant 77 : i32
    %dma_start3A_364 = arith.constant 0 : i32
    %dma_start3A_365 = tpu.memref_slice %arg10[%dma_start3A_363, %dma_start3A_364] : memref<280x128xf32, #tpu.memory_space<vmem>> -> memref<7x128xf32, #tpu.memory_space<vmem>>
    %dma_start3A_366 = arith.constant 0 : i32
    %dma_start3A_367 = arith.constant 0 : i32
    %dma_start3A_368 = tpu.memref_slice %arg4[%add3A_354, %dma_start3A_355, %dma_start3A_366, %dma_start3A_367] : memref<7x20x7x128xf32, #tpu.memory_space<hbm>> -> memref<1x1x7x128xf32, #tpu.memory_space<hbm>>
    %dma_start3A_369 = tpu.memref_squeeze %dma_start3A_368 : memref<1x1x7x128xf32, #tpu.memory_space<hbm>> -> memref<7x128xf32, #tpu.memory_space<hbm>>
    tpu.enqueue_dma source(%dma_start3A_369 : memref<7x128xf32, #tpu.memory_space<hbm>>) target(%dma_start3A_365 : memref<7x128xf32, #tpu.memory_space<vmem>>) target_semaphore(%arg23 : memref<!tpu.dma_semaphore, #tpu.memory_space<semaphore_mem>>)
    %add3A_370 = arith.constant 0 : i32
    %add3A_371 = arith.addi %min3A_31, %add3A_370 : i32
    %dma_start3A_372 = arith.constant 12 : i32
    %dma_start3A_373 = arith.constant 84 : i32
    %dma_start3A_374 = arith.constant 0 : i32
    %dma_start3A_375 = tpu.memref_slice %arg10[%dma_start3A_373, %dma_start3A_374] : memref<280x128xf32, #tpu.memory_space<vmem>> -> memref<7x128xf32, #tpu.memory_space<vmem>>
    %dma_start3A_376 = arith.constant 0 : i32
    %dma_start3A_377 = arith.constant 0 : i32
    %dma_start3A_378 = tpu.memref_slice %arg4[%add3A_371, %dma_start3A_372, %dma_start3A_376, %dma_start3A_377] : memref<7x20x7x128xf32, #tpu.memory_space<hbm>> -> memref<1x1x7x128xf32, #tpu.memory_space<hbm>>
    %dma_start3A_379 = tpu.memref_squeeze %dma_start3A_378 : memref<1x1x7x128xf32, #tpu.memory_space<hbm>> -> memref<7x128xf32, #tpu.memory_space<hbm>>
    %dma_start3A_380 = arith.constant 84 : i32
    %dma_start3A_381 = arith.constant 0 : i32
    %dma_start3A_382 = tpu.memref_slice %arg10[%dma_start3A_380, %dma_start3A_381] : memref<280x128xf32, #tpu.memory_space<vmem>> -> memref<7x128xf32, #tpu.memory_space<vmem>>
    %dma_start3A_383 = arith.constant 0 : i32
    %dma_start3A_384 = arith.constant 0 : i32
    %dma_start3A_385 = tpu.memref_slice %arg4[%add3A_371, %dma_start3A_372, %dma_start3A_383, %dma_start3A_384] : memref<7x20x7x128xf32, #tpu.memory_space<hbm>> -> memref<1x1x7x128xf32, #tpu.memory_space<hbm>>
    %dma_start3A_386 = tpu.memref_squeeze %dma_start3A_385 : memref<1x1x7x128xf32, #tpu.memory_space<hbm>> -> memref<7x128xf32, #tpu.memory_space<hbm>>
    tpu.enqueue_dma source(%dma_start3A_386 : memref<7x128xf32, #tpu.memory_space<hbm>>) target(%dma_start3A_382 : memref<7x128xf32, #tpu.memory_space<vmem>>) target_semaphore(%arg23 : memref<!tpu.dma_semaphore, #tpu.memory_space<semaphore_mem>>)
    %add3A_387 = arith.constant 0 : i32
    %add3A_388 = arith.addi %min3A_31, %add3A_387 : i32
    %dma_start3A_389 = arith.constant 13 : i32
    %dma_start3A_390 = arith.constant 91 : i32
    %dma_start3A_391 = arith.constant 0 : i32
    %dma_start3A_392 = tpu.memref_slice %arg10[%dma_start3A_390, %dma_start3A_391] : memref<280x128xf32, #tpu.memory_space<vmem>> -> memref<7x128xf32, #tpu.memory_space<vmem>>
    %dma_start3A_393 = arith.constant 0 : i32
    %dma_start3A_394 = arith.constant 0 : i32
    %dma_start3A_395 = tpu.memref_slice %arg4[%add3A_388, %dma_start3A_389, %dma_start3A_393, %dma_start3A_394] : memref<7x20x7x128xf32, #tpu.memory_space<hbm>> -> memref<1x1x7x128xf32, #tpu.memory_space<hbm>>
    %dma_start3A_396 = tpu.memref_squeeze %dma_start3A_395 : memref<1x1x7x128xf32, #tpu.memory_space<hbm>> -> memref<7x128xf32, #tpu.memory_space<hbm>>
    %dma_start3A_397 = arith.constant 91 : i32
    %dma_start3A_398 = arith.constant 0 : i32
    %dma_start3A_399 = tpu.memref_slice %arg10[%dma_start3A_397, %dma_start3A_398] : memref<280x128xf32, #tpu.memory_space<vmem>> -> memref<7x128xf32, #tpu.memory_space<vmem>>
    %dma_start3A_400 = arith.constant 0 : i32
    %dma_start3A_401 = arith.constant 0 : i32
    %dma_start3A_402 = tpu.memref_slice %arg4[%add3A_388, %dma_start3A_389, %dma_start3A_400, %dma_start3A_401] : memref<7x20x7x128xf32, #tpu.memory_space<hbm>> -> memref<1x1x7x128xf32, #tpu.memory_space<hbm>>
    %dma_start3A_403 = tpu.memref_squeeze %dma_start3A_402 : memref<1x1x7x128xf32, #tpu.memory_space<hbm>> -> memref<7x128xf32, #tpu.memory_space<hbm>>
    tpu.enqueue_dma source(%dma_start3A_403 : memref<7x128xf32, #tpu.memory_space<hbm>>) target(%dma_start3A_399 : memref<7x128xf32, #tpu.memory_space<vmem>>) target_semaphore(%arg23 : memref<!tpu.dma_semaphore, #tpu.memory_space<semaphore_mem>>)
    %add3A_404 = arith.constant 0 : i32
    %add3A_405 = arith.addi %min3A_31, %add3A_404 : i32
    %dma_start3A_406 = arith.constant 14 : i32
    %dma_start3A_407 = arith.constant 98 : i32
    %dma_start3A_408 = arith.constant 0 : i32
    %dma_start3A_409 = tpu.memref_slice %arg10[%dma_start3A_407, %dma_start3A_408] : memref<280x128xf32, #tpu.memory_space<vmem>> -> memref<7x128xf32, #tpu.memory_space<vmem>>
    %dma_start3A_410 = arith.constant 0 : i32
    %dma_start3A_411 = arith.constant 0 : i32
    %dma_start3A_412 = tpu.memref_slice %arg4[%add3A_405, %dma_start3A_406, %dma_start3A_410, %dma_start3A_411] : memref<7x20x7x128xf32, #tpu.memory_space<hbm>> -> memref<1x1x7x128xf32, #tpu.memory_space<hbm>>
    %dma_start3A_413 = tpu.memref_squeeze %dma_start3A_412 : memref<1x1x7x128xf32, #tpu.memory_space<hbm>> -> memref<7x128xf32, #tpu.memory_space<hbm>>
    %dma_start3A_414 = arith.constant 98 : i32
    %dma_start3A_415 = arith.constant 0 : i32
    %dma_start3A_416 = tpu.memref_slice %arg10[%dma_start3A_414, %dma_start3A_415] : memref<280x128xf32, #tpu.memory_space<vmem>> -> memref<7x128xf32, #tpu.memory_space<vmem>>
    %dma_start3A_417 = arith.constant 0 : i32
    %dma_start3A_418 = arith.constant 0 : i32
    %dma_start3A_419 = tpu.memref_slice %arg4[%add3A_405, %dma_start3A_406, %dma_start3A_417, %dma_start3A_418] : memref<7x20x7x128xf32, #tpu.memory_space<hbm>> -> memref<1x1x7x128xf32, #tpu.memory_space<hbm>>
    %dma_start3A_420 = tpu.memref_squeeze %dma_start3A_419 : memref<1x1x7x128xf32, #tpu.memory_space<hbm>> -> memref<7x128xf32, #tpu.memory_space<hbm>>
    tpu.enqueue_dma source(%dma_start3A_420 : memref<7x128xf32, #tpu.memory_space<hbm>>) target(%dma_start3A_416 : memref<7x128xf32, #tpu.memory_space<vmem>>) target_semaphore(%arg23 : memref<!tpu.dma_semaphore, #tpu.memory_space<semaphore_mem>>)
    %add3A_421 = arith.constant 0 : i32
    %add3A_422 = arith.addi %min3A_31, %add3A_421 : i32
    %dma_start3A_423 = arith.constant 15 : i32
    %dma_start3A_424 = arith.constant 105 : i32
    %dma_start3A_425 = arith.constant 0 : i32
    %dma_start3A_426 = tpu.memref_slice %arg10[%dma_start3A_424, %dma_start3A_425] : memref<280x128xf32, #tpu.memory_space<vmem>> -> memref<7x128xf32, #tpu.memory_space<vmem>>
    %dma_start3A_427 = arith.constant 0 : i32
    %dma_start3A_428 = arith.constant 0 : i32
    %dma_start3A_429 = tpu.memref_slice %arg4[%add3A_422, %dma_start3A_423, %dma_start3A_427, %dma_start3A_428] : memref<7x20x7x128xf32, #tpu.memory_space<hbm>> -> memref<1x1x7x128xf32, #tpu.memory_space<hbm>>
    %dma_start3A_430 = tpu.memref_squeeze %dma_start3A_429 : memref<1x1x7x128xf32, #tpu.memory_space<hbm>> -> memref<7x128xf32, #tpu.memory_space<hbm>>
    %dma_start3A_431 = arith.constant 105 : i32
    %dma_start3A_432 = arith.constant 0 : i32
    %dma_start3A_433 = tpu.memref_slice %arg10[%dma_start3A_431, %dma_start3A_432] : memref<280x128xf32, #tpu.memory_space<vmem>> -> memref<7x128xf32, #tpu.memory_space<vmem>>
    %dma_start3A_434 = arith.constant 0 : i32
    %dma_start3A_435 = arith.constant 0 : i32
    %dma_start3A_436 = tpu.memref_slice %arg4[%add3A_422, %dma_start3A_423, %dma_start3A_434, %dma_start3A_435] : memref<7x20x7x128xf32, #tpu.memory_space<hbm>> -> memref<1x1x7x128xf32, #tpu.memory_space<hbm>>
    %dma_start3A_437 = tpu.memref_squeeze %dma_start3A_436 : memref<1x1x7x128xf32, #tpu.memory_space<hbm>> -> memref<7x128xf32, #tpu.memory_space<hbm>>
    tpu.enqueue_dma source(%dma_start3A_437 : memref<7x128xf32, #tpu.memory_space<hbm>>) target(%dma_start3A_433 : memref<7x128xf32, #tpu.memory_space<vmem>>) target_semaphore(%arg23 : memref<!tpu.dma_semaphore, #tpu.memory_space<semaphore_mem>>)
    %add3A_438 = arith.constant 0 : i32
    %add3A_439 = arith.addi %min3A_31, %add3A_438 : i32
    %dma_start3A_440 = arith.constant 16 : i32
    %dma_start3A_441 = arith.constant 112 : i32
    %dma_start3A_442 = arith.constant 0 : i32
    %dma_start3A_443 = tpu.memref_slice %arg10[%dma_start3A_441, %dma_start3A_442] : memref<280x128xf32, #tpu.memory_space<vmem>> -> memref<7x128xf32, #tpu.memory_space<vmem>>
    %dma_start3A_444 = arith.constant 0 : i32
    %dma_start3A_445 = arith.constant 0 : i32
    %dma_start3A_446 = tpu.memref_slice %arg4[%add3A_439, %dma_start3A_440, %dma_start3A_444, %dma_start3A_445] : memref<7x20x7x128xf32, #tpu.memory_space<hbm>> -> memref<1x1x7x128xf32, #tpu.memory_space<hbm>>
    %dma_start3A_447 = tpu.memref_squeeze %dma_start3A_446 : memref<1x1x7x128xf32, #tpu.memory_space<hbm>> -> memref<7x128xf32, #tpu.memory_space<hbm>>
    %dma_start3A_448 = arith.constant 112 : i32
    %dma_start3A_449 = arith.constant 0 : i32
    %dma_start3A_450 = tpu.memref_slice %arg10[%dma_start3A_448, %dma_start3A_449] : memref<280x128xf32, #tpu.memory_space<vmem>> -> memref<7x128xf32, #tpu.memory_space<vmem>>
    %dma_start3A_451 = arith.constant 0 : i32
    %dma_start3A_452 = arith.constant 0 : i32
    %dma_start3A_453 = tpu.memref_slice %arg4[%add3A_439, %dma_start3A_440, %dma_start3A_451, %dma_start3A_452] : memref<7x20x7x128xf32, #tpu.memory_space<hbm>> -> memref<1x1x7x128xf32, #tpu.memory_space<hbm>>
    %dma_start3A_454 = tpu.memref_squeeze %dma_start3A_453 : memref<1x1x7x128xf32, #tpu.memory_space<hbm>> -> memref<7x128xf32, #tpu.memory_space<hbm>>
    tpu.enqueue_dma source(%dma_start3A_454 : memref<7x128xf32, #tpu.memory_space<hbm>>) target(%dma_start3A_450 : memref<7x128xf32, #tpu.memory_space<vmem>>) target_semaphore(%arg23 : memref<!tpu.dma_semaphore, #tpu.memory_space<semaphore_mem>>)
    %add3A_455 = arith.constant 0 : i32
    %add3A_456 = arith.addi %min3A_31, %add3A_455 : i32
    %dma_start3A_457 = arith.constant 17 : i32
    %dma_start3A_458 = arith.constant 119 : i32
    %dma_start3A_459 = arith.constant 0 : i32
    %dma_start3A_460 = tpu.memref_slice %arg10[%dma_start3A_458, %dma_start3A_459] : memref<280x128xf32, #tpu.memory_space<vmem>> -> memref<7x128xf32, #tpu.memory_space<vmem>>
    %dma_start3A_461 = arith.constant 0 : i32
    %dma_start3A_462 = arith.constant 0 : i32
    %dma_start3A_463 = tpu.memref_slice %arg4[%add3A_456, %dma_start3A_457, %dma_start3A_461, %dma_start3A_462] : memref<7x20x7x128xf32, #tpu.memory_space<hbm>> -> memref<1x1x7x128xf32, #tpu.memory_space<hbm>>
    %dma_start3A_464 = tpu.memref_squeeze %dma_start3A_463 : memref<1x1x7x128xf32, #tpu.memory_space<hbm>> -> memref<7x128xf32, #tpu.memory_space<hbm>>
    %dma_start3A_465 = arith.constant 119 : i32
    %dma_start3A_466 = arith.constant 0 : i32
    %dma_start3A_467 = tpu.memref_slice %arg10[%dma_start3A_465, %dma_start3A_466] : memref<280x128xf32, #tpu.memory_space<vmem>> -> memref<7x128xf32, #tpu.memory_space<vmem>>
    %dma_start3A_468 = arith.constant 0 : i32
    %dma_start3A_469 = arith.constant 0 : i32
    %dma_start3A_470 = tpu.memref_slice %arg4[%add3A_456, %dma_start3A_457, %dma_start3A_468, %dma_start3A_469] : memref<7x20x7x128xf32, #tpu.memory_space<hbm>> -> memref<1x1x7x128xf32, #tpu.memory_space<hbm>>
    %dma_start3A_471 = tpu.memref_squeeze %dma_start3A_470 : memref<1x1x7x128xf32, #tpu.memory_space<hbm>> -> memref<7x128xf32, #tpu.memory_space<hbm>>
    tpu.enqueue_dma source(%dma_start3A_471 : memref<7x128xf32, #tpu.memory_space<hbm>>) target(%dma_start3A_467 : memref<7x128xf32, #tpu.memory_space<vmem>>) target_semaphore(%arg23 : memref<!tpu.dma_semaphore, #tpu.memory_space<semaphore_mem>>)
    %add3A_472 = arith.constant 0 : i32
    %add3A_473 = arith.addi %min3A_31, %add3A_472 : i32
    %dma_start3A_474 = arith.constant 18 : i32
    %dma_start3A_475 = arith.constant 126 : i32
    %dma_start3A_476 = arith.constant 0 : i32
    %dma_start3A_477 = tpu.memref_slice %arg10[%dma_start3A_475, %dma_start3A_476] : memref<280x128xf32, #tpu.memory_space<vmem>> -> memref<7x128xf32, #tpu.memory_space<vmem>>
    %dma_start3A_478 = arith.constant 0 : i32
    %dma_start3A_479 = arith.constant 0 : i32
    %dma_start3A_480 = tpu.memref_slice %arg4[%add3A_473, %dma_start3A_474, %dma_start3A_478, %dma_start3A_479] : memref<7x20x7x128xf32, #tpu.memory_space<hbm>> -> memref<1x1x7x128xf32, #tpu.memory_space<hbm>>
    %dma_start3A_481 = tpu.memref_squeeze %dma_start3A_480 : memref<1x1x7x128xf32, #tpu.memory_space<hbm>> -> memref<7x128xf32, #tpu.memory_space<hbm>>
    %dma_start3A_482 = arith.constant 126 : i32
    %dma_start3A_483 = arith.constant 0 : i32
    %dma_start3A_484 = tpu.memref_slice %arg10[%dma_start3A_482, %dma_start3A_483] : memref<280x128xf32, #tpu.memory_space<vmem>> -> memref<7x128xf32, #tpu.memory_space<vmem>>
    %dma_start3A_485 = arith.constant 0 : i32
    %dma_start3A_486 = arith.constant 0 : i32
    %dma_start3A_487 = tpu.memref_slice %arg4[%add3A_473, %dma_start3A_474, %dma_start3A_485, %dma_start3A_486] : memref<7x20x7x128xf32, #tpu.memory_space<hbm>> -> memref<1x1x7x128xf32, #tpu.memory_space<hbm>>
    %dma_start3A_488 = tpu.memref_squeeze %dma_start3A_487 : memref<1x1x7x128xf32, #tpu.memory_space<hbm>> -> memref<7x128xf32, #tpu.memory_space<hbm>>
    tpu.enqueue_dma source(%dma_start3A_488 : memref<7x128xf32, #tpu.memory_space<hbm>>) target(%dma_start3A_484 : memref<7x128xf32, #tpu.memory_space<vmem>>) target_semaphore(%arg23 : memref<!tpu.dma_semaphore, #tpu.memory_space<semaphore_mem>>)
    %add3A_489 = arith.constant 0 : i32
    %add3A_490 = arith.addi %min3A_31, %add3A_489 : i32
    %dma_start3A_491 = arith.constant 19 : i32
    %dma_start3A_492 = arith.constant 133 : i32
    %dma_start3A_493 = arith.constant 0 : i32
    %dma_start3A_494 = tpu.memref_slice %arg10[%dma_start3A_492, %dma_start3A_493] : memref<280x128xf32, #tpu.memory_space<vmem>> -> memref<7x128xf32, #tpu.memory_space<vmem>>
    %dma_start3A_495 = arith.constant 0 : i32
    %dma_start3A_496 = arith.constant 0 : i32
    %dma_start3A_497 = tpu.memref_slice %arg4[%add3A_490, %dma_start3A_491, %dma_start3A_495, %dma_start3A_496] : memref<7x20x7x128xf32, #tpu.memory_space<hbm>> -> memref<1x1x7x128xf32, #tpu.memory_space<hbm>>
    %dma_start3A_498 = tpu.memref_squeeze %dma_start3A_497 : memref<1x1x7x128xf32, #tpu.memory_space<hbm>> -> memref<7x128xf32, #tpu.memory_space<hbm>>
    %dma_start3A_499 = arith.constant 133 : i32
    %dma_start3A_500 = arith.constant 0 : i32
    %dma_start3A_501 = tpu.memref_slice %arg10[%dma_start3A_499, %dma_start3A_500] : memref<280x128xf32, #tpu.memory_space<vmem>> -> memref<7x128xf32, #tpu.memory_space<vmem>>
    %dma_start3A_502 = arith.constant 0 : i32
    %dma_start3A_503 = arith.constant 0 : i32
    %dma_start3A_504 = tpu.memref_slice %arg4[%add3A_490, %dma_start3A_491, %dma_start3A_502, %dma_start3A_503] : memref<7x20x7x128xf32, #tpu.memory_space<hbm>> -> memref<1x1x7x128xf32, #tpu.memory_space<hbm>>
    %dma_start3A_505 = tpu.memref_squeeze %dma_start3A_504 : memref<1x1x7x128xf32, #tpu.memory_space<hbm>> -> memref<7x128xf32, #tpu.memory_space<hbm>>
    tpu.enqueue_dma source(%dma_start3A_505 : memref<7x128xf32, #tpu.memory_space<hbm>>) target(%dma_start3A_501 : memref<7x128xf32, #tpu.memory_space<vmem>>) target_semaphore(%arg23 : memref<!tpu.dma_semaphore, #tpu.memory_space<semaphore_mem>>)
    %add3A_506 = arith.constant 1 : i32
    %add3A_507 = arith.addi %min3A_31, %add3A_506 : i32
    %dma_start3A_508 = arith.constant 0 : i32
    %dma_start3A_509 = arith.constant 14 : i32
    %dma_start3A_510 = arith.constant 0 : i32
    %dma_start3A_511 = tpu.memref_slice %arg8[%dma_start3A_509, %dma_start3A_510] : memref<28x128xf32, #tpu.memory_space<vmem>> -> memref<2x128xf32, #tpu.memory_space<vmem>>
    %dma_start3A_512 = arith.constant 0 : i32
    %dma_start3A_513 = arith.constant 0 : i32
    %dma_start3A_514 = tpu.memref_slice %arg2[%add3A_507, %dma_start3A_508, %dma_start3A_512, %dma_start3A_513] : memref<7x7x2x128xf32, #tpu.memory_space<hbm>> -> memref<1x1x2x128xf32, #tpu.memory_space<hbm>>
    %dma_start3A_515 = tpu.memref_squeeze %dma_start3A_514 : memref<1x1x2x128xf32, #tpu.memory_space<hbm>> -> memref<2x128xf32, #tpu.memory_space<hbm>>
    %dma_start3A_516 = arith.constant 14 : i32
    %dma_start3A_517 = arith.constant 0 : i32
    %dma_start3A_518 = tpu.memref_slice %arg8[%dma_start3A_516, %dma_start3A_517] : memref<28x128xf32, #tpu.memory_space<vmem>> -> memref<2x128xf32, #tpu.memory_space<vmem>>
    %dma_start3A_519 = arith.constant 0 : i32
    %dma_start3A_520 = arith.constant 0 : i32
    %dma_start3A_521 = tpu.memref_slice %arg2[%add3A_507, %dma_start3A_508, %dma_start3A_519, %dma_start3A_520] : memref<7x7x2x128xf32, #tpu.memory_space<hbm>> -> memref<1x1x2x128xf32, #tpu.memory_space<hbm>>
    %dma_start3A_522 = tpu.memref_squeeze %dma_start3A_521 : memref<1x1x2x128xf32, #tpu.memory_space<hbm>> -> memref<2x128xf32, #tpu.memory_space<hbm>>
    tpu.enqueue_dma source(%dma_start3A_522 : memref<2x128xf32, #tpu.memory_space<hbm>>) target(%dma_start3A_518 : memref<2x128xf32, #tpu.memory_space<vmem>>) target_semaphore(%arg23 : memref<!tpu.dma_semaphore, #tpu.memory_space<semaphore_mem>>)
    %add3A_523 = arith.constant 1 : i32
    %add3A_524 = arith.addi %min3A_31, %add3A_523 : i32
    %dma_start3A_525 = arith.constant 1 : i32
    %dma_start3A_526 = arith.constant 16 : i32
    %dma_start3A_527 = arith.constant 0 : i32
    %dma_start3A_528 = tpu.memref_slice %arg8[%dma_start3A_526, %dma_start3A_527] : memref<28x128xf32, #tpu.memory_space<vmem>> -> memref<2x128xf32, #tpu.memory_space<vmem>>
    %dma_start3A_529 = arith.constant 0 : i32
    %dma_start3A_530 = arith.constant 0 : i32
    %dma_start3A_531 = tpu.memref_slice %arg2[%add3A_524, %dma_start3A_525, %dma_start3A_529, %dma_start3A_530] : memref<7x7x2x128xf32, #tpu.memory_space<hbm>> -> memref<1x1x2x128xf32, #tpu.memory_space<hbm>>
    %dma_start3A_532 = tpu.memref_squeeze %dma_start3A_531 : memref<1x1x2x128xf32, #tpu.memory_space<hbm>> -> memref<2x128xf32, #tpu.memory_space<hbm>>
    %dma_start3A_533 = arith.constant 16 : i32
    %dma_start3A_534 = arith.constant 0 : i32
    %dma_start3A_535 = tpu.memref_slice %arg8[%dma_start3A_533, %dma_start3A_534] : memref<28x128xf32, #tpu.memory_space<vmem>> -> memref<2x128xf32, #tpu.memory_space<vmem>>
    %dma_start3A_536 = arith.constant 0 : i32
    %dma_start3A_537 = arith.constant 0 : i32
    %dma_start3A_538 = tpu.memref_slice %arg2[%add3A_524, %dma_start3A_525, %dma_start3A_536, %dma_start3A_537] : memref<7x7x2x128xf32, #tpu.memory_space<hbm>> -> memref<1x1x2x128xf32, #tpu.memory_space<hbm>>
    %dma_start3A_539 = tpu.memref_squeeze %dma_start3A_538 : memref<1x1x2x128xf32, #tpu.memory_space<hbm>> -> memref<2x128xf32, #tpu.memory_space<hbm>>
    tpu.enqueue_dma source(%dma_start3A_539 : memref<2x128xf32, #tpu.memory_space<hbm>>) target(%dma_start3A_535 : memref<2x128xf32, #tpu.memory_space<vmem>>) target_semaphore(%arg23 : memref<!tpu.dma_semaphore, #tpu.memory_space<semaphore_mem>>)
    %add3A_540 = arith.constant 1 : i32
    %add3A_541 = arith.addi %min3A_31, %add3A_540 : i32
    %dma_start3A_542 = arith.constant 2 : i32
    %dma_start3A_543 = arith.constant 18 : i32
    %dma_start3A_544 = arith.constant 0 : i32
    %dma_start3A_545 = tpu.memref_slice %arg8[%dma_start3A_543, %dma_start3A_544] : memref<28x128xf32, #tpu.memory_space<vmem>> -> memref<2x128xf32, #tpu.memory_space<vmem>>
    %dma_start3A_546 = arith.constant 0 : i32
    %dma_start3A_547 = arith.constant 0 : i32
    %dma_start3A_548 = tpu.memref_slice %arg2[%add3A_541, %dma_start3A_542, %dma_start3A_546, %dma_start3A_547] : memref<7x7x2x128xf32, #tpu.memory_space<hbm>> -> memref<1x1x2x128xf32, #tpu.memory_space<hbm>>
    %dma_start3A_549 = tpu.memref_squeeze %dma_start3A_548 : memref<1x1x2x128xf32, #tpu.memory_space<hbm>> -> memref<2x128xf32, #tpu.memory_space<hbm>>
    %dma_start3A_550 = arith.constant 18 : i32
    %dma_start3A_551 = arith.constant 0 : i32
    %dma_start3A_552 = tpu.memref_slice %arg8[%dma_start3A_550, %dma_start3A_551] : memref<28x128xf32, #tpu.memory_space<vmem>> -> memref<2x128xf32, #tpu.memory_space<vmem>>
    %dma_start3A_553 = arith.constant 0 : i32
    %dma_start3A_554 = arith.constant 0 : i32
    %dma_start3A_555 = tpu.memref_slice %arg2[%add3A_541, %dma_start3A_542, %dma_start3A_553, %dma_start3A_554] : memref<7x7x2x128xf32, #tpu.memory_space<hbm>> -> memref<1x1x2x128xf32, #tpu.memory_space<hbm>>
    %dma_start3A_556 = tpu.memref_squeeze %dma_start3A_555 : memref<1x1x2x128xf32, #tpu.memory_space<hbm>> -> memref<2x128xf32, #tpu.memory_space<hbm>>
    tpu.enqueue_dma source(%dma_start3A_556 : memref<2x128xf32, #tpu.memory_space<hbm>>) target(%dma_start3A_552 : memref<2x128xf32, #tpu.memory_space<vmem>>) target_semaphore(%arg23 : memref<!tpu.dma_semaphore, #tpu.memory_space<semaphore_mem>>)
    %add3A_557 = arith.constant 1 : i32
    %add3A_558 = arith.addi %min3A_31, %add3A_557 : i32
    %dma_start3A_559 = arith.constant 3 : i32
    %dma_start3A_560 = arith.constant 20 : i32
    %dma_start3A_561 = arith.constant 0 : i32
    %dma_start3A_562 = tpu.memref_slice %arg8[%dma_start3A_560, %dma_start3A_561] : memref<28x128xf32, #tpu.memory_space<vmem>> -> memref<2x128xf32, #tpu.memory_space<vmem>>
    %dma_start3A_563 = arith.constant 0 : i32
    %dma_start3A_564 = arith.constant 0 : i32
    %dma_start3A_565 = tpu.memref_slice %arg2[%add3A_558, %dma_start3A_559, %dma_start3A_563, %dma_start3A_564] : memref<7x7x2x128xf32, #tpu.memory_space<hbm>> -> memref<1x1x2x128xf32, #tpu.memory_space<hbm>>
    %dma_start3A_566 = tpu.memref_squeeze %dma_start3A_565 : memref<1x1x2x128xf32, #tpu.memory_space<hbm>> -> memref<2x128xf32, #tpu.memory_space<hbm>>
    %dma_start3A_567 = arith.constant 20 : i32
    %dma_start3A_568 = arith.constant 0 : i32
    %dma_start3A_569 = tpu.memref_slice %arg8[%dma_start3A_567, %dma_start3A_568] : memref<28x128xf32, #tpu.memory_space<vmem>> -> memref<2x128xf32, #tpu.memory_space<vmem>>
    %dma_start3A_570 = arith.constant 0 : i32
    %dma_start3A_571 = arith.constant 0 : i32
    %dma_start3A_572 = tpu.memref_slice %arg2[%add3A_558, %dma_start3A_559, %dma_start3A_570, %dma_start3A_571] : memref<7x7x2x128xf32, #tpu.memory_space<hbm>> -> memref<1x1x2x128xf32, #tpu.memory_space<hbm>>
    %dma_start3A_573 = tpu.memref_squeeze %dma_start3A_572 : memref<1x1x2x128xf32, #tpu.memory_space<hbm>> -> memref<2x128xf32, #tpu.memory_space<hbm>>
    tpu.enqueue_dma source(%dma_start3A_573 : memref<2x128xf32, #tpu.memory_space<hbm>>) target(%dma_start3A_569 : memref<2x128xf32, #tpu.memory_space<vmem>>) target_semaphore(%arg23 : memref<!tpu.dma_semaphore, #tpu.memory_space<semaphore_mem>>)
    %add3A_574 = arith.constant 1 : i32
    %add3A_575 = arith.addi %min3A_31, %add3A_574 : i32
    %dma_start3A_576 = arith.constant 4 : i32
    %dma_start3A_577 = arith.constant 22 : i32
    %dma_start3A_578 = arith.constant 0 : i32
    %dma_start3A_579 = tpu.memref_slice %arg8[%dma_start3A_577, %dma_start3A_578] : memref<28x128xf32, #tpu.memory_space<vmem>> -> memref<2x128xf32, #tpu.memory_space<vmem>>
    %dma_start3A_580 = arith.constant 0 : i32
    %dma_start3A_581 = arith.constant 0 : i32
    %dma_start3A_582 = tpu.memref_slice %arg2[%add3A_575, %dma_start3A_576, %dma_start3A_580, %dma_start3A_581] : memref<7x7x2x128xf32, #tpu.memory_space<hbm>> -> memref<1x1x2x128xf32, #tpu.memory_space<hbm>>
    %dma_start3A_583 = tpu.memref_squeeze %dma_start3A_582 : memref<1x1x2x128xf32, #tpu.memory_space<hbm>> -> memref<2x128xf32, #tpu.memory_space<hbm>>
    %dma_start3A_584 = arith.constant 22 : i32
    %dma_start3A_585 = arith.constant 0 : i32
    %dma_start3A_586 = tpu.memref_slice %arg8[%dma_start3A_584, %dma_start3A_585] : memref<28x128xf32, #tpu.memory_space<vmem>> -> memref<2x128xf32, #tpu.memory_space<vmem>>
    %dma_start3A_587 = arith.constant 0 : i32
    %dma_start3A_588 = arith.constant 0 : i32
    %dma_start3A_589 = tpu.memref_slice %arg2[%add3A_575, %dma_start3A_576, %dma_start3A_587, %dma_start3A_588] : memref<7x7x2x128xf32, #tpu.memory_space<hbm>> -> memref<1x1x2x128xf32, #tpu.memory_space<hbm>>
    %dma_start3A_590 = tpu.memref_squeeze %dma_start3A_589 : memref<1x1x2x128xf32, #tpu.memory_space<hbm>> -> memref<2x128xf32, #tpu.memory_space<hbm>>
    tpu.enqueue_dma source(%dma_start3A_590 : memref<2x128xf32, #tpu.memory_space<hbm>>) target(%dma_start3A_586 : memref<2x128xf32, #tpu.memory_space<vmem>>) target_semaphore(%arg23 : memref<!tpu.dma_semaphore, #tpu.memory_space<semaphore_mem>>)
    %add3A_591 = arith.constant 1 : i32
    %add3A_592 = arith.addi %min3A_31, %add3A_591 : i32
    %dma_start3A_593 = arith.constant 5 : i32
    %dma_start3A_594 = arith.constant 24 : i32
    %dma_start3A_595 = arith.constant 0 : i32
    %dma_start3A_596 = tpu.memref_slice %arg8[%dma_start3A_594, %dma_start3A_595] : memref<28x128xf32, #tpu.memory_space<vmem>> -> memref<2x128xf32, #tpu.memory_space<vmem>>
    %dma_start3A_597 = arith.constant 0 : i32
    %dma_start3A_598 = arith.constant 0 : i32
    %dma_start3A_599 = tpu.memref_slice %arg2[%add3A_592, %dma_start3A_593, %dma_start3A_597, %dma_start3A_598] : memref<7x7x2x128xf32, #tpu.memory_space<hbm>> -> memref<1x1x2x128xf32, #tpu.memory_space<hbm>>
    %dma_start3A_600 = tpu.memref_squeeze %dma_start3A_599 : memref<1x1x2x128xf32, #tpu.memory_space<hbm>> -> memref<2x128xf32, #tpu.memory_space<hbm>>
    %dma_start3A_601 = arith.constant 24 : i32
    %dma_start3A_602 = arith.constant 0 : i32
    %dma_start3A_603 = tpu.memref_slice %arg8[%dma_start3A_601, %dma_start3A_602] : memref<28x128xf32, #tpu.memory_space<vmem>> -> memref<2x128xf32, #tpu.memory_space<vmem>>
    %dma_start3A_604 = arith.constant 0 : i32
    %dma_start3A_605 = arith.constant 0 : i32
    %dma_start3A_606 = tpu.memref_slice %arg2[%add3A_592, %dma_start3A_593, %dma_start3A_604, %dma_start3A_605] : memref<7x7x2x128xf32, #tpu.memory_space<hbm>> -> memref<1x1x2x128xf32, #tpu.memory_space<hbm>>
    %dma_start3A_607 = tpu.memref_squeeze %dma_start3A_606 : memref<1x1x2x128xf32, #tpu.memory_space<hbm>> -> memref<2x128xf32, #tpu.memory_space<hbm>>
    tpu.enqueue_dma source(%dma_start3A_607 : memref<2x128xf32, #tpu.memory_space<hbm>>) target(%dma_start3A_603 : memref<2x128xf32, #tpu.memory_space<vmem>>) target_semaphore(%arg23 : memref<!tpu.dma_semaphore, #tpu.memory_space<semaphore_mem>>)
    %add3A_608 = arith.constant 1 : i32
    %add3A_609 = arith.addi %min3A_31, %add3A_608 : i32
    %dma_start3A_610 = arith.constant 6 : i32
    %dma_start3A_611 = arith.constant 26 : i32
    %dma_start3A_612 = arith.constant 0 : i32
    %dma_start3A_613 = tpu.memref_slice %arg8[%dma_start3A_611, %dma_start3A_612] : memref<28x128xf32, #tpu.memory_space<vmem>> -> memref<2x128xf32, #tpu.memory_space<vmem>>
    %dma_start3A_614 = arith.constant 0 : i32
    %dma_start3A_615 = arith.constant 0 : i32
    %dma_start3A_616 = tpu.memref_slice %arg2[%add3A_609, %dma_start3A_610, %dma_start3A_614, %dma_start3A_615] : memref<7x7x2x128xf32, #tpu.memory_space<hbm>> -> memref<1x1x2x128xf32, #tpu.memory_space<hbm>>
    %dma_start3A_617 = tpu.memref_squeeze %dma_start3A_616 : memref<1x1x2x128xf32, #tpu.memory_space<hbm>> -> memref<2x128xf32, #tpu.memory_space<hbm>>
    %dma_start3A_618 = arith.constant 26 : i32
    %dma_start3A_619 = arith.constant 0 : i32
    %dma_start3A_620 = tpu.memref_slice %arg8[%dma_start3A_618, %dma_start3A_619] : memref<28x128xf32, #tpu.memory_space<vmem>> -> memref<2x128xf32, #tpu.memory_space<vmem>>
    %dma_start3A_621 = arith.constant 0 : i32
    %dma_start3A_622 = arith.constant 0 : i32
    %dma_start3A_623 = tpu.memref_slice %arg2[%add3A_609, %dma_start3A_610, %dma_start3A_621, %dma_start3A_622] : memref<7x7x2x128xf32, #tpu.memory_space<hbm>> -> memref<1x1x2x128xf32, #tpu.memory_space<hbm>>
    %dma_start3A_624 = tpu.memref_squeeze %dma_start3A_623 : memref<1x1x2x128xf32, #tpu.memory_space<hbm>> -> memref<2x128xf32, #tpu.memory_space<hbm>>
    tpu.enqueue_dma source(%dma_start3A_624 : memref<2x128xf32, #tpu.memory_space<hbm>>) target(%dma_start3A_620 : memref<2x128xf32, #tpu.memory_space<vmem>>) target_semaphore(%arg23 : memref<!tpu.dma_semaphore, #tpu.memory_space<semaphore_mem>>)
    %add3A_625 = arith.constant 1 : i32
    %add3A_626 = arith.addi %min3A_31, %add3A_625 : i32
    %dma_start3A_627 = arith.constant 0 : i32
    %dma_start3A_628 = arith.constant 140 : i32
    %dma_start3A_629 = arith.constant 0 : i32
    %dma_start3A_630 = tpu.memref_slice %arg10[%dma_start3A_628, %dma_start3A_629] : memref<280x128xf32, #tpu.memory_space<vmem>> -> memref<7x128xf32, #tpu.memory_space<vmem>>
    %dma_start3A_631 = arith.constant 0 : i32
    %dma_start3A_632 = arith.constant 0 : i32
    %dma_start3A_633 = tpu.memref_slice %arg4[%add3A_626, %dma_start3A_627, %dma_start3A_631, %dma_start3A_632] : memref<7x20x7x128xf32, #tpu.memory_space<hbm>> -> memref<1x1x7x128xf32, #tpu.memory_space<hbm>>
    %dma_start3A_634 = tpu.memref_squeeze %dma_start3A_633 : memref<1x1x7x128xf32, #tpu.memory_space<hbm>> -> memref<7x128xf32, #tpu.memory_space<hbm>>
    %dma_start3A_635 = arith.constant 140 : i32
    %dma_start3A_636 = arith.constant 0 : i32
    %dma_start3A_637 = tpu.memref_slice %arg10[%dma_start3A_635, %dma_start3A_636] : memref<280x128xf32, #tpu.memory_space<vmem>> -> memref<7x128xf32, #tpu.memory_space<vmem>>
    %dma_start3A_638 = arith.constant 0 : i32
    %dma_start3A_639 = arith.constant 0 : i32
    %dma_start3A_640 = tpu.memref_slice %arg4[%add3A_626, %dma_start3A_627, %dma_start3A_638, %dma_start3A_639] : memref<7x20x7x128xf32, #tpu.memory_space<hbm>> -> memref<1x1x7x128xf32, #tpu.memory_space<hbm>>
    %dma_start3A_641 = tpu.memref_squeeze %dma_start3A_640 : memref<1x1x7x128xf32, #tpu.memory_space<hbm>> -> memref<7x128xf32, #tpu.memory_space<hbm>>
    tpu.enqueue_dma source(%dma_start3A_641 : memref<7x128xf32, #tpu.memory_space<hbm>>) target(%dma_start3A_637 : memref<7x128xf32, #tpu.memory_space<vmem>>) target_semaphore(%arg23 : memref<!tpu.dma_semaphore, #tpu.memory_space<semaphore_mem>>)
    %add3A_642 = arith.constant 1 : i32
    %add3A_643 = arith.addi %min3A_31, %add3A_642 : i32
    %dma_start3A_644 = arith.constant 1 : i32
    %dma_start3A_645 = arith.constant 147 : i32
    %dma_start3A_646 = arith.constant 0 : i32
    %dma_start3A_647 = tpu.memref_slice %arg10[%dma_start3A_645, %dma_start3A_646] : memref<280x128xf32, #tpu.memory_space<vmem>> -> memref<7x128xf32, #tpu.memory_space<vmem>>
    %dma_start3A_648 = arith.constant 0 : i32
    %dma_start3A_649 = arith.constant 0 : i32
    %dma_start3A_650 = tpu.memref_slice %arg4[%add3A_643, %dma_start3A_644, %dma_start3A_648, %dma_start3A_649] : memref<7x20x7x128xf32, #tpu.memory_space<hbm>> -> memref<1x1x7x128xf32, #tpu.memory_space<hbm>>
    %dma_start3A_651 = tpu.memref_squeeze %dma_start3A_650 : memref<1x1x7x128xf32, #tpu.memory_space<hbm>> -> memref<7x128xf32, #tpu.memory_space<hbm>>
    %dma_start3A_652 = arith.constant 147 : i32
    %dma_start3A_653 = arith.constant 0 : i32
    %dma_start3A_654 = tpu.memref_slice %arg10[%dma_start3A_652, %dma_start3A_653] : memref<280x128xf32, #tpu.memory_space<vmem>> -> memref<7x128xf32, #tpu.memory_space<vmem>>
    %dma_start3A_655 = arith.constant 0 : i32
    %dma_start3A_656 = arith.constant 0 : i32
    %dma_start3A_657 = tpu.memref_slice %arg4[%add3A_643, %dma_start3A_644, %dma_start3A_655, %dma_start3A_656] : memref<7x20x7x128xf32, #tpu.memory_space<hbm>> -> memref<1x1x7x128xf32, #tpu.memory_space<hbm>>
    %dma_start3A_658 = tpu.memref_squeeze %dma_start3A_657 : memref<1x1x7x128xf32, #tpu.memory_space<hbm>> -> memref<7x128xf32, #tpu.memory_space<hbm>>
    tpu.enqueue_dma source(%dma_start3A_658 : memref<7x128xf32, #tpu.memory_space<hbm>>) target(%dma_start3A_654 : memref<7x128xf32, #tpu.memory_space<vmem>>) target_semaphore(%arg23 : memref<!tpu.dma_semaphore, #tpu.memory_space<semaphore_mem>>)
    %add3A_659 = arith.constant 1 : i32
    %add3A_660 = arith.addi %min3A_31, %add3A_659 : i32
    %dma_start3A_661 = arith.constant 2 : i32
    %dma_start3A_662 = arith.constant 154 : i32
    %dma_start3A_663 = arith.constant 0 : i32
    %dma_start3A_664 = tpu.memref_slice %arg10[%dma_start3A_662, %dma_start3A_663] : memref<280x128xf32, #tpu.memory_space<vmem>> -> memref<7x128xf32, #tpu.memory_space<vmem>>
    %dma_start3A_665 = arith.constant 0 : i32
    %dma_start3A_666 = arith.constant 0 : i32
    %dma_start3A_667 = tpu.memref_slice %arg4[%add3A_660, %dma_start3A_661, %dma_start3A_665, %dma_start3A_666] : memref<7x20x7x128xf32, #tpu.memory_space<hbm>> -> memref<1x1x7x128xf32, #tpu.memory_space<hbm>>
    %dma_start3A_668 = tpu.memref_squeeze %dma_start3A_667 : memref<1x1x7x128xf32, #tpu.memory_space<hbm>> -> memref<7x128xf32, #tpu.memory_space<hbm>>
    %dma_start3A_669 = arith.constant 154 : i32
    %dma_start3A_670 = arith.constant 0 : i32
    %dma_start3A_671 = tpu.memref_slice %arg10[%dma_start3A_669, %dma_start3A_670] : memref<280x128xf32, #tpu.memory_space<vmem>> -> memref<7x128xf32, #tpu.memory_space<vmem>>
    %dma_start3A_672 = arith.constant 0 : i32
    %dma_start3A_673 = arith.constant 0 : i32
    %dma_start3A_674 = tpu.memref_slice %arg4[%add3A_660, %dma_start3A_661, %dma_start3A_672, %dma_start3A_673] : memref<7x20x7x128xf32, #tpu.memory_space<hbm>> -> memref<1x1x7x128xf32, #tpu.memory_space<hbm>>
    %dma_start3A_675 = tpu.memref_squeeze %dma_start3A_674 : memref<1x1x7x128xf32, #tpu.memory_space<hbm>> -> memref<7x128xf32, #tpu.memory_space<hbm>>
    tpu.enqueue_dma source(%dma_start3A_675 : memref<7x128xf32, #tpu.memory_space<hbm>>) target(%dma_start3A_671 : memref<7x128xf32, #tpu.memory_space<vmem>>) target_semaphore(%arg23 : memref<!tpu.dma_semaphore, #tpu.memory_space<semaphore_mem>>)
    %add3A_676 = arith.constant 1 : i32
    %add3A_677 = arith.addi %min3A_31, %add3A_676 : i32
    %dma_start3A_678 = arith.constant 3 : i32
    %dma_start3A_679 = arith.constant 161 : i32
    %dma_start3A_680 = arith.constant 0 : i32
    %dma_start3A_681 = tpu.memref_slice %arg10[%dma_start3A_679, %dma_start3A_680] : memref<280x128xf32, #tpu.memory_space<vmem>> -> memref<7x128xf32, #tpu.memory_space<vmem>>
    %dma_start3A_682 = arith.constant 0 : i32
    %dma_start3A_683 = arith.constant 0 : i32
    %dma_start3A_684 = tpu.memref_slice %arg4[%add3A_677, %dma_start3A_678, %dma_start3A_682, %dma_start3A_683] : memref<7x20x7x128xf32, #tpu.memory_space<hbm>> -> memref<1x1x7x128xf32, #tpu.memory_space<hbm>>
    %dma_start3A_685 = tpu.memref_squeeze %dma_start3A_684 : memref<1x1x7x128xf32, #tpu.memory_space<hbm>> -> memref<7x128xf32, #tpu.memory_space<hbm>>
    %dma_start3A_686 = arith.constant 161 : i32
    %dma_start3A_687 = arith.constant 0 : i32
    %dma_start3A_688 = tpu.memref_slice %arg10[%dma_start3A_686, %dma_start3A_687] : memref<280x128xf32, #tpu.memory_space<vmem>> -> memref<7x128xf32, #tpu.memory_space<vmem>>
    %dma_start3A_689 = arith.constant 0 : i32
    %dma_start3A_690 = arith.constant 0 : i32
    %dma_start3A_691 = tpu.memref_slice %arg4[%add3A_677, %dma_start3A_678, %dma_start3A_689, %dma_start3A_690] : memref<7x20x7x128xf32, #tpu.memory_space<hbm>> -> memref<1x1x7x128xf32, #tpu.memory_space<hbm>>
    %dma_start3A_692 = tpu.memref_squeeze %dma_start3A_691 : memref<1x1x7x128xf32, #tpu.memory_space<hbm>> -> memref<7x128xf32, #tpu.memory_space<hbm>>
    tpu.enqueue_dma source(%dma_start3A_692 : memref<7x128xf32, #tpu.memory_space<hbm>>) target(%dma_start3A_688 : memref<7x128xf32, #tpu.memory_space<vmem>>) target_semaphore(%arg23 : memref<!tpu.dma_semaphore, #tpu.memory_space<semaphore_mem>>)
    %add3A_693 = arith.constant 1 : i32
    %add3A_694 = arith.addi %min3A_31, %add3A_693 : i32
    %dma_start3A_695 = arith.constant 4 : i32
    %dma_start3A_696 = arith.constant 168 : i32
    %dma_start3A_697 = arith.constant 0 : i32
    %dma_start3A_698 = tpu.memref_slice %arg10[%dma_start3A_696, %dma_start3A_697] : memref<280x128xf32, #tpu.memory_space<vmem>> -> memref<7x128xf32, #tpu.memory_space<vmem>>
    %dma_start3A_699 = arith.constant 0 : i32
    %dma_start3A_700 = arith.constant 0 : i32
    %dma_start3A_701 = tpu.memref_slice %arg4[%add3A_694, %dma_start3A_695, %dma_start3A_699, %dma_start3A_700] : memref<7x20x7x128xf32, #tpu.memory_space<hbm>> -> memref<1x1x7x128xf32, #tpu.memory_space<hbm>>
    %dma_start3A_702 = tpu.memref_squeeze %dma_start3A_701 : memref<1x1x7x128xf32, #tpu.memory_space<hbm>> -> memref<7x128xf32, #tpu.memory_space<hbm>>
    %dma_start3A_703 = arith.constant 168 : i32
    %dma_start3A_704 = arith.constant 0 : i32
    %dma_start3A_705 = tpu.memref_slice %arg10[%dma_start3A_703, %dma_start3A_704] : memref<280x128xf32, #tpu.memory_space<vmem>> -> memref<7x128xf32, #tpu.memory_space<vmem>>
    %dma_start3A_706 = arith.constant 0 : i32
    %dma_start3A_707 = arith.constant 0 : i32
    %dma_start3A_708 = tpu.memref_slice %arg4[%add3A_694, %dma_start3A_695, %dma_start3A_706, %dma_start3A_707] : memref<7x20x7x128xf32, #tpu.memory_space<hbm>> -> memref<1x1x7x128xf32, #tpu.memory_space<hbm>>
    %dma_start3A_709 = tpu.memref_squeeze %dma_start3A_708 : memref<1x1x7x128xf32, #tpu.memory_space<hbm>> -> memref<7x128xf32, #tpu.memory_space<hbm>>
    tpu.enqueue_dma source(%dma_start3A_709 : memref<7x128xf32, #tpu.memory_space<hbm>>) target(%dma_start3A_705 : memref<7x128xf32, #tpu.memory_space<vmem>>) target_semaphore(%arg23 : memref<!tpu.dma_semaphore, #tpu.memory_space<semaphore_mem>>)
    %add3A_710 = arith.constant 1 : i32
    %add3A_711 = arith.addi %min3A_31, %add3A_710 : i32
    %dma_start3A_712 = arith.constant 5 : i32
    %dma_start3A_713 = arith.constant 175 : i32
    %dma_start3A_714 = arith.constant 0 : i32
    %dma_start3A_715 = tpu.memref_slice %arg10[%dma_start3A_713, %dma_start3A_714] : memref<280x128xf32, #tpu.memory_space<vmem>> -> memref<7x128xf32, #tpu.memory_space<vmem>>
    %dma_start3A_716 = arith.constant 0 : i32
    %dma_start3A_717 = arith.constant 0 : i32
    %dma_start3A_718 = tpu.memref_slice %arg4[%add3A_711, %dma_start3A_712, %dma_start3A_716, %dma_start3A_717] : memref<7x20x7x128xf32, #tpu.memory_space<hbm>> -> memref<1x1x7x128xf32, #tpu.memory_space<hbm>>
    %dma_start3A_719 = tpu.memref_squeeze %dma_start3A_718 : memref<1x1x7x128xf32, #tpu.memory_space<hbm>> -> memref<7x128xf32, #tpu.memory_space<hbm>>
    %dma_start3A_720 = arith.constant 175 : i32
    %dma_start3A_721 = arith.constant 0 : i32
    %dma_start3A_722 = tpu.memref_slice %arg10[%dma_start3A_720, %dma_start3A_721] : memref<280x128xf32, #tpu.memory_space<vmem>> -> memref<7x128xf32, #tpu.memory_space<vmem>>
    %dma_start3A_723 = arith.constant 0 : i32
    %dma_start3A_724 = arith.constant 0 : i32
    %dma_start3A_725 = tpu.memref_slice %arg4[%add3A_711, %dma_start3A_712, %dma_start3A_723, %dma_start3A_724] : memref<7x20x7x128xf32, #tpu.memory_space<hbm>> -> memref<1x1x7x128xf32, #tpu.memory_space<hbm>>
    %dma_start3A_726 = tpu.memref_squeeze %dma_start3A_725 : memref<1x1x7x128xf32, #tpu.memory_space<hbm>> -> memref<7x128xf32, #tpu.memory_space<hbm>>
    tpu.enqueue_dma source(%dma_start3A_726 : memref<7x128xf32, #tpu.memory_space<hbm>>) target(%dma_start3A_722 : memref<7x128xf32, #tpu.memory_space<vmem>>) target_semaphore(%arg23 : memref<!tpu.dma_semaphore, #tpu.memory_space<semaphore_mem>>)
    %add3A_727 = arith.constant 1 : i32
    %add3A_728 = arith.addi %min3A_31, %add3A_727 : i32
    %dma_start3A_729 = arith.constant 6 : i32
    %dma_start3A_730 = arith.constant 182 : i32
    %dma_start3A_731 = arith.constant 0 : i32
    %dma_start3A_732 = tpu.memref_slice %arg10[%dma_start3A_730, %dma_start3A_731] : memref<280x128xf32, #tpu.memory_space<vmem>> -> memref<7x128xf32, #tpu.memory_space<vmem>>
    %dma_start3A_733 = arith.constant 0 : i32
    %dma_start3A_734 = arith.constant 0 : i32
    %dma_start3A_735 = tpu.memref_slice %arg4[%add3A_728, %dma_start3A_729, %dma_start3A_733, %dma_start3A_734] : memref<7x20x7x128xf32, #tpu.memory_space<hbm>> -> memref<1x1x7x128xf32, #tpu.memory_space<hbm>>
    %dma_start3A_736 = tpu.memref_squeeze %dma_start3A_735 : memref<1x1x7x128xf32, #tpu.memory_space<hbm>> -> memref<7x128xf32, #tpu.memory_space<hbm>>
    %dma_start3A_737 = arith.constant 182 : i32
    %dma_start3A_738 = arith.constant 0 : i32
    %dma_start3A_739 = tpu.memref_slice %arg10[%dma_start3A_737, %dma_start3A_738] : memref<280x128xf32, #tpu.memory_space<vmem>> -> memref<7x128xf32, #tpu.memory_space<vmem>>
    %dma_start3A_740 = arith.constant 0 : i32
    %dma_start3A_741 = arith.constant 0 : i32
    %dma_start3A_742 = tpu.memref_slice %arg4[%add3A_728, %dma_start3A_729, %dma_start3A_740, %dma_start3A_741] : memref<7x20x7x128xf32, #tpu.memory_space<hbm>> -> memref<1x1x7x128xf32, #tpu.memory_space<hbm>>
    %dma_start3A_743 = tpu.memref_squeeze %dma_start3A_742 : memref<1x1x7x128xf32, #tpu.memory_space<hbm>> -> memref<7x128xf32, #tpu.memory_space<hbm>>
    tpu.enqueue_dma source(%dma_start3A_743 : memref<7x128xf32, #tpu.memory_space<hbm>>) target(%dma_start3A_739 : memref<7x128xf32, #tpu.memory_space<vmem>>) target_semaphore(%arg23 : memref<!tpu.dma_semaphore, #tpu.memory_space<semaphore_mem>>)
    %add3A_744 = arith.constant 1 : i32
    %add3A_745 = arith.addi %min3A_31, %add3A_744 : i32
    %dma_start3A_746 = arith.constant 7 : i32
    %dma_start3A_747 = arith.constant 189 : i32
    %dma_start3A_748 = arith.constant 0 : i32
    %dma_start3A_749 = tpu.memref_slice %arg10[%dma_start3A_747, %dma_start3A_748] : memref<280x128xf32, #tpu.memory_space<vmem>> -> memref<7x128xf32, #tpu.memory_space<vmem>>
    %dma_start3A_750 = arith.constant 0 : i32
    %dma_start3A_751 = arith.constant 0 : i32
    %dma_start3A_752 = tpu.memref_slice %arg4[%add3A_745, %dma_start3A_746, %dma_start3A_750, %dma_start3A_751] : memref<7x20x7x128xf32, #tpu.memory_space<hbm>> -> memref<1x1x7x128xf32, #tpu.memory_space<hbm>>
    %dma_start3A_753 = tpu.memref_squeeze %dma_start3A_752 : memref<1x1x7x128xf32, #tpu.memory_space<hbm>> -> memref<7x128xf32, #tpu.memory_space<hbm>>
    %dma_start3A_754 = arith.constant 189 : i32
    %dma_start3A_755 = arith.constant 0 : i32
    %dma_start3A_756 = tpu.memref_slice %arg10[%dma_start3A_754, %dma_start3A_755] : memref<280x128xf32, #tpu.memory_space<vmem>> -> memref<7x128xf32, #tpu.memory_space<vmem>>
    %dma_start3A_757 = arith.constant 0 : i32
    %dma_start3A_758 = arith.constant 0 : i32
    %dma_start3A_759 = tpu.memref_slice %arg4[%add3A_745, %dma_start3A_746, %dma_start3A_757, %dma_start3A_758] : memref<7x20x7x128xf32, #tpu.memory_space<hbm>> -> memref<1x1x7x128xf32, #tpu.memory_space<hbm>>
    %dma_start3A_760 = tpu.memref_squeeze %dma_start3A_759 : memref<1x1x7x128xf32, #tpu.memory_space<hbm>> -> memref<7x128xf32, #tpu.memory_space<hbm>>
    tpu.enqueue_dma source(%dma_start3A_760 : memref<7x128xf32, #tpu.memory_space<hbm>>) target(%dma_start3A_756 : memref<7x128xf32, #tpu.memory_space<vmem>>) target_semaphore(%arg23 : memref<!tpu.dma_semaphore, #tpu.memory_space<semaphore_mem>>)
    %add3A_761 = arith.constant 1 : i32
    %add3A_762 = arith.addi %min3A_31, %add3A_761 : i32
    %dma_start3A_763 = arith.constant 8 : i32
    %dma_start3A_764 = arith.constant 196 : i32
    %dma_start3A_765 = arith.constant 0 : i32
    %dma_start3A_766 = tpu.memref_slice %arg10[%dma_start3A_764, %dma_start3A_765] : memref<280x128xf32, #tpu.memory_space<vmem>> -> memref<7x128xf32, #tpu.memory_space<vmem>>
    %dma_start3A_767 = arith.constant 0 : i32
    %dma_start3A_768 = arith.constant 0 : i32
    %dma_start3A_769 = tpu.memref_slice %arg4[%add3A_762, %dma_start3A_763, %dma_start3A_767, %dma_start3A_768] : memref<7x20x7x128xf32, #tpu.memory_space<hbm>> -> memref<1x1x7x128xf32, #tpu.memory_space<hbm>>
    %dma_start3A_770 = tpu.memref_squeeze %dma_start3A_769 : memref<1x1x7x128xf32, #tpu.memory_space<hbm>> -> memref<7x128xf32, #tpu.memory_space<hbm>>
    %dma_start3A_771 = arith.constant 196 : i32
    %dma_start3A_772 = arith.constant 0 : i32
    %dma_start3A_773 = tpu.memref_slice %arg10[%dma_start3A_771, %dma_start3A_772] : memref<280x128xf32, #tpu.memory_space<vmem>> -> memref<7x128xf32, #tpu.memory_space<vmem>>
    %dma_start3A_774 = arith.constant 0 : i32
    %dma_start3A_775 = arith.constant 0 : i32
    %dma_start3A_776 = tpu.memref_slice %arg4[%add3A_762, %dma_start3A_763, %dma_start3A_774, %dma_start3A_775] : memref<7x20x7x128xf32, #tpu.memory_space<hbm>> -> memref<1x1x7x128xf32, #tpu.memory_space<hbm>>
    %dma_start3A_777 = tpu.memref_squeeze %dma_start3A_776 : memref<1x1x7x128xf32, #tpu.memory_space<hbm>> -> memref<7x128xf32, #tpu.memory_space<hbm>>
    tpu.enqueue_dma source(%dma_start3A_777 : memref<7x128xf32, #tpu.memory_space<hbm>>) target(%dma_start3A_773 : memref<7x128xf32, #tpu.memory_space<vmem>>) target_semaphore(%arg23 : memref<!tpu.dma_semaphore, #tpu.memory_space<semaphore_mem>>)
    %add3A_778 = arith.constant 1 : i32
    %add3A_779 = arith.addi %min3A_31, %add3A_778 : i32
    %dma_start3A_780 = arith.constant 9 : i32
    %dma_start3A_781 = arith.constant 203 : i32
    %dma_start3A_782 = arith.constant 0 : i32
    %dma_start3A_783 = tpu.memref_slice %arg10[%dma_start3A_781, %dma_start3A_782] : memref<280x128xf32, #tpu.memory_space<vmem>> -> memref<7x128xf32, #tpu.memory_space<vmem>>
    %dma_start3A_784 = arith.constant 0 : i32
    %dma_start3A_785 = arith.constant 0 : i32
    %dma_start3A_786 = tpu.memref_slice %arg4[%add3A_779, %dma_start3A_780, %dma_start3A_784, %dma_start3A_785] : memref<7x20x7x128xf32, #tpu.memory_space<hbm>> -> memref<1x1x7x128xf32, #tpu.memory_space<hbm>>
    %dma_start3A_787 = tpu.memref_squeeze %dma_start3A_786 : memref<1x1x7x128xf32, #tpu.memory_space<hbm>> -> memref<7x128xf32, #tpu.memory_space<hbm>>
    %dma_start3A_788 = arith.constant 203 : i32
    %dma_start3A_789 = arith.constant 0 : i32
    %dma_start3A_790 = tpu.memref_slice %arg10[%dma_start3A_788, %dma_start3A_789] : memref<280x128xf32, #tpu.memory_space<vmem>> -> memref<7x128xf32, #tpu.memory_space<vmem>>
    %dma_start3A_791 = arith.constant 0 : i32
    %dma_start3A_792 = arith.constant 0 : i32
    %dma_start3A_793 = tpu.memref_slice %arg4[%add3A_779, %dma_start3A_780, %dma_start3A_791, %dma_start3A_792] : memref<7x20x7x128xf32, #tpu.memory_space<hbm>> -> memref<1x1x7x128xf32, #tpu.memory_space<hbm>>
    %dma_start3A_794 = tpu.memref_squeeze %dma_start3A_793 : memref<1x1x7x128xf32, #tpu.memory_space<hbm>> -> memref<7x128xf32, #tpu.memory_space<hbm>>
    tpu.enqueue_dma source(%dma_start3A_794 : memref<7x128xf32, #tpu.memory_space<hbm>>) target(%dma_start3A_790 : memref<7x128xf32, #tpu.memory_space<vmem>>) target_semaphore(%arg23 : memref<!tpu.dma_semaphore, #tpu.memory_space<semaphore_mem>>)
    %add3A_795 = arith.constant 1 : i32
    %add3A_796 = arith.addi %min3A_31, %add3A_795 : i32
    %dma_start3A_797 = arith.constant 10 : i32
    %dma_start3A_798 = arith.constant 210 : i32
    %dma_start3A_799 = arith.constant 0 : i32
    %dma_start3A_800 = tpu.memref_slice %arg10[%dma_start3A_798, %dma_start3A_799] : memref<280x128xf32, #tpu.memory_space<vmem>> -> memref<7x128xf32, #tpu.memory_space<vmem>>
    %dma_start3A_801 = arith.constant 0 : i32
    %dma_start3A_802 = arith.constant 0 : i32
    %dma_start3A_803 = tpu.memref_slice %arg4[%add3A_796, %dma_start3A_797, %dma_start3A_801, %dma_start3A_802] : memref<7x20x7x128xf32, #tpu.memory_space<hbm>> -> memref<1x1x7x128xf32, #tpu.memory_space<hbm>>
    %dma_start3A_804 = tpu.memref_squeeze %dma_start3A_803 : memref<1x1x7x128xf32, #tpu.memory_space<hbm>> -> memref<7x128xf32, #tpu.memory_space<hbm>>
    %dma_start3A_805 = arith.constant 210 : i32
    %dma_start3A_806 = arith.constant 0 : i32
    %dma_start3A_807 = tpu.memref_slice %arg10[%dma_start3A_805, %dma_start3A_806] : memref<280x128xf32, #tpu.memory_space<vmem>> -> memref<7x128xf32, #tpu.memory_space<vmem>>
    %dma_start3A_808 = arith.constant 0 : i32
    %dma_start3A_809 = arith.constant 0 : i32
    %dma_start3A_810 = tpu.memref_slice %arg4[%add3A_796, %dma_start3A_797, %dma_start3A_808, %dma_start3A_809] : memref<7x20x7x128xf32, #tpu.memory_space<hbm>> -> memref<1x1x7x128xf32, #tpu.memory_space<hbm>>
    %dma_start3A_811 = tpu.memref_squeeze %dma_start3A_810 : memref<1x1x7x128xf32, #tpu.memory_space<hbm>> -> memref<7x128xf32, #tpu.memory_space<hbm>>
    tpu.enqueue_dma source(%dma_start3A_811 : memref<7x128xf32, #tpu.memory_space<hbm>>) target(%dma_start3A_807 : memref<7x128xf32, #tpu.memory_space<vmem>>) target_semaphore(%arg23 : memref<!tpu.dma_semaphore, #tpu.memory_space<semaphore_mem>>)
    %add3A_812 = arith.constant 1 : i32
    %add3A_813 = arith.addi %min3A_31, %add3A_812 : i32
    %dma_start3A_814 = arith.constant 11 : i32
    %dma_start3A_815 = arith.constant 217 : i32
    %dma_start3A_816 = arith.constant 0 : i32
    %dma_start3A_817 = tpu.memref_slice %arg10[%dma_start3A_815, %dma_start3A_816] : memref<280x128xf32, #tpu.memory_space<vmem>> -> memref<7x128xf32, #tpu.memory_space<vmem>>
    %dma_start3A_818 = arith.constant 0 : i32
    %dma_start3A_819 = arith.constant 0 : i32
    %dma_start3A_820 = tpu.memref_slice %arg4[%add3A_813, %dma_start3A_814, %dma_start3A_818, %dma_start3A_819] : memref<7x20x7x128xf32, #tpu.memory_space<hbm>> -> memref<1x1x7x128xf32, #tpu.memory_space<hbm>>
    %dma_start3A_821 = tpu.memref_squeeze %dma_start3A_820 : memref<1x1x7x128xf32, #tpu.memory_space<hbm>> -> memref<7x128xf32, #tpu.memory_space<hbm>>
    %dma_start3A_822 = arith.constant 217 : i32
    %dma_start3A_823 = arith.constant 0 : i32
    %dma_start3A_824 = tpu.memref_slice %arg10[%dma_start3A_822, %dma_start3A_823] : memref<280x128xf32, #tpu.memory_space<vmem>> -> memref<7x128xf32, #tpu.memory_space<vmem>>
    %dma_start3A_825 = arith.constant 0 : i32
    %dma_start3A_826 = arith.constant 0 : i32
    %dma_start3A_827 = tpu.memref_slice %arg4[%add3A_813, %dma_start3A_814, %dma_start3A_825, %dma_start3A_826] : memref<7x20x7x128xf32, #tpu.memory_space<hbm>> -> memref<1x1x7x128xf32, #tpu.memory_space<hbm>>
    %dma_start3A_828 = tpu.memref_squeeze %dma_start3A_827 : memref<1x1x7x128xf32, #tpu.memory_space<hbm>> -> memref<7x128xf32, #tpu.memory_space<hbm>>
    tpu.enqueue_dma source(%dma_start3A_828 : memref<7x128xf32, #tpu.memory_space<hbm>>) target(%dma_start3A_824 : memref<7x128xf32, #tpu.memory_space<vmem>>) target_semaphore(%arg23 : memref<!tpu.dma_semaphore, #tpu.memory_space<semaphore_mem>>)
    %add3A_829 = arith.constant 1 : i32
    %add3A_830 = arith.addi %min3A_31, %add3A_829 : i32
    %dma_start3A_831 = arith.constant 12 : i32
    %dma_start3A_832 = arith.constant 224 : i32
    %dma_start3A_833 = arith.constant 0 : i32
    %dma_start3A_834 = tpu.memref_slice %arg10[%dma_start3A_832, %dma_start3A_833] : memref<280x128xf32, #tpu.memory_space<vmem>> -> memref<7x128xf32, #tpu.memory_space<vmem>>
    %dma_start3A_835 = arith.constant 0 : i32
    %dma_start3A_836 = arith.constant 0 : i32
    %dma_start3A_837 = tpu.memref_slice %arg4[%add3A_830, %dma_start3A_831, %dma_start3A_835, %dma_start3A_836] : memref<7x20x7x128xf32, #tpu.memory_space<hbm>> -> memref<1x1x7x128xf32, #tpu.memory_space<hbm>>
    %dma_start3A_838 = tpu.memref_squeeze %dma_start3A_837 : memref<1x1x7x128xf32, #tpu.memory_space<hbm>> -> memref<7x128xf32, #tpu.memory_space<hbm>>
    %dma_start3A_839 = arith.constant 224 : i32
    %dma_start3A_840 = arith.constant 0 : i32
    %dma_start3A_841 = tpu.memref_slice %arg10[%dma_start3A_839, %dma_start3A_840] : memref<280x128xf32, #tpu.memory_space<vmem>> -> memref<7x128xf32, #tpu.memory_space<vmem>>
    %dma_start3A_842 = arith.constant 0 : i32
    %dma_start3A_843 = arith.constant 0 : i32
    %dma_start3A_844 = tpu.memref_slice %arg4[%add3A_830, %dma_start3A_831, %dma_start3A_842, %dma_start3A_843] : memref<7x20x7x128xf32, #tpu.memory_space<hbm>> -> memref<1x1x7x128xf32, #tpu.memory_space<hbm>>
    %dma_start3A_845 = tpu.memref_squeeze %dma_start3A_844 : memref<1x1x7x128xf32, #tpu.memory_space<hbm>> -> memref<7x128xf32, #tpu.memory_space<hbm>>
    tpu.enqueue_dma source(%dma_start3A_845 : memref<7x128xf32, #tpu.memory_space<hbm>>) target(%dma_start3A_841 : memref<7x128xf32, #tpu.memory_space<vmem>>) target_semaphore(%arg23 : memref<!tpu.dma_semaphore, #tpu.memory_space<semaphore_mem>>)
    %add3A_846 = arith.constant 1 : i32
    %add3A_847 = arith.addi %min3A_31, %add3A_846 : i32
    %dma_start3A_848 = arith.constant 13 : i32
    %dma_start3A_849 = arith.constant 231 : i32
    %dma_start3A_850 = arith.constant 0 : i32
    %dma_start3A_851 = tpu.memref_slice %arg10[%dma_start3A_849, %dma_start3A_850] : memref<280x128xf32, #tpu.memory_space<vmem>> -> memref<7x128xf32, #tpu.memory_space<vmem>>
    %dma_start3A_852 = arith.constant 0 : i32
    %dma_start3A_853 = arith.constant 0 : i32
    %dma_start3A_854 = tpu.memref_slice %arg4[%add3A_847, %dma_start3A_848, %dma_start3A_852, %dma_start3A_853] : memref<7x20x7x128xf32, #tpu.memory_space<hbm>> -> memref<1x1x7x128xf32, #tpu.memory_space<hbm>>
    %dma_start3A_855 = tpu.memref_squeeze %dma_start3A_854 : memref<1x1x7x128xf32, #tpu.memory_space<hbm>> -> memref<7x128xf32, #tpu.memory_space<hbm>>
    %dma_start3A_856 = arith.constant 231 : i32
    %dma_start3A_857 = arith.constant 0 : i32
    %dma_start3A_858 = tpu.memref_slice %arg10[%dma_start3A_856, %dma_start3A_857] : memref<280x128xf32, #tpu.memory_space<vmem>> -> memref<7x128xf32, #tpu.memory_space<vmem>>
    %dma_start3A_859 = arith.constant 0 : i32
    %dma_start3A_860 = arith.constant 0 : i32
    %dma_start3A_861 = tpu.memref_slice %arg4[%add3A_847, %dma_start3A_848, %dma_start3A_859, %dma_start3A_860] : memref<7x20x7x128xf32, #tpu.memory_space<hbm>> -> memref<1x1x7x128xf32, #tpu.memory_space<hbm>>
    %dma_start3A_862 = tpu.memref_squeeze %dma_start3A_861 : memref<1x1x7x128xf32, #tpu.memory_space<hbm>> -> memref<7x128xf32, #tpu.memory_space<hbm>>
    tpu.enqueue_dma source(%dma_start3A_862 : memref<7x128xf32, #tpu.memory_space<hbm>>) target(%dma_start3A_858 : memref<7x128xf32, #tpu.memory_space<vmem>>) target_semaphore(%arg23 : memref<!tpu.dma_semaphore, #tpu.memory_space<semaphore_mem>>)
    %add3A_863 = arith.constant 1 : i32
    %add3A_864 = arith.addi %min3A_31, %add3A_863 : i32
    %dma_start3A_865 = arith.constant 14 : i32
    %dma_start3A_866 = arith.constant 238 : i32
    %dma_start3A_867 = arith.constant 0 : i32
    %dma_start3A_868 = tpu.memref_slice %arg10[%dma_start3A_866, %dma_start3A_867] : memref<280x128xf32, #tpu.memory_space<vmem>> -> memref<7x128xf32, #tpu.memory_space<vmem>>
    %dma_start3A_869 = arith.constant 0 : i32
    %dma_start3A_870 = arith.constant 0 : i32
    %dma_start3A_871 = tpu.memref_slice %arg4[%add3A_864, %dma_start3A_865, %dma_start3A_869, %dma_start3A_870] : memref<7x20x7x128xf32, #tpu.memory_space<hbm>> -> memref<1x1x7x128xf32, #tpu.memory_space<hbm>>
    %dma_start3A_872 = tpu.memref_squeeze %dma_start3A_871 : memref<1x1x7x128xf32, #tpu.memory_space<hbm>> -> memref<7x128xf32, #tpu.memory_space<hbm>>
    %dma_start3A_873 = arith.constant 238 : i32
    %dma_start3A_874 = arith.constant 0 : i32
    %dma_start3A_875 = tpu.memref_slice %arg10[%dma_start3A_873, %dma_start3A_874] : memref<280x128xf32, #tpu.memory_space<vmem>> -> memref<7x128xf32, #tpu.memory_space<vmem>>
    %dma_start3A_876 = arith.constant 0 : i32
    %dma_start3A_877 = arith.constant 0 : i32
    %dma_start3A_878 = tpu.memref_slice %arg4[%add3A_864, %dma_start3A_865, %dma_start3A_876, %dma_start3A_877] : memref<7x20x7x128xf32, #tpu.memory_space<hbm>> -> memref<1x1x7x128xf32, #tpu.memory_space<hbm>>
    %dma_start3A_879 = tpu.memref_squeeze %dma_start3A_878 : memref<1x1x7x128xf32, #tpu.memory_space<hbm>> -> memref<7x128xf32, #tpu.memory_space<hbm>>
    tpu.enqueue_dma source(%dma_start3A_879 : memref<7x128xf32, #tpu.memory_space<hbm>>) target(%dma_start3A_875 : memref<7x128xf32, #tpu.memory_space<vmem>>) target_semaphore(%arg23 : memref<!tpu.dma_semaphore, #tpu.memory_space<semaphore_mem>>)
    %add3A_880 = arith.constant 1 : i32
    %add3A_881 = arith.addi %min3A_31, %add3A_880 : i32
    %dma_start3A_882 = arith.constant 15 : i32
    %dma_start3A_883 = arith.constant 245 : i32
    %dma_start3A_884 = arith.constant 0 : i32
    %dma_start3A_885 = tpu.memref_slice %arg10[%dma_start3A_883, %dma_start3A_884] : memref<280x128xf32, #tpu.memory_space<vmem>> -> memref<7x128xf32, #tpu.memory_space<vmem>>
    %dma_start3A_886 = arith.constant 0 : i32
    %dma_start3A_887 = arith.constant 0 : i32
    %dma_start3A_888 = tpu.memref_slice %arg4[%add3A_881, %dma_start3A_882, %dma_start3A_886, %dma_start3A_887] : memref<7x20x7x128xf32, #tpu.memory_space<hbm>> -> memref<1x1x7x128xf32, #tpu.memory_space<hbm>>
    %dma_start3A_889 = tpu.memref_squeeze %dma_start3A_888 : memref<1x1x7x128xf32, #tpu.memory_space<hbm>> -> memref<7x128xf32, #tpu.memory_space<hbm>>
    %dma_start3A_890 = arith.constant 245 : i32
    %dma_start3A_891 = arith.constant 0 : i32
    %dma_start3A_892 = tpu.memref_slice %arg10[%dma_start3A_890, %dma_start3A_891] : memref<280x128xf32, #tpu.memory_space<vmem>> -> memref<7x128xf32, #tpu.memory_space<vmem>>
    %dma_start3A_893 = arith.constant 0 : i32
    %dma_start3A_894 = arith.constant 0 : i32
    %dma_start3A_895 = tpu.memref_slice %arg4[%add3A_881, %dma_start3A_882, %dma_start3A_893, %dma_start3A_894] : memref<7x20x7x128xf32, #tpu.memory_space<hbm>> -> memref<1x1x7x128xf32, #tpu.memory_space<hbm>>
    %dma_start3A_896 = tpu.memref_squeeze %dma_start3A_895 : memref<1x1x7x128xf32, #tpu.memory_space<hbm>> -> memref<7x128xf32, #tpu.memory_space<hbm>>
    tpu.enqueue_dma source(%dma_start3A_896 : memref<7x128xf32, #tpu.memory_space<hbm>>) target(%dma_start3A_892 : memref<7x128xf32, #tpu.memory_space<vmem>>) target_semaphore(%arg23 : memref<!tpu.dma_semaphore, #tpu.memory_space<semaphore_mem>>)
    %add3A_897 = arith.constant 1 : i32
    %add3A_898 = arith.addi %min3A_31, %add3A_897 : i32
    %dma_start3A_899 = arith.constant 16 : i32
    %dma_start3A_900 = arith.constant 252 : i32
    %dma_start3A_901 = arith.constant 0 : i32
    %dma_start3A_902 = tpu.memref_slice %arg10[%dma_start3A_900, %dma_start3A_901] : memref<280x128xf32, #tpu.memory_space<vmem>> -> memref<7x128xf32, #tpu.memory_space<vmem>>
    %dma_start3A_903 = arith.constant 0 : i32
    %dma_start3A_904 = arith.constant 0 : i32
    %dma_start3A_905 = tpu.memref_slice %arg4[%add3A_898, %dma_start3A_899, %dma_start3A_903, %dma_start3A_904] : memref<7x20x7x128xf32, #tpu.memory_space<hbm>> -> memref<1x1x7x128xf32, #tpu.memory_space<hbm>>
    %dma_start3A_906 = tpu.memref_squeeze %dma_start3A_905 : memref<1x1x7x128xf32, #tpu.memory_space<hbm>> -> memref<7x128xf32, #tpu.memory_space<hbm>>
    %dma_start3A_907 = arith.constant 252 : i32
    %dma_start3A_908 = arith.constant 0 : i32
    %dma_start3A_909 = tpu.memref_slice %arg10[%dma_start3A_907, %dma_start3A_908] : memref<280x128xf32, #tpu.memory_space<vmem>> -> memref<7x128xf32, #tpu.memory_space<vmem>>
    %dma_start3A_910 = arith.constant 0 : i32
    %dma_start3A_911 = arith.constant 0 : i32
    %dma_start3A_912 = tpu.memref_slice %arg4[%add3A_898, %dma_start3A_899, %dma_start3A_910, %dma_start3A_911] : memref<7x20x7x128xf32, #tpu.memory_space<hbm>> -> memref<1x1x7x128xf32, #tpu.memory_space<hbm>>
    %dma_start3A_913 = tpu.memref_squeeze %dma_start3A_912 : memref<1x1x7x128xf32, #tpu.memory_space<hbm>> -> memref<7x128xf32, #tpu.memory_space<hbm>>
    tpu.enqueue_dma source(%dma_start3A_913 : memref<7x128xf32, #tpu.memory_space<hbm>>) target(%dma_start3A_909 : memref<7x128xf32, #tpu.memory_space<vmem>>) target_semaphore(%arg23 : memref<!tpu.dma_semaphore, #tpu.memory_space<semaphore_mem>>)
    %add3A_914 = arith.constant 1 : i32
    %add3A_915 = arith.addi %min3A_31, %add3A_914 : i32
    %dma_start3A_916 = arith.constant 17 : i32
    %dma_start3A_917 = arith.constant 259 : i32
    %dma_start3A_918 = arith.constant 0 : i32
    %dma_start3A_919 = tpu.memref_slice %arg10[%dma_start3A_917, %dma_start3A_918] : memref<280x128xf32, #tpu.memory_space<vmem>> -> memref<7x128xf32, #tpu.memory_space<vmem>>
    %dma_start3A_920 = arith.constant 0 : i32
    %dma_start3A_921 = arith.constant 0 : i32
    %dma_start3A_922 = tpu.memref_slice %arg4[%add3A_915, %dma_start3A_916, %dma_start3A_920, %dma_start3A_921] : memref<7x20x7x128xf32, #tpu.memory_space<hbm>> -> memref<1x1x7x128xf32, #tpu.memory_space<hbm>>
    %dma_start3A_923 = tpu.memref_squeeze %dma_start3A_922 : memref<1x1x7x128xf32, #tpu.memory_space<hbm>> -> memref<7x128xf32, #tpu.memory_space<hbm>>
    %dma_start3A_924 = arith.constant 259 : i32
    %dma_start3A_925 = arith.constant 0 : i32
    %dma_start3A_926 = tpu.memref_slice %arg10[%dma_start3A_924, %dma_start3A_925] : memref<280x128xf32, #tpu.memory_space<vmem>> -> memref<7x128xf32, #tpu.memory_space<vmem>>
    %dma_start3A_927 = arith.constant 0 : i32
    %dma_start3A_928 = arith.constant 0 : i32
    %dma_start3A_929 = tpu.memref_slice %arg4[%add3A_915, %dma_start3A_916, %dma_start3A_927, %dma_start3A_928] : memref<7x20x7x128xf32, #tpu.memory_space<hbm>> -> memref<1x1x7x128xf32, #tpu.memory_space<hbm>>
    %dma_start3A_930 = tpu.memref_squeeze %dma_start3A_929 : memref<1x1x7x128xf32, #tpu.memory_space<hbm>> -> memref<7x128xf32, #tpu.memory_space<hbm>>
    tpu.enqueue_dma source(%dma_start3A_930 : memref<7x128xf32, #tpu.memory_space<hbm>>) target(%dma_start3A_926 : memref<7x128xf32, #tpu.memory_space<vmem>>) target_semaphore(%arg23 : memref<!tpu.dma_semaphore, #tpu.memory_space<semaphore_mem>>)
    %add3A_931 = arith.constant 1 : i32
    %add3A_932 = arith.addi %min3A_31, %add3A_931 : i32
    %dma_start3A_933 = arith.constant 18 : i32
    %dma_start3A_934 = arith.constant 266 : i32
    %dma_start3A_935 = arith.constant 0 : i32
    %dma_start3A_936 = tpu.memref_slice %arg10[%dma_start3A_934, %dma_start3A_935] : memref<280x128xf32, #tpu.memory_space<vmem>> -> memref<7x128xf32, #tpu.memory_space<vmem>>
    %dma_start3A_937 = arith.constant 0 : i32
    %dma_start3A_938 = arith.constant 0 : i32
    %dma_start3A_939 = tpu.memref_slice %arg4[%add3A_932, %dma_start3A_933, %dma_start3A_937, %dma_start3A_938] : memref<7x20x7x128xf32, #tpu.memory_space<hbm>> -> memref<1x1x7x128xf32, #tpu.memory_space<hbm>>
    %dma_start3A_940 = tpu.memref_squeeze %dma_start3A_939 : memref<1x1x7x128xf32, #tpu.memory_space<hbm>> -> memref<7x128xf32, #tpu.memory_space<hbm>>
    %dma_start3A_941 = arith.constant 266 : i32
    %dma_start3A_942 = arith.constant 0 : i32
    %dma_start3A_943 = tpu.memref_slice %arg10[%dma_start3A_941, %dma_start3A_942] : memref<280x128xf32, #tpu.memory_space<vmem>> -> memref<7x128xf32, #tpu.memory_space<vmem>>
    %dma_start3A_944 = arith.constant 0 : i32
    %dma_start3A_945 = arith.constant 0 : i32
    %dma_start3A_946 = tpu.memref_slice %arg4[%add3A_932, %dma_start3A_933, %dma_start3A_944, %dma_start3A_945] : memref<7x20x7x128xf32, #tpu.memory_space<hbm>> -> memref<1x1x7x128xf32, #tpu.memory_space<hbm>>
    %dma_start3A_947 = tpu.memref_squeeze %dma_start3A_946 : memref<1x1x7x128xf32, #tpu.memory_space<hbm>> -> memref<7x128xf32, #tpu.memory_space<hbm>>
    tpu.enqueue_dma source(%dma_start3A_947 : memref<7x128xf32, #tpu.memory_space<hbm>>) target(%dma_start3A_943 : memref<7x128xf32, #tpu.memory_space<vmem>>) target_semaphore(%arg23 : memref<!tpu.dma_semaphore, #tpu.memory_space<semaphore_mem>>)
    %add3A_948 = arith.constant 1 : i32
    %add3A_949 = arith.addi %min3A_31, %add3A_948 : i32
    %dma_start3A_950 = arith.constant 19 : i32
    %dma_start3A_951 = arith.constant 273 : i32
    %dma_start3A_952 = arith.constant 0 : i32
    %dma_start3A_953 = tpu.memref_slice %arg10[%dma_start3A_951, %dma_start3A_952] : memref<280x128xf32, #tpu.memory_space<vmem>> -> memref<7x128xf32, #tpu.memory_space<vmem>>
    %dma_start3A_954 = arith.constant 0 : i32
    %dma_start3A_955 = arith.constant 0 : i32
    %dma_start3A_956 = tpu.memref_slice %arg4[%add3A_949, %dma_start3A_950, %dma_start3A_954, %dma_start3A_955] : memref<7x20x7x128xf32, #tpu.memory_space<hbm>> -> memref<1x1x7x128xf32, #tpu.memory_space<hbm>>
    %dma_start3A_957 = tpu.memref_squeeze %dma_start3A_956 : memref<1x1x7x128xf32, #tpu.memory_space<hbm>> -> memref<7x128xf32, #tpu.memory_space<hbm>>
    %dma_start3A_958 = arith.constant 273 : i32
    %dma_start3A_959 = arith.constant 0 : i32
    %dma_start3A_960 = tpu.memref_slice %arg10[%dma_start3A_958, %dma_start3A_959] : memref<280x128xf32, #tpu.memory_space<vmem>> -> memref<7x128xf32, #tpu.memory_space<vmem>>
    %dma_start3A_961 = arith.constant 0 : i32
    %dma_start3A_962 = arith.constant 0 : i32
    %dma_start3A_963 = tpu.memref_slice %arg4[%add3A_949, %dma_start3A_950, %dma_start3A_961, %dma_start3A_962] : memref<7x20x7x128xf32, #tpu.memory_space<hbm>> -> memref<1x1x7x128xf32, #tpu.memory_space<hbm>>
    %dma_start3A_964 = tpu.memref_squeeze %dma_start3A_963 : memref<1x1x7x128xf32, #tpu.memory_space<hbm>> -> memref<7x128xf32, #tpu.memory_space<hbm>>
    tpu.enqueue_dma source(%dma_start3A_964 : memref<7x128xf32, #tpu.memory_space<hbm>>) target(%dma_start3A_960 : memref<7x128xf32, #tpu.memory_space<vmem>>) target_semaphore(%arg23 : memref<!tpu.dma_semaphore, #tpu.memory_space<semaphore_mem>>)
    %iota3A = tpu.iota {dimensions = array<i32: 0>} : vector<16xi32>
    %broadcast_in_dim3A = arith.constant 0.000000e+00 : f32
    %broadcast_in_dim3A_965 = vector.broadcast %broadcast_in_dim3A : f32 to vector<16xf32>
    %broadcast_in_dim3A_966 = arith.constant 0 : i32
    %broadcast_in_dim3A_967 = vector.broadcast %broadcast_in_dim3A_966 : i32 to vector<16xi32>
    %broadcast_in_dim3A_968 = arith.constant 1.000000e+00 : f32
    %broadcast_in_dim3A_969 = vector.broadcast %broadcast_in_dim3A_968 : f32 to vector<16xf32>
    %swap3A = arith.constant 0 : index
    %swap3A_970 = tpu.vector_load %arg13[%swap3A] {strides = array<i32>} : memref<448xf32, #tpu.memory_space<vmem>>, vector<16xf32>,
    tpu.vector_store %arg13[%swap3A], %broadcast_in_dim3A_965 {strides = array<i32>} : memref<448xf32, #tpu.memory_space<vmem>>, vector<16xf32>,
    %swap3A_971 = arith.constant 0 : index
    %swap3A_972 = tpu.vector_load %arg14[%swap3A_971] {strides = array<i32>} : memref<448xf32, #tpu.memory_space<vmem>>, vector<16xf32>,
    tpu.vector_store %arg14[%swap3A_971], %broadcast_in_dim3A_965 {strides = array<i32>} : memref<448xf32, #tpu.memory_space<vmem>>, vector<16xf32>,
    %swap3A_973 = arith.constant 0 : index
    %swap3A_974 = tpu.vector_load %arg15[%swap3A_973] {strides = array<i32>} : memref<448xf32, #tpu.memory_space<vmem>>, vector<16xf32>,
    tpu.vector_store %arg15[%swap3A_973], %broadcast_in_dim3A_965 {strides = array<i32>} : memref<448xf32, #tpu.memory_space<vmem>>, vector<16xf32>,
    %swap3A_975 = arith.constant 0 : index
    %swap3A_976 = tpu.vector_load %arg16[%swap3A_975] {strides = array<i32>} : memref<448xf32, #tpu.memory_space<vmem>>, vector<16xf32>,
    tpu.vector_store %arg16[%swap3A_975], %broadcast_in_dim3A_965 {strides = array<i32>} : memref<448xf32, #tpu.memory_space<vmem>>, vector<16xf32>,
    %swap3A_977 = arith.constant 0 : index
    %swap3A_978 = tpu.vector_load %arg17[%swap3A_977] {strides = array<i32>} : memref<448xf32, #tpu.memory_space<vmem>>, vector<16xf32>,
    tpu.vector_store %arg17[%swap3A_977], %broadcast_in_dim3A_965 {strides = array<i32>} : memref<448xf32, #tpu.memory_space<vmem>>, vector<16xf32>,
    %swap3A_979 = arith.constant 0 : index
    %swap3A_980 = tpu.vector_load %arg18[%swap3A_979] {strides = array<i32>} : memref<448xi32, #tpu.memory_space<vmem>>, vector<16xi32>,
    tpu.vector_store %arg18[%swap3A_979], %broadcast_in_dim3A_967 {strides = array<i32>} : memref<448xi32, #tpu.memory_space<vmem>>, vector<16xi32>,
    %swap3A_981 = arith.constant 16 : index
    %swap3A_982 = tpu.vector_load %arg13[%swap3A_981] {strides = array<i32>} : memref<448xf32, #tpu.memory_space<vmem>>, vector<16xf32>,
    tpu.vector_store %arg13[%swap3A_981], %broadcast_in_dim3A_965 {strides = array<i32>} : memref<448xf32, #tpu.memory_space<vmem>>, vector<16xf32>,
    %swap3A_983 = arith.constant 16 : index
    %swap3A_984 = tpu.vector_load %arg14[%swap3A_983] {strides = array<i32>} : memref<448xf32, #tpu.memory_space<vmem>>, vector<16xf32>,
    tpu.vector_store %arg14[%swap3A_983], %broadcast_in_dim3A_965 {strides = array<i32>} : memref<448xf32, #tpu.memory_space<vmem>>, vector<16xf32>,
    %swap3A_985 = arith.constant 16 : index
    %swap3A_986 = tpu.vector_load %arg15[%swap3A_985] {strides = array<i32>} : memref<448xf32, #tpu.memory_space<vmem>>, vector<16xf32>,
    tpu.vector_store %arg15[%swap3A_985], %broadcast_in_dim3A_965 {strides = array<i32>} : memref<448xf32, #tpu.memory_space<vmem>>, vector<16xf32>,
    %swap3A_987 = arith.constant 16 : index
    %swap3A_988 = tpu.vector_load %arg16[%swap3A_987] {strides = array<i32>} : memref<448xf32, #tpu.memory_space<vmem>>, vector<16xf32>,
    tpu.vector_store %arg16[%swap3A_987], %broadcast_in_dim3A_965 {strides = array<i32>} : memref<448xf32, #tpu.memory_space<vmem>>, vector<16xf32>,
    %swap3A_989 = arith.constant 16 : index
    %swap3A_990 = tpu.vector_load %arg17[%swap3A_989] {strides = array<i32>} : memref<448xf32, #tpu.memory_space<vmem>>, vector<16xf32>,
    tpu.vector_store %arg17[%swap3A_989], %broadcast_in_dim3A_965 {strides = array<i32>} : memref<448xf32, #tpu.memory_space<vmem>>, vector<16xf32>,
    %swap3A_991 = arith.constant 16 : index
    %swap3A_992 = tpu.vector_load %arg18[%swap3A_991] {strides = array<i32>} : memref<448xi32, #tpu.memory_space<vmem>>, vector<16xi32>,
    tpu.vector_store %arg18[%swap3A_991], %broadcast_in_dim3A_967 {strides = array<i32>} : memref<448xi32, #tpu.memory_space<vmem>>, vector<16xi32>,
    %swap3A_993 = arith.constant 32 : index
    %swap3A_994 = tpu.vector_load %arg13[%swap3A_993] {strides = array<i32>} : memref<448xf32, #tpu.memory_space<vmem>>, vector<16xf32>,
    tpu.vector_store %arg13[%swap3A_993], %broadcast_in_dim3A_965 {strides = array<i32>} : memref<448xf32, #tpu.memory_space<vmem>>, vector<16xf32>,
    %swap3A_995 = arith.constant 32 : index
    %swap3A_996 = tpu.vector_load %arg14[%swap3A_995] {strides = array<i32>} : memref<448xf32, #tpu.memory_space<vmem>>, vector<16xf32>,
    tpu.vector_store %arg14[%swap3A_995], %broadcast_in_dim3A_965 {strides = array<i32>} : memref<448xf32, #tpu.memory_space<vmem>>, vector<16xf32>,
    %swap3A_997 = arith.constant 32 : index
    %swap3A_998 = tpu.vector_load %arg15[%swap3A_997] {strides = array<i32>} : memref<448xf32, #tpu.memory_space<vmem>>, vector<16xf32>,
    tpu.vector_store %arg15[%swap3A_997], %broadcast_in_dim3A_965 {strides = array<i32>} : memref<448xf32, #tpu.memory_space<vmem>>, vector<16xf32>,
    %swap3A_999 = arith.constant 32 : index
    %swap3A_1000 = tpu.vector_load %arg16[%swap3A_999] {strides = array<i32>} : memref<448xf32, #tpu.memory_space<vmem>>, vector<16xf32>,
    tpu.vector_store %arg16[%swap3A_999], %broadcast_in_dim3A_965 {strides = array<i32>} : memref<448xf32, #tpu.memory_space<vmem>>, vector<16xf32>,
    %swap3A_1001 = arith.constant 32 : index
    %swap3A_1002 = tpu.vector_load %arg17[%swap3A_1001] {strides = array<i32>} : memref<448xf32, #tpu.memory_space<vmem>>, vector<16xf32>,
    tpu.vector_store %arg17[%swap3A_1001], %broadcast_in_dim3A_965 {strides = array<i32>} : memref<448xf32, #tpu.memory_space<vmem>>, vector<16xf32>,
    %swap3A_1003 = arith.constant 32 : index
    %swap3A_1004 = tpu.vector_load %arg18[%swap3A_1003] {strides = array<i32>} : memref<448xi32, #tpu.memory_space<vmem>>, vector<16xi32>,
    tpu.vector_store %arg18[%swap3A_1003], %broadcast_in_dim3A_967 {strides = array<i32>} : memref<448xi32, #tpu.memory_space<vmem>>, vector<16xi32>,
    %swap3A_1005 = arith.constant 48 : index
    %swap3A_1006 = tpu.vector_load %arg13[%swap3A_1005] {strides = array<i32>} : memref<448xf32, #tpu.memory_space<vmem>>, vector<16xf32>,
    tpu.vector_store %arg13[%swap3A_1005], %broadcast_in_dim3A_965 {strides = array<i32>} : memref<448xf32, #tpu.memory_space<vmem>>, vector<16xf32>,
    %swap3A_1007 = arith.constant 48 : index
    %swap3A_1008 = tpu.vector_load %arg14[%swap3A_1007] {strides = array<i32>} : memref<448xf32, #tpu.memory_space<vmem>>, vector<16xf32>,
    tpu.vector_store %arg14[%swap3A_1007], %broadcast_in_dim3A_965 {strides = array<i32>} : memref<448xf32, #tpu.memory_space<vmem>>, vector<16xf32>,
    %swap3A_1009 = arith.constant 48 : index
    %swap3A_1010 = tpu.vector_load %arg15[%swap3A_1009] {strides = array<i32>} : memref<448xf32, #tpu.memory_space<vmem>>, vector<16xf32>,
    tpu.vector_store %arg15[%swap3A_1009], %broadcast_in_dim3A_965 {strides = array<i32>} : memref<448xf32, #tpu.memory_space<vmem>>, vector<16xf32>,
    %swap3A_1011 = arith.constant 48 : index
    %swap3A_1012 = tpu.vector_load %arg16[%swap3A_1011] {strides = array<i32>} : memref<448xf32, #tpu.memory_space<vmem>>, vector<16xf32>,
    tpu.vector_store %arg16[%swap3A_1011], %broadcast_in_dim3A_965 {strides = array<i32>} : memref<448xf32, #tpu.memory_space<vmem>>, vector<16xf32>,
    %swap3A_1013 = arith.constant 48 : index
    %swap3A_1014 = tpu.vector_load %arg17[%swap3A_1013] {strides = array<i32>} : memref<448xf32, #tpu.memory_space<vmem>>, vector<16xf32>,
    tpu.vector_store %arg17[%swap3A_1013], %broadcast_in_dim3A_965 {strides = array<i32>} : memref<448xf32, #tpu.memory_space<vmem>>, vector<16xf32>,
    %swap3A_1015 = arith.constant 48 : index
    %swap3A_1016 = tpu.vector_load %arg18[%swap3A_1015] {strides = array<i32>} : memref<448xi32, #tpu.memory_space<vmem>>, vector<16xi32>,
    tpu.vector_store %arg18[%swap3A_1015], %broadcast_in_dim3A_967 {strides = array<i32>} : memref<448xi32, #tpu.memory_space<vmem>>, vector<16xi32>,
    %swap3A_1017 = arith.constant 64 : index
    %swap3A_1018 = tpu.vector_load %arg13[%swap3A_1017] {strides = array<i32>} : memref<448xf32, #tpu.memory_space<vmem>>, vector<16xf32>,
    tpu.vector_store %arg13[%swap3A_1017], %broadcast_in_dim3A_965 {strides = array<i32>} : memref<448xf32, #tpu.memory_space<vmem>>, vector<16xf32>,
    %swap3A_1019 = arith.constant 64 : index
    %swap3A_1020 = tpu.vector_load %arg14[%swap3A_1019] {strides = array<i32>} : memref<448xf32, #tpu.memory_space<vmem>>, vector<16xf32>,
    tpu.vector_store %arg14[%swap3A_1019], %broadcast_in_dim3A_965 {strides = array<i32>} : memref<448xf32, #tpu.memory_space<vmem>>, vector<16xf32>,
    %swap3A_1021 = arith.constant 64 : index
    %swap3A_1022 = tpu.vector_load %arg15[%swap3A_1021] {strides = array<i32>} : memref<448xf32, #tpu.memory_space<vmem>>, vector<16xf32>,
    tpu.vector_store %arg15[%swap3A_1021], %broadcast_in_dim3A_965 {strides = array<i32>} : memref<448xf32, #tpu.memory_space<vmem>>, vector<16xf32>,
    %swap3A_1023 = arith.constant 64 : index
    %swap3A_1024 = tpu.vector_load %arg16[%swap3A_1023] {strides = array<i32>} : memref<448xf32, #tpu.memory_space<vmem>>, vector<16xf32>,
    tpu.vector_store %arg16[%swap3A_1023], %broadcast_in_dim3A_965 {strides = array<i32>} : memref<448xf32, #tpu.memory_space<vmem>>, vector<16xf32>,
    %swap3A_1025 = arith.constant 64 : index
    %swap3A_1026 = tpu.vector_load %arg17[%swap3A_1025] {strides = array<i32>} : memref<448xf32, #tpu.memory_space<vmem>>, vector<16xf32>,
    tpu.vector_store %arg17[%swap3A_1025], %broadcast_in_dim3A_965 {strides = array<i32>} : memref<448xf32, #tpu.memory_space<vmem>>, vector<16xf32>,
    %swap3A_1027 = arith.constant 64 : index
    %swap3A_1028 = tpu.vector_load %arg18[%swap3A_1027] {strides = array<i32>} : memref<448xi32, #tpu.memory_space<vmem>>, vector<16xi32>,
    tpu.vector_store %arg18[%swap3A_1027], %broadcast_in_dim3A_967 {strides = array<i32>} : memref<448xi32, #tpu.memory_space<vmem>>, vector<16xi32>,
    %swap3A_1029 = arith.constant 80 : index
    %swap3A_1030 = tpu.vector_load %arg13[%swap3A_1029] {strides = array<i32>} : memref<448xf32, #tpu.memory_space<vmem>>, vector<16xf32>,
    tpu.vector_store %arg13[%swap3A_1029], %broadcast_in_dim3A_965 {strides = array<i32>} : memref<448xf32, #tpu.memory_space<vmem>>, vector<16xf32>,
    %swap3A_1031 = arith.constant 80 : index
    %swap3A_1032 = tpu.vector_load %arg14[%swap3A_1031] {strides = array<i32>} : memref<448xf32, #tpu.memory_space<vmem>>, vector<16xf32>,
    tpu.vector_store %arg14[%swap3A_1031], %broadcast_in_dim3A_965 {strides = array<i32>} : memref<448xf32, #tpu.memory_space<vmem>>, vector<16xf32>,
    %swap3A_1033 = arith.constant 80 : index
    %swap3A_1034 = tpu.vector_load %arg15[%swap3A_1033] {strides = array<i32>} : memref<448xf32, #tpu.memory_space<vmem>>, vector<16xf32>,
    tpu.vector_store %arg15[%swap3A_1033], %broadcast_in_dim3A_965 {strides = array<i32>} : memref<448xf32, #tpu.memory_space<vmem>>, vector<16xf32>,
    %swap3A_1035 = arith.constant 80 : index
    %swap3A_1036 = tpu.vector_load %arg16[%swap3A_1035] {strides = array<i32>} : memref<448xf32, #tpu.memory_space<vmem>>, vector<16xf32>,
    tpu.vector_store %arg16[%swap3A_1035], %broadcast_in_dim3A_965 {strides = array<i32>} : memref<448xf32, #tpu.memory_space<vmem>>, vector<16xf32>,
    %swap3A_1037 = arith.constant 80 : index
    %swap3A_1038 = tpu.vector_load %arg17[%swap3A_1037] {strides = array<i32>} : memref<448xf32, #tpu.memory_space<vmem>>, vector<16xf32>,
    tpu.vector_store %arg17[%swap3A_1037], %broadcast_in_dim3A_965 {strides = array<i32>} : memref<448xf32, #tpu.memory_space<vmem>>, vector<16xf32>,
    %swap3A_1039 = arith.constant 80 : index
    %swap3A_1040 = tpu.vector_load %arg18[%swap3A_1039] {strides = array<i32>} : memref<448xi32, #tpu.memory_space<vmem>>, vector<16xi32>,
    tpu.vector_store %arg18[%swap3A_1039], %broadcast_in_dim3A_967 {strides = array<i32>} : memref<448xi32, #tpu.memory_space<vmem>>, vector<16xi32>,
    %swap3A_1041 = arith.constant 96 : index
    %swap3A_1042 = tpu.vector_load %arg13[%swap3A_1041] {strides = array<i32>} : memref<448xf32, #tpu.memory_space<vmem>>, vector<16xf32>,
    tpu.vector_store %arg13[%swap3A_1041], %broadcast_in_dim3A_965 {strides = array<i32>} : memref<448xf32, #tpu.memory_space<vmem>>, vector<16xf32>,
    %swap3A_1043 = arith.constant 96 : index
    %swap3A_1044 = tpu.vector_load %arg14[%swap3A_1043] {strides = array<i32>} : memref<448xf32, #tpu.memory_space<vmem>>, vector<16xf32>,
    tpu.vector_store %arg14[%swap3A_1043], %broadcast_in_dim3A_965 {strides = array<i32>} : memref<448xf32, #tpu.memory_space<vmem>>, vector<16xf32>,
    %swap3A_1045 = arith.constant 96 : index
    %swap3A_1046 = tpu.vector_load %arg15[%swap3A_1045] {strides = array<i32>} : memref<448xf32, #tpu.memory_space<vmem>>, vector<16xf32>,
    tpu.vector_store %arg15[%swap3A_1045], %broadcast_in_dim3A_965 {strides = array<i32>} : memref<448xf32, #tpu.memory_space<vmem>>, vector<16xf32>,
    %swap3A_1047 = arith.constant 96 : index
    %swap3A_1048 = tpu.vector_load %arg16[%swap3A_1047] {strides = array<i32>} : memref<448xf32, #tpu.memory_space<vmem>>, vector<16xf32>,
    tpu.vector_store %arg16[%swap3A_1047], %broadcast_in_dim3A_965 {strides = array<i32>} : memref<448xf32, #tpu.memory_space<vmem>>, vector<16xf32>,
    %swap3A_1049 = arith.constant 96 : index
    %swap3A_1050 = tpu.vector_load %arg17[%swap3A_1049] {strides = array<i32>} : memref<448xf32, #tpu.memory_space<vmem>>, vector<16xf32>,
    tpu.vector_store %arg17[%swap3A_1049], %broadcast_in_dim3A_965 {strides = array<i32>} : memref<448xf32, #tpu.memory_space<vmem>>, vector<16xf32>,
    %swap3A_1051 = arith.constant 96 : index
    %swap3A_1052 = tpu.vector_load %arg18[%swap3A_1051] {strides = array<i32>} : memref<448xi32, #tpu.memory_space<vmem>>, vector<16xi32>,
    tpu.vector_store %arg18[%swap3A_1051], %broadcast_in_dim3A_967 {strides = array<i32>} : memref<448xi32, #tpu.memory_space<vmem>>, vector<16xi32>,
    %swap3A_1053 = arith.constant 112 : index
    %swap3A_1054 = tpu.vector_load %arg13[%swap3A_1053] {strides = array<i32>} : memref<448xf32, #tpu.memory_space<vmem>>, vector<16xf32>,
    tpu.vector_store %arg13[%swap3A_1053], %broadcast_in_dim3A_965 {strides = array<i32>} : memref<448xf32, #tpu.memory_space<vmem>>, vector<16xf32>,
    %swap3A_1055 = arith.constant 112 : index
    %swap3A_1056 = tpu.vector_load %arg14[%swap3A_1055] {strides = array<i32>} : memref<448xf32, #tpu.memory_space<vmem>>, vector<16xf32>,
    tpu.vector_store %arg14[%swap3A_1055], %broadcast_in_dim3A_965 {strides = array<i32>} : memref<448xf32, #tpu.memory_space<vmem>>, vector<16xf32>,
    %swap3A_1057 = arith.constant 112 : index
    %swap3A_1058 = tpu.vector_load %arg15[%swap3A_1057] {strides = array<i32>} : memref<448xf32, #tpu.memory_space<vmem>>, vector<16xf32>,
    tpu.vector_store %arg15[%swap3A_1057], %broadcast_in_dim3A_965 {strides = array<i32>} : memref<448xf32, #tpu.memory_space<vmem>>, vector<16xf32>,
    %swap3A_1059 = arith.constant 112 : index
    %swap3A_1060 = tpu.vector_load %arg16[%swap3A_1059] {strides = array<i32>} : memref<448xf32, #tpu.memory_space<vmem>>, vector<16xf32>,
    tpu.vector_store %arg16[%swap3A_1059], %broadcast_in_dim3A_965 {strides = array<i32>} : memref<448xf32, #tpu.memory_space<vmem>>, vector<16xf32>,
    %swap3A_1061 = arith.constant 112 : index
    %swap3A_1062 = tpu.vector_load %arg17[%swap3A_1061] {strides = array<i32>} : memref<448xf32, #tpu.memory_space<vmem>>, vector<16xf32>,
    tpu.vector_store %arg17[%swap3A_1061], %broadcast_in_dim3A_965 {strides = array<i32>} : memref<448xf32, #tpu.memory_space<vmem>>, vector<16xf32>,
    %swap3A_1063 = arith.constant 112 : index
    %swap3A_1064 = tpu.vector_load %arg18[%swap3A_1063] {strides = array<i32>} : memref<448xi32, #tpu.memory_space<vmem>>, vector<16xi32>,
    tpu.vector_store %arg18[%swap3A_1063], %broadcast_in_dim3A_967 {strides = array<i32>} : memref<448xi32, #tpu.memory_space<vmem>>, vector<16xi32>,
    %swap3A_1065 = arith.constant 128 : index
    %swap3A_1066 = tpu.vector_load %arg13[%swap3A_1065] {strides = array<i32>} : memref<448xf32, #tpu.memory_space<vmem>>, vector<16xf32>,
    tpu.vector_store %arg13[%swap3A_1065], %broadcast_in_dim3A_965 {strides = array<i32>} : memref<448xf32, #tpu.memory_space<vmem>>, vector<16xf32>,
    %swap3A_1067 = arith.constant 128 : index
    %swap3A_1068 = tpu.vector_load %arg14[%swap3A_1067] {strides = array<i32>} : memref<448xf32, #tpu.memory_space<vmem>>, vector<16xf32>,
    tpu.vector_store %arg14[%swap3A_1067], %broadcast_in_dim3A_965 {strides = array<i32>} : memref<448xf32, #tpu.memory_space<vmem>>, vector<16xf32>,
    %swap3A_1069 = arith.constant 128 : index
    %swap3A_1070 = tpu.vector_load %arg15[%swap3A_1069] {strides = array<i32>} : memref<448xf32, #tpu.memory_space<vmem>>, vector<16xf32>,
    tpu.vector_store %arg15[%swap3A_1069], %broadcast_in_dim3A_965 {strides = array<i32>} : memref<448xf32, #tpu.memory_space<vmem>>, vector<16xf32>,
    %swap3A_1071 = arith.constant 128 : index
    %swap3A_1072 = tpu.vector_load %arg16[%swap3A_1071] {strides = array<i32>} : memref<448xf32, #tpu.memory_space<vmem>>, vector<16xf32>,
    tpu.vector_store %arg16[%swap3A_1071], %broadcast_in_dim3A_965 {strides = array<i32>} : memref<448xf32, #tpu.memory_space<vmem>>, vector<16xf32>,
    %swap3A_1073 = arith.constant 128 : index
    %swap3A_1074 = tpu.vector_load %arg17[%swap3A_1073] {strides = array<i32>} : memref<448xf32, #tpu.memory_space<vmem>>, vector<16xf32>,
    tpu.vector_store %arg17[%swap3A_1073], %broadcast_in_dim3A_965 {strides = array<i32>} : memref<448xf32, #tpu.memory_space<vmem>>, vector<16xf32>,
    %swap3A_1075 = arith.constant 128 : index
    %swap3A_1076 = tpu.vector_load %arg18[%swap3A_1075] {strides = array<i32>} : memref<448xi32, #tpu.memory_space<vmem>>, vector<16xi32>,
    tpu.vector_store %arg18[%swap3A_1075], %broadcast_in_dim3A_967 {strides = array<i32>} : memref<448xi32, #tpu.memory_space<vmem>>, vector<16xi32>,
    %swap3A_1077 = arith.constant 144 : index
    %swap3A_1078 = tpu.vector_load %arg13[%swap3A_1077] {strides = array<i32>} : memref<448xf32, #tpu.memory_space<vmem>>, vector<16xf32>,
    tpu.vector_store %arg13[%swap3A_1077], %broadcast_in_dim3A_965 {strides = array<i32>} : memref<448xf32, #tpu.memory_space<vmem>>, vector<16xf32>,
    %swap3A_1079 = arith.constant 144 : index
    %swap3A_1080 = tpu.vector_load %arg14[%swap3A_1079] {strides = array<i32>} : memref<448xf32, #tpu.memory_space<vmem>>, vector<16xf32>,
    tpu.vector_store %arg14[%swap3A_1079], %broadcast_in_dim3A_965 {strides = array<i32>} : memref<448xf32, #tpu.memory_space<vmem>>, vector<16xf32>,
    %swap3A_1081 = arith.constant 144 : index
    %swap3A_1082 = tpu.vector_load %arg15[%swap3A_1081] {strides = array<i32>} : memref<448xf32, #tpu.memory_space<vmem>>, vector<16xf32>,
    tpu.vector_store %arg15[%swap3A_1081], %broadcast_in_dim3A_965 {strides = array<i32>} : memref<448xf32, #tpu.memory_space<vmem>>, vector<16xf32>,
    %swap3A_1083 = arith.constant 144 : index
    %swap3A_1084 = tpu.vector_load %arg16[%swap3A_1083] {strides = array<i32>} : memref<448xf32, #tpu.memory_space<vmem>>, vector<16xf32>,
    tpu.vector_store %arg16[%swap3A_1083], %broadcast_in_dim3A_965 {strides = array<i32>} : memref<448xf32, #tpu.memory_space<vmem>>, vector<16xf32>,
    %swap3A_1085 = arith.constant 144 : index
    %swap3A_1086 = tpu.vector_load %arg17[%swap3A_1085] {strides = array<i32>} : memref<448xf32, #tpu.memory_space<vmem>>, vector<16xf32>,
    tpu.vector_store %arg17[%swap3A_1085], %broadcast_in_dim3A_965 {strides = array<i32>} : memref<448xf32, #tpu.memory_space<vmem>>, vector<16xf32>,
    %swap3A_1087 = arith.constant 144 : index
    %swap3A_1088 = tpu.vector_load %arg18[%swap3A_1087] {strides = array<i32>} : memref<448xi32, #tpu.memory_space<vmem>>, vector<16xi32>,
    tpu.vector_store %arg18[%swap3A_1087], %broadcast_in_dim3A_967 {strides = array<i32>} : memref<448xi32, #tpu.memory_space<vmem>>, vector<16xi32>,
    %swap3A_1089 = arith.constant 160 : index
    %swap3A_1090 = tpu.vector_load %arg13[%swap3A_1089] {strides = array<i32>} : memref<448xf32, #tpu.memory_space<vmem>>, vector<16xf32>,
    tpu.vector_store %arg13[%swap3A_1089], %broadcast_in_dim3A_965 {strides = array<i32>} : memref<448xf32, #tpu.memory_space<vmem>>, vector<16xf32>,
    %swap3A_1091 = arith.constant 160 : index
    %swap3A_1092 = tpu.vector_load %arg14[%swap3A_1091] {strides = array<i32>} : memref<448xf32, #tpu.memory_space<vmem>>, vector<16xf32>,
    tpu.vector_store %arg14[%swap3A_1091], %broadcast_in_dim3A_965 {strides = array<i32>} : memref<448xf32, #tpu.memory_space<vmem>>, vector<16xf32>,
    %swap3A_1093 = arith.constant 160 : index
    %swap3A_1094 = tpu.vector_load %arg15[%swap3A_1093] {strides = array<i32>} : memref<448xf32, #tpu.memory_space<vmem>>, vector<16xf32>,
    tpu.vector_store %arg15[%swap3A_1093], %broadcast_in_dim3A_965 {strides = array<i32>} : memref<448xf32, #tpu.memory_space<vmem>>, vector<16xf32>,
    %swap3A_1095 = arith.constant 160 : index
    %swap3A_1096 = tpu.vector_load %arg16[%swap3A_1095] {strides = array<i32>} : memref<448xf32, #tpu.memory_space<vmem>>, vector<16xf32>,
    tpu.vector_store %arg16[%swap3A_1095], %broadcast_in_dim3A_965 {strides = array<i32>} : memref<448xf32, #tpu.memory_space<vmem>>, vector<16xf32>,
    %swap3A_1097 = arith.constant 160 : index
    %swap3A_1098 = tpu.vector_load %arg17[%swap3A_1097] {strides = array<i32>} : memref<448xf32, #tpu.memory_space<vmem>>, vector<16xf32>,
    tpu.vector_store %arg17[%swap3A_1097], %broadcast_in_dim3A_965 {strides = array<i32>} : memref<448xf32, #tpu.memory_space<vmem>>, vector<16xf32>,
    %swap3A_1099 = arith.constant 160 : index
    %swap3A_1100 = tpu.vector_load %arg18[%swap3A_1099] {strides = array<i32>} : memref<448xi32, #tpu.memory_space<vmem>>, vector<16xi32>,
    tpu.vector_store %arg18[%swap3A_1099], %broadcast_in_dim3A_967 {strides = array<i32>} : memref<448xi32, #tpu.memory_space<vmem>>, vector<16xi32>,
    %swap3A_1101 = arith.constant 176 : index
    %swap3A_1102 = tpu.vector_load %arg13[%swap3A_1101] {strides = array<i32>} : memref<448xf32, #tpu.memory_space<vmem>>, vector<16xf32>,
    tpu.vector_store %arg13[%swap3A_1101], %broadcast_in_dim3A_965 {strides = array<i32>} : memref<448xf32, #tpu.memory_space<vmem>>, vector<16xf32>,
    %swap3A_1103 = arith.constant 176 : index
    %swap3A_1104 = tpu.vector_load %arg14[%swap3A_1103] {strides = array<i32>} : memref<448xf32, #tpu.memory_space<vmem>>, vector<16xf32>,
    tpu.vector_store %arg14[%swap3A_1103], %broadcast_in_dim3A_965 {strides = array<i32>} : memref<448xf32, #tpu.memory_space<vmem>>, vector<16xf32>,
    %swap3A_1105 = arith.constant 176 : index
    %swap3A_1106 = tpu.vector_load %arg15[%swap3A_1105] {strides = array<i32>} : memref<448xf32, #tpu.memory_space<vmem>>, vector<16xf32>,
    tpu.vector_store %arg15[%swap3A_1105], %broadcast_in_dim3A_965 {strides = array<i32>} : memref<448xf32, #tpu.memory_space<vmem>>, vector<16xf32>,
    %swap3A_1107 = arith.constant 176 : index
    %swap3A_1108 = tpu.vector_load %arg16[%swap3A_1107] {strides = array<i32>} : memref<448xf32, #tpu.memory_space<vmem>>, vector<16xf32>,
    tpu.vector_store %arg16[%swap3A_1107], %broadcast_in_dim3A_965 {strides = array<i32>} : memref<448xf32, #tpu.memory_space<vmem>>, vector<16xf32>,
    %swap3A_1109 = arith.constant 176 : index
    %swap3A_1110 = tpu.vector_load %arg17[%swap3A_1109] {strides = array<i32>} : memref<448xf32, #tpu.memory_space<vmem>>, vector<16xf32>,
    tpu.vector_store %arg17[%swap3A_1109], %broadcast_in_dim3A_965 {strides = array<i32>} : memref<448xf32, #tpu.memory_space<vmem>>, vector<16xf32>,
    %swap3A_1111 = arith.constant 176 : index
    %swap3A_1112 = tpu.vector_load %arg18[%swap3A_1111] {strides = array<i32>} : memref<448xi32, #tpu.memory_space<vmem>>, vector<16xi32>,
    tpu.vector_store %arg18[%swap3A_1111], %broadcast_in_dim3A_967 {strides = array<i32>} : memref<448xi32, #tpu.memory_space<vmem>>, vector<16xi32>,
    %swap3A_1113 = arith.constant 192 : index
    %swap3A_1114 = tpu.vector_load %arg13[%swap3A_1113] {strides = array<i32>} : memref<448xf32, #tpu.memory_space<vmem>>, vector<16xf32>,
    tpu.vector_store %arg13[%swap3A_1113], %broadcast_in_dim3A_965 {strides = array<i32>} : memref<448xf32, #tpu.memory_space<vmem>>, vector<16xf32>,
    %swap3A_1115 = arith.constant 192 : index
    %swap3A_1116 = tpu.vector_load %arg14[%swap3A_1115] {strides = array<i32>} : memref<448xf32, #tpu.memory_space<vmem>>, vector<16xf32>,
    tpu.vector_store %arg14[%swap3A_1115], %broadcast_in_dim3A_965 {strides = array<i32>} : memref<448xf32, #tpu.memory_space<vmem>>, vector<16xf32>,
    %swap3A_1117 = arith.constant 192 : index
    %swap3A_1118 = tpu.vector_load %arg15[%swap3A_1117] {strides = array<i32>} : memref<448xf32, #tpu.memory_space<vmem>>, vector<16xf32>,
    tpu.vector_store %arg15[%swap3A_1117], %broadcast_in_dim3A_965 {strides = array<i32>} : memref<448xf32, #tpu.memory_space<vmem>>, vector<16xf32>,
    %swap3A_1119 = arith.constant 192 : index
    %swap3A_1120 = tpu.vector_load %arg16[%swap3A_1119] {strides = array<i32>} : memref<448xf32, #tpu.memory_space<vmem>>, vector<16xf32>,
    tpu.vector_store %arg16[%swap3A_1119], %broadcast_in_dim3A_965 {strides = array<i32>} : memref<448xf32, #tpu.memory_space<vmem>>, vector<16xf32>,
    %swap3A_1121 = arith.constant 192 : index
    %swap3A_1122 = tpu.vector_load %arg17[%swap3A_1121] {strides = array<i32>} : memref<448xf32, #tpu.memory_space<vmem>>, vector<16xf32>,
    tpu.vector_store %arg17[%swap3A_1121], %broadcast_in_dim3A_965 {strides = array<i32>} : memref<448xf32, #tpu.memory_space<vmem>>, vector<16xf32>,
    %swap3A_1123 = arith.constant 192 : index
    %swap3A_1124 = tpu.vector_load %arg18[%swap3A_1123] {strides = array<i32>} : memref<448xi32, #tpu.memory_space<vmem>>, vector<16xi32>,
    tpu.vector_store %arg18[%swap3A_1123], %broadcast_in_dim3A_967 {strides = array<i32>} : memref<448xi32, #tpu.memory_space<vmem>>, vector<16xi32>,
    %swap3A_1125 = arith.constant 208 : index
    %swap3A_1126 = tpu.vector_load %arg13[%swap3A_1125] {strides = array<i32>} : memref<448xf32, #tpu.memory_space<vmem>>, vector<16xf32>,
    tpu.vector_store %arg13[%swap3A_1125], %broadcast_in_dim3A_965 {strides = array<i32>} : memref<448xf32, #tpu.memory_space<vmem>>, vector<16xf32>,
    %swap3A_1127 = arith.constant 208 : index
    %swap3A_1128 = tpu.vector_load %arg14[%swap3A_1127] {strides = array<i32>} : memref<448xf32, #tpu.memory_space<vmem>>, vector<16xf32>,
    tpu.vector_store %arg14[%swap3A_1127], %broadcast_in_dim3A_965 {strides = array<i32>} : memref<448xf32, #tpu.memory_space<vmem>>, vector<16xf32>,
    %swap3A_1129 = arith.constant 208 : index
    %swap3A_1130 = tpu.vector_load %arg15[%swap3A_1129] {strides = array<i32>} : memref<448xf32, #tpu.memory_space<vmem>>, vector<16xf32>,
    tpu.vector_store %arg15[%swap3A_1129], %broadcast_in_dim3A_965 {strides = array<i32>} : memref<448xf32, #tpu.memory_space<vmem>>, vector<16xf32>,
    %swap3A_1131 = arith.constant 208 : index
    %swap3A_1132 = tpu.vector_load %arg16[%swap3A_1131] {strides = array<i32>} : memref<448xf32, #tpu.memory_space<vmem>>, vector<16xf32>,
    tpu.vector_store %arg16[%swap3A_1131], %broadcast_in_dim3A_965 {strides = array<i32>} : memref<448xf32, #tpu.memory_space<vmem>>, vector<16xf32>,
    %swap3A_1133 = arith.constant 208 : index
    %swap3A_1134 = tpu.vector_load %arg17[%swap3A_1133] {strides = array<i32>} : memref<448xf32, #tpu.memory_space<vmem>>, vector<16xf32>,
    tpu.vector_store %arg17[%swap3A_1133], %broadcast_in_dim3A_965 {strides = array<i32>} : memref<448xf32, #tpu.memory_space<vmem>>, vector<16xf32>,
    %swap3A_1135 = arith.constant 208 : index
    %swap3A_1136 = tpu.vector_load %arg18[%swap3A_1135] {strides = array<i32>} : memref<448xi32, #tpu.memory_space<vmem>>, vector<16xi32>,
    tpu.vector_store %arg18[%swap3A_1135], %broadcast_in_dim3A_967 {strides = array<i32>} : memref<448xi32, #tpu.memory_space<vmem>>, vector<16xi32>,
    %swap3A_1137 = arith.constant 224 : index
    %swap3A_1138 = tpu.vector_load %arg13[%swap3A_1137] {strides = array<i32>} : memref<448xf32, #tpu.memory_space<vmem>>, vector<16xf32>,
    tpu.vector_store %arg13[%swap3A_1137], %broadcast_in_dim3A_965 {strides = array<i32>} : memref<448xf32, #tpu.memory_space<vmem>>, vector<16xf32>,
    %swap3A_1139 = arith.constant 224 : index
    %swap3A_1140 = tpu.vector_load %arg14[%swap3A_1139] {strides = array<i32>} : memref<448xf32, #tpu.memory_space<vmem>>, vector<16xf32>,
    tpu.vector_store %arg14[%swap3A_1139], %broadcast_in_dim3A_965 {strides = array<i32>} : memref<448xf32, #tpu.memory_space<vmem>>, vector<16xf32>,
    %swap3A_1141 = arith.constant 224 : index
    %swap3A_1142 = tpu.vector_load %arg15[%swap3A_1141] {strides = array<i32>} : memref<448xf32, #tpu.memory_space<vmem>>, vector<16xf32>,
    tpu.vector_store %arg15[%swap3A_1141], %broadcast_in_dim3A_965 {strides = array<i32>} : memref<448xf32, #tpu.memory_space<vmem>>, vector<16xf32>,
    %swap3A_1143 = arith.constant 224 : index
    %swap3A_1144 = tpu.vector_load %arg16[%swap3A_1143] {strides = array<i32>} : memref<448xf32, #tpu.memory_space<vmem>>, vector<16xf32>,
    tpu.vector_store %arg16[%swap3A_1143], %broadcast_in_dim3A_965 {strides = array<i32>} : memref<448xf32, #tpu.memory_space<vmem>>, vector<16xf32>,
    %swap3A_1145 = arith.constant 224 : index
    %swap3A_1146 = tpu.vector_load %arg17[%swap3A_1145] {strides = array<i32>} : memref<448xf32, #tpu.memory_space<vmem>>, vector<16xf32>,
    tpu.vector_store %arg17[%swap3A_1145], %broadcast_in_dim3A_965 {strides = array<i32>} : memref<448xf32, #tpu.memory_space<vmem>>, vector<16xf32>,
    %swap3A_1147 = arith.constant 224 : index
    %swap3A_1148 = tpu.vector_load %arg18[%swap3A_1147] {strides = array<i32>} : memref<448xi32, #tpu.memory_space<vmem>>, vector<16xi32>,
    tpu.vector_store %arg18[%swap3A_1147], %broadcast_in_dim3A_967 {strides = array<i32>} : memref<448xi32, #tpu.memory_space<vmem>>, vector<16xi32>,
    %swap3A_1149 = arith.constant 240 : index
    %swap3A_1150 = tpu.vector_load %arg13[%swap3A_1149] {strides = array<i32>} : memref<448xf32, #tpu.memory_space<vmem>>, vector<16xf32>,
    tpu.vector_store %arg13[%swap3A_1149], %broadcast_in_dim3A_965 {strides = array<i32>} : memref<448xf32, #tpu.memory_space<vmem>>, vector<16xf32>,
    %swap3A_1151 = arith.constant 240 : index
    %swap3A_1152 = tpu.vector_load %arg14[%swap3A_1151] {strides = array<i32>} : memref<448xf32, #tpu.memory_space<vmem>>, vector<16xf32>,
    tpu.vector_store %arg14[%swap3A_1151], %broadcast_in_dim3A_965 {strides = array<i32>} : memref<448xf32, #tpu.memory_space<vmem>>, vector<16xf32>,
    %swap3A_1153 = arith.constant 240 : index
    %swap3A_1154 = tpu.vector_load %arg15[%swap3A_1153] {strides = array<i32>} : memref<448xf32, #tpu.memory_space<vmem>>, vector<16xf32>,
    tpu.vector_store %arg15[%swap3A_1153], %broadcast_in_dim3A_965 {strides = array<i32>} : memref<448xf32, #tpu.memory_space<vmem>>, vector<16xf32>,
    %swap3A_1155 = arith.constant 240 : index
    %swap3A_1156 = tpu.vector_load %arg16[%swap3A_1155] {strides = array<i32>} : memref<448xf32, #tpu.memory_space<vmem>>, vector<16xf32>,
    tpu.vector_store %arg16[%swap3A_1155], %broadcast_in_dim3A_965 {strides = array<i32>} : memref<448xf32, #tpu.memory_space<vmem>>, vector<16xf32>,
    %swap3A_1157 = arith.constant 240 : index
    %swap3A_1158 = tpu.vector_load %arg17[%swap3A_1157] {strides = array<i32>} : memref<448xf32, #tpu.memory_space<vmem>>, vector<16xf32>,
    tpu.vector_store %arg17[%swap3A_1157], %broadcast_in_dim3A_965 {strides = array<i32>} : memref<448xf32, #tpu.memory_space<vmem>>, vector<16xf32>,
    %swap3A_1159 = arith.constant 240 : index
    %swap3A_1160 = tpu.vector_load %arg18[%swap3A_1159] {strides = array<i32>} : memref<448xi32, #tpu.memory_space<vmem>>, vector<16xi32>,
    tpu.vector_store %arg18[%swap3A_1159], %broadcast_in_dim3A_967 {strides = array<i32>} : memref<448xi32, #tpu.memory_space<vmem>>, vector<16xi32>,
    %swap3A_1161 = arith.constant 256 : index
    %swap3A_1162 = tpu.vector_load %arg13[%swap3A_1161] {strides = array<i32>} : memref<448xf32, #tpu.memory_space<vmem>>, vector<16xf32>,
    tpu.vector_store %arg13[%swap3A_1161], %broadcast_in_dim3A_965 {strides = array<i32>} : memref<448xf32, #tpu.memory_space<vmem>>, vector<16xf32>,
    %swap3A_1163 = arith.constant 256 : index
    %swap3A_1164 = tpu.vector_load %arg14[%swap3A_1163] {strides = array<i32>} : memref<448xf32, #tpu.memory_space<vmem>>, vector<16xf32>,
    tpu.vector_store %arg14[%swap3A_1163], %broadcast_in_dim3A_965 {strides = array<i32>} : memref<448xf32, #tpu.memory_space<vmem>>, vector<16xf32>,
    %swap3A_1165 = arith.constant 256 : index
    %swap3A_1166 = tpu.vector_load %arg15[%swap3A_1165] {strides = array<i32>} : memref<448xf32, #tpu.memory_space<vmem>>, vector<16xf32>,
    tpu.vector_store %arg15[%swap3A_1165], %broadcast_in_dim3A_965 {strides = array<i32>} : memref<448xf32, #tpu.memory_space<vmem>>, vector<16xf32>,
    %swap3A_1167 = arith.constant 256 : index
    %swap3A_1168 = tpu.vector_load %arg16[%swap3A_1167] {strides = array<i32>} : memref<448xf32, #tpu.memory_space<vmem>>, vector<16xf32>,
    tpu.vector_store %arg16[%swap3A_1167], %broadcast_in_dim3A_965 {strides = array<i32>} : memref<448xf32, #tpu.memory_space<vmem>>, vector<16xf32>,
    %swap3A_1169 = arith.constant 256 : index
    %swap3A_1170 = tpu.vector_load %arg17[%swap3A_1169] {strides = array<i32>} : memref<448xf32, #tpu.memory_space<vmem>>, vector<16xf32>,
    tpu.vector_store %arg17[%swap3A_1169], %broadcast_in_dim3A_965 {strides = array<i32>} : memref<448xf32, #tpu.memory_space<vmem>>, vector<16xf32>,
    %swap3A_1171 = arith.constant 256 : index
    %swap3A_1172 = tpu.vector_load %arg18[%swap3A_1171] {strides = array<i32>} : memref<448xi32, #tpu.memory_space<vmem>>, vector<16xi32>,
    tpu.vector_store %arg18[%swap3A_1171], %broadcast_in_dim3A_967 {strides = array<i32>} : memref<448xi32, #tpu.memory_space<vmem>>, vector<16xi32>,
    %swap3A_1173 = arith.constant 272 : index
    %swap3A_1174 = tpu.vector_load %arg13[%swap3A_1173] {strides = array<i32>} : memref<448xf32, #tpu.memory_space<vmem>>, vector<16xf32>,
    tpu.vector_store %arg13[%swap3A_1173], %broadcast_in_dim3A_965 {strides = array<i32>} : memref<448xf32, #tpu.memory_space<vmem>>, vector<16xf32>,
    %swap3A_1175 = arith.constant 272 : index
    %swap3A_1176 = tpu.vector_load %arg14[%swap3A_1175] {strides = array<i32>} : memref<448xf32, #tpu.memory_space<vmem>>, vector<16xf32>,
    tpu.vector_store %arg14[%swap3A_1175], %broadcast_in_dim3A_965 {strides = array<i32>} : memref<448xf32, #tpu.memory_space<vmem>>, vector<16xf32>,
    %swap3A_1177 = arith.constant 272 : index
    %swap3A_1178 = tpu.vector_load %arg15[%swap3A_1177] {strides = array<i32>} : memref<448xf32, #tpu.memory_space<vmem>>, vector<16xf32>,
    tpu.vector_store %arg15[%swap3A_1177], %broadcast_in_dim3A_965 {strides = array<i32>} : memref<448xf32, #tpu.memory_space<vmem>>, vector<16xf32>,
    %swap3A_1179 = arith.constant 272 : index
    %swap3A_1180 = tpu.vector_load %arg16[%swap3A_1179] {strides = array<i32>} : memref<448xf32, #tpu.memory_space<vmem>>, vector<16xf32>,
    tpu.vector_store %arg16[%swap3A_1179], %broadcast_in_dim3A_965 {strides = array<i32>} : memref<448xf32, #tpu.memory_space<vmem>>, vector<16xf32>,
    %swap3A_1181 = arith.constant 272 : index
    %swap3A_1182 = tpu.vector_load %arg17[%swap3A_1181] {strides = array<i32>} : memref<448xf32, #tpu.memory_space<vmem>>, vector<16xf32>,
    tpu.vector_store %arg17[%swap3A_1181], %broadcast_in_dim3A_965 {strides = array<i32>} : memref<448xf32, #tpu.memory_space<vmem>>, vector<16xf32>,
    %swap3A_1183 = arith.constant 272 : index
    %swap3A_1184 = tpu.vector_load %arg18[%swap3A_1183] {strides = array<i32>} : memref<448xi32, #tpu.memory_space<vmem>>, vector<16xi32>,
    tpu.vector_store %arg18[%swap3A_1183], %broadcast_in_dim3A_967 {strides = array<i32>} : memref<448xi32, #tpu.memory_space<vmem>>, vector<16xi32>,
    %swap3A_1185 = arith.constant 288 : index
    %swap3A_1186 = tpu.vector_load %arg13[%swap3A_1185] {strides = array<i32>} : memref<448xf32, #tpu.memory_space<vmem>>, vector<16xf32>,
    tpu.vector_store %arg13[%swap3A_1185], %broadcast_in_dim3A_965 {strides = array<i32>} : memref<448xf32, #tpu.memory_space<vmem>>, vector<16xf32>,
    %swap3A_1187 = arith.constant 288 : index
    %swap3A_1188 = tpu.vector_load %arg14[%swap3A_1187] {strides = array<i32>} : memref<448xf32, #tpu.memory_space<vmem>>, vector<16xf32>,
    tpu.vector_store %arg14[%swap3A_1187], %broadcast_in_dim3A_965 {strides = array<i32>} : memref<448xf32, #tpu.memory_space<vmem>>, vector<16xf32>,
    %swap3A_1189 = arith.constant 288 : index
    %swap3A_1190 = tpu.vector_load %arg15[%swap3A_1189] {strides = array<i32>} : memref<448xf32, #tpu.memory_space<vmem>>, vector<16xf32>,
    tpu.vector_store %arg15[%swap3A_1189], %broadcast_in_dim3A_965 {strides = array<i32>} : memref<448xf32, #tpu.memory_space<vmem>>, vector<16xf32>,
    %swap3A_1191 = arith.constant 288 : index
    %swap3A_1192 = tpu.vector_load %arg16[%swap3A_1191] {strides = array<i32>} : memref<448xf32, #tpu.memory_space<vmem>>, vector<16xf32>,
    tpu.vector_store %arg16[%swap3A_1191], %broadcast_in_dim3A_965 {strides = array<i32>} : memref<448xf32, #tpu.memory_space<vmem>>, vector<16xf32>,
    %swap3A_1193 = arith.constant 288 : index
    %swap3A_1194 = tpu.vector_load %arg17[%swap3A_1193] {strides = array<i32>} : memref<448xf32, #tpu.memory_space<vmem>>, vector<16xf32>,
    tpu.vector_store %arg17[%swap3A_1193], %broadcast_in_dim3A_965 {strides = array<i32>} : memref<448xf32, #tpu.memory_space<vmem>>, vector<16xf32>,
    %swap3A_1195 = arith.constant 288 : index
    %swap3A_1196 = tpu.vector_load %arg18[%swap3A_1195] {strides = array<i32>} : memref<448xi32, #tpu.memory_space<vmem>>, vector<16xi32>,
    tpu.vector_store %arg18[%swap3A_1195], %broadcast_in_dim3A_967 {strides = array<i32>} : memref<448xi32, #tpu.memory_space<vmem>>, vector<16xi32>,
    %swap3A_1197 = arith.constant 304 : index
    %swap3A_1198 = tpu.vector_load %arg13[%swap3A_1197] {strides = array<i32>} : memref<448xf32, #tpu.memory_space<vmem>>, vector<16xf32>,
    tpu.vector_store %arg13[%swap3A_1197], %broadcast_in_dim3A_965 {strides = array<i32>} : memref<448xf32, #tpu.memory_space<vmem>>, vector<16xf32>,
    %swap3A_1199 = arith.constant 304 : index
    %swap3A_1200 = tpu.vector_load %arg14[%swap3A_1199] {strides = array<i32>} : memref<448xf32, #tpu.memory_space<vmem>>, vector<16xf32>,
    tpu.vector_store %arg14[%swap3A_1199], %broadcast_in_dim3A_965 {strides = array<i32>} : memref<448xf32, #tpu.memory_space<vmem>>, vector<16xf32>,
    %swap3A_1201 = arith.constant 304 : index
    %swap3A_1202 = tpu.vector_load %arg15[%swap3A_1201] {strides = array<i32>} : memref<448xf32, #tpu.memory_space<vmem>>, vector<16xf32>,
    tpu.vector_store %arg15[%swap3A_1201], %broadcast_in_dim3A_965 {strides = array<i32>} : memref<448xf32, #tpu.memory_space<vmem>>, vector<16xf32>,
    %swap3A_1203 = arith.constant 304 : index
    %swap3A_1204 = tpu.vector_load %arg16[%swap3A_1203] {strides = array<i32>} : memref<448xf32, #tpu.memory_space<vmem>>, vector<16xf32>,
    tpu.vector_store %arg16[%swap3A_1203], %broadcast_in_dim3A_965 {strides = array<i32>} : memref<448xf32, #tpu.memory_space<vmem>>, vector<16xf32>,
    %swap3A_1205 = arith.constant 304 : index
    %swap3A_1206 = tpu.vector_load %arg17[%swap3A_1205] {strides = array<i32>} : memref<448xf32, #tpu.memory_space<vmem>>, vector<16xf32>,
    tpu.vector_store %arg17[%swap3A_1205], %broadcast_in_dim3A_965 {strides = array<i32>} : memref<448xf32, #tpu.memory_space<vmem>>, vector<16xf32>,
    %swap3A_1207 = arith.constant 304 : index
    %swap3A_1208 = tpu.vector_load %arg18[%swap3A_1207] {strides = array<i32>} : memref<448xi32, #tpu.memory_space<vmem>>, vector<16xi32>,
    tpu.vector_store %arg18[%swap3A_1207], %broadcast_in_dim3A_967 {strides = array<i32>} : memref<448xi32, #tpu.memory_space<vmem>>, vector<16xi32>,
    %swap3A_1209 = arith.constant 320 : index
    %swap3A_1210 = tpu.vector_load %arg13[%swap3A_1209] {strides = array<i32>} : memref<448xf32, #tpu.memory_space<vmem>>, vector<16xf32>,
    tpu.vector_store %arg13[%swap3A_1209], %broadcast_in_dim3A_965 {strides = array<i32>} : memref<448xf32, #tpu.memory_space<vmem>>, vector<16xf32>,
    %swap3A_1211 = arith.constant 320 : index
    %swap3A_1212 = tpu.vector_load %arg14[%swap3A_1211] {strides = array<i32>} : memref<448xf32, #tpu.memory_space<vmem>>, vector<16xf32>,
    tpu.vector_store %arg14[%swap3A_1211], %broadcast_in_dim3A_965 {strides = array<i32>} : memref<448xf32, #tpu.memory_space<vmem>>, vector<16xf32>,
    %swap3A_1213 = arith.constant 320 : index
    %swap3A_1214 = tpu.vector_load %arg15[%swap3A_1213] {strides = array<i32>} : memref<448xf32, #tpu.memory_space<vmem>>, vector<16xf32>,
    tpu.vector_store %arg15[%swap3A_1213], %broadcast_in_dim3A_965 {strides = array<i32>} : memref<448xf32, #tpu.memory_space<vmem>>, vector<16xf32>,
    %swap3A_1215 = arith.constant 320 : index
    %swap3A_1216 = tpu.vector_load %arg16[%swap3A_1215] {strides = array<i32>} : memref<448xf32, #tpu.memory_space<vmem>>, vector<16xf32>,
    tpu.vector_store %arg16[%swap3A_1215], %broadcast_in_dim3A_965 {strides = array<i32>} : memref<448xf32, #tpu.memory_space<vmem>>, vector<16xf32>,
    %swap3A_1217 = arith.constant 320 : index
    %swap3A_1218 = tpu.vector_load %arg17[%swap3A_1217] {strides = array<i32>} : memref<448xf32, #tpu.memory_space<vmem>>, vector<16xf32>,
    tpu.vector_store %arg17[%swap3A_1217], %broadcast_in_dim3A_965 {strides = array<i32>} : memref<448xf32, #tpu.memory_space<vmem>>, vector<16xf32>,
    %swap3A_1219 = arith.constant 320 : index
    %swap3A_1220 = tpu.vector_load %arg18[%swap3A_1219] {strides = array<i32>} : memref<448xi32, #tpu.memory_space<vmem>>, vector<16xi32>,
    tpu.vector_store %arg18[%swap3A_1219], %broadcast_in_dim3A_967 {strides = array<i32>} : memref<448xi32, #tpu.memory_space<vmem>>, vector<16xi32>,
    %swap3A_1221 = arith.constant 336 : index
    %swap3A_1222 = tpu.vector_load %arg13[%swap3A_1221] {strides = array<i32>} : memref<448xf32, #tpu.memory_space<vmem>>, vector<16xf32>,
    tpu.vector_store %arg13[%swap3A_1221], %broadcast_in_dim3A_965 {strides = array<i32>} : memref<448xf32, #tpu.memory_space<vmem>>, vector<16xf32>,
    %swap3A_1223 = arith.constant 336 : index
    %swap3A_1224 = tpu.vector_load %arg14[%swap3A_1223] {strides = array<i32>} : memref<448xf32, #tpu.memory_space<vmem>>, vector<16xf32>,
    tpu.vector_store %arg14[%swap3A_1223], %broadcast_in_dim3A_965 {strides = array<i32>} : memref<448xf32, #tpu.memory_space<vmem>>, vector<16xf32>,
    %swap3A_1225 = arith.constant 336 : index
    %swap3A_1226 = tpu.vector_load %arg15[%swap3A_1225] {strides = array<i32>} : memref<448xf32, #tpu.memory_space<vmem>>, vector<16xf32>,
    tpu.vector_store %arg15[%swap3A_1225], %broadcast_in_dim3A_965 {strides = array<i32>} : memref<448xf32, #tpu.memory_space<vmem>>, vector<16xf32>,
    %swap3A_1227 = arith.constant 336 : index
    %swap3A_1228 = tpu.vector_load %arg16[%swap3A_1227] {strides = array<i32>} : memref<448xf32, #tpu.memory_space<vmem>>, vector<16xf32>,
    tpu.vector_store %arg16[%swap3A_1227], %broadcast_in_dim3A_965 {strides = array<i32>} : memref<448xf32, #tpu.memory_space<vmem>>, vector<16xf32>,
    %swap3A_1229 = arith.constant 336 : index
    %swap3A_1230 = tpu.vector_load %arg17[%swap3A_1229] {strides = array<i32>} : memref<448xf32, #tpu.memory_space<vmem>>, vector<16xf32>,
    tpu.vector_store %arg17[%swap3A_1229], %broadcast_in_dim3A_965 {strides = array<i32>} : memref<448xf32, #tpu.memory_space<vmem>>, vector<16xf32>,
    %swap3A_1231 = arith.constant 336 : index
    %swap3A_1232 = tpu.vector_load %arg18[%swap3A_1231] {strides = array<i32>} : memref<448xi32, #tpu.memory_space<vmem>>, vector<16xi32>,
    tpu.vector_store %arg18[%swap3A_1231], %broadcast_in_dim3A_967 {strides = array<i32>} : memref<448xi32, #tpu.memory_space<vmem>>, vector<16xi32>,
    %swap3A_1233 = arith.constant 352 : index
    %swap3A_1234 = tpu.vector_load %arg13[%swap3A_1233] {strides = array<i32>} : memref<448xf32, #tpu.memory_space<vmem>>, vector<16xf32>,
    tpu.vector_store %arg13[%swap3A_1233], %broadcast_in_dim3A_965 {strides = array<i32>} : memref<448xf32, #tpu.memory_space<vmem>>, vector<16xf32>,
    %swap3A_1235 = arith.constant 352 : index
    %swap3A_1236 = tpu.vector_load %arg14[%swap3A_1235] {strides = array<i32>} : memref<448xf32, #tpu.memory_space<vmem>>, vector<16xf32>,
    tpu.vector_store %arg14[%swap3A_1235], %broadcast_in_dim3A_965 {strides = array<i32>} : memref<448xf32, #tpu.memory_space<vmem>>, vector<16xf32>,
    %swap3A_1237 = arith.constant 352 : index
    %swap3A_1238 = tpu.vector_load %arg15[%swap3A_1237] {strides = array<i32>} : memref<448xf32, #tpu.memory_space<vmem>>, vector<16xf32>,
    tpu.vector_store %arg15[%swap3A_1237], %broadcast_in_dim3A_965 {strides = array<i32>} : memref<448xf32, #tpu.memory_space<vmem>>, vector<16xf32>,
    %swap3A_1239 = arith.constant 352 : index
    %swap3A_1240 = tpu.vector_load %arg16[%swap3A_1239] {strides = array<i32>} : memref<448xf32, #tpu.memory_space<vmem>>, vector<16xf32>,
    tpu.vector_store %arg16[%swap3A_1239], %broadcast_in_dim3A_965 {strides = array<i32>} : memref<448xf32, #tpu.memory_space<vmem>>, vector<16xf32>,
    %swap3A_1241 = arith.constant 352 : index
    %swap3A_1242 = tpu.vector_load %arg17[%swap3A_1241] {strides = array<i32>} : memref<448xf32, #tpu.memory_space<vmem>>, vector<16xf32>,
    tpu.vector_store %arg17[%swap3A_1241], %broadcast_in_dim3A_965 {strides = array<i32>} : memref<448xf32, #tpu.memory_space<vmem>>, vector<16xf32>,
    %swap3A_1243 = arith.constant 352 : index
    %swap3A_1244 = tpu.vector_load %arg18[%swap3A_1243] {strides = array<i32>} : memref<448xi32, #tpu.memory_space<vmem>>, vector<16xi32>,
    tpu.vector_store %arg18[%swap3A_1243], %broadcast_in_dim3A_967 {strides = array<i32>} : memref<448xi32, #tpu.memory_space<vmem>>, vector<16xi32>,
    %swap3A_1245 = arith.constant 368 : index
    %swap3A_1246 = tpu.vector_load %arg13[%swap3A_1245] {strides = array<i32>} : memref<448xf32, #tpu.memory_space<vmem>>, vector<16xf32>,
    tpu.vector_store %arg13[%swap3A_1245], %broadcast_in_dim3A_965 {strides = array<i32>} : memref<448xf32, #tpu.memory_space<vmem>>, vector<16xf32>,
    %swap3A_1247 = arith.constant 368 : index
    %swap3A_1248 = tpu.vector_load %arg14[%swap3A_1247] {strides = array<i32>} : memref<448xf32, #tpu.memory_space<vmem>>, vector<16xf32>,
    tpu.vector_store %arg14[%swap3A_1247], %broadcast_in_dim3A_965 {strides = array<i32>} : memref<448xf32, #tpu.memory_space<vmem>>, vector<16xf32>,
    %swap3A_1249 = arith.constant 368 : index
    %swap3A_1250 = tpu.vector_load %arg15[%swap3A_1249] {strides = array<i32>} : memref<448xf32, #tpu.memory_space<vmem>>, vector<16xf32>,
    tpu.vector_store %arg15[%swap3A_1249], %broadcast_in_dim3A_965 {strides = array<i32>} : memref<448xf32, #tpu.memory_space<vmem>>, vector<16xf32>,
    %swap3A_1251 = arith.constant 368 : index
    %swap3A_1252 = tpu.vector_load %arg16[%swap3A_1251] {strides = array<i32>} : memref<448xf32, #tpu.memory_space<vmem>>, vector<16xf32>,
    tpu.vector_store %arg16[%swap3A_1251], %broadcast_in_dim3A_965 {strides = array<i32>} : memref<448xf32, #tpu.memory_space<vmem>>, vector<16xf32>,
    %swap3A_1253 = arith.constant 368 : index
    %swap3A_1254 = tpu.vector_load %arg17[%swap3A_1253] {strides = array<i32>} : memref<448xf32, #tpu.memory_space<vmem>>, vector<16xf32>,
    tpu.vector_store %arg17[%swap3A_1253], %broadcast_in_dim3A_965 {strides = array<i32>} : memref<448xf32, #tpu.memory_space<vmem>>, vector<16xf32>,
    %swap3A_1255 = arith.constant 368 : index
    %swap3A_1256 = tpu.vector_load %arg18[%swap3A_1255] {strides = array<i32>} : memref<448xi32, #tpu.memory_space<vmem>>, vector<16xi32>,
    tpu.vector_store %arg18[%swap3A_1255], %broadcast_in_dim3A_967 {strides = array<i32>} : memref<448xi32, #tpu.memory_space<vmem>>, vector<16xi32>,
    %swap3A_1257 = arith.constant 384 : index
    %swap3A_1258 = tpu.vector_load %arg13[%swap3A_1257] {strides = array<i32>} : memref<448xf32, #tpu.memory_space<vmem>>, vector<16xf32>,
    tpu.vector_store %arg13[%swap3A_1257], %broadcast_in_dim3A_965 {strides = array<i32>} : memref<448xf32, #tpu.memory_space<vmem>>, vector<16xf32>,
    %swap3A_1259 = arith.constant 384 : index
    %swap3A_1260 = tpu.vector_load %arg14[%swap3A_1259] {strides = array<i32>} : memref<448xf32, #tpu.memory_space<vmem>>, vector<16xf32>,
    tpu.vector_store %arg14[%swap3A_1259], %broadcast_in_dim3A_965 {strides = array<i32>} : memref<448xf32, #tpu.memory_space<vmem>>, vector<16xf32>,
    %swap3A_1261 = arith.constant 384 : index
    %swap3A_1262 = tpu.vector_load %arg15[%swap3A_1261] {strides = array<i32>} : memref<448xf32, #tpu.memory_space<vmem>>, vector<16xf32>,
    tpu.vector_store %arg15[%swap3A_1261], %broadcast_in_dim3A_965 {strides = array<i32>} : memref<448xf32, #tpu.memory_space<vmem>>, vector<16xf32>,
    %swap3A_1263 = arith.constant 384 : index
    %swap3A_1264 = tpu.vector_load %arg16[%swap3A_1263] {strides = array<i32>} : memref<448xf32, #tpu.memory_space<vmem>>, vector<16xf32>,
    tpu.vector_store %arg16[%swap3A_1263], %broadcast_in_dim3A_965 {strides = array<i32>} : memref<448xf32, #tpu.memory_space<vmem>>, vector<16xf32>,
    %swap3A_1265 = arith.constant 384 : index
    %swap3A_1266 = tpu.vector_load %arg17[%swap3A_1265] {strides = array<i32>} : memref<448xf32, #tpu.memory_space<vmem>>, vector<16xf32>,
    tpu.vector_store %arg17[%swap3A_1265], %broadcast_in_dim3A_965 {strides = array<i32>} : memref<448xf32, #tpu.memory_space<vmem>>, vector<16xf32>,
    %swap3A_1267 = arith.constant 384 : index
    %swap3A_1268 = tpu.vector_load %arg18[%swap3A_1267] {strides = array<i32>} : memref<448xi32, #tpu.memory_space<vmem>>, vector<16xi32>,
    tpu.vector_store %arg18[%swap3A_1267], %broadcast_in_dim3A_967 {strides = array<i32>} : memref<448xi32, #tpu.memory_space<vmem>>, vector<16xi32>,
    %swap3A_1269 = arith.constant 400 : index
    %swap3A_1270 = tpu.vector_load %arg13[%swap3A_1269] {strides = array<i32>} : memref<448xf32, #tpu.memory_space<vmem>>, vector<16xf32>,
    tpu.vector_store %arg13[%swap3A_1269], %broadcast_in_dim3A_965 {strides = array<i32>} : memref<448xf32, #tpu.memory_space<vmem>>, vector<16xf32>,
    %swap3A_1271 = arith.constant 400 : index
    %swap3A_1272 = tpu.vector_load %arg14[%swap3A_1271] {strides = array<i32>} : memref<448xf32, #tpu.memory_space<vmem>>, vector<16xf32>,
    tpu.vector_store %arg14[%swap3A_1271], %broadcast_in_dim3A_965 {strides = array<i32>} : memref<448xf32, #tpu.memory_space<vmem>>, vector<16xf32>,
    %swap3A_1273 = arith.constant 400 : index
    %swap3A_1274 = tpu.vector_load %arg15[%swap3A_1273] {strides = array<i32>} : memref<448xf32, #tpu.memory_space<vmem>>, vector<16xf32>,
    tpu.vector_store %arg15[%swap3A_1273], %broadcast_in_dim3A_965 {strides = array<i32>} : memref<448xf32, #tpu.memory_space<vmem>>, vector<16xf32>,
    %swap3A_1275 = arith.constant 400 : index
    %swap3A_1276 = tpu.vector_load %arg16[%swap3A_1275] {strides = array<i32>} : memref<448xf32, #tpu.memory_space<vmem>>, vector<16xf32>,
    tpu.vector_store %arg16[%swap3A_1275], %broadcast_in_dim3A_965 {strides = array<i32>} : memref<448xf32, #tpu.memory_space<vmem>>, vector<16xf32>,
    %swap3A_1277 = arith.constant 400 : index
    %swap3A_1278 = tpu.vector_load %arg17[%swap3A_1277] {strides = array<i32>} : memref<448xf32, #tpu.memory_space<vmem>>, vector<16xf32>,
    tpu.vector_store %arg17[%swap3A_1277], %broadcast_in_dim3A_965 {strides = array<i32>} : memref<448xf32, #tpu.memory_space<vmem>>, vector<16xf32>,
    %swap3A_1279 = arith.constant 400 : index
    %swap3A_1280 = tpu.vector_load %arg18[%swap3A_1279] {strides = array<i32>} : memref<448xi32, #tpu.memory_space<vmem>>, vector<16xi32>,
    tpu.vector_store %arg18[%swap3A_1279], %broadcast_in_dim3A_967 {strides = array<i32>} : memref<448xi32, #tpu.memory_space<vmem>>, vector<16xi32>,
    %swap3A_1281 = arith.constant 416 : index
    %swap3A_1282 = tpu.vector_load %arg13[%swap3A_1281] {strides = array<i32>} : memref<448xf32, #tpu.memory_space<vmem>>, vector<16xf32>,
    tpu.vector_store %arg13[%swap3A_1281], %broadcast_in_dim3A_965 {strides = array<i32>} : memref<448xf32, #tpu.memory_space<vmem>>, vector<16xf32>,
    %swap3A_1283 = arith.constant 416 : index
    %swap3A_1284 = tpu.vector_load %arg14[%swap3A_1283] {strides = array<i32>} : memref<448xf32, #tpu.memory_space<vmem>>, vector<16xf32>,
    tpu.vector_store %arg14[%swap3A_1283], %broadcast_in_dim3A_965 {strides = array<i32>} : memref<448xf32, #tpu.memory_space<vmem>>, vector<16xf32>,
    %swap3A_1285 = arith.constant 416 : index
    %swap3A_1286 = tpu.vector_load %arg15[%swap3A_1285] {strides = array<i32>} : memref<448xf32, #tpu.memory_space<vmem>>, vector<16xf32>,
    tpu.vector_store %arg15[%swap3A_1285], %broadcast_in_dim3A_965 {strides = array<i32>} : memref<448xf32, #tpu.memory_space<vmem>>, vector<16xf32>,
    %swap3A_1287 = arith.constant 416 : index
    %swap3A_1288 = tpu.vector_load %arg16[%swap3A_1287] {strides = array<i32>} : memref<448xf32, #tpu.memory_space<vmem>>, vector<16xf32>,
    tpu.vector_store %arg16[%swap3A_1287], %broadcast_in_dim3A_965 {strides = array<i32>} : memref<448xf32, #tpu.memory_space<vmem>>, vector<16xf32>,
    %swap3A_1289 = arith.constant 416 : index
    %swap3A_1290 = tpu.vector_load %arg17[%swap3A_1289] {strides = array<i32>} : memref<448xf32, #tpu.memory_space<vmem>>, vector<16xf32>,
    tpu.vector_store %arg17[%swap3A_1289], %broadcast_in_dim3A_965 {strides = array<i32>} : memref<448xf32, #tpu.memory_space<vmem>>, vector<16xf32>,
    %swap3A_1291 = arith.constant 416 : index
    %swap3A_1292 = tpu.vector_load %arg18[%swap3A_1291] {strides = array<i32>} : memref<448xi32, #tpu.memory_space<vmem>>, vector<16xi32>,
    tpu.vector_store %arg18[%swap3A_1291], %broadcast_in_dim3A_967 {strides = array<i32>} : memref<448xi32, #tpu.memory_space<vmem>>, vector<16xi32>,
    %swap3A_1293 = arith.constant 432 : index
    %swap3A_1294 = tpu.vector_load %arg13[%swap3A_1293] {strides = array<i32>} : memref<448xf32, #tpu.memory_space<vmem>>, vector<16xf32>,
    tpu.vector_store %arg13[%swap3A_1293], %broadcast_in_dim3A_965 {strides = array<i32>} : memref<448xf32, #tpu.memory_space<vmem>>, vector<16xf32>,
    %swap3A_1295 = arith.constant 432 : index
    %swap3A_1296 = tpu.vector_load %arg14[%swap3A_1295] {strides = array<i32>} : memref<448xf32, #tpu.memory_space<vmem>>, vector<16xf32>,
    tpu.vector_store %arg14[%swap3A_1295], %broadcast_in_dim3A_965 {strides = array<i32>} : memref<448xf32, #tpu.memory_space<vmem>>, vector<16xf32>,
    %swap3A_1297 = arith.constant 432 : index
    %swap3A_1298 = tpu.vector_load %arg15[%swap3A_1297] {strides = array<i32>} : memref<448xf32, #tpu.memory_space<vmem>>, vector<16xf32>,
    tpu.vector_store %arg15[%swap3A_1297], %broadcast_in_dim3A_965 {strides = array<i32>} : memref<448xf32, #tpu.memory_space<vmem>>, vector<16xf32>,
    %swap3A_1299 = arith.constant 432 : index
    %swap3A_1300 = tpu.vector_load %arg16[%swap3A_1299] {strides = array<i32>} : memref<448xf32, #tpu.memory_space<vmem>>, vector<16xf32>,
    tpu.vector_store %arg16[%swap3A_1299], %broadcast_in_dim3A_965 {strides = array<i32>} : memref<448xf32, #tpu.memory_space<vmem>>, vector<16xf32>,
    %swap3A_1301 = arith.constant 432 : index
    %swap3A_1302 = tpu.vector_load %arg17[%swap3A_1301] {strides = array<i32>} : memref<448xf32, #tpu.memory_space<vmem>>, vector<16xf32>,
    tpu.vector_store %arg17[%swap3A_1301], %broadcast_in_dim3A_965 {strides = array<i32>} : memref<448xf32, #tpu.memory_space<vmem>>, vector<16xf32>,
    %swap3A_1303 = arith.constant 432 : index
    %swap3A_1304 = tpu.vector_load %arg18[%swap3A_1303] {strides = array<i32>} : memref<448xi32, #tpu.memory_space<vmem>>, vector<16xi32>,
    tpu.vector_store %arg18[%swap3A_1303], %broadcast_in_dim3A_967 {strides = array<i32>} : memref<448xi32, #tpu.memory_space<vmem>>, vector<16xi32>,
    tpu.wait_dma2 semaphore(%arg23 : memref<!tpu.dma_semaphore, #tpu.memory_space<semaphore_mem>>) src(%arg6 : memref<30x128xi32, #tpu.memory_space<hbm>>) dst(%arg12 : memref<30x128xi32, #tpu.memory_space<vmem>>)
    tpu.wait_dma2 semaphore(%arg23 : memref<!tpu.dma_semaphore, #tpu.memory_space<semaphore_mem>>) src(%arg5 : memref<120x128xf32, #tpu.memory_space<hbm>>) dst(%arg11 : memref<120x128xf32, #tpu.memory_space<vmem>>)
    %scan3A = arith.constant 0 : i32
    %scan3A_1305 = arith.constant 0 : i32
    %scan3A_1306 = arith.constant 60 : i32
    %scan3A_1307 = arith.addi %scan3A_1305, %scan3A_1306 : i32
    %scan3A_1308 = arith.constant 1 : i32
    scf.for %scan3A_2136 = %scan3A_1305 to %scan3A_1307 step %scan3A_1308  : i32 {
      %jit3A_2137 = arith.constant 30 : i32
      %div3A_2138 = arith.divsi %scan3A_2136, %jit3A_2137 : i32
      %sign3A_2139 = arith.constant 0 : i32
      %sign3A_2140 = arith.cmpi sgt, %scan3A_2136, %sign3A_2139 : i32
      %sign3A_2141 = arith.extui %sign3A_2140 : i1 to i32
      %sign3A_2142 = arith.constant 0 : i32
      %sign3A_2143 = arith.cmpi slt, %scan3A_2136, %sign3A_2142 : i32
      %sign3A_2144 = arith.extui %sign3A_2143 : i1 to i32
      %sign3A_2145 = arith.subi %sign3A_2141, %sign3A_2144 : i32
      %sign3A_2146 = arith.constant 0 : i32
      %sign3A_2147 = arith.cmpi sgt, %jit3A_2137, %sign3A_2146 : i32
      %sign3A_2148 = arith.extui %sign3A_2147 : i1 to i32
      %sign3A_2149 = arith.constant 0 : i32
      %sign3A_2150 = arith.cmpi slt, %jit3A_2137, %sign3A_2149 : i32
      %sign3A_2151 = arith.extui %sign3A_2150 : i1 to i32
      %sign3A_2152 = arith.subi %sign3A_2148, %sign3A_2151 : i32
      %ne3A_2153 = arith.cmpi ne, %sign3A_2145, %sign3A_2152 : i32
      %rem3A_2154 = arith.remsi %scan3A_2136, %jit3A_2137 : i32
      %ne3A_2155 = arith.constant 0 : i32
      %ne3A_2156 = arith.cmpi ne, %rem3A_2154, %ne3A_2155 : i32
      %and3A_2157 = arith.andi %ne3A_2153, %ne3A_2156 : i1
      %sub3A_2158 = arith.constant 1 : i32
      %sub3A_2159 = arith.subi %div3A_2138, %sub3A_2158 : i32
      %select_n3A_2160 = arith.select %and3A_2157, %sub3A_2159, %div3A_2138 : i32
      %mul3A_2161 = arith.constant 30 : i32
      %mul3A_2162 = arith.muli %select_n3A_2160, %mul3A_2161 : i32
      %sub3A_2163 = arith.subi %scan3A_2136, %mul3A_2162 : i32
      %mul3A_2164 = arith.constant 32 : i32
      %mul3A_2165 = arith.muli %select_n3A_8, %mul3A_2164 : i32
      %mul3A_2166 = arith.constant 16 : i32
      %mul3A_2167 = arith.muli %select_n3A_2160, %mul3A_2166 : i32
      %add3A_2168 = arith.addi %mul3A_2165, %mul3A_2167 : i32
      %multiple_of3A = tpu.assume_multiple %add3A_2168, 16 : i32
      %mul3A_2169 = arith.constant 4 : i32
      %mul3A_2170 = arith.muli %sub3A_2163, %mul3A_2169 : i32
      %add3A_2171 = arith.constant 0 : i32
      %add3A_2172 = arith.addi %mul3A_2170, %add3A_2171 : i32
      %get3A = arith.index_cast %add3A_2172 : i32 to index
      %get3A_2173 = arith.index_cast %multiple_of3A : i32 to index
      %get3A_2174 = tpu.vector_load %arg11[%get3A, %get3A_2173] {strides = array<i32>} : memref<120x128xf32, #tpu.memory_space<vmem>>, vector<16xf32>,
      %mul3A_2175 = arith.constant 4 : i32
      %mul3A_2176 = arith.muli %sub3A_2163, %mul3A_2175 : i32
      %add3A_2177 = arith.constant 1 : i32
      %add3A_2178 = arith.addi %mul3A_2176, %add3A_2177 : i32
      %get3A_2179 = arith.index_cast %add3A_2178 : i32 to index
      %get3A_2180 = arith.index_cast %multiple_of3A : i32 to index
      %get3A_2181 = tpu.vector_load %arg11[%get3A_2179, %get3A_2180] {strides = array<i32>} : memref<120x128xf32, #tpu.memory_space<vmem>>, vector<16xf32>,
      %mul3A_2182 = arith.constant 4 : i32
      %mul3A_2183 = arith.muli %sub3A_2163, %mul3A_2182 : i32
      %add3A_2184 = arith.constant 2 : i32
      %add3A_2185 = arith.addi %mul3A_2183, %add3A_2184 : i32
      %get3A_2186 = arith.index_cast %add3A_2185 : i32 to index
      %get3A_2187 = arith.index_cast %multiple_of3A : i32 to index
      %get3A_2188 = tpu.vector_load %arg11[%get3A_2186, %get3A_2187] {strides = array<i32>} : memref<120x128xf32, #tpu.memory_space<vmem>>, vector<16xf32>,
      %mul3A_2189 = arith.constant 4 : i32
      %mul3A_2190 = arith.muli %sub3A_2163, %mul3A_2189 : i32
      %add3A_2191 = arith.constant 3 : i32
      %add3A_2192 = arith.addi %mul3A_2190, %add3A_2191 : i32
      %get3A_2193 = arith.index_cast %add3A_2192 : i32 to index
      %get3A_2194 = arith.index_cast %multiple_of3A : i32 to index
      %get3A_2195 = tpu.vector_load %arg11[%get3A_2193, %get3A_2194] {strides = array<i32>} : memref<120x128xf32, #tpu.memory_space<vmem>>, vector<16xf32>,
      %get3A_2196 = arith.index_cast %sub3A_2163 : i32 to index
      %get3A_2197 = arith.index_cast %multiple_of3A : i32 to index
      %get3A_2198 = tpu.vector_load %arg12[%get3A_2196, %get3A_2197] {strides = array<i32>} : memref<30x128xi32, #tpu.memory_space<vmem>>, vector<16xi32>,
      %sub3A_2199 = arith.subf %get3A_2188, %get3A_2174 : vector<16xf32>
      %sub3A_2200 = arith.subf %get3A_2195, %get3A_2181 : vector<16xf32>
      %mul3A_2201 = arith.constant 5.000000e-01 : f32
      %mul3A_2202 = vector.broadcast %mul3A_2201 : f32 to vector<16xf32>
      %mul3A_2203 = arith.mulf %sub3A_2199, %mul3A_2202 : vector<16xf32>
      %add3A_2204 = arith.addf %get3A_2174, %mul3A_2203 : vector<16xf32>
      %mul3A_2205 = arith.constant 5.000000e-01 : f32
      %mul3A_2206 = vector.broadcast %mul3A_2205 : f32 to vector<16xf32>
      %mul3A_2207 = arith.mulf %sub3A_2200, %mul3A_2206 : vector<16xf32>
      %add3A_2208 = arith.addf %get3A_2181, %mul3A_2207 : vector<16xf32>
      %div3A_2209 = arith.constant 6.400000e+01 : f32
      %div3A_2210 = vector.broadcast %div3A_2209 : f32 to vector<16xf32>
      %div3A_2211 = arith.divf %add3A_2204, %div3A_2210 : vector<16xf32>
      %convert_element_type3A_2212 = arith.fptosi %div3A_2211 : vector<16xf32> to vector<16xi32>
      %div3A_2213 = arith.constant 6.400000e+01 : f32
      %div3A_2214 = vector.broadcast %div3A_2213 : f32 to vector<16xf32>
      %div3A_2215 = arith.divf %add3A_2208, %div3A_2214 : vector<16xf32>
      %convert_element_type3A_2216 = arith.fptosi %div3A_2215 : vector<16xf32> to vector<16xi32>
      %mul3A_2217 = arith.constant 7 : i32
      %mul3A_2218 = vector.broadcast %mul3A_2217 : i32 to vector<16xi32>
      %mul3A_2219 = arith.muli %convert_element_type3A_2216, %mul3A_2218 : vector<16xi32>
      %add3A_2220 = arith.addi %mul3A_2219, %convert_element_type3A_2212 : vector<16xi32>
      %ge3A = vector.broadcast %mul3A_33 : i32 to vector<16xi32>
      %ge3A_2221 = arith.cmpi sge, %add3A_2220, %ge3A : vector<16xi32>
      %le3A = vector.broadcast %min3A_39 : i32 to vector<16xi32>
      %le3A_2222 = arith.cmpi sle, %add3A_2220, %le3A : vector<16xi32>
      %and3A_2223 = arith.andi %ge3A_2221, %le3A_2222 : vector<16xi1>
      %sub3A_2224 = vector.broadcast %mul3A_41 : i32 to vector<16xi32>
      %sub3A_2225 = arith.subi %add3A_2220, %sub3A_2224 : vector<16xi32>
      %jit3A_2226 = arith.constant 0 : i32
      %jit3A_2227 = arith.constant 13 : i32
      %max3A = vector.broadcast %jit3A_2226 : i32 to vector<16xi32>
      %max3A_2228 = arith.maxsi %max3A, %sub3A_2225 : vector<16xi32>
      %min3A_2229 = vector.broadcast %jit3A_2227 : i32 to vector<16xi32>
      %min3A_2230 = arith.minsi %min3A_2229, %max3A_2228 : vector<16xi32>
      %mul3A_2231 = arith.constant 2 : i32
      %mul3A_2232 = vector.broadcast %mul3A_2231 : i32 to vector<16xi32>
      %mul3A_2233 = arith.muli %min3A_2230, %mul3A_2232 : vector<16xi32>
      %add3A_2234 = vector.broadcast %select_n3A_2160 : i32 to vector<16xi32>
      %add3A_2235 = arith.addi %mul3A_2233, %add3A_2234 : vector<16xi32>
      %mul3A_2236 = arith.constant 16 : i32
      %mul3A_2237 = vector.broadcast %mul3A_2236 : i32 to vector<16xi32>
      %mul3A_2238 = arith.muli %add3A_2235, %mul3A_2237 : vector<16xi32>
      %add3A_2239 = arith.addi %mul3A_2238, %iota3A : vector<16xi32>
      tpu.vector_store_idx %arg13[%add3A_2239], %broadcast_in_dim3A_969 masked %and3A_2223 : memref<448xf32, #tpu.memory_space<vmem>>[vector<16xi32>], vector<16xf32>, vector<16xi1>
      %convert_element_type3A_2240 = arith.sitofp %convert_element_type3A_2212 : vector<16xi32> to vector<16xf32>
      %mul3A_2241 = arith.constant 6.400000e+01 : f32
      %mul3A_2242 = vector.broadcast %mul3A_2241 : f32 to vector<16xf32>
      %mul3A_2243 = arith.mulf %convert_element_type3A_2240, %mul3A_2242 : vector<16xf32>
      %sub3A_2244 = arith.subf %add3A_2204, %mul3A_2243 : vector<16xf32>
      %div3A_2245 = arith.constant 6.400000e+01 : f32
      %div3A_2246 = vector.broadcast %div3A_2245 : f32 to vector<16xf32>
      %div3A_2247 = arith.divf %sub3A_2244, %div3A_2246 : vector<16xf32>
      tpu.vector_store_idx %arg14[%add3A_2239], %div3A_2247 masked %and3A_2223 : memref<448xf32, #tpu.memory_space<vmem>>[vector<16xi32>], vector<16xf32>, vector<16xi1>
      %convert_element_type3A_2248 = arith.sitofp %convert_element_type3A_2216 : vector<16xi32> to vector<16xf32>
      %mul3A_2249 = arith.constant 6.400000e+01 : f32
      %mul3A_2250 = vector.broadcast %mul3A_2249 : f32 to vector<16xf32>
      %mul3A_2251 = arith.mulf %convert_element_type3A_2248, %mul3A_2250 : vector<16xf32>
      %sub3A_2252 = arith.subf %add3A_2208, %mul3A_2251 : vector<16xf32>
      %div3A_2253 = arith.constant 6.400000e+01 : f32
      %div3A_2254 = vector.broadcast %div3A_2253 : f32 to vector<16xf32>
      %div3A_2255 = arith.divf %sub3A_2252, %div3A_2254 : vector<16xf32>
      tpu.vector_store_idx %arg15[%add3A_2239], %div3A_2255 masked %and3A_2223 : memref<448xf32, #tpu.memory_space<vmem>>[vector<16xi32>], vector<16xf32>, vector<16xi1>
      %div3A_2256 = arith.constant 4.480000e+02 : f32
      %div3A_2257 = vector.broadcast %div3A_2256 : f32 to vector<16xf32>
      %div3A_2258 = arith.divf %sub3A_2199, %div3A_2257 : vector<16xf32>
      tpu.vector_store_idx %arg16[%add3A_2239], %div3A_2258 masked %and3A_2223 : memref<448xf32, #tpu.memory_space<vmem>>[vector<16xi32>], vector<16xf32>, vector<16xi1>
      %div3A_2259 = arith.constant 4.480000e+02 : f32
      %div3A_2260 = vector.broadcast %div3A_2259 : f32 to vector<16xf32>
      %div3A_2261 = arith.divf %sub3A_2200, %div3A_2260 : vector<16xf32>
      tpu.vector_store_idx %arg17[%add3A_2239], %div3A_2261 masked %and3A_2223 : memref<448xf32, #tpu.memory_space<vmem>>[vector<16xi32>], vector<16xf32>, vector<16xi1>
      %gather3A = tpu.vector_load_idx %arg18[%add3A_2239] masked %and3A_2223 : memref<448xi32, #tpu.memory_space<vmem>>[vector<16xi32>], vector<16xi32>, vector<16xi1>
      %shift_left3A = arith.constant 1 : i32
      %shift_left3A_2262 = vector.broadcast %shift_left3A : i32 to vector<16xi32>
      %shift_left3A_2263 = arith.shli %shift_left3A_2262, %get3A_2198 : vector<16xi32>
      %or3A = arith.ori %gather3A, %shift_left3A_2263 : vector<16xi32>
      tpu.vector_store_idx %arg18[%add3A_2239], %or3A masked %and3A_2223 : memref<448xi32, #tpu.memory_space<vmem>>[vector<16xi32>], vector<16xi32>, vector<16xi1>
    }
    %scan3A_1309 = arith.constant 60 : i32
    %dma_wait3A = arith.constant 0 : i32
    %dma_wait3A_1310 = tpu.memref_slice %arg3[%mul3A_43, %dma_wait3A] : memref<392x128xf32, #tpu.memory_space<hbm>> -> memref<112x128xf32, #tpu.memory_space<hbm>>
    %dma_wait3A_1311 = arith.constant 0 : i32
    %dma_wait3A_1312 = tpu.memref_slice %arg3[%mul3A_43, %dma_wait3A_1311] : memref<392x128xf32, #tpu.memory_space<hbm>> -> memref<112x128xf32, #tpu.memory_space<hbm>>
    tpu.wait_dma2 semaphore(%arg23 : memref<!tpu.dma_semaphore, #tpu.memory_space<semaphore_mem>>) src(%dma_wait3A_1312 : memref<112x128xf32, #tpu.memory_space<hbm>>) dst(%arg9 : memref<112x128xf32, #tpu.memory_space<vmem>>)
    %dma_wait3A_1313 = arith.constant 0 : i32
    %dma_wait3A_1314 = arith.constant 0 : i32
    %dma_wait3A_1315 = arith.constant 0 : i32
    %dma_wait3A_1316 = tpu.memref_slice %arg8[%dma_wait3A_1314, %dma_wait3A_1315] : memref<28x128xf32, #tpu.memory_space<vmem>> -> memref<2x128xf32, #tpu.memory_space<vmem>>
    %dma_wait3A_1317 = arith.constant 0 : i32
    %dma_wait3A_1318 = arith.constant 0 : i32
    %dma_wait3A_1319 = tpu.memref_slice %arg2[%add3A_48, %dma_wait3A_1313, %dma_wait3A_1317, %dma_wait3A_1318] : memref<7x7x2x128xf32, #tpu.memory_space<hbm>> -> memref<1x1x2x128xf32, #tpu.memory_space<hbm>>
    %dma_wait3A_1320 = tpu.memref_squeeze %dma_wait3A_1319 : memref<1x1x2x128xf32, #tpu.memory_space<hbm>> -> memref<2x128xf32, #tpu.memory_space<hbm>>
    %dma_wait3A_1321 = arith.constant 0 : i32
    %dma_wait3A_1322 = arith.constant 0 : i32
    %dma_wait3A_1323 = tpu.memref_slice %arg8[%dma_wait3A_1321, %dma_wait3A_1322] : memref<28x128xf32, #tpu.memory_space<vmem>> -> memref<2x128xf32, #tpu.memory_space<vmem>>
    %dma_wait3A_1324 = arith.constant 0 : i32
    %dma_wait3A_1325 = arith.constant 0 : i32
    %dma_wait3A_1326 = tpu.memref_slice %arg2[%add3A_48, %dma_wait3A_1313, %dma_wait3A_1324, %dma_wait3A_1325] : memref<7x7x2x128xf32, #tpu.memory_space<hbm>> -> memref<1x1x2x128xf32, #tpu.memory_space<hbm>>
    %dma_wait3A_1327 = tpu.memref_squeeze %dma_wait3A_1326 : memref<1x1x2x128xf32, #tpu.memory_space<hbm>> -> memref<2x128xf32, #tpu.memory_space<hbm>>
    tpu.wait_dma2 semaphore(%arg23 : memref<!tpu.dma_semaphore, #tpu.memory_space<semaphore_mem>>) src(%dma_wait3A_1327 : memref<2x128xf32, #tpu.memory_space<hbm>>) dst(%dma_wait3A_1323 : memref<2x128xf32, #tpu.memory_space<vmem>>)
    %dma_wait3A_1328 = arith.constant 1 : i32
    %dma_wait3A_1329 = arith.constant 2 : i32
    %dma_wait3A_1330 = arith.constant 0 : i32
    %dma_wait3A_1331 = tpu.memref_slice %arg8[%dma_wait3A_1329, %dma_wait3A_1330] : memref<28x128xf32, #tpu.memory_space<vmem>> -> memref<2x128xf32, #tpu.memory_space<vmem>>
    %dma_wait3A_1332 = arith.constant 0 : i32
    %dma_wait3A_1333 = arith.constant 0 : i32
    %dma_wait3A_1334 = tpu.memref_slice %arg2[%add3A_65, %dma_wait3A_1328, %dma_wait3A_1332, %dma_wait3A_1333] : memref<7x7x2x128xf32, #tpu.memory_space<hbm>> -> memref<1x1x2x128xf32, #tpu.memory_space<hbm>>
    %dma_wait3A_1335 = tpu.memref_squeeze %dma_wait3A_1334 : memref<1x1x2x128xf32, #tpu.memory_space<hbm>> -> memref<2x128xf32, #tpu.memory_space<hbm>>
    %dma_wait3A_1336 = arith.constant 2 : i32
    %dma_wait3A_1337 = arith.constant 0 : i32
    %dma_wait3A_1338 = tpu.memref_slice %arg8[%dma_wait3A_1336, %dma_wait3A_1337] : memref<28x128xf32, #tpu.memory_space<vmem>> -> memref<2x128xf32, #tpu.memory_space<vmem>>
    %dma_wait3A_1339 = arith.constant 0 : i32
    %dma_wait3A_1340 = arith.constant 0 : i32
    %dma_wait3A_1341 = tpu.memref_slice %arg2[%add3A_65, %dma_wait3A_1328, %dma_wait3A_1339, %dma_wait3A_1340] : memref<7x7x2x128xf32, #tpu.memory_space<hbm>> -> memref<1x1x2x128xf32, #tpu.memory_space<hbm>>
    %dma_wait3A_1342 = tpu.memref_squeeze %dma_wait3A_1341 : memref<1x1x2x128xf32, #tpu.memory_space<hbm>> -> memref<2x128xf32, #tpu.memory_space<hbm>>
    tpu.wait_dma2 semaphore(%arg23 : memref<!tpu.dma_semaphore, #tpu.memory_space<semaphore_mem>>) src(%dma_wait3A_1342 : memref<2x128xf32, #tpu.memory_space<hbm>>) dst(%dma_wait3A_1338 : memref<2x128xf32, #tpu.memory_space<vmem>>)
    %dma_wait3A_1343 = arith.constant 2 : i32
    %dma_wait3A_1344 = arith.constant 4 : i32
    %dma_wait3A_1345 = arith.constant 0 : i32
    %dma_wait3A_1346 = tpu.memref_slice %arg8[%dma_wait3A_1344, %dma_wait3A_1345] : memref<28x128xf32, #tpu.memory_space<vmem>> -> memref<2x128xf32, #tpu.memory_space<vmem>>
    %dma_wait3A_1347 = arith.constant 0 : i32
    %dma_wait3A_1348 = arith.constant 0 : i32
    %dma_wait3A_1349 = tpu.memref_slice %arg2[%add3A_82, %dma_wait3A_1343, %dma_wait3A_1347, %dma_wait3A_1348] : memref<7x7x2x128xf32, #tpu.memory_space<hbm>> -> memref<1x1x2x128xf32, #tpu.memory_space<hbm>>
    %dma_wait3A_1350 = tpu.memref_squeeze %dma_wait3A_1349 : memref<1x1x2x128xf32, #tpu.memory_space<hbm>> -> memref<2x128xf32, #tpu.memory_space<hbm>>
    %dma_wait3A_1351 = arith.constant 4 : i32
    %dma_wait3A_1352 = arith.constant 0 : i32
    %dma_wait3A_1353 = tpu.memref_slice %arg8[%dma_wait3A_1351, %dma_wait3A_1352] : memref<28x128xf32, #tpu.memory_space<vmem>> -> memref<2x128xf32, #tpu.memory_space<vmem>>
    %dma_wait3A_1354 = arith.constant 0 : i32
    %dma_wait3A_1355 = arith.constant 0 : i32
    %dma_wait3A_1356 = tpu.memref_slice %arg2[%add3A_82, %dma_wait3A_1343, %dma_wait3A_1354, %dma_wait3A_1355] : memref<7x7x2x128xf32, #tpu.memory_space<hbm>> -> memref<1x1x2x128xf32, #tpu.memory_space<hbm>>
    %dma_wait3A_1357 = tpu.memref_squeeze %dma_wait3A_1356 : memref<1x1x2x128xf32, #tpu.memory_space<hbm>> -> memref<2x128xf32, #tpu.memory_space<hbm>>
    tpu.wait_dma2 semaphore(%arg23 : memref<!tpu.dma_semaphore, #tpu.memory_space<semaphore_mem>>) src(%dma_wait3A_1357 : memref<2x128xf32, #tpu.memory_space<hbm>>) dst(%dma_wait3A_1353 : memref<2x128xf32, #tpu.memory_space<vmem>>)
    %dma_wait3A_1358 = arith.constant 3 : i32
    %dma_wait3A_1359 = arith.constant 6 : i32
    %dma_wait3A_1360 = arith.constant 0 : i32
    %dma_wait3A_1361 = tpu.memref_slice %arg8[%dma_wait3A_1359, %dma_wait3A_1360] : memref<28x128xf32, #tpu.memory_space<vmem>> -> memref<2x128xf32, #tpu.memory_space<vmem>>
    %dma_wait3A_1362 = arith.constant 0 : i32
    %dma_wait3A_1363 = arith.constant 0 : i32
    %dma_wait3A_1364 = tpu.memref_slice %arg2[%add3A_99, %dma_wait3A_1358, %dma_wait3A_1362, %dma_wait3A_1363] : memref<7x7x2x128xf32, #tpu.memory_space<hbm>> -> memref<1x1x2x128xf32, #tpu.memory_space<hbm>>
    %dma_wait3A_1365 = tpu.memref_squeeze %dma_wait3A_1364 : memref<1x1x2x128xf32, #tpu.memory_space<hbm>> -> memref<2x128xf32, #tpu.memory_space<hbm>>
    %dma_wait3A_1366 = arith.constant 6 : i32
    %dma_wait3A_1367 = arith.constant 0 : i32
    %dma_wait3A_1368 = tpu.memref_slice %arg8[%dma_wait3A_1366, %dma_wait3A_1367] : memref<28x128xf32, #tpu.memory_space<vmem>> -> memref<2x128xf32, #tpu.memory_space<vmem>>
    %dma_wait3A_1369 = arith.constant 0 : i32
    %dma_wait3A_1370 = arith.constant 0 : i32
    %dma_wait3A_1371 = tpu.memref_slice %arg2[%add3A_99, %dma_wait3A_1358, %dma_wait3A_1369, %dma_wait3A_1370] : memref<7x7x2x128xf32, #tpu.memory_space<hbm>> -> memref<1x1x2x128xf32, #tpu.memory_space<hbm>>
    %dma_wait3A_1372 = tpu.memref_squeeze %dma_wait3A_1371 : memref<1x1x2x128xf32, #tpu.memory_space<hbm>> -> memref<2x128xf32, #tpu.memory_space<hbm>>
    tpu.wait_dma2 semaphore(%arg23 : memref<!tpu.dma_semaphore, #tpu.memory_space<semaphore_mem>>) src(%dma_wait3A_1372 : memref<2x128xf32, #tpu.memory_space<hbm>>) dst(%dma_wait3A_1368 : memref<2x128xf32, #tpu.memory_space<vmem>>)
    %dma_wait3A_1373 = arith.constant 4 : i32
    %dma_wait3A_1374 = arith.constant 8 : i32
    %dma_wait3A_1375 = arith.constant 0 : i32
    %dma_wait3A_1376 = tpu.memref_slice %arg8[%dma_wait3A_1374, %dma_wait3A_1375] : memref<28x128xf32, #tpu.memory_space<vmem>> -> memref<2x128xf32, #tpu.memory_space<vmem>>
    %dma_wait3A_1377 = arith.constant 0 : i32
    %dma_wait3A_1378 = arith.constant 0 : i32
    %dma_wait3A_1379 = tpu.memref_slice %arg2[%add3A_116, %dma_wait3A_1373, %dma_wait3A_1377, %dma_wait3A_1378] : memref<7x7x2x128xf32, #tpu.memory_space<hbm>> -> memref<1x1x2x128xf32, #tpu.memory_space<hbm>>
    %dma_wait3A_1380 = tpu.memref_squeeze %dma_wait3A_1379 : memref<1x1x2x128xf32, #tpu.memory_space<hbm>> -> memref<2x128xf32, #tpu.memory_space<hbm>>
    %dma_wait3A_1381 = arith.constant 8 : i32
    %dma_wait3A_1382 = arith.constant 0 : i32
    %dma_wait3A_1383 = tpu.memref_slice %arg8[%dma_wait3A_1381, %dma_wait3A_1382] : memref<28x128xf32, #tpu.memory_space<vmem>> -> memref<2x128xf32, #tpu.memory_space<vmem>>
    %dma_wait3A_1384 = arith.constant 0 : i32
    %dma_wait3A_1385 = arith.constant 0 : i32
    %dma_wait3A_1386 = tpu.memref_slice %arg2[%add3A_116, %dma_wait3A_1373, %dma_wait3A_1384, %dma_wait3A_1385] : memref<7x7x2x128xf32, #tpu.memory_space<hbm>> -> memref<1x1x2x128xf32, #tpu.memory_space<hbm>>
    %dma_wait3A_1387 = tpu.memref_squeeze %dma_wait3A_1386 : memref<1x1x2x128xf32, #tpu.memory_space<hbm>> -> memref<2x128xf32, #tpu.memory_space<hbm>>
    tpu.wait_dma2 semaphore(%arg23 : memref<!tpu.dma_semaphore, #tpu.memory_space<semaphore_mem>>) src(%dma_wait3A_1387 : memref<2x128xf32, #tpu.memory_space<hbm>>) dst(%dma_wait3A_1383 : memref<2x128xf32, #tpu.memory_space<vmem>>)
    %dma_wait3A_1388 = arith.constant 5 : i32
    %dma_wait3A_1389 = arith.constant 10 : i32
    %dma_wait3A_1390 = arith.constant 0 : i32
    %dma_wait3A_1391 = tpu.memref_slice %arg8[%dma_wait3A_1389, %dma_wait3A_1390] : memref<28x128xf32, #tpu.memory_space<vmem>> -> memref<2x128xf32, #tpu.memory_space<vmem>>
    %dma_wait3A_1392 = arith.constant 0 : i32
    %dma_wait3A_1393 = arith.constant 0 : i32
    %dma_wait3A_1394 = tpu.memref_slice %arg2[%add3A_133, %dma_wait3A_1388, %dma_wait3A_1392, %dma_wait3A_1393] : memref<7x7x2x128xf32, #tpu.memory_space<hbm>> -> memref<1x1x2x128xf32, #tpu.memory_space<hbm>>
    %dma_wait3A_1395 = tpu.memref_squeeze %dma_wait3A_1394 : memref<1x1x2x128xf32, #tpu.memory_space<hbm>> -> memref<2x128xf32, #tpu.memory_space<hbm>>
    %dma_wait3A_1396 = arith.constant 10 : i32
    %dma_wait3A_1397 = arith.constant 0 : i32
    %dma_wait3A_1398 = tpu.memref_slice %arg8[%dma_wait3A_1396, %dma_wait3A_1397] : memref<28x128xf32, #tpu.memory_space<vmem>> -> memref<2x128xf32, #tpu.memory_space<vmem>>
    %dma_wait3A_1399 = arith.constant 0 : i32
    %dma_wait3A_1400 = arith.constant 0 : i32
    %dma_wait3A_1401 = tpu.memref_slice %arg2[%add3A_133, %dma_wait3A_1388, %dma_wait3A_1399, %dma_wait3A_1400] : memref<7x7x2x128xf32, #tpu.memory_space<hbm>> -> memref<1x1x2x128xf32, #tpu.memory_space<hbm>>
    %dma_wait3A_1402 = tpu.memref_squeeze %dma_wait3A_1401 : memref<1x1x2x128xf32, #tpu.memory_space<hbm>> -> memref<2x128xf32, #tpu.memory_space<hbm>>
    tpu.wait_dma2 semaphore(%arg23 : memref<!tpu.dma_semaphore, #tpu.memory_space<semaphore_mem>>) src(%dma_wait3A_1402 : memref<2x128xf32, #tpu.memory_space<hbm>>) dst(%dma_wait3A_1398 : memref<2x128xf32, #tpu.memory_space<vmem>>)
    %dma_wait3A_1403 = arith.constant 6 : i32
    %dma_wait3A_1404 = arith.constant 12 : i32
    %dma_wait3A_1405 = arith.constant 0 : i32
    %dma_wait3A_1406 = tpu.memref_slice %arg8[%dma_wait3A_1404, %dma_wait3A_1405] : memref<28x128xf32, #tpu.memory_space<vmem>> -> memref<2x128xf32, #tpu.memory_space<vmem>>
    %dma_wait3A_1407 = arith.constant 0 : i32
    %dma_wait3A_1408 = arith.constant 0 : i32
    %dma_wait3A_1409 = tpu.memref_slice %arg2[%add3A_150, %dma_wait3A_1403, %dma_wait3A_1407, %dma_wait3A_1408] : memref<7x7x2x128xf32, #tpu.memory_space<hbm>> -> memref<1x1x2x128xf32, #tpu.memory_space<hbm>>
    %dma_wait3A_1410 = tpu.memref_squeeze %dma_wait3A_1409 : memref<1x1x2x128xf32, #tpu.memory_space<hbm>> -> memref<2x128xf32, #tpu.memory_space<hbm>>
    %dma_wait3A_1411 = arith.constant 12 : i32
    %dma_wait3A_1412 = arith.constant 0 : i32
    %dma_wait3A_1413 = tpu.memref_slice %arg8[%dma_wait3A_1411, %dma_wait3A_1412] : memref<28x128xf32, #tpu.memory_space<vmem>> -> memref<2x128xf32, #tpu.memory_space<vmem>>
    %dma_wait3A_1414 = arith.constant 0 : i32
    %dma_wait3A_1415 = arith.constant 0 : i32
    %dma_wait3A_1416 = tpu.memref_slice %arg2[%add3A_150, %dma_wait3A_1403, %dma_wait3A_1414, %dma_wait3A_1415] : memref<7x7x2x128xf32, #tpu.memory_space<hbm>> -> memref<1x1x2x128xf32, #tpu.memory_space<hbm>>
    %dma_wait3A_1417 = tpu.memref_squeeze %dma_wait3A_1416 : memref<1x1x2x128xf32, #tpu.memory_space<hbm>> -> memref<2x128xf32, #tpu.memory_space<hbm>>
    tpu.wait_dma2 semaphore(%arg23 : memref<!tpu.dma_semaphore, #tpu.memory_space<semaphore_mem>>) src(%dma_wait3A_1417 : memref<2x128xf32, #tpu.memory_space<hbm>>) dst(%dma_wait3A_1413 : memref<2x128xf32, #tpu.memory_space<vmem>>)
    %dma_wait3A_1418 = arith.constant 0 : i32
    %dma_wait3A_1419 = arith.constant 0 : i32
    %dma_wait3A_1420 = arith.constant 0 : i32
    %dma_wait3A_1421 = tpu.memref_slice %arg10[%dma_wait3A_1419, %dma_wait3A_1420] : memref<280x128xf32, #tpu.memory_space<vmem>> -> memref<7x128xf32, #tpu.memory_space<vmem>>
    %dma_wait3A_1422 = arith.constant 0 : i32
    %dma_wait3A_1423 = arith.constant 0 : i32
    %dma_wait3A_1424 = tpu.memref_slice %arg4[%add3A_167, %dma_wait3A_1418, %dma_wait3A_1422, %dma_wait3A_1423] : memref<7x20x7x128xf32, #tpu.memory_space<hbm>> -> memref<1x1x7x128xf32, #tpu.memory_space<hbm>>
    %dma_wait3A_1425 = tpu.memref_squeeze %dma_wait3A_1424 : memref<1x1x7x128xf32, #tpu.memory_space<hbm>> -> memref<7x128xf32, #tpu.memory_space<hbm>>
    %dma_wait3A_1426 = arith.constant 0 : i32
    %dma_wait3A_1427 = arith.constant 0 : i32
    %dma_wait3A_1428 = tpu.memref_slice %arg10[%dma_wait3A_1426, %dma_wait3A_1427] : memref<280x128xf32, #tpu.memory_space<vmem>> -> memref<7x128xf32, #tpu.memory_space<vmem>>
    %dma_wait3A_1429 = arith.constant 0 : i32
    %dma_wait3A_1430 = arith.constant 0 : i32
    %dma_wait3A_1431 = tpu.memref_slice %arg4[%add3A_167, %dma_wait3A_1418, %dma_wait3A_1429, %dma_wait3A_1430] : memref<7x20x7x128xf32, #tpu.memory_space<hbm>> -> memref<1x1x7x128xf32, #tpu.memory_space<hbm>>
    %dma_wait3A_1432 = tpu.memref_squeeze %dma_wait3A_1431 : memref<1x1x7x128xf32, #tpu.memory_space<hbm>> -> memref<7x128xf32, #tpu.memory_space<hbm>>
    tpu.wait_dma2 semaphore(%arg23 : memref<!tpu.dma_semaphore, #tpu.memory_space<semaphore_mem>>) src(%dma_wait3A_1432 : memref<7x128xf32, #tpu.memory_space<hbm>>) dst(%dma_wait3A_1428 : memref<7x128xf32, #tpu.memory_space<vmem>>)
    %dma_wait3A_1433 = arith.constant 1 : i32
    %dma_wait3A_1434 = arith.constant 7 : i32
    %dma_wait3A_1435 = arith.constant 0 : i32
    %dma_wait3A_1436 = tpu.memref_slice %arg10[%dma_wait3A_1434, %dma_wait3A_1435] : memref<280x128xf32, #tpu.memory_space<vmem>> -> memref<7x128xf32, #tpu.memory_space<vmem>>
    %dma_wait3A_1437 = arith.constant 0 : i32
    %dma_wait3A_1438 = arith.constant 0 : i32
    %dma_wait3A_1439 = tpu.memref_slice %arg4[%add3A_184, %dma_wait3A_1433, %dma_wait3A_1437, %dma_wait3A_1438] : memref<7x20x7x128xf32, #tpu.memory_space<hbm>> -> memref<1x1x7x128xf32, #tpu.memory_space<hbm>>
    %dma_wait3A_1440 = tpu.memref_squeeze %dma_wait3A_1439 : memref<1x1x7x128xf32, #tpu.memory_space<hbm>> -> memref<7x128xf32, #tpu.memory_space<hbm>>
    %dma_wait3A_1441 = arith.constant 7 : i32
    %dma_wait3A_1442 = arith.constant 0 : i32
    %dma_wait3A_1443 = tpu.memref_slice %arg10[%dma_wait3A_1441, %dma_wait3A_1442] : memref<280x128xf32, #tpu.memory_space<vmem>> -> memref<7x128xf32, #tpu.memory_space<vmem>>
    %dma_wait3A_1444 = arith.constant 0 : i32
    %dma_wait3A_1445 = arith.constant 0 : i32
    %dma_wait3A_1446 = tpu.memref_slice %arg4[%add3A_184, %dma_wait3A_1433, %dma_wait3A_1444, %dma_wait3A_1445] : memref<7x20x7x128xf32, #tpu.memory_space<hbm>> -> memref<1x1x7x128xf32, #tpu.memory_space<hbm>>
    %dma_wait3A_1447 = tpu.memref_squeeze %dma_wait3A_1446 : memref<1x1x7x128xf32, #tpu.memory_space<hbm>> -> memref<7x128xf32, #tpu.memory_space<hbm>>
    tpu.wait_dma2 semaphore(%arg23 : memref<!tpu.dma_semaphore, #tpu.memory_space<semaphore_mem>>) src(%dma_wait3A_1447 : memref<7x128xf32, #tpu.memory_space<hbm>>) dst(%dma_wait3A_1443 : memref<7x128xf32, #tpu.memory_space<vmem>>)
    %dma_wait3A_1448 = arith.constant 2 : i32
    %dma_wait3A_1449 = arith.constant 14 : i32
    %dma_wait3A_1450 = arith.constant 0 : i32
    %dma_wait3A_1451 = tpu.memref_slice %arg10[%dma_wait3A_1449, %dma_wait3A_1450] : memref<280x128xf32, #tpu.memory_space<vmem>> -> memref<7x128xf32, #tpu.memory_space<vmem>>
    %dma_wait3A_1452 = arith.constant 0 : i32
    %dma_wait3A_1453 = arith.constant 0 : i32
    %dma_wait3A_1454 = tpu.memref_slice %arg4[%add3A_201, %dma_wait3A_1448, %dma_wait3A_1452, %dma_wait3A_1453] : memref<7x20x7x128xf32, #tpu.memory_space<hbm>> -> memref<1x1x7x128xf32, #tpu.memory_space<hbm>>
    %dma_wait3A_1455 = tpu.memref_squeeze %dma_wait3A_1454 : memref<1x1x7x128xf32, #tpu.memory_space<hbm>> -> memref<7x128xf32, #tpu.memory_space<hbm>>
    %dma_wait3A_1456 = arith.constant 14 : i32
    %dma_wait3A_1457 = arith.constant 0 : i32
    %dma_wait3A_1458 = tpu.memref_slice %arg10[%dma_wait3A_1456, %dma_wait3A_1457] : memref<280x128xf32, #tpu.memory_space<vmem>> -> memref<7x128xf32, #tpu.memory_space<vmem>>
    %dma_wait3A_1459 = arith.constant 0 : i32
    %dma_wait3A_1460 = arith.constant 0 : i32
    %dma_wait3A_1461 = tpu.memref_slice %arg4[%add3A_201, %dma_wait3A_1448, %dma_wait3A_1459, %dma_wait3A_1460] : memref<7x20x7x128xf32, #tpu.memory_space<hbm>> -> memref<1x1x7x128xf32, #tpu.memory_space<hbm>>
    %dma_wait3A_1462 = tpu.memref_squeeze %dma_wait3A_1461 : memref<1x1x7x128xf32, #tpu.memory_space<hbm>> -> memref<7x128xf32, #tpu.memory_space<hbm>>
    tpu.wait_dma2 semaphore(%arg23 : memref<!tpu.dma_semaphore, #tpu.memory_space<semaphore_mem>>) src(%dma_wait3A_1462 : memref<7x128xf32, #tpu.memory_space<hbm>>) dst(%dma_wait3A_1458 : memref<7x128xf32, #tpu.memory_space<vmem>>)
    %dma_wait3A_1463 = arith.constant 3 : i32
    %dma_wait3A_1464 = arith.constant 21 : i32
    %dma_wait3A_1465 = arith.constant 0 : i32
    %dma_wait3A_1466 = tpu.memref_slice %arg10[%dma_wait3A_1464, %dma_wait3A_1465] : memref<280x128xf32, #tpu.memory_space<vmem>> -> memref<7x128xf32, #tpu.memory_space<vmem>>
    %dma_wait3A_1467 = arith.constant 0 : i32
    %dma_wait3A_1468 = arith.constant 0 : i32
    %dma_wait3A_1469 = tpu.memref_slice %arg4[%add3A_218, %dma_wait3A_1463, %dma_wait3A_1467, %dma_wait3A_1468] : memref<7x20x7x128xf32, #tpu.memory_space<hbm>> -> memref<1x1x7x128xf32, #tpu.memory_space<hbm>>
    %dma_wait3A_1470 = tpu.memref_squeeze %dma_wait3A_1469 : memref<1x1x7x128xf32, #tpu.memory_space<hbm>> -> memref<7x128xf32, #tpu.memory_space<hbm>>
    %dma_wait3A_1471 = arith.constant 21 : i32
    %dma_wait3A_1472 = arith.constant 0 : i32
    %dma_wait3A_1473 = tpu.memref_slice %arg10[%dma_wait3A_1471, %dma_wait3A_1472] : memref<280x128xf32, #tpu.memory_space<vmem>> -> memref<7x128xf32, #tpu.memory_space<vmem>>
    %dma_wait3A_1474 = arith.constant 0 : i32
    %dma_wait3A_1475 = arith.constant 0 : i32
    %dma_wait3A_1476 = tpu.memref_slice %arg4[%add3A_218, %dma_wait3A_1463, %dma_wait3A_1474, %dma_wait3A_1475] : memref<7x20x7x128xf32, #tpu.memory_space<hbm>> -> memref<1x1x7x128xf32, #tpu.memory_space<hbm>>
    %dma_wait3A_1477 = tpu.memref_squeeze %dma_wait3A_1476 : memref<1x1x7x128xf32, #tpu.memory_space<hbm>> -> memref<7x128xf32, #tpu.memory_space<hbm>>
    tpu.wait_dma2 semaphore(%arg23 : memref<!tpu.dma_semaphore, #tpu.memory_space<semaphore_mem>>) src(%dma_wait3A_1477 : memref<7x128xf32, #tpu.memory_space<hbm>>) dst(%dma_wait3A_1473 : memref<7x128xf32, #tpu.memory_space<vmem>>)
    %dma_wait3A_1478 = arith.constant 4 : i32
    %dma_wait3A_1479 = arith.constant 28 : i32
    %dma_wait3A_1480 = arith.constant 0 : i32
    %dma_wait3A_1481 = tpu.memref_slice %arg10[%dma_wait3A_1479, %dma_wait3A_1480] : memref<280x128xf32, #tpu.memory_space<vmem>> -> memref<7x128xf32, #tpu.memory_space<vmem>>
    %dma_wait3A_1482 = arith.constant 0 : i32
    %dma_wait3A_1483 = arith.constant 0 : i32
    %dma_wait3A_1484 = tpu.memref_slice %arg4[%add3A_235, %dma_wait3A_1478, %dma_wait3A_1482, %dma_wait3A_1483] : memref<7x20x7x128xf32, #tpu.memory_space<hbm>> -> memref<1x1x7x128xf32, #tpu.memory_space<hbm>>
    %dma_wait3A_1485 = tpu.memref_squeeze %dma_wait3A_1484 : memref<1x1x7x128xf32, #tpu.memory_space<hbm>> -> memref<7x128xf32, #tpu.memory_space<hbm>>
    %dma_wait3A_1486 = arith.constant 28 : i32
    %dma_wait3A_1487 = arith.constant 0 : i32
    %dma_wait3A_1488 = tpu.memref_slice %arg10[%dma_wait3A_1486, %dma_wait3A_1487] : memref<280x128xf32, #tpu.memory_space<vmem>> -> memref<7x128xf32, #tpu.memory_space<vmem>>
    %dma_wait3A_1489 = arith.constant 0 : i32
    %dma_wait3A_1490 = arith.constant 0 : i32
    %dma_wait3A_1491 = tpu.memref_slice %arg4[%add3A_235, %dma_wait3A_1478, %dma_wait3A_1489, %dma_wait3A_1490] : memref<7x20x7x128xf32, #tpu.memory_space<hbm>> -> memref<1x1x7x128xf32, #tpu.memory_space<hbm>>
    %dma_wait3A_1492 = tpu.memref_squeeze %dma_wait3A_1491 : memref<1x1x7x128xf32, #tpu.memory_space<hbm>> -> memref<7x128xf32, #tpu.memory_space<hbm>>
    tpu.wait_dma2 semaphore(%arg23 : memref<!tpu.dma_semaphore, #tpu.memory_space<semaphore_mem>>) src(%dma_wait3A_1492 : memref<7x128xf32, #tpu.memory_space<hbm>>) dst(%dma_wait3A_1488 : memref<7x128xf32, #tpu.memory_space<vmem>>)
    %dma_wait3A_1493 = arith.constant 5 : i32
    %dma_wait3A_1494 = arith.constant 35 : i32
    %dma_wait3A_1495 = arith.constant 0 : i32
    %dma_wait3A_1496 = tpu.memref_slice %arg10[%dma_wait3A_1494, %dma_wait3A_1495] : memref<280x128xf32, #tpu.memory_space<vmem>> -> memref<7x128xf32, #tpu.memory_space<vmem>>
    %dma_wait3A_1497 = arith.constant 0 : i32
    %dma_wait3A_1498 = arith.constant 0 : i32
    %dma_wait3A_1499 = tpu.memref_slice %arg4[%add3A_252, %dma_wait3A_1493, %dma_wait3A_1497, %dma_wait3A_1498] : memref<7x20x7x128xf32, #tpu.memory_space<hbm>> -> memref<1x1x7x128xf32, #tpu.memory_space<hbm>>
    %dma_wait3A_1500 = tpu.memref_squeeze %dma_wait3A_1499 : memref<1x1x7x128xf32, #tpu.memory_space<hbm>> -> memref<7x128xf32, #tpu.memory_space<hbm>>
    %dma_wait3A_1501 = arith.constant 35 : i32
    %dma_wait3A_1502 = arith.constant 0 : i32
    %dma_wait3A_1503 = tpu.memref_slice %arg10[%dma_wait3A_1501, %dma_wait3A_1502] : memref<280x128xf32, #tpu.memory_space<vmem>> -> memref<7x128xf32, #tpu.memory_space<vmem>>
    %dma_wait3A_1504 = arith.constant 0 : i32
    %dma_wait3A_1505 = arith.constant 0 : i32
    %dma_wait3A_1506 = tpu.memref_slice %arg4[%add3A_252, %dma_wait3A_1493, %dma_wait3A_1504, %dma_wait3A_1505] : memref<7x20x7x128xf32, #tpu.memory_space<hbm>> -> memref<1x1x7x128xf32, #tpu.memory_space<hbm>>
    %dma_wait3A_1507 = tpu.memref_squeeze %dma_wait3A_1506 : memref<1x1x7x128xf32, #tpu.memory_space<hbm>> -> memref<7x128xf32, #tpu.memory_space<hbm>>
    tpu.wait_dma2 semaphore(%arg23 : memref<!tpu.dma_semaphore, #tpu.memory_space<semaphore_mem>>) src(%dma_wait3A_1507 : memref<7x128xf32, #tpu.memory_space<hbm>>) dst(%dma_wait3A_1503 : memref<7x128xf32, #tpu.memory_space<vmem>>)
    %dma_wait3A_1508 = arith.constant 6 : i32
    %dma_wait3A_1509 = arith.constant 42 : i32
    %dma_wait3A_1510 = arith.constant 0 : i32
    %dma_wait3A_1511 = tpu.memref_slice %arg10[%dma_wait3A_1509, %dma_wait3A_1510] : memref<280x128xf32, #tpu.memory_space<vmem>> -> memref<7x128xf32, #tpu.memory_space<vmem>>
    %dma_wait3A_1512 = arith.constant 0 : i32
    %dma_wait3A_1513 = arith.constant 0 : i32
    %dma_wait3A_1514 = tpu.memref_slice %arg4[%add3A_269, %dma_wait3A_1508, %dma_wait3A_1512, %dma_wait3A_1513] : memref<7x20x7x128xf32, #tpu.memory_space<hbm>> -> memref<1x1x7x128xf32, #tpu.memory_space<hbm>>
    %dma_wait3A_1515 = tpu.memref_squeeze %dma_wait3A_1514 : memref<1x1x7x128xf32, #tpu.memory_space<hbm>> -> memref<7x128xf32, #tpu.memory_space<hbm>>
    %dma_wait3A_1516 = arith.constant 42 : i32
    %dma_wait3A_1517 = arith.constant 0 : i32
    %dma_wait3A_1518 = tpu.memref_slice %arg10[%dma_wait3A_1516, %dma_wait3A_1517] : memref<280x128xf32, #tpu.memory_space<vmem>> -> memref<7x128xf32, #tpu.memory_space<vmem>>
    %dma_wait3A_1519 = arith.constant 0 : i32
    %dma_wait3A_1520 = arith.constant 0 : i32
    %dma_wait3A_1521 = tpu.memref_slice %arg4[%add3A_269, %dma_wait3A_1508, %dma_wait3A_1519, %dma_wait3A_1520] : memref<7x20x7x128xf32, #tpu.memory_space<hbm>> -> memref<1x1x7x128xf32, #tpu.memory_space<hbm>>
    %dma_wait3A_1522 = tpu.memref_squeeze %dma_wait3A_1521 : memref<1x1x7x128xf32, #tpu.memory_space<hbm>> -> memref<7x128xf32, #tpu.memory_space<hbm>>
    tpu.wait_dma2 semaphore(%arg23 : memref<!tpu.dma_semaphore, #tpu.memory_space<semaphore_mem>>) src(%dma_wait3A_1522 : memref<7x128xf32, #tpu.memory_space<hbm>>) dst(%dma_wait3A_1518 : memref<7x128xf32, #tpu.memory_space<vmem>>)
    %dma_wait3A_1523 = arith.constant 7 : i32
    %dma_wait3A_1524 = arith.constant 49 : i32
    %dma_wait3A_1525 = arith.constant 0 : i32
    %dma_wait3A_1526 = tpu.memref_slice %arg10[%dma_wait3A_1524, %dma_wait3A_1525] : memref<280x128xf32, #tpu.memory_space<vmem>> -> memref<7x128xf32, #tpu.memory_space<vmem>>
    %dma_wait3A_1527 = arith.constant 0 : i32
    %dma_wait3A_1528 = arith.constant 0 : i32
    %dma_wait3A_1529 = tpu.memref_slice %arg4[%add3A_286, %dma_wait3A_1523, %dma_wait3A_1527, %dma_wait3A_1528] : memref<7x20x7x128xf32, #tpu.memory_space<hbm>> -> memref<1x1x7x128xf32, #tpu.memory_space<hbm>>
    %dma_wait3A_1530 = tpu.memref_squeeze %dma_wait3A_1529 : memref<1x1x7x128xf32, #tpu.memory_space<hbm>> -> memref<7x128xf32, #tpu.memory_space<hbm>>
    %dma_wait3A_1531 = arith.constant 49 : i32
    %dma_wait3A_1532 = arith.constant 0 : i32
    %dma_wait3A_1533 = tpu.memref_slice %arg10[%dma_wait3A_1531, %dma_wait3A_1532] : memref<280x128xf32, #tpu.memory_space<vmem>> -> memref<7x128xf32, #tpu.memory_space<vmem>>
    %dma_wait3A_1534 = arith.constant 0 : i32
    %dma_wait3A_1535 = arith.constant 0 : i32
    %dma_wait3A_1536 = tpu.memref_slice %arg4[%add3A_286, %dma_wait3A_1523, %dma_wait3A_1534, %dma_wait3A_1535] : memref<7x20x7x128xf32, #tpu.memory_space<hbm>> -> memref<1x1x7x128xf32, #tpu.memory_space<hbm>>
    %dma_wait3A_1537 = tpu.memref_squeeze %dma_wait3A_1536 : memref<1x1x7x128xf32, #tpu.memory_space<hbm>> -> memref<7x128xf32, #tpu.memory_space<hbm>>
    tpu.wait_dma2 semaphore(%arg23 : memref<!tpu.dma_semaphore, #tpu.memory_space<semaphore_mem>>) src(%dma_wait3A_1537 : memref<7x128xf32, #tpu.memory_space<hbm>>) dst(%dma_wait3A_1533 : memref<7x128xf32, #tpu.memory_space<vmem>>)
    %dma_wait3A_1538 = arith.constant 8 : i32
    %dma_wait3A_1539 = arith.constant 56 : i32
    %dma_wait3A_1540 = arith.constant 0 : i32
    %dma_wait3A_1541 = tpu.memref_slice %arg10[%dma_wait3A_1539, %dma_wait3A_1540] : memref<280x128xf32, #tpu.memory_space<vmem>> -> memref<7x128xf32, #tpu.memory_space<vmem>>
    %dma_wait3A_1542 = arith.constant 0 : i32
    %dma_wait3A_1543 = arith.constant 0 : i32
    %dma_wait3A_1544 = tpu.memref_slice %arg4[%add3A_303, %dma_wait3A_1538, %dma_wait3A_1542, %dma_wait3A_1543] : memref<7x20x7x128xf32, #tpu.memory_space<hbm>> -> memref<1x1x7x128xf32, #tpu.memory_space<hbm>>
    %dma_wait3A_1545 = tpu.memref_squeeze %dma_wait3A_1544 : memref<1x1x7x128xf32, #tpu.memory_space<hbm>> -> memref<7x128xf32, #tpu.memory_space<hbm>>
    %dma_wait3A_1546 = arith.constant 56 : i32
    %dma_wait3A_1547 = arith.constant 0 : i32
    %dma_wait3A_1548 = tpu.memref_slice %arg10[%dma_wait3A_1546, %dma_wait3A_1547] : memref<280x128xf32, #tpu.memory_space<vmem>> -> memref<7x128xf32, #tpu.memory_space<vmem>>
    %dma_wait3A_1549 = arith.constant 0 : i32
    %dma_wait3A_1550 = arith.constant 0 : i32
    %dma_wait3A_1551 = tpu.memref_slice %arg4[%add3A_303, %dma_wait3A_1538, %dma_wait3A_1549, %dma_wait3A_1550] : memref<7x20x7x128xf32, #tpu.memory_space<hbm>> -> memref<1x1x7x128xf32, #tpu.memory_space<hbm>>
    %dma_wait3A_1552 = tpu.memref_squeeze %dma_wait3A_1551 : memref<1x1x7x128xf32, #tpu.memory_space<hbm>> -> memref<7x128xf32, #tpu.memory_space<hbm>>
    tpu.wait_dma2 semaphore(%arg23 : memref<!tpu.dma_semaphore, #tpu.memory_space<semaphore_mem>>) src(%dma_wait3A_1552 : memref<7x128xf32, #tpu.memory_space<hbm>>) dst(%dma_wait3A_1548 : memref<7x128xf32, #tpu.memory_space<vmem>>)
    %dma_wait3A_1553 = arith.constant 9 : i32
    %dma_wait3A_1554 = arith.constant 63 : i32
    %dma_wait3A_1555 = arith.constant 0 : i32
    %dma_wait3A_1556 = tpu.memref_slice %arg10[%dma_wait3A_1554, %dma_wait3A_1555] : memref<280x128xf32, #tpu.memory_space<vmem>> -> memref<7x128xf32, #tpu.memory_space<vmem>>
    %dma_wait3A_1557 = arith.constant 0 : i32
    %dma_wait3A_1558 = arith.constant 0 : i32
    %dma_wait3A_1559 = tpu.memref_slice %arg4[%add3A_320, %dma_wait3A_1553, %dma_wait3A_1557, %dma_wait3A_1558] : memref<7x20x7x128xf32, #tpu.memory_space<hbm>> -> memref<1x1x7x128xf32, #tpu.memory_space<hbm>>
    %dma_wait3A_1560 = tpu.memref_squeeze %dma_wait3A_1559 : memref<1x1x7x128xf32, #tpu.memory_space<hbm>> -> memref<7x128xf32, #tpu.memory_space<hbm>>
    %dma_wait3A_1561 = arith.constant 63 : i32
    %dma_wait3A_1562 = arith.constant 0 : i32
    %dma_wait3A_1563 = tpu.memref_slice %arg10[%dma_wait3A_1561, %dma_wait3A_1562] : memref<280x128xf32, #tpu.memory_space<vmem>> -> memref<7x128xf32, #tpu.memory_space<vmem>>
    %dma_wait3A_1564 = arith.constant 0 : i32
    %dma_wait3A_1565 = arith.constant 0 : i32
    %dma_wait3A_1566 = tpu.memref_slice %arg4[%add3A_320, %dma_wait3A_1553, %dma_wait3A_1564, %dma_wait3A_1565] : memref<7x20x7x128xf32, #tpu.memory_space<hbm>> -> memref<1x1x7x128xf32, #tpu.memory_space<hbm>>
    %dma_wait3A_1567 = tpu.memref_squeeze %dma_wait3A_1566 : memref<1x1x7x128xf32, #tpu.memory_space<hbm>> -> memref<7x128xf32, #tpu.memory_space<hbm>>
    tpu.wait_dma2 semaphore(%arg23 : memref<!tpu.dma_semaphore, #tpu.memory_space<semaphore_mem>>) src(%dma_wait3A_1567 : memref<7x128xf32, #tpu.memory_space<hbm>>) dst(%dma_wait3A_1563 : memref<7x128xf32, #tpu.memory_space<vmem>>)
    %dma_wait3A_1568 = arith.constant 10 : i32
    %dma_wait3A_1569 = arith.constant 70 : i32
    %dma_wait3A_1570 = arith.constant 0 : i32
    %dma_wait3A_1571 = tpu.memref_slice %arg10[%dma_wait3A_1569, %dma_wait3A_1570] : memref<280x128xf32, #tpu.memory_space<vmem>> -> memref<7x128xf32, #tpu.memory_space<vmem>>
    %dma_wait3A_1572 = arith.constant 0 : i32
    %dma_wait3A_1573 = arith.constant 0 : i32
    %dma_wait3A_1574 = tpu.memref_slice %arg4[%add3A_337, %dma_wait3A_1568, %dma_wait3A_1572, %dma_wait3A_1573] : memref<7x20x7x128xf32, #tpu.memory_space<hbm>> -> memref<1x1x7x128xf32, #tpu.memory_space<hbm>>
    %dma_wait3A_1575 = tpu.memref_squeeze %dma_wait3A_1574 : memref<1x1x7x128xf32, #tpu.memory_space<hbm>> -> memref<7x128xf32, #tpu.memory_space<hbm>>
    %dma_wait3A_1576 = arith.constant 70 : i32
    %dma_wait3A_1577 = arith.constant 0 : i32
    %dma_wait3A_1578 = tpu.memref_slice %arg10[%dma_wait3A_1576, %dma_wait3A_1577] : memref<280x128xf32, #tpu.memory_space<vmem>> -> memref<7x128xf32, #tpu.memory_space<vmem>>
    %dma_wait3A_1579 = arith.constant 0 : i32
    %dma_wait3A_1580 = arith.constant 0 : i32
    %dma_wait3A_1581 = tpu.memref_slice %arg4[%add3A_337, %dma_wait3A_1568, %dma_wait3A_1579, %dma_wait3A_1580] : memref<7x20x7x128xf32, #tpu.memory_space<hbm>> -> memref<1x1x7x128xf32, #tpu.memory_space<hbm>>
    %dma_wait3A_1582 = tpu.memref_squeeze %dma_wait3A_1581 : memref<1x1x7x128xf32, #tpu.memory_space<hbm>> -> memref<7x128xf32, #tpu.memory_space<hbm>>
    tpu.wait_dma2 semaphore(%arg23 : memref<!tpu.dma_semaphore, #tpu.memory_space<semaphore_mem>>) src(%dma_wait3A_1582 : memref<7x128xf32, #tpu.memory_space<hbm>>) dst(%dma_wait3A_1578 : memref<7x128xf32, #tpu.memory_space<vmem>>)
    %dma_wait3A_1583 = arith.constant 11 : i32
    %dma_wait3A_1584 = arith.constant 77 : i32
    %dma_wait3A_1585 = arith.constant 0 : i32
    %dma_wait3A_1586 = tpu.memref_slice %arg10[%dma_wait3A_1584, %dma_wait3A_1585] : memref<280x128xf32, #tpu.memory_space<vmem>> -> memref<7x128xf32, #tpu.memory_space<vmem>>
    %dma_wait3A_1587 = arith.constant 0 : i32
    %dma_wait3A_1588 = arith.constant 0 : i32
    %dma_wait3A_1589 = tpu.memref_slice %arg4[%add3A_354, %dma_wait3A_1583, %dma_wait3A_1587, %dma_wait3A_1588] : memref<7x20x7x128xf32, #tpu.memory_space<hbm>> -> memref<1x1x7x128xf32, #tpu.memory_space<hbm>>
    %dma_wait3A_1590 = tpu.memref_squeeze %dma_wait3A_1589 : memref<1x1x7x128xf32, #tpu.memory_space<hbm>> -> memref<7x128xf32, #tpu.memory_space<hbm>>
    %dma_wait3A_1591 = arith.constant 77 : i32
    %dma_wait3A_1592 = arith.constant 0 : i32
    %dma_wait3A_1593 = tpu.memref_slice %arg10[%dma_wait3A_1591, %dma_wait3A_1592] : memref<280x128xf32, #tpu.memory_space<vmem>> -> memref<7x128xf32, #tpu.memory_space<vmem>>
    %dma_wait3A_1594 = arith.constant 0 : i32
    %dma_wait3A_1595 = arith.constant 0 : i32
    %dma_wait3A_1596 = tpu.memref_slice %arg4[%add3A_354, %dma_wait3A_1583, %dma_wait3A_1594, %dma_wait3A_1595] : memref<7x20x7x128xf32, #tpu.memory_space<hbm>> -> memref<1x1x7x128xf32, #tpu.memory_space<hbm>>
    %dma_wait3A_1597 = tpu.memref_squeeze %dma_wait3A_1596 : memref<1x1x7x128xf32, #tpu.memory_space<hbm>> -> memref<7x128xf32, #tpu.memory_space<hbm>>
    tpu.wait_dma2 semaphore(%arg23 : memref<!tpu.dma_semaphore, #tpu.memory_space<semaphore_mem>>) src(%dma_wait3A_1597 : memref<7x128xf32, #tpu.memory_space<hbm>>) dst(%dma_wait3A_1593 : memref<7x128xf32, #tpu.memory_space<vmem>>)
    %dma_wait3A_1598 = arith.constant 12 : i32
    %dma_wait3A_1599 = arith.constant 84 : i32
    %dma_wait3A_1600 = arith.constant 0 : i32
    %dma_wait3A_1601 = tpu.memref_slice %arg10[%dma_wait3A_1599, %dma_wait3A_1600] : memref<280x128xf32, #tpu.memory_space<vmem>> -> memref<7x128xf32, #tpu.memory_space<vmem>>
    %dma_wait3A_1602 = arith.constant 0 : i32
    %dma_wait3A_1603 = arith.constant 0 : i32
    %dma_wait3A_1604 = tpu.memref_slice %arg4[%add3A_371, %dma_wait3A_1598, %dma_wait3A_1602, %dma_wait3A_1603] : memref<7x20x7x128xf32, #tpu.memory_space<hbm>> -> memref<1x1x7x128xf32, #tpu.memory_space<hbm>>
    %dma_wait3A_1605 = tpu.memref_squeeze %dma_wait3A_1604 : memref<1x1x7x128xf32, #tpu.memory_space<hbm>> -> memref<7x128xf32, #tpu.memory_space<hbm>>
    %dma_wait3A_1606 = arith.constant 84 : i32
    %dma_wait3A_1607 = arith.constant 0 : i32
    %dma_wait3A_1608 = tpu.memref_slice %arg10[%dma_wait3A_1606, %dma_wait3A_1607] : memref<280x128xf32, #tpu.memory_space<vmem>> -> memref<7x128xf32, #tpu.memory_space<vmem>>
    %dma_wait3A_1609 = arith.constant 0 : i32
    %dma_wait3A_1610 = arith.constant 0 : i32
    %dma_wait3A_1611 = tpu.memref_slice %arg4[%add3A_371, %dma_wait3A_1598, %dma_wait3A_1609, %dma_wait3A_1610] : memref<7x20x7x128xf32, #tpu.memory_space<hbm>> -> memref<1x1x7x128xf32, #tpu.memory_space<hbm>>
    %dma_wait3A_1612 = tpu.memref_squeeze %dma_wait3A_1611 : memref<1x1x7x128xf32, #tpu.memory_space<hbm>> -> memref<7x128xf32, #tpu.memory_space<hbm>>
    tpu.wait_dma2 semaphore(%arg23 : memref<!tpu.dma_semaphore, #tpu.memory_space<semaphore_mem>>) src(%dma_wait3A_1612 : memref<7x128xf32, #tpu.memory_space<hbm>>) dst(%dma_wait3A_1608 : memref<7x128xf32, #tpu.memory_space<vmem>>)
    %dma_wait3A_1613 = arith.constant 13 : i32
    %dma_wait3A_1614 = arith.constant 91 : i32
    %dma_wait3A_1615 = arith.constant 0 : i32
    %dma_wait3A_1616 = tpu.memref_slice %arg10[%dma_wait3A_1614, %dma_wait3A_1615] : memref<280x128xf32, #tpu.memory_space<vmem>> -> memref<7x128xf32, #tpu.memory_space<vmem>>
    %dma_wait3A_1617 = arith.constant 0 : i32
    %dma_wait3A_1618 = arith.constant 0 : i32
    %dma_wait3A_1619 = tpu.memref_slice %arg4[%add3A_388, %dma_wait3A_1613, %dma_wait3A_1617, %dma_wait3A_1618] : memref<7x20x7x128xf32, #tpu.memory_space<hbm>> -> memref<1x1x7x128xf32, #tpu.memory_space<hbm>>
    %dma_wait3A_1620 = tpu.memref_squeeze %dma_wait3A_1619 : memref<1x1x7x128xf32, #tpu.memory_space<hbm>> -> memref<7x128xf32, #tpu.memory_space<hbm>>
    %dma_wait3A_1621 = arith.constant 91 : i32
    %dma_wait3A_1622 = arith.constant 0 : i32
    %dma_wait3A_1623 = tpu.memref_slice %arg10[%dma_wait3A_1621, %dma_wait3A_1622] : memref<280x128xf32, #tpu.memory_space<vmem>> -> memref<7x128xf32, #tpu.memory_space<vmem>>
    %dma_wait3A_1624 = arith.constant 0 : i32
    %dma_wait3A_1625 = arith.constant 0 : i32
    %dma_wait3A_1626 = tpu.memref_slice %arg4[%add3A_388, %dma_wait3A_1613, %dma_wait3A_1624, %dma_wait3A_1625] : memref<7x20x7x128xf32, #tpu.memory_space<hbm>> -> memref<1x1x7x128xf32, #tpu.memory_space<hbm>>
    %dma_wait3A_1627 = tpu.memref_squeeze %dma_wait3A_1626 : memref<1x1x7x128xf32, #tpu.memory_space<hbm>> -> memref<7x128xf32, #tpu.memory_space<hbm>>
    tpu.wait_dma2 semaphore(%arg23 : memref<!tpu.dma_semaphore, #tpu.memory_space<semaphore_mem>>) src(%dma_wait3A_1627 : memref<7x128xf32, #tpu.memory_space<hbm>>) dst(%dma_wait3A_1623 : memref<7x128xf32, #tpu.memory_space<vmem>>)
    %dma_wait3A_1628 = arith.constant 14 : i32
    %dma_wait3A_1629 = arith.constant 98 : i32
    %dma_wait3A_1630 = arith.constant 0 : i32
    %dma_wait3A_1631 = tpu.memref_slice %arg10[%dma_wait3A_1629, %dma_wait3A_1630] : memref<280x128xf32, #tpu.memory_space<vmem>> -> memref<7x128xf32, #tpu.memory_space<vmem>>
    %dma_wait3A_1632 = arith.constant 0 : i32
    %dma_wait3A_1633 = arith.constant 0 : i32
    %dma_wait3A_1634 = tpu.memref_slice %arg4[%add3A_405, %dma_wait3A_1628, %dma_wait3A_1632, %dma_wait3A_1633] : memref<7x20x7x128xf32, #tpu.memory_space<hbm>> -> memref<1x1x7x128xf32, #tpu.memory_space<hbm>>
    %dma_wait3A_1635 = tpu.memref_squeeze %dma_wait3A_1634 : memref<1x1x7x128xf32, #tpu.memory_space<hbm>> -> memref<7x128xf32, #tpu.memory_space<hbm>>
    %dma_wait3A_1636 = arith.constant 98 : i32
    %dma_wait3A_1637 = arith.constant 0 : i32
    %dma_wait3A_1638 = tpu.memref_slice %arg10[%dma_wait3A_1636, %dma_wait3A_1637] : memref<280x128xf32, #tpu.memory_space<vmem>> -> memref<7x128xf32, #tpu.memory_space<vmem>>
    %dma_wait3A_1639 = arith.constant 0 : i32
    %dma_wait3A_1640 = arith.constant 0 : i32
    %dma_wait3A_1641 = tpu.memref_slice %arg4[%add3A_405, %dma_wait3A_1628, %dma_wait3A_1639, %dma_wait3A_1640] : memref<7x20x7x128xf32, #tpu.memory_space<hbm>> -> memref<1x1x7x128xf32, #tpu.memory_space<hbm>>
    %dma_wait3A_1642 = tpu.memref_squeeze %dma_wait3A_1641 : memref<1x1x7x128xf32, #tpu.memory_space<hbm>> -> memref<7x128xf32, #tpu.memory_space<hbm>>
    tpu.wait_dma2 semaphore(%arg23 : memref<!tpu.dma_semaphore, #tpu.memory_space<semaphore_mem>>) src(%dma_wait3A_1642 : memref<7x128xf32, #tpu.memory_space<hbm>>) dst(%dma_wait3A_1638 : memref<7x128xf32, #tpu.memory_space<vmem>>)
    %dma_wait3A_1643 = arith.constant 15 : i32
    %dma_wait3A_1644 = arith.constant 105 : i32
    %dma_wait3A_1645 = arith.constant 0 : i32
    %dma_wait3A_1646 = tpu.memref_slice %arg10[%dma_wait3A_1644, %dma_wait3A_1645] : memref<280x128xf32, #tpu.memory_space<vmem>> -> memref<7x128xf32, #tpu.memory_space<vmem>>
    %dma_wait3A_1647 = arith.constant 0 : i32
    %dma_wait3A_1648 = arith.constant 0 : i32
    %dma_wait3A_1649 = tpu.memref_slice %arg4[%add3A_422, %dma_wait3A_1643, %dma_wait3A_1647, %dma_wait3A_1648] : memref<7x20x7x128xf32, #tpu.memory_space<hbm>> -> memref<1x1x7x128xf32, #tpu.memory_space<hbm>>
    %dma_wait3A_1650 = tpu.memref_squeeze %dma_wait3A_1649 : memref<1x1x7x128xf32, #tpu.memory_space<hbm>> -> memref<7x128xf32, #tpu.memory_space<hbm>>
    %dma_wait3A_1651 = arith.constant 105 : i32
    %dma_wait3A_1652 = arith.constant 0 : i32
    %dma_wait3A_1653 = tpu.memref_slice %arg10[%dma_wait3A_1651, %dma_wait3A_1652] : memref<280x128xf32, #tpu.memory_space<vmem>> -> memref<7x128xf32, #tpu.memory_space<vmem>>
    %dma_wait3A_1654 = arith.constant 0 : i32
    %dma_wait3A_1655 = arith.constant 0 : i32
    %dma_wait3A_1656 = tpu.memref_slice %arg4[%add3A_422, %dma_wait3A_1643, %dma_wait3A_1654, %dma_wait3A_1655] : memref<7x20x7x128xf32, #tpu.memory_space<hbm>> -> memref<1x1x7x128xf32, #tpu.memory_space<hbm>>
    %dma_wait3A_1657 = tpu.memref_squeeze %dma_wait3A_1656 : memref<1x1x7x128xf32, #tpu.memory_space<hbm>> -> memref<7x128xf32, #tpu.memory_space<hbm>>
    tpu.wait_dma2 semaphore(%arg23 : memref<!tpu.dma_semaphore, #tpu.memory_space<semaphore_mem>>) src(%dma_wait3A_1657 : memref<7x128xf32, #tpu.memory_space<hbm>>) dst(%dma_wait3A_1653 : memref<7x128xf32, #tpu.memory_space<vmem>>)
    %dma_wait3A_1658 = arith.constant 16 : i32
    %dma_wait3A_1659 = arith.constant 112 : i32
    %dma_wait3A_1660 = arith.constant 0 : i32
    %dma_wait3A_1661 = tpu.memref_slice %arg10[%dma_wait3A_1659, %dma_wait3A_1660] : memref<280x128xf32, #tpu.memory_space<vmem>> -> memref<7x128xf32, #tpu.memory_space<vmem>>
    %dma_wait3A_1662 = arith.constant 0 : i32
    %dma_wait3A_1663 = arith.constant 0 : i32
    %dma_wait3A_1664 = tpu.memref_slice %arg4[%add3A_439, %dma_wait3A_1658, %dma_wait3A_1662, %dma_wait3A_1663] : memref<7x20x7x128xf32, #tpu.memory_space<hbm>> -> memref<1x1x7x128xf32, #tpu.memory_space<hbm>>
    %dma_wait3A_1665 = tpu.memref_squeeze %dma_wait3A_1664 : memref<1x1x7x128xf32, #tpu.memory_space<hbm>> -> memref<7x128xf32, #tpu.memory_space<hbm>>
    %dma_wait3A_1666 = arith.constant 112 : i32
    %dma_wait3A_1667 = arith.constant 0 : i32
    %dma_wait3A_1668 = tpu.memref_slice %arg10[%dma_wait3A_1666, %dma_wait3A_1667] : memref<280x128xf32, #tpu.memory_space<vmem>> -> memref<7x128xf32, #tpu.memory_space<vmem>>
    %dma_wait3A_1669 = arith.constant 0 : i32
    %dma_wait3A_1670 = arith.constant 0 : i32
    %dma_wait3A_1671 = tpu.memref_slice %arg4[%add3A_439, %dma_wait3A_1658, %dma_wait3A_1669, %dma_wait3A_1670] : memref<7x20x7x128xf32, #tpu.memory_space<hbm>> -> memref<1x1x7x128xf32, #tpu.memory_space<hbm>>
    %dma_wait3A_1672 = tpu.memref_squeeze %dma_wait3A_1671 : memref<1x1x7x128xf32, #tpu.memory_space<hbm>> -> memref<7x128xf32, #tpu.memory_space<hbm>>
    tpu.wait_dma2 semaphore(%arg23 : memref<!tpu.dma_semaphore, #tpu.memory_space<semaphore_mem>>) src(%dma_wait3A_1672 : memref<7x128xf32, #tpu.memory_space<hbm>>) dst(%dma_wait3A_1668 : memref<7x128xf32, #tpu.memory_space<vmem>>)
    %dma_wait3A_1673 = arith.constant 17 : i32
    %dma_wait3A_1674 = arith.constant 119 : i32
    %dma_wait3A_1675 = arith.constant 0 : i32
    %dma_wait3A_1676 = tpu.memref_slice %arg10[%dma_wait3A_1674, %dma_wait3A_1675] : memref<280x128xf32, #tpu.memory_space<vmem>> -> memref<7x128xf32, #tpu.memory_space<vmem>>
    %dma_wait3A_1677 = arith.constant 0 : i32
    %dma_wait3A_1678 = arith.constant 0 : i32
    %dma_wait3A_1679 = tpu.memref_slice %arg4[%add3A_456, %dma_wait3A_1673, %dma_wait3A_1677, %dma_wait3A_1678] : memref<7x20x7x128xf32, #tpu.memory_space<hbm>> -> memref<1x1x7x128xf32, #tpu.memory_space<hbm>>
    %dma_wait3A_1680 = tpu.memref_squeeze %dma_wait3A_1679 : memref<1x1x7x128xf32, #tpu.memory_space<hbm>> -> memref<7x128xf32, #tpu.memory_space<hbm>>
    %dma_wait3A_1681 = arith.constant 119 : i32
    %dma_wait3A_1682 = arith.constant 0 : i32
    %dma_wait3A_1683 = tpu.memref_slice %arg10[%dma_wait3A_1681, %dma_wait3A_1682] : memref<280x128xf32, #tpu.memory_space<vmem>> -> memref<7x128xf32, #tpu.memory_space<vmem>>
    %dma_wait3A_1684 = arith.constant 0 : i32
    %dma_wait3A_1685 = arith.constant 0 : i32
    %dma_wait3A_1686 = tpu.memref_slice %arg4[%add3A_456, %dma_wait3A_1673, %dma_wait3A_1684, %dma_wait3A_1685] : memref<7x20x7x128xf32, #tpu.memory_space<hbm>> -> memref<1x1x7x128xf32, #tpu.memory_space<hbm>>
    %dma_wait3A_1687 = tpu.memref_squeeze %dma_wait3A_1686 : memref<1x1x7x128xf32, #tpu.memory_space<hbm>> -> memref<7x128xf32, #tpu.memory_space<hbm>>
    tpu.wait_dma2 semaphore(%arg23 : memref<!tpu.dma_semaphore, #tpu.memory_space<semaphore_mem>>) src(%dma_wait3A_1687 : memref<7x128xf32, #tpu.memory_space<hbm>>) dst(%dma_wait3A_1683 : memref<7x128xf32, #tpu.memory_space<vmem>>)
    %dma_wait3A_1688 = arith.constant 18 : i32
    %dma_wait3A_1689 = arith.constant 126 : i32
    %dma_wait3A_1690 = arith.constant 0 : i32
    %dma_wait3A_1691 = tpu.memref_slice %arg10[%dma_wait3A_1689, %dma_wait3A_1690] : memref<280x128xf32, #tpu.memory_space<vmem>> -> memref<7x128xf32, #tpu.memory_space<vmem>>
    %dma_wait3A_1692 = arith.constant 0 : i32
    %dma_wait3A_1693 = arith.constant 0 : i32
    %dma_wait3A_1694 = tpu.memref_slice %arg4[%add3A_473, %dma_wait3A_1688, %dma_wait3A_1692, %dma_wait3A_1693] : memref<7x20x7x128xf32, #tpu.memory_space<hbm>> -> memref<1x1x7x128xf32, #tpu.memory_space<hbm>>
    %dma_wait3A_1695 = tpu.memref_squeeze %dma_wait3A_1694 : memref<1x1x7x128xf32, #tpu.memory_space<hbm>> -> memref<7x128xf32, #tpu.memory_space<hbm>>
    %dma_wait3A_1696 = arith.constant 126 : i32
    %dma_wait3A_1697 = arith.constant 0 : i32
    %dma_wait3A_1698 = tpu.memref_slice %arg10[%dma_wait3A_1696, %dma_wait3A_1697] : memref<280x128xf32, #tpu.memory_space<vmem>> -> memref<7x128xf32, #tpu.memory_space<vmem>>
    %dma_wait3A_1699 = arith.constant 0 : i32
    %dma_wait3A_1700 = arith.constant 0 : i32
    %dma_wait3A_1701 = tpu.memref_slice %arg4[%add3A_473, %dma_wait3A_1688, %dma_wait3A_1699, %dma_wait3A_1700] : memref<7x20x7x128xf32, #tpu.memory_space<hbm>> -> memref<1x1x7x128xf32, #tpu.memory_space<hbm>>
    %dma_wait3A_1702 = tpu.memref_squeeze %dma_wait3A_1701 : memref<1x1x7x128xf32, #tpu.memory_space<hbm>> -> memref<7x128xf32, #tpu.memory_space<hbm>>
    tpu.wait_dma2 semaphore(%arg23 : memref<!tpu.dma_semaphore, #tpu.memory_space<semaphore_mem>>) src(%dma_wait3A_1702 : memref<7x128xf32, #tpu.memory_space<hbm>>) dst(%dma_wait3A_1698 : memref<7x128xf32, #tpu.memory_space<vmem>>)
    %dma_wait3A_1703 = arith.constant 19 : i32
    %dma_wait3A_1704 = arith.constant 133 : i32
    %dma_wait3A_1705 = arith.constant 0 : i32
    %dma_wait3A_1706 = tpu.memref_slice %arg10[%dma_wait3A_1704, %dma_wait3A_1705] : memref<280x128xf32, #tpu.memory_space<vmem>> -> memref<7x128xf32, #tpu.memory_space<vmem>>
    %dma_wait3A_1707 = arith.constant 0 : i32
    %dma_wait3A_1708 = arith.constant 0 : i32
    %dma_wait3A_1709 = tpu.memref_slice %arg4[%add3A_490, %dma_wait3A_1703, %dma_wait3A_1707, %dma_wait3A_1708] : memref<7x20x7x128xf32, #tpu.memory_space<hbm>> -> memref<1x1x7x128xf32, #tpu.memory_space<hbm>>
    %dma_wait3A_1710 = tpu.memref_squeeze %dma_wait3A_1709 : memref<1x1x7x128xf32, #tpu.memory_space<hbm>> -> memref<7x128xf32, #tpu.memory_space<hbm>>
    %dma_wait3A_1711 = arith.constant 133 : i32
    %dma_wait3A_1712 = arith.constant 0 : i32
    %dma_wait3A_1713 = tpu.memref_slice %arg10[%dma_wait3A_1711, %dma_wait3A_1712] : memref<280x128xf32, #tpu.memory_space<vmem>> -> memref<7x128xf32, #tpu.memory_space<vmem>>
    %dma_wait3A_1714 = arith.constant 0 : i32
    %dma_wait3A_1715 = arith.constant 0 : i32
    %dma_wait3A_1716 = tpu.memref_slice %arg4[%add3A_490, %dma_wait3A_1703, %dma_wait3A_1714, %dma_wait3A_1715] : memref<7x20x7x128xf32, #tpu.memory_space<hbm>> -> memref<1x1x7x128xf32, #tpu.memory_space<hbm>>
    %dma_wait3A_1717 = tpu.memref_squeeze %dma_wait3A_1716 : memref<1x1x7x128xf32, #tpu.memory_space<hbm>> -> memref<7x128xf32, #tpu.memory_space<hbm>>
    tpu.wait_dma2 semaphore(%arg23 : memref<!tpu.dma_semaphore, #tpu.memory_space<semaphore_mem>>) src(%dma_wait3A_1717 : memref<7x128xf32, #tpu.memory_space<hbm>>) dst(%dma_wait3A_1713 : memref<7x128xf32, #tpu.memory_space<vmem>>)
    %dma_wait3A_1718 = arith.constant 0 : i32
    %dma_wait3A_1719 = arith.constant 14 : i32
    %dma_wait3A_1720 = arith.constant 0 : i32
    %dma_wait3A_1721 = tpu.memref_slice %arg8[%dma_wait3A_1719, %dma_wait3A_1720] : memref<28x128xf32, #tpu.memory_space<vmem>> -> memref<2x128xf32, #tpu.memory_space<vmem>>
    %dma_wait3A_1722 = arith.constant 0 : i32
    %dma_wait3A_1723 = arith.constant 0 : i32
    %dma_wait3A_1724 = tpu.memref_slice %arg2[%add3A_507, %dma_wait3A_1718, %dma_wait3A_1722, %dma_wait3A_1723] : memref<7x7x2x128xf32, #tpu.memory_space<hbm>> -> memref<1x1x2x128xf32, #tpu.memory_space<hbm>>
    %dma_wait3A_1725 = tpu.memref_squeeze %dma_wait3A_1724 : memref<1x1x2x128xf32, #tpu.memory_space<hbm>> -> memref<2x128xf32, #tpu.memory_space<hbm>>
    %dma_wait3A_1726 = arith.constant 14 : i32
    %dma_wait3A_1727 = arith.constant 0 : i32
    %dma_wait3A_1728 = tpu.memref_slice %arg8[%dma_wait3A_1726, %dma_wait3A_1727] : memref<28x128xf32, #tpu.memory_space<vmem>> -> memref<2x128xf32, #tpu.memory_space<vmem>>
    %dma_wait3A_1729 = arith.constant 0 : i32
    %dma_wait3A_1730 = arith.constant 0 : i32
    %dma_wait3A_1731 = tpu.memref_slice %arg2[%add3A_507, %dma_wait3A_1718, %dma_wait3A_1729, %dma_wait3A_1730] : memref<7x7x2x128xf32, #tpu.memory_space<hbm>> -> memref<1x1x2x128xf32, #tpu.memory_space<hbm>>
    %dma_wait3A_1732 = tpu.memref_squeeze %dma_wait3A_1731 : memref<1x1x2x128xf32, #tpu.memory_space<hbm>> -> memref<2x128xf32, #tpu.memory_space<hbm>>
    tpu.wait_dma2 semaphore(%arg23 : memref<!tpu.dma_semaphore, #tpu.memory_space<semaphore_mem>>) src(%dma_wait3A_1732 : memref<2x128xf32, #tpu.memory_space<hbm>>) dst(%dma_wait3A_1728 : memref<2x128xf32, #tpu.memory_space<vmem>>)
    %dma_wait3A_1733 = arith.constant 1 : i32
    %dma_wait3A_1734 = arith.constant 16 : i32
    %dma_wait3A_1735 = arith.constant 0 : i32
    %dma_wait3A_1736 = tpu.memref_slice %arg8[%dma_wait3A_1734, %dma_wait3A_1735] : memref<28x128xf32, #tpu.memory_space<vmem>> -> memref<2x128xf32, #tpu.memory_space<vmem>>
    %dma_wait3A_1737 = arith.constant 0 : i32
    %dma_wait3A_1738 = arith.constant 0 : i32
    %dma_wait3A_1739 = tpu.memref_slice %arg2[%add3A_524, %dma_wait3A_1733, %dma_wait3A_1737, %dma_wait3A_1738] : memref<7x7x2x128xf32, #tpu.memory_space<hbm>> -> memref<1x1x2x128xf32, #tpu.memory_space<hbm>>
    %dma_wait3A_1740 = tpu.memref_squeeze %dma_wait3A_1739 : memref<1x1x2x128xf32, #tpu.memory_space<hbm>> -> memref<2x128xf32, #tpu.memory_space<hbm>>
    %dma_wait3A_1741 = arith.constant 16 : i32
    %dma_wait3A_1742 = arith.constant 0 : i32
    %dma_wait3A_1743 = tpu.memref_slice %arg8[%dma_wait3A_1741, %dma_wait3A_1742] : memref<28x128xf32, #tpu.memory_space<vmem>> -> memref<2x128xf32, #tpu.memory_space<vmem>>
    %dma_wait3A_1744 = arith.constant 0 : i32
    %dma_wait3A_1745 = arith.constant 0 : i32
    %dma_wait3A_1746 = tpu.memref_slice %arg2[%add3A_524, %dma_wait3A_1733, %dma_wait3A_1744, %dma_wait3A_1745] : memref<7x7x2x128xf32, #tpu.memory_space<hbm>> -> memref<1x1x2x128xf32, #tpu.memory_space<hbm>>
    %dma_wait3A_1747 = tpu.memref_squeeze %dma_wait3A_1746 : memref<1x1x2x128xf32, #tpu.memory_space<hbm>> -> memref<2x128xf32, #tpu.memory_space<hbm>>
    tpu.wait_dma2 semaphore(%arg23 : memref<!tpu.dma_semaphore, #tpu.memory_space<semaphore_mem>>) src(%dma_wait3A_1747 : memref<2x128xf32, #tpu.memory_space<hbm>>) dst(%dma_wait3A_1743 : memref<2x128xf32, #tpu.memory_space<vmem>>)
    %dma_wait3A_1748 = arith.constant 2 : i32
    %dma_wait3A_1749 = arith.constant 18 : i32
    %dma_wait3A_1750 = arith.constant 0 : i32
    %dma_wait3A_1751 = tpu.memref_slice %arg8[%dma_wait3A_1749, %dma_wait3A_1750] : memref<28x128xf32, #tpu.memory_space<vmem>> -> memref<2x128xf32, #tpu.memory_space<vmem>>
    %dma_wait3A_1752 = arith.constant 0 : i32
    %dma_wait3A_1753 = arith.constant 0 : i32
    %dma_wait3A_1754 = tpu.memref_slice %arg2[%add3A_541, %dma_wait3A_1748, %dma_wait3A_1752, %dma_wait3A_1753] : memref<7x7x2x128xf32, #tpu.memory_space<hbm>> -> memref<1x1x2x128xf32, #tpu.memory_space<hbm>>
    %dma_wait3A_1755 = tpu.memref_squeeze %dma_wait3A_1754 : memref<1x1x2x128xf32, #tpu.memory_space<hbm>> -> memref<2x128xf32, #tpu.memory_space<hbm>>
    %dma_wait3A_1756 = arith.constant 18 : i32
    %dma_wait3A_1757 = arith.constant 0 : i32
    %dma_wait3A_1758 = tpu.memref_slice %arg8[%dma_wait3A_1756, %dma_wait3A_1757] : memref<28x128xf32, #tpu.memory_space<vmem>> -> memref<2x128xf32, #tpu.memory_space<vmem>>
    %dma_wait3A_1759 = arith.constant 0 : i32
    %dma_wait3A_1760 = arith.constant 0 : i32
    %dma_wait3A_1761 = tpu.memref_slice %arg2[%add3A_541, %dma_wait3A_1748, %dma_wait3A_1759, %dma_wait3A_1760] : memref<7x7x2x128xf32, #tpu.memory_space<hbm>> -> memref<1x1x2x128xf32, #tpu.memory_space<hbm>>
    %dma_wait3A_1762 = tpu.memref_squeeze %dma_wait3A_1761 : memref<1x1x2x128xf32, #tpu.memory_space<hbm>> -> memref<2x128xf32, #tpu.memory_space<hbm>>
    tpu.wait_dma2 semaphore(%arg23 : memref<!tpu.dma_semaphore, #tpu.memory_space<semaphore_mem>>) src(%dma_wait3A_1762 : memref<2x128xf32, #tpu.memory_space<hbm>>) dst(%dma_wait3A_1758 : memref<2x128xf32, #tpu.memory_space<vmem>>)
    %dma_wait3A_1763 = arith.constant 3 : i32
    %dma_wait3A_1764 = arith.constant 20 : i32
    %dma_wait3A_1765 = arith.constant 0 : i32
    %dma_wait3A_1766 = tpu.memref_slice %arg8[%dma_wait3A_1764, %dma_wait3A_1765] : memref<28x128xf32, #tpu.memory_space<vmem>> -> memref<2x128xf32, #tpu.memory_space<vmem>>
    %dma_wait3A_1767 = arith.constant 0 : i32
    %dma_wait3A_1768 = arith.constant 0 : i32
    %dma_wait3A_1769 = tpu.memref_slice %arg2[%add3A_558, %dma_wait3A_1763, %dma_wait3A_1767, %dma_wait3A_1768] : memref<7x7x2x128xf32, #tpu.memory_space<hbm>> -> memref<1x1x2x128xf32, #tpu.memory_space<hbm>>
    %dma_wait3A_1770 = tpu.memref_squeeze %dma_wait3A_1769 : memref<1x1x2x128xf32, #tpu.memory_space<hbm>> -> memref<2x128xf32, #tpu.memory_space<hbm>>
    %dma_wait3A_1771 = arith.constant 20 : i32
    %dma_wait3A_1772 = arith.constant 0 : i32
    %dma_wait3A_1773 = tpu.memref_slice %arg8[%dma_wait3A_1771, %dma_wait3A_1772] : memref<28x128xf32, #tpu.memory_space<vmem>> -> memref<2x128xf32, #tpu.memory_space<vmem>>
    %dma_wait3A_1774 = arith.constant 0 : i32
    %dma_wait3A_1775 = arith.constant 0 : i32
    %dma_wait3A_1776 = tpu.memref_slice %arg2[%add3A_558, %dma_wait3A_1763, %dma_wait3A_1774, %dma_wait3A_1775] : memref<7x7x2x128xf32, #tpu.memory_space<hbm>> -> memref<1x1x2x128xf32, #tpu.memory_space<hbm>>
    %dma_wait3A_1777 = tpu.memref_squeeze %dma_wait3A_1776 : memref<1x1x2x128xf32, #tpu.memory_space<hbm>> -> memref<2x128xf32, #tpu.memory_space<hbm>>
    tpu.wait_dma2 semaphore(%arg23 : memref<!tpu.dma_semaphore, #tpu.memory_space<semaphore_mem>>) src(%dma_wait3A_1777 : memref<2x128xf32, #tpu.memory_space<hbm>>) dst(%dma_wait3A_1773 : memref<2x128xf32, #tpu.memory_space<vmem>>)
    %dma_wait3A_1778 = arith.constant 4 : i32
    %dma_wait3A_1779 = arith.constant 22 : i32
    %dma_wait3A_1780 = arith.constant 0 : i32
    %dma_wait3A_1781 = tpu.memref_slice %arg8[%dma_wait3A_1779, %dma_wait3A_1780] : memref<28x128xf32, #tpu.memory_space<vmem>> -> memref<2x128xf32, #tpu.memory_space<vmem>>
    %dma_wait3A_1782 = arith.constant 0 : i32
    %dma_wait3A_1783 = arith.constant 0 : i32
    %dma_wait3A_1784 = tpu.memref_slice %arg2[%add3A_575, %dma_wait3A_1778, %dma_wait3A_1782, %dma_wait3A_1783] : memref<7x7x2x128xf32, #tpu.memory_space<hbm>> -> memref<1x1x2x128xf32, #tpu.memory_space<hbm>>
    %dma_wait3A_1785 = tpu.memref_squeeze %dma_wait3A_1784 : memref<1x1x2x128xf32, #tpu.memory_space<hbm>> -> memref<2x128xf32, #tpu.memory_space<hbm>>
    %dma_wait3A_1786 = arith.constant 22 : i32
    %dma_wait3A_1787 = arith.constant 0 : i32
    %dma_wait3A_1788 = tpu.memref_slice %arg8[%dma_wait3A_1786, %dma_wait3A_1787] : memref<28x128xf32, #tpu.memory_space<vmem>> -> memref<2x128xf32, #tpu.memory_space<vmem>>
    %dma_wait3A_1789 = arith.constant 0 : i32
    %dma_wait3A_1790 = arith.constant 0 : i32
    %dma_wait3A_1791 = tpu.memref_slice %arg2[%add3A_575, %dma_wait3A_1778, %dma_wait3A_1789, %dma_wait3A_1790] : memref<7x7x2x128xf32, #tpu.memory_space<hbm>> -> memref<1x1x2x128xf32, #tpu.memory_space<hbm>>
    %dma_wait3A_1792 = tpu.memref_squeeze %dma_wait3A_1791 : memref<1x1x2x128xf32, #tpu.memory_space<hbm>> -> memref<2x128xf32, #tpu.memory_space<hbm>>
    tpu.wait_dma2 semaphore(%arg23 : memref<!tpu.dma_semaphore, #tpu.memory_space<semaphore_mem>>) src(%dma_wait3A_1792 : memref<2x128xf32, #tpu.memory_space<hbm>>) dst(%dma_wait3A_1788 : memref<2x128xf32, #tpu.memory_space<vmem>>)
    %dma_wait3A_1793 = arith.constant 5 : i32
    %dma_wait3A_1794 = arith.constant 24 : i32
    %dma_wait3A_1795 = arith.constant 0 : i32
    %dma_wait3A_1796 = tpu.memref_slice %arg8[%dma_wait3A_1794, %dma_wait3A_1795] : memref<28x128xf32, #tpu.memory_space<vmem>> -> memref<2x128xf32, #tpu.memory_space<vmem>>
    %dma_wait3A_1797 = arith.constant 0 : i32
    %dma_wait3A_1798 = arith.constant 0 : i32
    %dma_wait3A_1799 = tpu.memref_slice %arg2[%add3A_592, %dma_wait3A_1793, %dma_wait3A_1797, %dma_wait3A_1798] : memref<7x7x2x128xf32, #tpu.memory_space<hbm>> -> memref<1x1x2x128xf32, #tpu.memory_space<hbm>>
    %dma_wait3A_1800 = tpu.memref_squeeze %dma_wait3A_1799 : memref<1x1x2x128xf32, #tpu.memory_space<hbm>> -> memref<2x128xf32, #tpu.memory_space<hbm>>
    %dma_wait3A_1801 = arith.constant 24 : i32
    %dma_wait3A_1802 = arith.constant 0 : i32
    %dma_wait3A_1803 = tpu.memref_slice %arg8[%dma_wait3A_1801, %dma_wait3A_1802] : memref<28x128xf32, #tpu.memory_space<vmem>> -> memref<2x128xf32, #tpu.memory_space<vmem>>
    %dma_wait3A_1804 = arith.constant 0 : i32
    %dma_wait3A_1805 = arith.constant 0 : i32
    %dma_wait3A_1806 = tpu.memref_slice %arg2[%add3A_592, %dma_wait3A_1793, %dma_wait3A_1804, %dma_wait3A_1805] : memref<7x7x2x128xf32, #tpu.memory_space<hbm>> -> memref<1x1x2x128xf32, #tpu.memory_space<hbm>>
    %dma_wait3A_1807 = tpu.memref_squeeze %dma_wait3A_1806 : memref<1x1x2x128xf32, #tpu.memory_space<hbm>> -> memref<2x128xf32, #tpu.memory_space<hbm>>
    tpu.wait_dma2 semaphore(%arg23 : memref<!tpu.dma_semaphore, #tpu.memory_space<semaphore_mem>>) src(%dma_wait3A_1807 : memref<2x128xf32, #tpu.memory_space<hbm>>) dst(%dma_wait3A_1803 : memref<2x128xf32, #tpu.memory_space<vmem>>)
    %dma_wait3A_1808 = arith.constant 6 : i32
    %dma_wait3A_1809 = arith.constant 26 : i32
    %dma_wait3A_1810 = arith.constant 0 : i32
    %dma_wait3A_1811 = tpu.memref_slice %arg8[%dma_wait3A_1809, %dma_wait3A_1810] : memref<28x128xf32, #tpu.memory_space<vmem>> -> memref<2x128xf32, #tpu.memory_space<vmem>>
    %dma_wait3A_1812 = arith.constant 0 : i32
    %dma_wait3A_1813 = arith.constant 0 : i32
    %dma_wait3A_1814 = tpu.memref_slice %arg2[%add3A_609, %dma_wait3A_1808, %dma_wait3A_1812, %dma_wait3A_1813] : memref<7x7x2x128xf32, #tpu.memory_space<hbm>> -> memref<1x1x2x128xf32, #tpu.memory_space<hbm>>
    %dma_wait3A_1815 = tpu.memref_squeeze %dma_wait3A_1814 : memref<1x1x2x128xf32, #tpu.memory_space<hbm>> -> memref<2x128xf32, #tpu.memory_space<hbm>>
    %dma_wait3A_1816 = arith.constant 26 : i32
    %dma_wait3A_1817 = arith.constant 0 : i32
    %dma_wait3A_1818 = tpu.memref_slice %arg8[%dma_wait3A_1816, %dma_wait3A_1817] : memref<28x128xf32, #tpu.memory_space<vmem>> -> memref<2x128xf32, #tpu.memory_space<vmem>>
    %dma_wait3A_1819 = arith.constant 0 : i32
    %dma_wait3A_1820 = arith.constant 0 : i32
    %dma_wait3A_1821 = tpu.memref_slice %arg2[%add3A_609, %dma_wait3A_1808, %dma_wait3A_1819, %dma_wait3A_1820] : memref<7x7x2x128xf32, #tpu.memory_space<hbm>> -> memref<1x1x2x128xf32, #tpu.memory_space<hbm>>
    %dma_wait3A_1822 = tpu.memref_squeeze %dma_wait3A_1821 : memref<1x1x2x128xf32, #tpu.memory_space<hbm>> -> memref<2x128xf32, #tpu.memory_space<hbm>>
    tpu.wait_dma2 semaphore(%arg23 : memref<!tpu.dma_semaphore, #tpu.memory_space<semaphore_mem>>) src(%dma_wait3A_1822 : memref<2x128xf32, #tpu.memory_space<hbm>>) dst(%dma_wait3A_1818 : memref<2x128xf32, #tpu.memory_space<vmem>>)
    %dma_wait3A_1823 = arith.constant 0 : i32
    %dma_wait3A_1824 = arith.constant 140 : i32
    %dma_wait3A_1825 = arith.constant 0 : i32
    %dma_wait3A_1826 = tpu.memref_slice %arg10[%dma_wait3A_1824, %dma_wait3A_1825] : memref<280x128xf32, #tpu.memory_space<vmem>> -> memref<7x128xf32, #tpu.memory_space<vmem>>
    %dma_wait3A_1827 = arith.constant 0 : i32
    %dma_wait3A_1828 = arith.constant 0 : i32
    %dma_wait3A_1829 = tpu.memref_slice %arg4[%add3A_626, %dma_wait3A_1823, %dma_wait3A_1827, %dma_wait3A_1828] : memref<7x20x7x128xf32, #tpu.memory_space<hbm>> -> memref<1x1x7x128xf32, #tpu.memory_space<hbm>>
    %dma_wait3A_1830 = tpu.memref_squeeze %dma_wait3A_1829 : memref<1x1x7x128xf32, #tpu.memory_space<hbm>> -> memref<7x128xf32, #tpu.memory_space<hbm>>
    %dma_wait3A_1831 = arith.constant 140 : i32
    %dma_wait3A_1832 = arith.constant 0 : i32
    %dma_wait3A_1833 = tpu.memref_slice %arg10[%dma_wait3A_1831, %dma_wait3A_1832] : memref<280x128xf32, #tpu.memory_space<vmem>> -> memref<7x128xf32, #tpu.memory_space<vmem>>
    %dma_wait3A_1834 = arith.constant 0 : i32
    %dma_wait3A_1835 = arith.constant 0 : i32
    %dma_wait3A_1836 = tpu.memref_slice %arg4[%add3A_626, %dma_wait3A_1823, %dma_wait3A_1834, %dma_wait3A_1835] : memref<7x20x7x128xf32, #tpu.memory_space<hbm>> -> memref<1x1x7x128xf32, #tpu.memory_space<hbm>>
    %dma_wait3A_1837 = tpu.memref_squeeze %dma_wait3A_1836 : memref<1x1x7x128xf32, #tpu.memory_space<hbm>> -> memref<7x128xf32, #tpu.memory_space<hbm>>
    tpu.wait_dma2 semaphore(%arg23 : memref<!tpu.dma_semaphore, #tpu.memory_space<semaphore_mem>>) src(%dma_wait3A_1837 : memref<7x128xf32, #tpu.memory_space<hbm>>) dst(%dma_wait3A_1833 : memref<7x128xf32, #tpu.memory_space<vmem>>)
    %dma_wait3A_1838 = arith.constant 1 : i32
    %dma_wait3A_1839 = arith.constant 147 : i32
    %dma_wait3A_1840 = arith.constant 0 : i32
    %dma_wait3A_1841 = tpu.memref_slice %arg10[%dma_wait3A_1839, %dma_wait3A_1840] : memref<280x128xf32, #tpu.memory_space<vmem>> -> memref<7x128xf32, #tpu.memory_space<vmem>>
    %dma_wait3A_1842 = arith.constant 0 : i32
    %dma_wait3A_1843 = arith.constant 0 : i32
    %dma_wait3A_1844 = tpu.memref_slice %arg4[%add3A_643, %dma_wait3A_1838, %dma_wait3A_1842, %dma_wait3A_1843] : memref<7x20x7x128xf32, #tpu.memory_space<hbm>> -> memref<1x1x7x128xf32, #tpu.memory_space<hbm>>
    %dma_wait3A_1845 = tpu.memref_squeeze %dma_wait3A_1844 : memref<1x1x7x128xf32, #tpu.memory_space<hbm>> -> memref<7x128xf32, #tpu.memory_space<hbm>>
    %dma_wait3A_1846 = arith.constant 147 : i32
    %dma_wait3A_1847 = arith.constant 0 : i32
    %dma_wait3A_1848 = tpu.memref_slice %arg10[%dma_wait3A_1846, %dma_wait3A_1847] : memref<280x128xf32, #tpu.memory_space<vmem>> -> memref<7x128xf32, #tpu.memory_space<vmem>>
    %dma_wait3A_1849 = arith.constant 0 : i32
    %dma_wait3A_1850 = arith.constant 0 : i32
    %dma_wait3A_1851 = tpu.memref_slice %arg4[%add3A_643, %dma_wait3A_1838, %dma_wait3A_1849, %dma_wait3A_1850] : memref<7x20x7x128xf32, #tpu.memory_space<hbm>> -> memref<1x1x7x128xf32, #tpu.memory_space<hbm>>
    %dma_wait3A_1852 = tpu.memref_squeeze %dma_wait3A_1851 : memref<1x1x7x128xf32, #tpu.memory_space<hbm>> -> memref<7x128xf32, #tpu.memory_space<hbm>>
    tpu.wait_dma2 semaphore(%arg23 : memref<!tpu.dma_semaphore, #tpu.memory_space<semaphore_mem>>) src(%dma_wait3A_1852 : memref<7x128xf32, #tpu.memory_space<hbm>>) dst(%dma_wait3A_1848 : memref<7x128xf32, #tpu.memory_space<vmem>>)
    %dma_wait3A_1853 = arith.constant 2 : i32
    %dma_wait3A_1854 = arith.constant 154 : i32
    %dma_wait3A_1855 = arith.constant 0 : i32
    %dma_wait3A_1856 = tpu.memref_slice %arg10[%dma_wait3A_1854, %dma_wait3A_1855] : memref<280x128xf32, #tpu.memory_space<vmem>> -> memref<7x128xf32, #tpu.memory_space<vmem>>
    %dma_wait3A_1857 = arith.constant 0 : i32
    %dma_wait3A_1858 = arith.constant 0 : i32
    %dma_wait3A_1859 = tpu.memref_slice %arg4[%add3A_660, %dma_wait3A_1853, %dma_wait3A_1857, %dma_wait3A_1858] : memref<7x20x7x128xf32, #tpu.memory_space<hbm>> -> memref<1x1x7x128xf32, #tpu.memory_space<hbm>>
    %dma_wait3A_1860 = tpu.memref_squeeze %dma_wait3A_1859 : memref<1x1x7x128xf32, #tpu.memory_space<hbm>> -> memref<7x128xf32, #tpu.memory_space<hbm>>
    %dma_wait3A_1861 = arith.constant 154 : i32
    %dma_wait3A_1862 = arith.constant 0 : i32
    %dma_wait3A_1863 = tpu.memref_slice %arg10[%dma_wait3A_1861, %dma_wait3A_1862] : memref<280x128xf32, #tpu.memory_space<vmem>> -> memref<7x128xf32, #tpu.memory_space<vmem>>
    %dma_wait3A_1864 = arith.constant 0 : i32
    %dma_wait3A_1865 = arith.constant 0 : i32
    %dma_wait3A_1866 = tpu.memref_slice %arg4[%add3A_660, %dma_wait3A_1853, %dma_wait3A_1864, %dma_wait3A_1865] : memref<7x20x7x128xf32, #tpu.memory_space<hbm>> -> memref<1x1x7x128xf32, #tpu.memory_space<hbm>>
    %dma_wait3A_1867 = tpu.memref_squeeze %dma_wait3A_1866 : memref<1x1x7x128xf32, #tpu.memory_space<hbm>> -> memref<7x128xf32, #tpu.memory_space<hbm>>
    tpu.wait_dma2 semaphore(%arg23 : memref<!tpu.dma_semaphore, #tpu.memory_space<semaphore_mem>>) src(%dma_wait3A_1867 : memref<7x128xf32, #tpu.memory_space<hbm>>) dst(%dma_wait3A_1863 : memref<7x128xf32, #tpu.memory_space<vmem>>)
    %dma_wait3A_1868 = arith.constant 3 : i32
    %dma_wait3A_1869 = arith.constant 161 : i32
    %dma_wait3A_1870 = arith.constant 0 : i32
    %dma_wait3A_1871 = tpu.memref_slice %arg10[%dma_wait3A_1869, %dma_wait3A_1870] : memref<280x128xf32, #tpu.memory_space<vmem>> -> memref<7x128xf32, #tpu.memory_space<vmem>>
    %dma_wait3A_1872 = arith.constant 0 : i32
    %dma_wait3A_1873 = arith.constant 0 : i32
    %dma_wait3A_1874 = tpu.memref_slice %arg4[%add3A_677, %dma_wait3A_1868, %dma_wait3A_1872, %dma_wait3A_1873] : memref<7x20x7x128xf32, #tpu.memory_space<hbm>> -> memref<1x1x7x128xf32, #tpu.memory_space<hbm>>
    %dma_wait3A_1875 = tpu.memref_squeeze %dma_wait3A_1874 : memref<1x1x7x128xf32, #tpu.memory_space<hbm>> -> memref<7x128xf32, #tpu.memory_space<hbm>>
    %dma_wait3A_1876 = arith.constant 161 : i32
    %dma_wait3A_1877 = arith.constant 0 : i32
    %dma_wait3A_1878 = tpu.memref_slice %arg10[%dma_wait3A_1876, %dma_wait3A_1877] : memref<280x128xf32, #tpu.memory_space<vmem>> -> memref<7x128xf32, #tpu.memory_space<vmem>>
    %dma_wait3A_1879 = arith.constant 0 : i32
    %dma_wait3A_1880 = arith.constant 0 : i32
    %dma_wait3A_1881 = tpu.memref_slice %arg4[%add3A_677, %dma_wait3A_1868, %dma_wait3A_1879, %dma_wait3A_1880] : memref<7x20x7x128xf32, #tpu.memory_space<hbm>> -> memref<1x1x7x128xf32, #tpu.memory_space<hbm>>
    %dma_wait3A_1882 = tpu.memref_squeeze %dma_wait3A_1881 : memref<1x1x7x128xf32, #tpu.memory_space<hbm>> -> memref<7x128xf32, #tpu.memory_space<hbm>>
    tpu.wait_dma2 semaphore(%arg23 : memref<!tpu.dma_semaphore, #tpu.memory_space<semaphore_mem>>) src(%dma_wait3A_1882 : memref<7x128xf32, #tpu.memory_space<hbm>>) dst(%dma_wait3A_1878 : memref<7x128xf32, #tpu.memory_space<vmem>>)
    %dma_wait3A_1883 = arith.constant 4 : i32
    %dma_wait3A_1884 = arith.constant 168 : i32
    %dma_wait3A_1885 = arith.constant 0 : i32
    %dma_wait3A_1886 = tpu.memref_slice %arg10[%dma_wait3A_1884, %dma_wait3A_1885] : memref<280x128xf32, #tpu.memory_space<vmem>> -> memref<7x128xf32, #tpu.memory_space<vmem>>
    %dma_wait3A_1887 = arith.constant 0 : i32
    %dma_wait3A_1888 = arith.constant 0 : i32
    %dma_wait3A_1889 = tpu.memref_slice %arg4[%add3A_694, %dma_wait3A_1883, %dma_wait3A_1887, %dma_wait3A_1888] : memref<7x20x7x128xf32, #tpu.memory_space<hbm>> -> memref<1x1x7x128xf32, #tpu.memory_space<hbm>>
    %dma_wait3A_1890 = tpu.memref_squeeze %dma_wait3A_1889 : memref<1x1x7x128xf32, #tpu.memory_space<hbm>> -> memref<7x128xf32, #tpu.memory_space<hbm>>
    %dma_wait3A_1891 = arith.constant 168 : i32
    %dma_wait3A_1892 = arith.constant 0 : i32
    %dma_wait3A_1893 = tpu.memref_slice %arg10[%dma_wait3A_1891, %dma_wait3A_1892] : memref<280x128xf32, #tpu.memory_space<vmem>> -> memref<7x128xf32, #tpu.memory_space<vmem>>
    %dma_wait3A_1894 = arith.constant 0 : i32
    %dma_wait3A_1895 = arith.constant 0 : i32
    %dma_wait3A_1896 = tpu.memref_slice %arg4[%add3A_694, %dma_wait3A_1883, %dma_wait3A_1894, %dma_wait3A_1895] : memref<7x20x7x128xf32, #tpu.memory_space<hbm>> -> memref<1x1x7x128xf32, #tpu.memory_space<hbm>>
    %dma_wait3A_1897 = tpu.memref_squeeze %dma_wait3A_1896 : memref<1x1x7x128xf32, #tpu.memory_space<hbm>> -> memref<7x128xf32, #tpu.memory_space<hbm>>
    tpu.wait_dma2 semaphore(%arg23 : memref<!tpu.dma_semaphore, #tpu.memory_space<semaphore_mem>>) src(%dma_wait3A_1897 : memref<7x128xf32, #tpu.memory_space<hbm>>) dst(%dma_wait3A_1893 : memref<7x128xf32, #tpu.memory_space<vmem>>)
    %dma_wait3A_1898 = arith.constant 5 : i32
    %dma_wait3A_1899 = arith.constant 175 : i32
    %dma_wait3A_1900 = arith.constant 0 : i32
    %dma_wait3A_1901 = tpu.memref_slice %arg10[%dma_wait3A_1899, %dma_wait3A_1900] : memref<280x128xf32, #tpu.memory_space<vmem>> -> memref<7x128xf32, #tpu.memory_space<vmem>>
    %dma_wait3A_1902 = arith.constant 0 : i32
    %dma_wait3A_1903 = arith.constant 0 : i32
    %dma_wait3A_1904 = tpu.memref_slice %arg4[%add3A_711, %dma_wait3A_1898, %dma_wait3A_1902, %dma_wait3A_1903] : memref<7x20x7x128xf32, #tpu.memory_space<hbm>> -> memref<1x1x7x128xf32, #tpu.memory_space<hbm>>
    %dma_wait3A_1905 = tpu.memref_squeeze %dma_wait3A_1904 : memref<1x1x7x128xf32, #tpu.memory_space<hbm>> -> memref<7x128xf32, #tpu.memory_space<hbm>>
    %dma_wait3A_1906 = arith.constant 175 : i32
    %dma_wait3A_1907 = arith.constant 0 : i32
    %dma_wait3A_1908 = tpu.memref_slice %arg10[%dma_wait3A_1906, %dma_wait3A_1907] : memref<280x128xf32, #tpu.memory_space<vmem>> -> memref<7x128xf32, #tpu.memory_space<vmem>>
    %dma_wait3A_1909 = arith.constant 0 : i32
    %dma_wait3A_1910 = arith.constant 0 : i32
    %dma_wait3A_1911 = tpu.memref_slice %arg4[%add3A_711, %dma_wait3A_1898, %dma_wait3A_1909, %dma_wait3A_1910] : memref<7x20x7x128xf32, #tpu.memory_space<hbm>> -> memref<1x1x7x128xf32, #tpu.memory_space<hbm>>
    %dma_wait3A_1912 = tpu.memref_squeeze %dma_wait3A_1911 : memref<1x1x7x128xf32, #tpu.memory_space<hbm>> -> memref<7x128xf32, #tpu.memory_space<hbm>>
    tpu.wait_dma2 semaphore(%arg23 : memref<!tpu.dma_semaphore, #tpu.memory_space<semaphore_mem>>) src(%dma_wait3A_1912 : memref<7x128xf32, #tpu.memory_space<hbm>>) dst(%dma_wait3A_1908 : memref<7x128xf32, #tpu.memory_space<vmem>>)
    %dma_wait3A_1913 = arith.constant 6 : i32
    %dma_wait3A_1914 = arith.constant 182 : i32
    %dma_wait3A_1915 = arith.constant 0 : i32
    %dma_wait3A_1916 = tpu.memref_slice %arg10[%dma_wait3A_1914, %dma_wait3A_1915] : memref<280x128xf32, #tpu.memory_space<vmem>> -> memref<7x128xf32, #tpu.memory_space<vmem>>
    %dma_wait3A_1917 = arith.constant 0 : i32
    %dma_wait3A_1918 = arith.constant 0 : i32
    %dma_wait3A_1919 = tpu.memref_slice %arg4[%add3A_728, %dma_wait3A_1913, %dma_wait3A_1917, %dma_wait3A_1918] : memref<7x20x7x128xf32, #tpu.memory_space<hbm>> -> memref<1x1x7x128xf32, #tpu.memory_space<hbm>>
    %dma_wait3A_1920 = tpu.memref_squeeze %dma_wait3A_1919 : memref<1x1x7x128xf32, #tpu.memory_space<hbm>> -> memref<7x128xf32, #tpu.memory_space<hbm>>
    %dma_wait3A_1921 = arith.constant 182 : i32
    %dma_wait3A_1922 = arith.constant 0 : i32
    %dma_wait3A_1923 = tpu.memref_slice %arg10[%dma_wait3A_1921, %dma_wait3A_1922] : memref<280x128xf32, #tpu.memory_space<vmem>> -> memref<7x128xf32, #tpu.memory_space<vmem>>
    %dma_wait3A_1924 = arith.constant 0 : i32
    %dma_wait3A_1925 = arith.constant 0 : i32
    %dma_wait3A_1926 = tpu.memref_slice %arg4[%add3A_728, %dma_wait3A_1913, %dma_wait3A_1924, %dma_wait3A_1925] : memref<7x20x7x128xf32, #tpu.memory_space<hbm>> -> memref<1x1x7x128xf32, #tpu.memory_space<hbm>>
    %dma_wait3A_1927 = tpu.memref_squeeze %dma_wait3A_1926 : memref<1x1x7x128xf32, #tpu.memory_space<hbm>> -> memref<7x128xf32, #tpu.memory_space<hbm>>
    tpu.wait_dma2 semaphore(%arg23 : memref<!tpu.dma_semaphore, #tpu.memory_space<semaphore_mem>>) src(%dma_wait3A_1927 : memref<7x128xf32, #tpu.memory_space<hbm>>) dst(%dma_wait3A_1923 : memref<7x128xf32, #tpu.memory_space<vmem>>)
    %dma_wait3A_1928 = arith.constant 7 : i32
    %dma_wait3A_1929 = arith.constant 189 : i32
    %dma_wait3A_1930 = arith.constant 0 : i32
    %dma_wait3A_1931 = tpu.memref_slice %arg10[%dma_wait3A_1929, %dma_wait3A_1930] : memref<280x128xf32, #tpu.memory_space<vmem>> -> memref<7x128xf32, #tpu.memory_space<vmem>>
    %dma_wait3A_1932 = arith.constant 0 : i32
    %dma_wait3A_1933 = arith.constant 0 : i32
    %dma_wait3A_1934 = tpu.memref_slice %arg4[%add3A_745, %dma_wait3A_1928, %dma_wait3A_1932, %dma_wait3A_1933] : memref<7x20x7x128xf32, #tpu.memory_space<hbm>> -> memref<1x1x7x128xf32, #tpu.memory_space<hbm>>
    %dma_wait3A_1935 = tpu.memref_squeeze %dma_wait3A_1934 : memref<1x1x7x128xf32, #tpu.memory_space<hbm>> -> memref<7x128xf32, #tpu.memory_space<hbm>>
    %dma_wait3A_1936 = arith.constant 189 : i32
    %dma_wait3A_1937 = arith.constant 0 : i32
    %dma_wait3A_1938 = tpu.memref_slice %arg10[%dma_wait3A_1936, %dma_wait3A_1937] : memref<280x128xf32, #tpu.memory_space<vmem>> -> memref<7x128xf32, #tpu.memory_space<vmem>>
    %dma_wait3A_1939 = arith.constant 0 : i32
    %dma_wait3A_1940 = arith.constant 0 : i32
    %dma_wait3A_1941 = tpu.memref_slice %arg4[%add3A_745, %dma_wait3A_1928, %dma_wait3A_1939, %dma_wait3A_1940] : memref<7x20x7x128xf32, #tpu.memory_space<hbm>> -> memref<1x1x7x128xf32, #tpu.memory_space<hbm>>
    %dma_wait3A_1942 = tpu.memref_squeeze %dma_wait3A_1941 : memref<1x1x7x128xf32, #tpu.memory_space<hbm>> -> memref<7x128xf32, #tpu.memory_space<hbm>>
    tpu.wait_dma2 semaphore(%arg23 : memref<!tpu.dma_semaphore, #tpu.memory_space<semaphore_mem>>) src(%dma_wait3A_1942 : memref<7x128xf32, #tpu.memory_space<hbm>>) dst(%dma_wait3A_1938 : memref<7x128xf32, #tpu.memory_space<vmem>>)
    %dma_wait3A_1943 = arith.constant 8 : i32
    %dma_wait3A_1944 = arith.constant 196 : i32
    %dma_wait3A_1945 = arith.constant 0 : i32
    %dma_wait3A_1946 = tpu.memref_slice %arg10[%dma_wait3A_1944, %dma_wait3A_1945] : memref<280x128xf32, #tpu.memory_space<vmem>> -> memref<7x128xf32, #tpu.memory_space<vmem>>
    %dma_wait3A_1947 = arith.constant 0 : i32
    %dma_wait3A_1948 = arith.constant 0 : i32
    %dma_wait3A_1949 = tpu.memref_slice %arg4[%add3A_762, %dma_wait3A_1943, %dma_wait3A_1947, %dma_wait3A_1948] : memref<7x20x7x128xf32, #tpu.memory_space<hbm>> -> memref<1x1x7x128xf32, #tpu.memory_space<hbm>>
    %dma_wait3A_1950 = tpu.memref_squeeze %dma_wait3A_1949 : memref<1x1x7x128xf32, #tpu.memory_space<hbm>> -> memref<7x128xf32, #tpu.memory_space<hbm>>
    %dma_wait3A_1951 = arith.constant 196 : i32
    %dma_wait3A_1952 = arith.constant 0 : i32
    %dma_wait3A_1953 = tpu.memref_slice %arg10[%dma_wait3A_1951, %dma_wait3A_1952] : memref<280x128xf32, #tpu.memory_space<vmem>> -> memref<7x128xf32, #tpu.memory_space<vmem>>
    %dma_wait3A_1954 = arith.constant 0 : i32
    %dma_wait3A_1955 = arith.constant 0 : i32
    %dma_wait3A_1956 = tpu.memref_slice %arg4[%add3A_762, %dma_wait3A_1943, %dma_wait3A_1954, %dma_wait3A_1955] : memref<7x20x7x128xf32, #tpu.memory_space<hbm>> -> memref<1x1x7x128xf32, #tpu.memory_space<hbm>>
    %dma_wait3A_1957 = tpu.memref_squeeze %dma_wait3A_1956 : memref<1x1x7x128xf32, #tpu.memory_space<hbm>> -> memref<7x128xf32, #tpu.memory_space<hbm>>
    tpu.wait_dma2 semaphore(%arg23 : memref<!tpu.dma_semaphore, #tpu.memory_space<semaphore_mem>>) src(%dma_wait3A_1957 : memref<7x128xf32, #tpu.memory_space<hbm>>) dst(%dma_wait3A_1953 : memref<7x128xf32, #tpu.memory_space<vmem>>)
    %dma_wait3A_1958 = arith.constant 9 : i32
    %dma_wait3A_1959 = arith.constant 203 : i32
    %dma_wait3A_1960 = arith.constant 0 : i32
    %dma_wait3A_1961 = tpu.memref_slice %arg10[%dma_wait3A_1959, %dma_wait3A_1960] : memref<280x128xf32, #tpu.memory_space<vmem>> -> memref<7x128xf32, #tpu.memory_space<vmem>>
    %dma_wait3A_1962 = arith.constant 0 : i32
    %dma_wait3A_1963 = arith.constant 0 : i32
    %dma_wait3A_1964 = tpu.memref_slice %arg4[%add3A_779, %dma_wait3A_1958, %dma_wait3A_1962, %dma_wait3A_1963] : memref<7x20x7x128xf32, #tpu.memory_space<hbm>> -> memref<1x1x7x128xf32, #tpu.memory_space<hbm>>
    %dma_wait3A_1965 = tpu.memref_squeeze %dma_wait3A_1964 : memref<1x1x7x128xf32, #tpu.memory_space<hbm>> -> memref<7x128xf32, #tpu.memory_space<hbm>>
    %dma_wait3A_1966 = arith.constant 203 : i32
    %dma_wait3A_1967 = arith.constant 0 : i32
    %dma_wait3A_1968 = tpu.memref_slice %arg10[%dma_wait3A_1966, %dma_wait3A_1967] : memref<280x128xf32, #tpu.memory_space<vmem>> -> memref<7x128xf32, #tpu.memory_space<vmem>>
    %dma_wait3A_1969 = arith.constant 0 : i32
    %dma_wait3A_1970 = arith.constant 0 : i32
    %dma_wait3A_1971 = tpu.memref_slice %arg4[%add3A_779, %dma_wait3A_1958, %dma_wait3A_1969, %dma_wait3A_1970] : memref<7x20x7x128xf32, #tpu.memory_space<hbm>> -> memref<1x1x7x128xf32, #tpu.memory_space<hbm>>
    %dma_wait3A_1972 = tpu.memref_squeeze %dma_wait3A_1971 : memref<1x1x7x128xf32, #tpu.memory_space<hbm>> -> memref<7x128xf32, #tpu.memory_space<hbm>>
    tpu.wait_dma2 semaphore(%arg23 : memref<!tpu.dma_semaphore, #tpu.memory_space<semaphore_mem>>) src(%dma_wait3A_1972 : memref<7x128xf32, #tpu.memory_space<hbm>>) dst(%dma_wait3A_1968 : memref<7x128xf32, #tpu.memory_space<vmem>>)
    %dma_wait3A_1973 = arith.constant 10 : i32
    %dma_wait3A_1974 = arith.constant 210 : i32
    %dma_wait3A_1975 = arith.constant 0 : i32
    %dma_wait3A_1976 = tpu.memref_slice %arg10[%dma_wait3A_1974, %dma_wait3A_1975] : memref<280x128xf32, #tpu.memory_space<vmem>> -> memref<7x128xf32, #tpu.memory_space<vmem>>
    %dma_wait3A_1977 = arith.constant 0 : i32
    %dma_wait3A_1978 = arith.constant 0 : i32
    %dma_wait3A_1979 = tpu.memref_slice %arg4[%add3A_796, %dma_wait3A_1973, %dma_wait3A_1977, %dma_wait3A_1978] : memref<7x20x7x128xf32, #tpu.memory_space<hbm>> -> memref<1x1x7x128xf32, #tpu.memory_space<hbm>>
    %dma_wait3A_1980 = tpu.memref_squeeze %dma_wait3A_1979 : memref<1x1x7x128xf32, #tpu.memory_space<hbm>> -> memref<7x128xf32, #tpu.memory_space<hbm>>
    %dma_wait3A_1981 = arith.constant 210 : i32
    %dma_wait3A_1982 = arith.constant 0 : i32
    %dma_wait3A_1983 = tpu.memref_slice %arg10[%dma_wait3A_1981, %dma_wait3A_1982] : memref<280x128xf32, #tpu.memory_space<vmem>> -> memref<7x128xf32, #tpu.memory_space<vmem>>
    %dma_wait3A_1984 = arith.constant 0 : i32
    %dma_wait3A_1985 = arith.constant 0 : i32
    %dma_wait3A_1986 = tpu.memref_slice %arg4[%add3A_796, %dma_wait3A_1973, %dma_wait3A_1984, %dma_wait3A_1985] : memref<7x20x7x128xf32, #tpu.memory_space<hbm>> -> memref<1x1x7x128xf32, #tpu.memory_space<hbm>>
    %dma_wait3A_1987 = tpu.memref_squeeze %dma_wait3A_1986 : memref<1x1x7x128xf32, #tpu.memory_space<hbm>> -> memref<7x128xf32, #tpu.memory_space<hbm>>
    tpu.wait_dma2 semaphore(%arg23 : memref<!tpu.dma_semaphore, #tpu.memory_space<semaphore_mem>>) src(%dma_wait3A_1987 : memref<7x128xf32, #tpu.memory_space<hbm>>) dst(%dma_wait3A_1983 : memref<7x128xf32, #tpu.memory_space<vmem>>)
    %dma_wait3A_1988 = arith.constant 11 : i32
    %dma_wait3A_1989 = arith.constant 217 : i32
    %dma_wait3A_1990 = arith.constant 0 : i32
    %dma_wait3A_1991 = tpu.memref_slice %arg10[%dma_wait3A_1989, %dma_wait3A_1990] : memref<280x128xf32, #tpu.memory_space<vmem>> -> memref<7x128xf32, #tpu.memory_space<vmem>>
    %dma_wait3A_1992 = arith.constant 0 : i32
    %dma_wait3A_1993 = arith.constant 0 : i32
    %dma_wait3A_1994 = tpu.memref_slice %arg4[%add3A_813, %dma_wait3A_1988, %dma_wait3A_1992, %dma_wait3A_1993] : memref<7x20x7x128xf32, #tpu.memory_space<hbm>> -> memref<1x1x7x128xf32, #tpu.memory_space<hbm>>
    %dma_wait3A_1995 = tpu.memref_squeeze %dma_wait3A_1994 : memref<1x1x7x128xf32, #tpu.memory_space<hbm>> -> memref<7x128xf32, #tpu.memory_space<hbm>>
    %dma_wait3A_1996 = arith.constant 217 : i32
    %dma_wait3A_1997 = arith.constant 0 : i32
    %dma_wait3A_1998 = tpu.memref_slice %arg10[%dma_wait3A_1996, %dma_wait3A_1997] : memref<280x128xf32, #tpu.memory_space<vmem>> -> memref<7x128xf32, #tpu.memory_space<vmem>>
    %dma_wait3A_1999 = arith.constant 0 : i32
    %dma_wait3A_2000 = arith.constant 0 : i32
    %dma_wait3A_2001 = tpu.memref_slice %arg4[%add3A_813, %dma_wait3A_1988, %dma_wait3A_1999, %dma_wait3A_2000] : memref<7x20x7x128xf32, #tpu.memory_space<hbm>> -> memref<1x1x7x128xf32, #tpu.memory_space<hbm>>
    %dma_wait3A_2002 = tpu.memref_squeeze %dma_wait3A_2001 : memref<1x1x7x128xf32, #tpu.memory_space<hbm>> -> memref<7x128xf32, #tpu.memory_space<hbm>>
    tpu.wait_dma2 semaphore(%arg23 : memref<!tpu.dma_semaphore, #tpu.memory_space<semaphore_mem>>) src(%dma_wait3A_2002 : memref<7x128xf32, #tpu.memory_space<hbm>>) dst(%dma_wait3A_1998 : memref<7x128xf32, #tpu.memory_space<vmem>>)
    %dma_wait3A_2003 = arith.constant 12 : i32
    %dma_wait3A_2004 = arith.constant 224 : i32
    %dma_wait3A_2005 = arith.constant 0 : i32
    %dma_wait3A_2006 = tpu.memref_slice %arg10[%dma_wait3A_2004, %dma_wait3A_2005] : memref<280x128xf32, #tpu.memory_space<vmem>> -> memref<7x128xf32, #tpu.memory_space<vmem>>
    %dma_wait3A_2007 = arith.constant 0 : i32
    %dma_wait3A_2008 = arith.constant 0 : i32
    %dma_wait3A_2009 = tpu.memref_slice %arg4[%add3A_830, %dma_wait3A_2003, %dma_wait3A_2007, %dma_wait3A_2008] : memref<7x20x7x128xf32, #tpu.memory_space<hbm>> -> memref<1x1x7x128xf32, #tpu.memory_space<hbm>>
    %dma_wait3A_2010 = tpu.memref_squeeze %dma_wait3A_2009 : memref<1x1x7x128xf32, #tpu.memory_space<hbm>> -> memref<7x128xf32, #tpu.memory_space<hbm>>
    %dma_wait3A_2011 = arith.constant 224 : i32
    %dma_wait3A_2012 = arith.constant 0 : i32
    %dma_wait3A_2013 = tpu.memref_slice %arg10[%dma_wait3A_2011, %dma_wait3A_2012] : memref<280x128xf32, #tpu.memory_space<vmem>> -> memref<7x128xf32, #tpu.memory_space<vmem>>
    %dma_wait3A_2014 = arith.constant 0 : i32
    %dma_wait3A_2015 = arith.constant 0 : i32
    %dma_wait3A_2016 = tpu.memref_slice %arg4[%add3A_830, %dma_wait3A_2003, %dma_wait3A_2014, %dma_wait3A_2015] : memref<7x20x7x128xf32, #tpu.memory_space<hbm>> -> memref<1x1x7x128xf32, #tpu.memory_space<hbm>>
    %dma_wait3A_2017 = tpu.memref_squeeze %dma_wait3A_2016 : memref<1x1x7x128xf32, #tpu.memory_space<hbm>> -> memref<7x128xf32, #tpu.memory_space<hbm>>
    tpu.wait_dma2 semaphore(%arg23 : memref<!tpu.dma_semaphore, #tpu.memory_space<semaphore_mem>>) src(%dma_wait3A_2017 : memref<7x128xf32, #tpu.memory_space<hbm>>) dst(%dma_wait3A_2013 : memref<7x128xf32, #tpu.memory_space<vmem>>)
    %dma_wait3A_2018 = arith.constant 13 : i32
    %dma_wait3A_2019 = arith.constant 231 : i32
    %dma_wait3A_2020 = arith.constant 0 : i32
    %dma_wait3A_2021 = tpu.memref_slice %arg10[%dma_wait3A_2019, %dma_wait3A_2020] : memref<280x128xf32, #tpu.memory_space<vmem>> -> memref<7x128xf32, #tpu.memory_space<vmem>>
    %dma_wait3A_2022 = arith.constant 0 : i32
    %dma_wait3A_2023 = arith.constant 0 : i32
    %dma_wait3A_2024 = tpu.memref_slice %arg4[%add3A_847, %dma_wait3A_2018, %dma_wait3A_2022, %dma_wait3A_2023] : memref<7x20x7x128xf32, #tpu.memory_space<hbm>> -> memref<1x1x7x128xf32, #tpu.memory_space<hbm>>
    %dma_wait3A_2025 = tpu.memref_squeeze %dma_wait3A_2024 : memref<1x1x7x128xf32, #tpu.memory_space<hbm>> -> memref<7x128xf32, #tpu.memory_space<hbm>>
    %dma_wait3A_2026 = arith.constant 231 : i32
    %dma_wait3A_2027 = arith.constant 0 : i32
    %dma_wait3A_2028 = tpu.memref_slice %arg10[%dma_wait3A_2026, %dma_wait3A_2027] : memref<280x128xf32, #tpu.memory_space<vmem>> -> memref<7x128xf32, #tpu.memory_space<vmem>>
    %dma_wait3A_2029 = arith.constant 0 : i32
    %dma_wait3A_2030 = arith.constant 0 : i32
    %dma_wait3A_2031 = tpu.memref_slice %arg4[%add3A_847, %dma_wait3A_2018, %dma_wait3A_2029, %dma_wait3A_2030] : memref<7x20x7x128xf32, #tpu.memory_space<hbm>> -> memref<1x1x7x128xf32, #tpu.memory_space<hbm>>
    %dma_wait3A_2032 = tpu.memref_squeeze %dma_wait3A_2031 : memref<1x1x7x128xf32, #tpu.memory_space<hbm>> -> memref<7x128xf32, #tpu.memory_space<hbm>>
    tpu.wait_dma2 semaphore(%arg23 : memref<!tpu.dma_semaphore, #tpu.memory_space<semaphore_mem>>) src(%dma_wait3A_2032 : memref<7x128xf32, #tpu.memory_space<hbm>>) dst(%dma_wait3A_2028 : memref<7x128xf32, #tpu.memory_space<vmem>>)
    %dma_wait3A_2033 = arith.constant 14 : i32
    %dma_wait3A_2034 = arith.constant 238 : i32
    %dma_wait3A_2035 = arith.constant 0 : i32
    %dma_wait3A_2036 = tpu.memref_slice %arg10[%dma_wait3A_2034, %dma_wait3A_2035] : memref<280x128xf32, #tpu.memory_space<vmem>> -> memref<7x128xf32, #tpu.memory_space<vmem>>
    %dma_wait3A_2037 = arith.constant 0 : i32
    %dma_wait3A_2038 = arith.constant 0 : i32
    %dma_wait3A_2039 = tpu.memref_slice %arg4[%add3A_864, %dma_wait3A_2033, %dma_wait3A_2037, %dma_wait3A_2038] : memref<7x20x7x128xf32, #tpu.memory_space<hbm>> -> memref<1x1x7x128xf32, #tpu.memory_space<hbm>>
    %dma_wait3A_2040 = tpu.memref_squeeze %dma_wait3A_2039 : memref<1x1x7x128xf32, #tpu.memory_space<hbm>> -> memref<7x128xf32, #tpu.memory_space<hbm>>
    %dma_wait3A_2041 = arith.constant 238 : i32
    %dma_wait3A_2042 = arith.constant 0 : i32
    %dma_wait3A_2043 = tpu.memref_slice %arg10[%dma_wait3A_2041, %dma_wait3A_2042] : memref<280x128xf32, #tpu.memory_space<vmem>> -> memref<7x128xf32, #tpu.memory_space<vmem>>
    %dma_wait3A_2044 = arith.constant 0 : i32
    %dma_wait3A_2045 = arith.constant 0 : i32
    %dma_wait3A_2046 = tpu.memref_slice %arg4[%add3A_864, %dma_wait3A_2033, %dma_wait3A_2044, %dma_wait3A_2045] : memref<7x20x7x128xf32, #tpu.memory_space<hbm>> -> memref<1x1x7x128xf32, #tpu.memory_space<hbm>>
    %dma_wait3A_2047 = tpu.memref_squeeze %dma_wait3A_2046 : memref<1x1x7x128xf32, #tpu.memory_space<hbm>> -> memref<7x128xf32, #tpu.memory_space<hbm>>
    tpu.wait_dma2 semaphore(%arg23 : memref<!tpu.dma_semaphore, #tpu.memory_space<semaphore_mem>>) src(%dma_wait3A_2047 : memref<7x128xf32, #tpu.memory_space<hbm>>) dst(%dma_wait3A_2043 : memref<7x128xf32, #tpu.memory_space<vmem>>)
    %dma_wait3A_2048 = arith.constant 15 : i32
    %dma_wait3A_2049 = arith.constant 245 : i32
    %dma_wait3A_2050 = arith.constant 0 : i32
    %dma_wait3A_2051 = tpu.memref_slice %arg10[%dma_wait3A_2049, %dma_wait3A_2050] : memref<280x128xf32, #tpu.memory_space<vmem>> -> memref<7x128xf32, #tpu.memory_space<vmem>>
    %dma_wait3A_2052 = arith.constant 0 : i32
    %dma_wait3A_2053 = arith.constant 0 : i32
    %dma_wait3A_2054 = tpu.memref_slice %arg4[%add3A_881, %dma_wait3A_2048, %dma_wait3A_2052, %dma_wait3A_2053] : memref<7x20x7x128xf32, #tpu.memory_space<hbm>> -> memref<1x1x7x128xf32, #tpu.memory_space<hbm>>
    %dma_wait3A_2055 = tpu.memref_squeeze %dma_wait3A_2054 : memref<1x1x7x128xf32, #tpu.memory_space<hbm>> -> memref<7x128xf32, #tpu.memory_space<hbm>>
    %dma_wait3A_2056 = arith.constant 245 : i32
    %dma_wait3A_2057 = arith.constant 0 : i32
    %dma_wait3A_2058 = tpu.memref_slice %arg10[%dma_wait3A_2056, %dma_wait3A_2057] : memref<280x128xf32, #tpu.memory_space<vmem>> -> memref<7x128xf32, #tpu.memory_space<vmem>>
    %dma_wait3A_2059 = arith.constant 0 : i32
    %dma_wait3A_2060 = arith.constant 0 : i32
    %dma_wait3A_2061 = tpu.memref_slice %arg4[%add3A_881, %dma_wait3A_2048, %dma_wait3A_2059, %dma_wait3A_2060] : memref<7x20x7x128xf32, #tpu.memory_space<hbm>> -> memref<1x1x7x128xf32, #tpu.memory_space<hbm>>
    %dma_wait3A_2062 = tpu.memref_squeeze %dma_wait3A_2061 : memref<1x1x7x128xf32, #tpu.memory_space<hbm>> -> memref<7x128xf32, #tpu.memory_space<hbm>>
    tpu.wait_dma2 semaphore(%arg23 : memref<!tpu.dma_semaphore, #tpu.memory_space<semaphore_mem>>) src(%dma_wait3A_2062 : memref<7x128xf32, #tpu.memory_space<hbm>>) dst(%dma_wait3A_2058 : memref<7x128xf32, #tpu.memory_space<vmem>>)
    %dma_wait3A_2063 = arith.constant 16 : i32
    %dma_wait3A_2064 = arith.constant 252 : i32
    %dma_wait3A_2065 = arith.constant 0 : i32
    %dma_wait3A_2066 = tpu.memref_slice %arg10[%dma_wait3A_2064, %dma_wait3A_2065] : memref<280x128xf32, #tpu.memory_space<vmem>> -> memref<7x128xf32, #tpu.memory_space<vmem>>
    %dma_wait3A_2067 = arith.constant 0 : i32
    %dma_wait3A_2068 = arith.constant 0 : i32
    %dma_wait3A_2069 = tpu.memref_slice %arg4[%add3A_898, %dma_wait3A_2063, %dma_wait3A_2067, %dma_wait3A_2068] : memref<7x20x7x128xf32, #tpu.memory_space<hbm>> -> memref<1x1x7x128xf32, #tpu.memory_space<hbm>>
    %dma_wait3A_2070 = tpu.memref_squeeze %dma_wait3A_2069 : memref<1x1x7x128xf32, #tpu.memory_space<hbm>> -> memref<7x128xf32, #tpu.memory_space<hbm>>
    %dma_wait3A_2071 = arith.constant 252 : i32
    %dma_wait3A_2072 = arith.constant 0 : i32
    %dma_wait3A_2073 = tpu.memref_slice %arg10[%dma_wait3A_2071, %dma_wait3A_2072] : memref<280x128xf32, #tpu.memory_space<vmem>> -> memref<7x128xf32, #tpu.memory_space<vmem>>
    %dma_wait3A_2074 = arith.constant 0 : i32
    %dma_wait3A_2075 = arith.constant 0 : i32
    %dma_wait3A_2076 = tpu.memref_slice %arg4[%add3A_898, %dma_wait3A_2063, %dma_wait3A_2074, %dma_wait3A_2075] : memref<7x20x7x128xf32, #tpu.memory_space<hbm>> -> memref<1x1x7x128xf32, #tpu.memory_space<hbm>>
    %dma_wait3A_2077 = tpu.memref_squeeze %dma_wait3A_2076 : memref<1x1x7x128xf32, #tpu.memory_space<hbm>> -> memref<7x128xf32, #tpu.memory_space<hbm>>
    tpu.wait_dma2 semaphore(%arg23 : memref<!tpu.dma_semaphore, #tpu.memory_space<semaphore_mem>>) src(%dma_wait3A_2077 : memref<7x128xf32, #tpu.memory_space<hbm>>) dst(%dma_wait3A_2073 : memref<7x128xf32, #tpu.memory_space<vmem>>)
    %dma_wait3A_2078 = arith.constant 17 : i32
    %dma_wait3A_2079 = arith.constant 259 : i32
    %dma_wait3A_2080 = arith.constant 0 : i32
    %dma_wait3A_2081 = tpu.memref_slice %arg10[%dma_wait3A_2079, %dma_wait3A_2080] : memref<280x128xf32, #tpu.memory_space<vmem>> -> memref<7x128xf32, #tpu.memory_space<vmem>>
    %dma_wait3A_2082 = arith.constant 0 : i32
    %dma_wait3A_2083 = arith.constant 0 : i32
    %dma_wait3A_2084 = tpu.memref_slice %arg4[%add3A_915, %dma_wait3A_2078, %dma_wait3A_2082, %dma_wait3A_2083] : memref<7x20x7x128xf32, #tpu.memory_space<hbm>> -> memref<1x1x7x128xf32, #tpu.memory_space<hbm>>
    %dma_wait3A_2085 = tpu.memref_squeeze %dma_wait3A_2084 : memref<1x1x7x128xf32, #tpu.memory_space<hbm>> -> memref<7x128xf32, #tpu.memory_space<hbm>>
    %dma_wait3A_2086 = arith.constant 259 : i32
    %dma_wait3A_2087 = arith.constant 0 : i32
    %dma_wait3A_2088 = tpu.memref_slice %arg10[%dma_wait3A_2086, %dma_wait3A_2087] : memref<280x128xf32, #tpu.memory_space<vmem>> -> memref<7x128xf32, #tpu.memory_space<vmem>>
    %dma_wait3A_2089 = arith.constant 0 : i32
    %dma_wait3A_2090 = arith.constant 0 : i32
    %dma_wait3A_2091 = tpu.memref_slice %arg4[%add3A_915, %dma_wait3A_2078, %dma_wait3A_2089, %dma_wait3A_2090] : memref<7x20x7x128xf32, #tpu.memory_space<hbm>> -> memref<1x1x7x128xf32, #tpu.memory_space<hbm>>
    %dma_wait3A_2092 = tpu.memref_squeeze %dma_wait3A_2091 : memref<1x1x7x128xf32, #tpu.memory_space<hbm>> -> memref<7x128xf32, #tpu.memory_space<hbm>>
    tpu.wait_dma2 semaphore(%arg23 : memref<!tpu.dma_semaphore, #tpu.memory_space<semaphore_mem>>) src(%dma_wait3A_2092 : memref<7x128xf32, #tpu.memory_space<hbm>>) dst(%dma_wait3A_2088 : memref<7x128xf32, #tpu.memory_space<vmem>>)
    %dma_wait3A_2093 = arith.constant 18 : i32
    %dma_wait3A_2094 = arith.constant 266 : i32
    %dma_wait3A_2095 = arith.constant 0 : i32
    %dma_wait3A_2096 = tpu.memref_slice %arg10[%dma_wait3A_2094, %dma_wait3A_2095] : memref<280x128xf32, #tpu.memory_space<vmem>> -> memref<7x128xf32, #tpu.memory_space<vmem>>
    %dma_wait3A_2097 = arith.constant 0 : i32
    %dma_wait3A_2098 = arith.constant 0 : i32
    %dma_wait3A_2099 = tpu.memref_slice %arg4[%add3A_932, %dma_wait3A_2093, %dma_wait3A_2097, %dma_wait3A_2098] : memref<7x20x7x128xf32, #tpu.memory_space<hbm>> -> memref<1x1x7x128xf32, #tpu.memory_space<hbm>>
    %dma_wait3A_2100 = tpu.memref_squeeze %dma_wait3A_2099 : memref<1x1x7x128xf32, #tpu.memory_space<hbm>> -> memref<7x128xf32, #tpu.memory_space<hbm>>
    %dma_wait3A_2101 = arith.constant 266 : i32
    %dma_wait3A_2102 = arith.constant 0 : i32
    %dma_wait3A_2103 = tpu.memref_slice %arg10[%dma_wait3A_2101, %dma_wait3A_2102] : memref<280x128xf32, #tpu.memory_space<vmem>> -> memref<7x128xf32, #tpu.memory_space<vmem>>
    %dma_wait3A_2104 = arith.constant 0 : i32
    %dma_wait3A_2105 = arith.constant 0 : i32
    %dma_wait3A_2106 = tpu.memref_slice %arg4[%add3A_932, %dma_wait3A_2093, %dma_wait3A_2104, %dma_wait3A_2105] : memref<7x20x7x128xf32, #tpu.memory_space<hbm>> -> memref<1x1x7x128xf32, #tpu.memory_space<hbm>>
    %dma_wait3A_2107 = tpu.memref_squeeze %dma_wait3A_2106 : memref<1x1x7x128xf32, #tpu.memory_space<hbm>> -> memref<7x128xf32, #tpu.memory_space<hbm>>
    tpu.wait_dma2 semaphore(%arg23 : memref<!tpu.dma_semaphore, #tpu.memory_space<semaphore_mem>>) src(%dma_wait3A_2107 : memref<7x128xf32, #tpu.memory_space<hbm>>) dst(%dma_wait3A_2103 : memref<7x128xf32, #tpu.memory_space<vmem>>)
    %dma_wait3A_2108 = arith.constant 19 : i32
    %dma_wait3A_2109 = arith.constant 273 : i32
    %dma_wait3A_2110 = arith.constant 0 : i32
    %dma_wait3A_2111 = tpu.memref_slice %arg10[%dma_wait3A_2109, %dma_wait3A_2110] : memref<280x128xf32, #tpu.memory_space<vmem>> -> memref<7x128xf32, #tpu.memory_space<vmem>>
    %dma_wait3A_2112 = arith.constant 0 : i32
    %dma_wait3A_2113 = arith.constant 0 : i32
    %dma_wait3A_2114 = tpu.memref_slice %arg4[%add3A_949, %dma_wait3A_2108, %dma_wait3A_2112, %dma_wait3A_2113] : memref<7x20x7x128xf32, #tpu.memory_space<hbm>> -> memref<1x1x7x128xf32, #tpu.memory_space<hbm>>
    %dma_wait3A_2115 = tpu.memref_squeeze %dma_wait3A_2114 : memref<1x1x7x128xf32, #tpu.memory_space<hbm>> -> memref<7x128xf32, #tpu.memory_space<hbm>>
    %dma_wait3A_2116 = arith.constant 273 : i32
    %dma_wait3A_2117 = arith.constant 0 : i32
    %dma_wait3A_2118 = tpu.memref_slice %arg10[%dma_wait3A_2116, %dma_wait3A_2117] : memref<280x128xf32, #tpu.memory_space<vmem>> -> memref<7x128xf32, #tpu.memory_space<vmem>>
    %dma_wait3A_2119 = arith.constant 0 : i32
    %dma_wait3A_2120 = arith.constant 0 : i32
    %dma_wait3A_2121 = tpu.memref_slice %arg4[%add3A_949, %dma_wait3A_2108, %dma_wait3A_2119, %dma_wait3A_2120] : memref<7x20x7x128xf32, #tpu.memory_space<hbm>> -> memref<1x1x7x128xf32, #tpu.memory_space<hbm>>
    %dma_wait3A_2122 = tpu.memref_squeeze %dma_wait3A_2121 : memref<1x1x7x128xf32, #tpu.memory_space<hbm>> -> memref<7x128xf32, #tpu.memory_space<hbm>>
    tpu.wait_dma2 semaphore(%arg23 : memref<!tpu.dma_semaphore, #tpu.memory_space<semaphore_mem>>) src(%dma_wait3A_2122 : memref<7x128xf32, #tpu.memory_space<hbm>>) dst(%dma_wait3A_2118 : memref<7x128xf32, #tpu.memory_space<vmem>>)
    %scan3A_2123 = arith.constant 0 : i32
    %scan3A_2124 = arith.constant 28 : i32
    %scan3A_2125 = arith.addi %scan3A_2123, %scan3A_2124 : i32
    %scan3A_2126 = arith.constant 1 : i32
    %scan3A_2127 = scf.for %scan3A_2136 = %scan3A_2123 to %scan3A_2125 step %scan3A_2126 iter_args(%scan3A_2137 = %broadcast_in_dim3A_965) -> (vector<16xf32>)  : i32 {
      %jit3A_2138 = arith.constant 2 : i32
      %div3A_2139 = arith.divsi %scan3A_2136, %jit3A_2138 : i32
      %sign3A_2140 = arith.constant 0 : i32
      %sign3A_2141 = arith.cmpi sgt, %scan3A_2136, %sign3A_2140 : i32
      %sign3A_2142 = arith.extui %sign3A_2141 : i1 to i32
      %sign3A_2143 = arith.constant 0 : i32
      %sign3A_2144 = arith.cmpi slt, %scan3A_2136, %sign3A_2143 : i32
      %sign3A_2145 = arith.extui %sign3A_2144 : i1 to i32
      %sign3A_2146 = arith.subi %sign3A_2142, %sign3A_2145 : i32
      %sign3A_2147 = arith.constant 0 : i32
      %sign3A_2148 = arith.cmpi sgt, %jit3A_2138, %sign3A_2147 : i32
      %sign3A_2149 = arith.extui %sign3A_2148 : i1 to i32
      %sign3A_2150 = arith.constant 0 : i32
      %sign3A_2151 = arith.cmpi slt, %jit3A_2138, %sign3A_2150 : i32
      %sign3A_2152 = arith.extui %sign3A_2151 : i1 to i32
      %sign3A_2153 = arith.subi %sign3A_2149, %sign3A_2152 : i32
      %ne3A_2154 = arith.cmpi ne, %sign3A_2146, %sign3A_2153 : i32
      %rem3A_2155 = arith.remsi %scan3A_2136, %jit3A_2138 : i32
      %ne3A_2156 = arith.constant 0 : i32
      %ne3A_2157 = arith.cmpi ne, %rem3A_2155, %ne3A_2156 : i32
      %and3A_2158 = arith.andi %ne3A_2154, %ne3A_2157 : i1
      %sub3A_2159 = arith.constant 1 : i32
      %sub3A_2160 = arith.subi %div3A_2139, %sub3A_2159 : i32
      %select_n3A_2161 = arith.select %and3A_2158, %sub3A_2160, %div3A_2139 : i32
      %mul3A_2162 = arith.constant 2 : i32
      %mul3A_2163 = arith.muli %select_n3A_2161, %mul3A_2162 : i32
      %sub3A_2164 = arith.subi %scan3A_2136, %mul3A_2163 : i32
      %mul3A_2165 = arith.constant 32 : i32
      %mul3A_2166 = arith.muli %select_n3A_8, %mul3A_2165 : i32
      %mul3A_2167 = arith.constant 16 : i32
      %mul3A_2168 = arith.muli %sub3A_2164, %mul3A_2167 : i32
      %add3A_2169 = arith.addi %mul3A_2166, %mul3A_2168 : i32
      %multiple_of3A = tpu.assume_multiple %add3A_2169, 16 : i32
      %div3A_2170 = arith.constant 7 : i32
      %div3A_2171 = arith.divsi %select_n3A_2161, %div3A_2170 : i32
      %mul3A_2172 = arith.constant 7 : i32
      %mul3A_2173 = arith.muli %div3A_2171, %mul3A_2172 : i32
      %sub3A_2174 = arith.subi %select_n3A_2161, %mul3A_2173 : i32
      %add3A_2175 = arith.addi %mul3A_41, %select_n3A_2161 : i32
      %ge3A = arith.cmpi sge, %add3A_2175, %mul3A_33 : i32
      %le3A = arith.cmpi sle, %add3A_2175, %min3A_39 : i32
      %and3A_2176 = arith.andi %ge3A, %le3A : i1
      %jit3A_2177 = arith.constant 1.000000e+00 : f32
      %jit3A_2178 = arith.constant 0.000000e+00 : f32
      %select_n3A_2179 = arith.select %and3A_2176, %jit3A_2177, %jit3A_2178 : f32
      %convert_element_type3A_2180 = arith.sitofp %sub3A_2174 : i32 to f32
      %mul3A_2181 = arith.constant 6.400000e+01 : f32
      %mul3A_2182 = arith.mulf %convert_element_type3A_2180, %mul3A_2181 : f32
      %add3A_2183 = arith.addi %min3A_31, %div3A_2171 : i32
      %convert_element_type3A_2184 = arith.sitofp %add3A_2183 : i32 to f32
      %mul3A_2185 = arith.constant 6.400000e+01 : f32
      %mul3A_2186 = arith.mulf %convert_element_type3A_2184, %mul3A_2185 : f32
      %mul3A_2187 = arith.constant 2 : i32
      %mul3A_2188 = arith.muli %select_n3A_2161, %mul3A_2187 : i32
      %add3A_2189 = arith.addi %mul3A_2188, %sub3A_2164 : i32
      %mul3A_2190 = arith.constant 16 : i32
      %mul3A_2191 = arith.muli %add3A_2189, %mul3A_2190 : i32
      %get3A = arith.index_cast %mul3A_2191 : i32 to index
      %get3A_2192 = tpu.vector_load %arg13[%get3A] {strides = array<i32>} : memref<448xf32, #tpu.memory_space<vmem>>, vector<16xf32>,
      %get3A_2193 = arith.index_cast %mul3A_2191 : i32 to index
      %get3A_2194 = tpu.vector_load %arg14[%get3A_2193] {strides = array<i32>} : memref<448xf32, #tpu.memory_space<vmem>>, vector<16xf32>,
      %get3A_2195 = arith.index_cast %mul3A_2191 : i32 to index
      %get3A_2196 = tpu.vector_load %arg15[%get3A_2195] {strides = array<i32>} : memref<448xf32, #tpu.memory_space<vmem>>, vector<16xf32>,
      %get3A_2197 = arith.index_cast %mul3A_2191 : i32 to index
      %get3A_2198 = tpu.vector_load %arg16[%get3A_2197] {strides = array<i32>} : memref<448xf32, #tpu.memory_space<vmem>>, vector<16xf32>,
      %get3A_2199 = arith.index_cast %mul3A_2191 : i32 to index
      %get3A_2200 = tpu.vector_load %arg17[%get3A_2199] {strides = array<i32>} : memref<448xf32, #tpu.memory_space<vmem>>, vector<16xf32>,
      %get3A_2201 = arith.index_cast %mul3A_2191 : i32 to index
      %get3A_2202 = tpu.vector_load %arg18[%get3A_2201] {strides = array<i32>} : memref<448xi32, #tpu.memory_space<vmem>>, vector<16xi32>,
      %mul3A_2203 = arith.constant 6.400000e+01 : f32
      %mul3A_2204 = vector.broadcast %mul3A_2203 : f32 to vector<16xf32>
      %mul3A_2205 = arith.mulf %get3A_2194, %mul3A_2204 : vector<16xf32>
      %add3A_2206 = vector.broadcast %mul3A_2182 : f32 to vector<16xf32>
      %add3A_2207 = arith.addf %mul3A_2205, %add3A_2206 : vector<16xf32>
      %mul3A_2208 = arith.constant 6.400000e+01 : f32
      %mul3A_2209 = vector.broadcast %mul3A_2208 : f32 to vector<16xf32>
      %mul3A_2210 = arith.mulf %get3A_2196, %mul3A_2209 : vector<16xf32>
      %add3A_2211 = vector.broadcast %mul3A_2186 : f32 to vector<16xf32>
      %add3A_2212 = arith.addf %mul3A_2210, %add3A_2211 : vector<16xf32>
      %mul3A_2213 = arith.constant 4.480000e+02 : f32
      %mul3A_2214 = vector.broadcast %mul3A_2213 : f32 to vector<16xf32>
      %mul3A_2215 = arith.mulf %get3A_2198, %mul3A_2214 : vector<16xf32>
      %mul3A_2216 = arith.constant 4.480000e+02 : f32
      %mul3A_2217 = vector.broadcast %mul3A_2216 : f32 to vector<16xf32>
      %mul3A_2218 = arith.mulf %get3A_2200, %mul3A_2217 : vector<16xf32>
      %mul3A_2219 = arith.constant 5.000000e-01 : f32
      %mul3A_2220 = vector.broadcast %mul3A_2219 : f32 to vector<16xf32>
      %mul3A_2221 = arith.mulf %mul3A_2215, %mul3A_2220 : vector<16xf32>
      %sub3A_2222 = arith.subf %add3A_2207, %mul3A_2221 : vector<16xf32>
      %max3A = arith.constant 0.000000e+00 : f32
      %max3A_2223 = vector.broadcast %max3A : f32 to vector<16xf32>
      %max3A_2224 = arith.maximumf %sub3A_2222, %max3A_2223 : vector<16xf32>
      %min3A_2225 = arith.constant 4.470000e+02 : f32
      %min3A_2226 = vector.broadcast %min3A_2225 : f32 to vector<16xf32>
      %min3A_2227 = arith.minimumf %max3A_2224, %min3A_2226 : vector<16xf32>
      %mul3A_2228 = arith.constant 5.000000e-01 : f32
      %mul3A_2229 = vector.broadcast %mul3A_2228 : f32 to vector<16xf32>
      %mul3A_2230 = arith.mulf %mul3A_2218, %mul3A_2229 : vector<16xf32>
      %sub3A_2231 = arith.subf %add3A_2212, %mul3A_2230 : vector<16xf32>
      %max3A_2232 = arith.constant 0.000000e+00 : f32
      %max3A_2233 = vector.broadcast %max3A_2232 : f32 to vector<16xf32>
      %max3A_2234 = arith.maximumf %sub3A_2231, %max3A_2233 : vector<16xf32>
      %min3A_2235 = arith.constant 4.470000e+02 : f32
      %min3A_2236 = vector.broadcast %min3A_2235 : f32 to vector<16xf32>
      %min3A_2237 = arith.minimumf %max3A_2234, %min3A_2236 : vector<16xf32>
      %mul3A_2238 = arith.constant 5.000000e-01 : f32
      %mul3A_2239 = vector.broadcast %mul3A_2238 : f32 to vector<16xf32>
      %mul3A_2240 = arith.mulf %mul3A_2215, %mul3A_2239 : vector<16xf32>
      %add3A_2241 = arith.addf %add3A_2207, %mul3A_2240 : vector<16xf32>
      %max3A_2242 = arith.constant 0.000000e+00 : f32
      %max3A_2243 = vector.broadcast %max3A_2242 : f32 to vector<16xf32>
      %max3A_2244 = arith.maximumf %add3A_2241, %max3A_2243 : vector<16xf32>
      %min3A_2245 = arith.constant 4.470000e+02 : f32
      %min3A_2246 = vector.broadcast %min3A_2245 : f32 to vector<16xf32>
      %min3A_2247 = arith.minimumf %max3A_2244, %min3A_2246 : vector<16xf32>
      %mul3A_2248 = arith.constant 5.000000e-01 : f32
      %mul3A_2249 = vector.broadcast %mul3A_2248 : f32 to vector<16xf32>
      %mul3A_2250 = arith.mulf %mul3A_2218, %mul3A_2249 : vector<16xf32>
      %add3A_2251 = arith.addf %add3A_2212, %mul3A_2250 : vector<16xf32>
      %max3A_2252 = arith.constant 0.000000e+00 : f32
      %max3A_2253 = vector.broadcast %max3A_2252 : f32 to vector<16xf32>
      %max3A_2254 = arith.maximumf %add3A_2251, %max3A_2253 : vector<16xf32>
      %min3A_2255 = arith.constant 4.470000e+02 : f32
      %min3A_2256 = vector.broadcast %min3A_2255 : f32 to vector<16xf32>
      %min3A_2257 = arith.minimumf %max3A_2254, %min3A_2256 : vector<16xf32>
      %sub3A_2258 = arith.subf %min3A_2247, %min3A_2227 : vector<16xf32>
      %sub3A_2259 = arith.subf %min3A_2257, %min3A_2237 : vector<16xf32>
      %mul3A_2260 = arith.mulf %sub3A_2258, %sub3A_2259 : vector<16xf32>
      %mul3A_2261 = arith.constant 8 : i32
      %mul3A_2262 = arith.muli %select_n3A_2161, %mul3A_2261 : i32
      %add3A_2263 = arith.constant 0 : i32
      %add3A_2264 = arith.addi %mul3A_2262, %add3A_2263 : i32
      %add3A_2265 = arith.constant 0 : i32
      %add3A_2266 = arith.addi %add3A_2264, %add3A_2265 : i32
      %get3A_2267 = arith.index_cast %add3A_2266 : i32 to index
      %get3A_2268 = arith.index_cast %multiple_of3A : i32 to index
      %get3A_2269 = tpu.vector_load %arg9[%get3A_2267, %get3A_2268] {strides = array<i32>} : memref<112x128xf32, #tpu.memory_space<vmem>>, vector<16xf32>,
      %mul3A_2270 = arith.constant 8 : i32
      %mul3A_2271 = arith.muli %select_n3A_2161, %mul3A_2270 : i32
      %add3A_2272 = arith.constant 0 : i32
      %add3A_2273 = arith.addi %mul3A_2271, %add3A_2272 : i32
      %add3A_2274 = arith.constant 1 : i32
      %add3A_2275 = arith.addi %add3A_2273, %add3A_2274 : i32
      %get3A_2276 = arith.index_cast %add3A_2275 : i32 to index
      %get3A_2277 = arith.index_cast %multiple_of3A : i32 to index
      %get3A_2278 = tpu.vector_load %arg9[%get3A_2276, %get3A_2277] {strides = array<i32>} : memref<112x128xf32, #tpu.memory_space<vmem>>, vector<16xf32>,
      %mul3A_2279 = arith.constant 8 : i32
      %mul3A_2280 = arith.muli %select_n3A_2161, %mul3A_2279 : i32
      %add3A_2281 = arith.constant 0 : i32
      %add3A_2282 = arith.addi %mul3A_2280, %add3A_2281 : i32
      %add3A_2283 = arith.constant 2 : i32
      %add3A_2284 = arith.addi %add3A_2282, %add3A_2283 : i32
      %get3A_2285 = arith.index_cast %add3A_2284 : i32 to index
      %get3A_2286 = arith.index_cast %multiple_of3A : i32 to index
      %get3A_2287 = tpu.vector_load %arg9[%get3A_2285, %get3A_2286] {strides = array<i32>} : memref<112x128xf32, #tpu.memory_space<vmem>>, vector<16xf32>,
      %mul3A_2288 = arith.constant 8 : i32
      %mul3A_2289 = arith.muli %select_n3A_2161, %mul3A_2288 : i32
      %add3A_2290 = arith.constant 0 : i32
      %add3A_2291 = arith.addi %mul3A_2289, %add3A_2290 : i32
      %add3A_2292 = arith.constant 3 : i32
      %add3A_2293 = arith.addi %add3A_2291, %add3A_2292 : i32
      %get3A_2294 = arith.index_cast %add3A_2293 : i32 to index
      %get3A_2295 = arith.index_cast %multiple_of3A : i32 to index
      %get3A_2296 = tpu.vector_load %arg9[%get3A_2294, %get3A_2295] {strides = array<i32>} : memref<112x128xf32, #tpu.memory_space<vmem>>, vector<16xf32>,
      %mul3A_2297 = arith.constant 2 : i32
      %mul3A_2298 = arith.muli %select_n3A_2161, %mul3A_2297 : i32
      %add3A_2299 = arith.constant 0 : i32
      %add3A_2300 = arith.addi %mul3A_2298, %add3A_2299 : i32
      %get3A_2301 = arith.index_cast %add3A_2300 : i32 to index
      %get3A_2302 = arith.index_cast %multiple_of3A : i32 to index
      %get3A_2303 = tpu.vector_load %arg8[%get3A_2301, %get3A_2302] {strides = array<i32>} : memref<28x128xf32, #tpu.memory_space<vmem>>, vector<16xf32>,
      %mul3A_2304 = arith.constant 6.400000e+01 : f32
      %mul3A_2305 = vector.broadcast %mul3A_2304 : f32 to vector<16xf32>
      %mul3A_2306 = arith.mulf %get3A_2269, %mul3A_2305 : vector<16xf32>
      %add3A_2307 = vector.broadcast %mul3A_2182 : f32 to vector<16xf32>
      %add3A_2308 = arith.addf %mul3A_2306, %add3A_2307 : vector<16xf32>
      %mul3A_2309 = arith.constant 6.400000e+01 : f32
      %mul3A_2310 = vector.broadcast %mul3A_2309 : f32 to vector<16xf32>
      %mul3A_2311 = arith.mulf %get3A_2278, %mul3A_2310 : vector<16xf32>
      %add3A_2312 = vector.broadcast %mul3A_2186 : f32 to vector<16xf32>
      %add3A_2313 = arith.addf %mul3A_2311, %add3A_2312 : vector<16xf32>
      %mul3A_2314 = arith.constant 4.480000e+02 : f32
      %mul3A_2315 = vector.broadcast %mul3A_2314 : f32 to vector<16xf32>
      %mul3A_2316 = arith.mulf %get3A_2287, %mul3A_2315 : vector<16xf32>
      %mul3A_2317 = arith.constant 4.480000e+02 : f32
      %mul3A_2318 = vector.broadcast %mul3A_2317 : f32 to vector<16xf32>
      %mul3A_2319 = arith.mulf %get3A_2296, %mul3A_2318 : vector<16xf32>
      %mul3A_2320 = arith.constant 5.000000e-01 : f32
      %mul3A_2321 = vector.broadcast %mul3A_2320 : f32 to vector<16xf32>
      %mul3A_2322 = arith.mulf %mul3A_2316, %mul3A_2321 : vector<16xf32>
      %sub3A_2323 = arith.subf %add3A_2308, %mul3A_2322 : vector<16xf32>
      %max3A_2324 = arith.constant 0.000000e+00 : f32
      %max3A_2325 = vector.broadcast %max3A_2324 : f32 to vector<16xf32>
      %max3A_2326 = arith.maximumf %sub3A_2323, %max3A_2325 : vector<16xf32>
      %min3A_2327 = arith.constant 4.470000e+02 : f32
      %min3A_2328 = vector.broadcast %min3A_2327 : f32 to vector<16xf32>
      %min3A_2329 = arith.minimumf %max3A_2326, %min3A_2328 : vector<16xf32>
      %mul3A_2330 = arith.constant 5.000000e-01 : f32
      %mul3A_2331 = vector.broadcast %mul3A_2330 : f32 to vector<16xf32>
      %mul3A_2332 = arith.mulf %mul3A_2319, %mul3A_2331 : vector<16xf32>
      %sub3A_2333 = arith.subf %add3A_2313, %mul3A_2332 : vector<16xf32>
      %max3A_2334 = arith.constant 0.000000e+00 : f32
      %max3A_2335 = vector.broadcast %max3A_2334 : f32 to vector<16xf32>
      %max3A_2336 = arith.maximumf %sub3A_2333, %max3A_2335 : vector<16xf32>
      %min3A_2337 = arith.constant 4.470000e+02 : f32
      %min3A_2338 = vector.broadcast %min3A_2337 : f32 to vector<16xf32>
      %min3A_2339 = arith.minimumf %max3A_2336, %min3A_2338 : vector<16xf32>
      %mul3A_2340 = arith.constant 5.000000e-01 : f32
      %mul3A_2341 = vector.broadcast %mul3A_2340 : f32 to vector<16xf32>
      %mul3A_2342 = arith.mulf %mul3A_2316, %mul3A_2341 : vector<16xf32>
      %add3A_2343 = arith.addf %add3A_2308, %mul3A_2342 : vector<16xf32>
      %max3A_2344 = arith.constant 0.000000e+00 : f32
      %max3A_2345 = vector.broadcast %max3A_2344 : f32 to vector<16xf32>
      %max3A_2346 = arith.maximumf %add3A_2343, %max3A_2345 : vector<16xf32>
      %min3A_2347 = arith.constant 4.470000e+02 : f32
      %min3A_2348 = vector.broadcast %min3A_2347 : f32 to vector<16xf32>
      %min3A_2349 = arith.minimumf %max3A_2346, %min3A_2348 : vector<16xf32>
      %mul3A_2350 = arith.constant 5.000000e-01 : f32
      %mul3A_2351 = vector.broadcast %mul3A_2350 : f32 to vector<16xf32>
      %mul3A_2352 = arith.mulf %mul3A_2319, %mul3A_2351 : vector<16xf32>
      %add3A_2353 = arith.addf %add3A_2313, %mul3A_2352 : vector<16xf32>
      %max3A_2354 = arith.constant 0.000000e+00 : f32
      %max3A_2355 = vector.broadcast %max3A_2354 : f32 to vector<16xf32>
      %max3A_2356 = arith.maximumf %add3A_2353, %max3A_2355 : vector<16xf32>
      %min3A_2357 = arith.constant 4.470000e+02 : f32
      %min3A_2358 = vector.broadcast %min3A_2357 : f32 to vector<16xf32>
      %min3A_2359 = arith.minimumf %max3A_2356, %min3A_2358 : vector<16xf32>
      %sub3A_2360 = arith.subf %min3A_2349, %min3A_2329 : vector<16xf32>
      %sub3A_2361 = arith.subf %min3A_2359, %min3A_2339 : vector<16xf32>
      %mul3A_2362 = arith.mulf %sub3A_2360, %sub3A_2361 : vector<16xf32>
      %min3A_2363 = arith.minimumf %min3A_2349, %min3A_2247 : vector<16xf32>
      %max3A_2364 = arith.maximumf %min3A_2329, %min3A_2227 : vector<16xf32>
      %sub3A_2365 = arith.subf %min3A_2363, %max3A_2364 : vector<16xf32>
      %max3A_2366 = arith.constant 0.000000e+00 : f32
      %max3A_2367 = vector.broadcast %max3A_2366 : f32 to vector<16xf32>
      %max3A_2368 = arith.maximumf %sub3A_2365, %max3A_2367 : vector<16xf32>
      %min3A_2369 = arith.minimumf %min3A_2359, %min3A_2257 : vector<16xf32>
      %max3A_2370 = arith.maximumf %min3A_2339, %min3A_2237 : vector<16xf32>
      %sub3A_2371 = arith.subf %min3A_2369, %max3A_2370 : vector<16xf32>
      %max3A_2372 = arith.constant 0.000000e+00 : f32
      %max3A_2373 = vector.broadcast %max3A_2372 : f32 to vector<16xf32>
      %max3A_2374 = arith.maximumf %sub3A_2371, %max3A_2373 : vector<16xf32>
      %mul3A_2375 = arith.mulf %max3A_2368, %max3A_2374 : vector<16xf32>
      %add3A_2376 = arith.addf %mul3A_2362, %mul3A_2260 : vector<16xf32>
      %sub3A_2377 = arith.subf %add3A_2376, %mul3A_2375 : vector<16xf32>
      %add3A_2378 = arith.constant 9.99999974E-5 : f32
      %add3A_2379 = vector.broadcast %add3A_2378 : f32 to vector<16xf32>
      %add3A_2380 = arith.addf %sub3A_2377, %add3A_2379 : vector<16xf32>
      %div3A_2381 = arith.divf %mul3A_2375, %add3A_2380 : vector<16xf32>
      %mul3A_2382 = arith.constant 8 : i32
      %mul3A_2383 = arith.muli %select_n3A_2161, %mul3A_2382 : i32
      %add3A_2384 = arith.constant 4 : i32
      %add3A_2385 = arith.addi %mul3A_2383, %add3A_2384 : i32
      %add3A_2386 = arith.constant 0 : i32
      %add3A_2387 = arith.addi %add3A_2385, %add3A_2386 : i32
      %get3A_2388 = arith.index_cast %add3A_2387 : i32 to index
      %get3A_2389 = arith.index_cast %multiple_of3A : i32 to index
      %get3A_2390 = tpu.vector_load %arg9[%get3A_2388, %get3A_2389] {strides = array<i32>} : memref<112x128xf32, #tpu.memory_space<vmem>>, vector<16xf32>,
      %mul3A_2391 = arith.constant 8 : i32
      %mul3A_2392 = arith.muli %select_n3A_2161, %mul3A_2391 : i32
      %add3A_2393 = arith.constant 4 : i32
      %add3A_2394 = arith.addi %mul3A_2392, %add3A_2393 : i32
      %add3A_2395 = arith.constant 1 : i32
      %add3A_2396 = arith.addi %add3A_2394, %add3A_2395 : i32
      %get3A_2397 = arith.index_cast %add3A_2396 : i32 to index
      %get3A_2398 = arith.index_cast %multiple_of3A : i32 to index
      %get3A_2399 = tpu.vector_load %arg9[%get3A_2397, %get3A_2398] {strides = array<i32>} : memref<112x128xf32, #tpu.memory_space<vmem>>, vector<16xf32>,
      %mul3A_2400 = arith.constant 8 : i32
      %mul3A_2401 = arith.muli %select_n3A_2161, %mul3A_2400 : i32
      %add3A_2402 = arith.constant 4 : i32
      %add3A_2403 = arith.addi %mul3A_2401, %add3A_2402 : i32
      %add3A_2404 = arith.constant 2 : i32
      %add3A_2405 = arith.addi %add3A_2403, %add3A_2404 : i32
      %get3A_2406 = arith.index_cast %add3A_2405 : i32 to index
      %get3A_2407 = arith.index_cast %multiple_of3A : i32 to index
      %get3A_2408 = tpu.vector_load %arg9[%get3A_2406, %get3A_2407] {strides = array<i32>} : memref<112x128xf32, #tpu.memory_space<vmem>>, vector<16xf32>,
      %mul3A_2409 = arith.constant 8 : i32
      %mul3A_2410 = arith.muli %select_n3A_2161, %mul3A_2409 : i32
      %add3A_2411 = arith.constant 4 : i32
      %add3A_2412 = arith.addi %mul3A_2410, %add3A_2411 : i32
      %add3A_2413 = arith.constant 3 : i32
      %add3A_2414 = arith.addi %add3A_2412, %add3A_2413 : i32
      %get3A_2415 = arith.index_cast %add3A_2414 : i32 to index
      %get3A_2416 = arith.index_cast %multiple_of3A : i32 to index
      %get3A_2417 = tpu.vector_load %arg9[%get3A_2415, %get3A_2416] {strides = array<i32>} : memref<112x128xf32, #tpu.memory_space<vmem>>, vector<16xf32>,
      %mul3A_2418 = arith.constant 2 : i32
      %mul3A_2419 = arith.muli %select_n3A_2161, %mul3A_2418 : i32
      %add3A_2420 = arith.constant 1 : i32
      %add3A_2421 = arith.addi %mul3A_2419, %add3A_2420 : i32
      %get3A_2422 = arith.index_cast %add3A_2421 : i32 to index
      %get3A_2423 = arith.index_cast %multiple_of3A : i32 to index
      %get3A_2424 = tpu.vector_load %arg8[%get3A_2422, %get3A_2423] {strides = array<i32>} : memref<28x128xf32, #tpu.memory_space<vmem>>, vector<16xf32>,
      %mul3A_2425 = arith.constant 6.400000e+01 : f32
      %mul3A_2426 = vector.broadcast %mul3A_2425 : f32 to vector<16xf32>
      %mul3A_2427 = arith.mulf %get3A_2390, %mul3A_2426 : vector<16xf32>
      %add3A_2428 = vector.broadcast %mul3A_2182 : f32 to vector<16xf32>
      %add3A_2429 = arith.addf %mul3A_2427, %add3A_2428 : vector<16xf32>
      %mul3A_2430 = arith.constant 6.400000e+01 : f32
      %mul3A_2431 = vector.broadcast %mul3A_2430 : f32 to vector<16xf32>
      %mul3A_2432 = arith.mulf %get3A_2399, %mul3A_2431 : vector<16xf32>
      %add3A_2433 = vector.broadcast %mul3A_2186 : f32 to vector<16xf32>
      %add3A_2434 = arith.addf %mul3A_2432, %add3A_2433 : vector<16xf32>
      %mul3A_2435 = arith.constant 4.480000e+02 : f32
      %mul3A_2436 = vector.broadcast %mul3A_2435 : f32 to vector<16xf32>
      %mul3A_2437 = arith.mulf %get3A_2408, %mul3A_2436 : vector<16xf32>
      %mul3A_2438 = arith.constant 4.480000e+02 : f32
      %mul3A_2439 = vector.broadcast %mul3A_2438 : f32 to vector<16xf32>
      %mul3A_2440 = arith.mulf %get3A_2417, %mul3A_2439 : vector<16xf32>
      %mul3A_2441 = arith.constant 5.000000e-01 : f32
      %mul3A_2442 = vector.broadcast %mul3A_2441 : f32 to vector<16xf32>
      %mul3A_2443 = arith.mulf %mul3A_2437, %mul3A_2442 : vector<16xf32>
      %sub3A_2444 = arith.subf %add3A_2429, %mul3A_2443 : vector<16xf32>
      %max3A_2445 = arith.constant 0.000000e+00 : f32
      %max3A_2446 = vector.broadcast %max3A_2445 : f32 to vector<16xf32>
      %max3A_2447 = arith.maximumf %sub3A_2444, %max3A_2446 : vector<16xf32>
      %min3A_2448 = arith.constant 4.470000e+02 : f32
      %min3A_2449 = vector.broadcast %min3A_2448 : f32 to vector<16xf32>
      %min3A_2450 = arith.minimumf %max3A_2447, %min3A_2449 : vector<16xf32>
      %mul3A_2451 = arith.constant 5.000000e-01 : f32
      %mul3A_2452 = vector.broadcast %mul3A_2451 : f32 to vector<16xf32>
      %mul3A_2453 = arith.mulf %mul3A_2440, %mul3A_2452 : vector<16xf32>
      %sub3A_2454 = arith.subf %add3A_2434, %mul3A_2453 : vector<16xf32>
      %max3A_2455 = arith.constant 0.000000e+00 : f32
      %max3A_2456 = vector.broadcast %max3A_2455 : f32 to vector<16xf32>
      %max3A_2457 = arith.maximumf %sub3A_2454, %max3A_2456 : vector<16xf32>
      %min3A_2458 = arith.constant 4.470000e+02 : f32
      %min3A_2459 = vector.broadcast %min3A_2458 : f32 to vector<16xf32>
      %min3A_2460 = arith.minimumf %max3A_2457, %min3A_2459 : vector<16xf32>
      %mul3A_2461 = arith.constant 5.000000e-01 : f32
      %mul3A_2462 = vector.broadcast %mul3A_2461 : f32 to vector<16xf32>
      %mul3A_2463 = arith.mulf %mul3A_2437, %mul3A_2462 : vector<16xf32>
      %add3A_2464 = arith.addf %add3A_2429, %mul3A_2463 : vector<16xf32>
      %max3A_2465 = arith.constant 0.000000e+00 : f32
      %max3A_2466 = vector.broadcast %max3A_2465 : f32 to vector<16xf32>
      %max3A_2467 = arith.maximumf %add3A_2464, %max3A_2466 : vector<16xf32>
      %min3A_2468 = arith.constant 4.470000e+02 : f32
      %min3A_2469 = vector.broadcast %min3A_2468 : f32 to vector<16xf32>
      %min3A_2470 = arith.minimumf %max3A_2467, %min3A_2469 : vector<16xf32>
      %mul3A_2471 = arith.constant 5.000000e-01 : f32
      %mul3A_2472 = vector.broadcast %mul3A_2471 : f32 to vector<16xf32>
      %mul3A_2473 = arith.mulf %mul3A_2440, %mul3A_2472 : vector<16xf32>
      %add3A_2474 = arith.addf %add3A_2434, %mul3A_2473 : vector<16xf32>
      %max3A_2475 = arith.constant 0.000000e+00 : f32
      %max3A_2476 = vector.broadcast %max3A_2475 : f32 to vector<16xf32>
      %max3A_2477 = arith.maximumf %add3A_2474, %max3A_2476 : vector<16xf32>
      %min3A_2478 = arith.constant 4.470000e+02 : f32
      %min3A_2479 = vector.broadcast %min3A_2478 : f32 to vector<16xf32>
      %min3A_2480 = arith.minimumf %max3A_2477, %min3A_2479 : vector<16xf32>
      %sub3A_2481 = arith.subf %min3A_2470, %min3A_2450 : vector<16xf32>
      %sub3A_2482 = arith.subf %min3A_2480, %min3A_2460 : vector<16xf32>
      %mul3A_2483 = arith.mulf %sub3A_2481, %sub3A_2482 : vector<16xf32>
      %min3A_2484 = arith.minimumf %min3A_2470, %min3A_2247 : vector<16xf32>
      %max3A_2485 = arith.maximumf %min3A_2450, %min3A_2227 : vector<16xf32>
      %sub3A_2486 = arith.subf %min3A_2484, %max3A_2485 : vector<16xf32>
      %max3A_2487 = arith.constant 0.000000e+00 : f32
      %max3A_2488 = vector.broadcast %max3A_2487 : f32 to vector<16xf32>
      %max3A_2489 = arith.maximumf %sub3A_2486, %max3A_2488 : vector<16xf32>
      %min3A_2490 = arith.minimumf %min3A_2480, %min3A_2257 : vector<16xf32>
      %max3A_2491 = arith.maximumf %min3A_2460, %min3A_2237 : vector<16xf32>
      %sub3A_2492 = arith.subf %min3A_2490, %max3A_2491 : vector<16xf32>
      %max3A_2493 = arith.constant 0.000000e+00 : f32
      %max3A_2494 = vector.broadcast %max3A_2493 : f32 to vector<16xf32>
      %max3A_2495 = arith.maximumf %sub3A_2492, %max3A_2494 : vector<16xf32>
      %mul3A_2496 = arith.mulf %max3A_2489, %max3A_2495 : vector<16xf32>
      %add3A_2497 = arith.addf %mul3A_2483, %mul3A_2260 : vector<16xf32>
      %sub3A_2498 = arith.subf %add3A_2497, %mul3A_2496 : vector<16xf32>
      %add3A_2499 = arith.constant 9.99999974E-5 : f32
      %add3A_2500 = vector.broadcast %add3A_2499 : f32 to vector<16xf32>
      %add3A_2501 = arith.addf %sub3A_2498, %add3A_2500 : vector<16xf32>
      %div3A_2502 = arith.divf %mul3A_2496, %add3A_2501 : vector<16xf32>
      %gt3A = arith.cmpf ogt, %div3A_2502, %div3A_2381 : vector<16xf32>
      %jit3A_2503 = arith.constant 1.000000e+00 : f32
      %jit3A_2504 = arith.constant 0.000000e+00 : f32
      %broadcast_in_dim3A_2505 = vector.broadcast %jit3A_2503 : f32 to vector<16xf32>
      %broadcast_in_dim3A_2506 = vector.broadcast %jit3A_2504 : f32 to vector<16xf32>
      %select_n3A_2507 = arith.select %gt3A, %broadcast_in_dim3A_2505, %broadcast_in_dim3A_2506 : vector<16xi1>, vector<16xf32>
      %max3A_2508 = arith.maximumf %div3A_2381, %div3A_2502 : vector<16xf32>
      %sub3A_2509 = arith.constant 1.000000e+00 : f32
      %sub3A_2510 = vector.broadcast %sub3A_2509 : f32 to vector<16xf32>
      %sub3A_2511 = arith.subf %sub3A_2510, %select_n3A_2507 : vector<16xf32>
      %mul3A_2512 = arith.mulf %get3A_2192, %sub3A_2511 : vector<16xf32>
      %mul3A_2513 = arith.mulf %get3A_2192, %select_n3A_2507 : vector<16xf32>
      %max3A_2514 = arith.constant 9.99999993E-9 : f32
      %max3A_2515 = vector.broadcast %max3A_2514 : f32 to vector<16xf32>
      %max3A_2516 = arith.maximumf %get3A_2198, %max3A_2515 : vector<16xf32>
      %bitcast_convert_type3A = tpu.bitcast %max3A_2516 : vector<16xf32> -> vector<16xi32>
      %shift_right_arithmetic3A = arith.constant 1 : i32
      %shift_right_arithmetic3A_2517 = vector.broadcast %shift_right_arithmetic3A : i32 to vector<16xi32>
      %shift_right_arithmetic3A_2518 = arith.shrsi %bitcast_convert_type3A, %shift_right_arithmetic3A_2517 : vector<16xi32>
      %add3A_2519 = arith.constant 532487669 : i32
      %add3A_2520 = vector.broadcast %add3A_2519 : i32 to vector<16xi32>
      %add3A_2521 = arith.addi %shift_right_arithmetic3A_2518, %add3A_2520 : vector<16xi32>
      %bitcast_convert_type3A_2522 = tpu.bitcast %add3A_2521 : vector<16xi32> -> vector<16xf32>
      %div3A_2523 = arith.divf %max3A_2516, %bitcast_convert_type3A_2522 : vector<16xf32>
      %add3A_2524 = arith.addf %bitcast_convert_type3A_2522, %div3A_2523 : vector<16xf32>
      %mul3A_2525 = arith.constant 5.000000e-01 : f32
      %mul3A_2526 = vector.broadcast %mul3A_2525 : f32 to vector<16xf32>
      %mul3A_2527 = arith.mulf %mul3A_2526, %add3A_2524 : vector<16xf32>
      %div3A_2528 = arith.divf %max3A_2516, %mul3A_2527 : vector<16xf32>
      %add3A_2529 = arith.addf %mul3A_2527, %div3A_2528 : vector<16xf32>
      %mul3A_2530 = arith.constant 5.000000e-01 : f32
      %mul3A_2531 = vector.broadcast %mul3A_2530 : f32 to vector<16xf32>
      %mul3A_2532 = arith.mulf %mul3A_2531, %add3A_2529 : vector<16xf32>
      %max3A_2533 = arith.constant 9.99999993E-9 : f32
      %max3A_2534 = vector.broadcast %max3A_2533 : f32 to vector<16xf32>
      %max3A_2535 = arith.maximumf %get3A_2200, %max3A_2534 : vector<16xf32>
      %bitcast_convert_type3A_2536 = tpu.bitcast %max3A_2535 : vector<16xf32> -> vector<16xi32>
      %shift_right_arithmetic3A_2537 = arith.constant 1 : i32
      %shift_right_arithmetic3A_2538 = vector.broadcast %shift_right_arithmetic3A_2537 : i32 to vector<16xi32>
      %shift_right_arithmetic3A_2539 = arith.shrsi %bitcast_convert_type3A_2536, %shift_right_arithmetic3A_2538 : vector<16xi32>
      %add3A_2540 = arith.constant 532487669 : i32
      %add3A_2541 = vector.broadcast %add3A_2540 : i32 to vector<16xi32>
      %add3A_2542 = arith.addi %shift_right_arithmetic3A_2539, %add3A_2541 : vector<16xi32>
      %bitcast_convert_type3A_2543 = tpu.bitcast %add3A_2542 : vector<16xi32> -> vector<16xf32>
      %div3A_2544 = arith.divf %max3A_2535, %bitcast_convert_type3A_2543 : vector<16xf32>
      %add3A_2545 = arith.addf %bitcast_convert_type3A_2543, %div3A_2544 : vector<16xf32>
      %mul3A_2546 = arith.constant 5.000000e-01 : f32
      %mul3A_2547 = vector.broadcast %mul3A_2546 : f32 to vector<16xf32>
      %mul3A_2548 = arith.mulf %mul3A_2547, %add3A_2545 : vector<16xf32>
      %div3A_2549 = arith.divf %max3A_2535, %mul3A_2548 : vector<16xf32>
      %add3A_2550 = arith.addf %mul3A_2548, %div3A_2549 : vector<16xf32>
      %mul3A_2551 = arith.constant 5.000000e-01 : f32
      %mul3A_2552 = vector.broadcast %mul3A_2551 : f32 to vector<16xf32>
      %mul3A_2553 = arith.mulf %mul3A_2552, %add3A_2550 : vector<16xf32>
      %sub3A_2554 = arith.subf %get3A_2269, %get3A_2194 : vector<16xf32>
      %mul3A_2555 = arith.mulf %sub3A_2554, %sub3A_2554 : vector<16xf32>
      %sub3A_2556 = arith.subf %get3A_2278, %get3A_2196 : vector<16xf32>
      %mul3A_2557 = arith.mulf %sub3A_2556, %sub3A_2556 : vector<16xf32>
      %add3A_2558 = arith.addf %mul3A_2555, %mul3A_2557 : vector<16xf32>
      %max3A_2559 = arith.constant 9.99999993E-9 : f32
      %max3A_2560 = vector.broadcast %max3A_2559 : f32 to vector<16xf32>
      %max3A_2561 = arith.maximumf %get3A_2287, %max3A_2560 : vector<16xf32>
      %bitcast_convert_type3A_2562 = tpu.bitcast %max3A_2561 : vector<16xf32> -> vector<16xi32>
      %shift_right_arithmetic3A_2563 = arith.constant 1 : i32
      %shift_right_arithmetic3A_2564 = vector.broadcast %shift_right_arithmetic3A_2563 : i32 to vector<16xi32>
      %shift_right_arithmetic3A_2565 = arith.shrsi %bitcast_convert_type3A_2562, %shift_right_arithmetic3A_2564 : vector<16xi32>
      %add3A_2566 = arith.constant 532487669 : i32
      %add3A_2567 = vector.broadcast %add3A_2566 : i32 to vector<16xi32>
      %add3A_2568 = arith.addi %shift_right_arithmetic3A_2565, %add3A_2567 : vector<16xi32>
      %bitcast_convert_type3A_2569 = tpu.bitcast %add3A_2568 : vector<16xi32> -> vector<16xf32>
      %div3A_2570 = arith.divf %max3A_2561, %bitcast_convert_type3A_2569 : vector<16xf32>
      %add3A_2571 = arith.addf %bitcast_convert_type3A_2569, %div3A_2570 : vector<16xf32>
      %mul3A_2572 = arith.constant 5.000000e-01 : f32
      %mul3A_2573 = vector.broadcast %mul3A_2572 : f32 to vector<16xf32>
      %mul3A_2574 = arith.mulf %mul3A_2573, %add3A_2571 : vector<16xf32>
      %div3A_2575 = arith.divf %max3A_2561, %mul3A_2574 : vector<16xf32>
      %add3A_2576 = arith.addf %mul3A_2574, %div3A_2575 : vector<16xf32>
      %mul3A_2577 = arith.constant 5.000000e-01 : f32
      %mul3A_2578 = vector.broadcast %mul3A_2577 : f32 to vector<16xf32>
      %mul3A_2579 = arith.mulf %mul3A_2578, %add3A_2576 : vector<16xf32>
      %sub3A_2580 = arith.subf %mul3A_2579, %mul3A_2532 : vector<16xf32>
      %mul3A_2581 = arith.mulf %sub3A_2580, %sub3A_2580 : vector<16xf32>
      %max3A_2582 = arith.constant 9.99999993E-9 : f32
      %max3A_2583 = vector.broadcast %max3A_2582 : f32 to vector<16xf32>
      %max3A_2584 = arith.maximumf %get3A_2296, %max3A_2583 : vector<16xf32>
      %bitcast_convert_type3A_2585 = tpu.bitcast %max3A_2584 : vector<16xf32> -> vector<16xi32>
      %shift_right_arithmetic3A_2586 = arith.constant 1 : i32
      %shift_right_arithmetic3A_2587 = vector.broadcast %shift_right_arithmetic3A_2586 : i32 to vector<16xi32>
      %shift_right_arithmetic3A_2588 = arith.shrsi %bitcast_convert_type3A_2585, %shift_right_arithmetic3A_2587 : vector<16xi32>
      %add3A_2589 = arith.constant 532487669 : i32
      %add3A_2590 = vector.broadcast %add3A_2589 : i32 to vector<16xi32>
      %add3A_2591 = arith.addi %shift_right_arithmetic3A_2588, %add3A_2590 : vector<16xi32>
      %bitcast_convert_type3A_2592 = tpu.bitcast %add3A_2591 : vector<16xi32> -> vector<16xf32>
      %div3A_2593 = arith.divf %max3A_2584, %bitcast_convert_type3A_2592 : vector<16xf32>
      %add3A_2594 = arith.addf %bitcast_convert_type3A_2592, %div3A_2593 : vector<16xf32>
      %mul3A_2595 = arith.constant 5.000000e-01 : f32
      %mul3A_2596 = vector.broadcast %mul3A_2595 : f32 to vector<16xf32>
      %mul3A_2597 = arith.mulf %mul3A_2596, %add3A_2594 : vector<16xf32>
      %div3A_2598 = arith.divf %max3A_2584, %mul3A_2597 : vector<16xf32>
      %add3A_2599 = arith.addf %mul3A_2597, %div3A_2598 : vector<16xf32>
      %mul3A_2600 = arith.constant 5.000000e-01 : f32
      %mul3A_2601 = vector.broadcast %mul3A_2600 : f32 to vector<16xf32>
      %mul3A_2602 = arith.mulf %mul3A_2601, %add3A_2599 : vector<16xf32>
      %sub3A_2603 = arith.subf %mul3A_2602, %mul3A_2553 : vector<16xf32>
      %mul3A_2604 = arith.mulf %sub3A_2603, %sub3A_2603 : vector<16xf32>
      %add3A_2605 = arith.addf %mul3A_2581, %mul3A_2604 : vector<16xf32>
      %sub3A_2606 = arith.subf %get3A_2303, %max3A_2508 : vector<16xf32>
      %mul3A_2607 = arith.mulf %sub3A_2606, %sub3A_2606 : vector<16xf32>
      %add3A_2608 = arith.addf %add3A_2558, %add3A_2605 : vector<16xf32>
      %mul3A_2609 = arith.constant 5.000000e+00 : f32
      %mul3A_2610 = vector.broadcast %mul3A_2609 : f32 to vector<16xf32>
      %mul3A_2611 = arith.mulf %mul3A_2610, %add3A_2608 : vector<16xf32>
      %add3A_2612 = arith.addf %mul3A_2611, %mul3A_2607 : vector<16xf32>
      %mul3A_2613 = arith.mulf %mul3A_2512, %add3A_2612 : vector<16xf32>
      %add3A_2614 = arith.addf %broadcast_in_dim3A_965, %mul3A_2613 : vector<16xf32>
      %sub3A_2615 = arith.constant 1.000000e+00 : f32
      %sub3A_2616 = vector.broadcast %sub3A_2615 : f32 to vector<16xf32>
      %sub3A_2617 = arith.subf %sub3A_2616, %mul3A_2512 : vector<16xf32>
      %mul3A_2618 = arith.constant 5.000000e-01 : f32
      %mul3A_2619 = vector.broadcast %mul3A_2618 : f32 to vector<16xf32>
      %mul3A_2620 = arith.mulf %mul3A_2619, %sub3A_2617 : vector<16xf32>
      %mul3A_2621 = arith.mulf %mul3A_2620, %get3A_2303 : vector<16xf32>
      %mul3A_2622 = arith.mulf %mul3A_2621, %get3A_2303 : vector<16xf32>
      %add3A_2623 = arith.addf %add3A_2614, %mul3A_2622 : vector<16xf32>
      %sub3A_2624 = arith.subf %get3A_2390, %get3A_2194 : vector<16xf32>
      %mul3A_2625 = arith.mulf %sub3A_2624, %sub3A_2624 : vector<16xf32>
      %sub3A_2626 = arith.subf %get3A_2399, %get3A_2196 : vector<16xf32>
      %mul3A_2627 = arith.mulf %sub3A_2626, %sub3A_2626 : vector<16xf32>
      %add3A_2628 = arith.addf %mul3A_2625, %mul3A_2627 : vector<16xf32>
      %max3A_2629 = arith.constant 9.99999993E-9 : f32
      %max3A_2630 = vector.broadcast %max3A_2629 : f32 to vector<16xf32>
      %max3A_2631 = arith.maximumf %get3A_2408, %max3A_2630 : vector<16xf32>
      %bitcast_convert_type3A_2632 = tpu.bitcast %max3A_2631 : vector<16xf32> -> vector<16xi32>
      %shift_right_arithmetic3A_2633 = arith.constant 1 : i32
      %shift_right_arithmetic3A_2634 = vector.broadcast %shift_right_arithmetic3A_2633 : i32 to vector<16xi32>
      %shift_right_arithmetic3A_2635 = arith.shrsi %bitcast_convert_type3A_2632, %shift_right_arithmetic3A_2634 : vector<16xi32>
      %add3A_2636 = arith.constant 532487669 : i32
      %add3A_2637 = vector.broadcast %add3A_2636 : i32 to vector<16xi32>
      %add3A_2638 = arith.addi %shift_right_arithmetic3A_2635, %add3A_2637 : vector<16xi32>
      %bitcast_convert_type3A_2639 = tpu.bitcast %add3A_2638 : vector<16xi32> -> vector<16xf32>
      %div3A_2640 = arith.divf %max3A_2631, %bitcast_convert_type3A_2639 : vector<16xf32>
      %add3A_2641 = arith.addf %bitcast_convert_type3A_2639, %div3A_2640 : vector<16xf32>
      %mul3A_2642 = arith.constant 5.000000e-01 : f32
      %mul3A_2643 = vector.broadcast %mul3A_2642 : f32 to vector<16xf32>
      %mul3A_2644 = arith.mulf %mul3A_2643, %add3A_2641 : vector<16xf32>
      %div3A_2645 = arith.divf %max3A_2631, %mul3A_2644 : vector<16xf32>
      %add3A_2646 = arith.addf %mul3A_2644, %div3A_2645 : vector<16xf32>
      %mul3A_2647 = arith.constant 5.000000e-01 : f32
      %mul3A_2648 = vector.broadcast %mul3A_2647 : f32 to vector<16xf32>
      %mul3A_2649 = arith.mulf %mul3A_2648, %add3A_2646 : vector<16xf32>
      %sub3A_2650 = arith.subf %mul3A_2649, %mul3A_2532 : vector<16xf32>
      %mul3A_2651 = arith.mulf %sub3A_2650, %sub3A_2650 : vector<16xf32>
      %max3A_2652 = arith.constant 9.99999993E-9 : f32
      %max3A_2653 = vector.broadcast %max3A_2652 : f32 to vector<16xf32>
      %max3A_2654 = arith.maximumf %get3A_2417, %max3A_2653 : vector<16xf32>
      %bitcast_convert_type3A_2655 = tpu.bitcast %max3A_2654 : vector<16xf32> -> vector<16xi32>
      %shift_right_arithmetic3A_2656 = arith.constant 1 : i32
      %shift_right_arithmetic3A_2657 = vector.broadcast %shift_right_arithmetic3A_2656 : i32 to vector<16xi32>
      %shift_right_arithmetic3A_2658 = arith.shrsi %bitcast_convert_type3A_2655, %shift_right_arithmetic3A_2657 : vector<16xi32>
      %add3A_2659 = arith.constant 532487669 : i32
      %add3A_2660 = vector.broadcast %add3A_2659 : i32 to vector<16xi32>
      %add3A_2661 = arith.addi %shift_right_arithmetic3A_2658, %add3A_2660 : vector<16xi32>
      %bitcast_convert_type3A_2662 = tpu.bitcast %add3A_2661 : vector<16xi32> -> vector<16xf32>
      %div3A_2663 = arith.divf %max3A_2654, %bitcast_convert_type3A_2662 : vector<16xf32>
      %add3A_2664 = arith.addf %bitcast_convert_type3A_2662, %div3A_2663 : vector<16xf32>
      %mul3A_2665 = arith.constant 5.000000e-01 : f32
      %mul3A_2666 = vector.broadcast %mul3A_2665 : f32 to vector<16xf32>
      %mul3A_2667 = arith.mulf %mul3A_2666, %add3A_2664 : vector<16xf32>
      %div3A_2668 = arith.divf %max3A_2654, %mul3A_2667 : vector<16xf32>
      %add3A_2669 = arith.addf %mul3A_2667, %div3A_2668 : vector<16xf32>
      %mul3A_2670 = arith.constant 5.000000e-01 : f32
      %mul3A_2671 = vector.broadcast %mul3A_2670 : f32 to vector<16xf32>
      %mul3A_2672 = arith.mulf %mul3A_2671, %add3A_2669 : vector<16xf32>
      %sub3A_2673 = arith.subf %mul3A_2672, %mul3A_2553 : vector<16xf32>
      %mul3A_2674 = arith.mulf %sub3A_2673, %sub3A_2673 : vector<16xf32>
      %add3A_2675 = arith.addf %mul3A_2651, %mul3A_2674 : vector<16xf32>
      %sub3A_2676 = arith.subf %get3A_2424, %max3A_2508 : vector<16xf32>
      %mul3A_2677 = arith.mulf %sub3A_2676, %sub3A_2676 : vector<16xf32>
      %add3A_2678 = arith.addf %add3A_2628, %add3A_2675 : vector<16xf32>
      %mul3A_2679 = arith.constant 5.000000e+00 : f32
      %mul3A_2680 = vector.broadcast %mul3A_2679 : f32 to vector<16xf32>
      %mul3A_2681 = arith.mulf %mul3A_2680, %add3A_2678 : vector<16xf32>
      %add3A_2682 = arith.addf %mul3A_2681, %mul3A_2677 : vector<16xf32>
      %mul3A_2683 = arith.mulf %mul3A_2513, %add3A_2682 : vector<16xf32>
      %add3A_2684 = arith.addf %add3A_2623, %mul3A_2683 : vector<16xf32>
      %sub3A_2685 = arith.constant 1.000000e+00 : f32
      %sub3A_2686 = vector.broadcast %sub3A_2685 : f32 to vector<16xf32>
      %sub3A_2687 = arith.subf %sub3A_2686, %mul3A_2513 : vector<16xf32>
      %mul3A_2688 = arith.constant 5.000000e-01 : f32
      %mul3A_2689 = vector.broadcast %mul3A_2688 : f32 to vector<16xf32>
      %mul3A_2690 = arith.mulf %mul3A_2689, %sub3A_2687 : vector<16xf32>
      %mul3A_2691 = arith.mulf %mul3A_2690, %get3A_2424 : vector<16xf32>
      %mul3A_2692 = arith.mulf %mul3A_2691, %get3A_2424 : vector<16xf32>
      %add3A_2693 = arith.addf %add3A_2684, %mul3A_2692 : vector<16xf32>
      %mul3A_2694 = arith.constant 140 : i32
      %mul3A_2695 = arith.muli %div3A_2171, %mul3A_2694 : i32
      %add3A_2696 = arith.addi %mul3A_2695, %sub3A_2174 : i32
      %add3A_2697 = arith.constant 0 : i32
      %add3A_2698 = arith.addi %add3A_2696, %add3A_2697 : i32
      %get3A_2699 = arith.index_cast %add3A_2698 : i32 to index
      %get3A_2700 = arith.index_cast %multiple_of3A : i32 to index
      %get3A_2701 = tpu.vector_load %arg10[%get3A_2699, %get3A_2700] {strides = array<i32>} : memref<280x128xf32, #tpu.memory_space<vmem>>, vector<16xf32>,
      %shift_right_arithmetic3A_2702 = arith.constant 0 : i32
      %shift_right_arithmetic3A_2703 = vector.broadcast %shift_right_arithmetic3A_2702 : i32 to vector<16xi32>
      %shift_right_arithmetic3A_2704 = arith.shrsi %get3A_2202, %shift_right_arithmetic3A_2703 : vector<16xi32>
      %and3A_2705 = arith.constant 1 : i32
      %and3A_2706 = vector.broadcast %and3A_2705 : i32 to vector<16xi32>
      %and3A_2707 = arith.andi %shift_right_arithmetic3A_2704, %and3A_2706 : vector<16xi32>
      %convert_element_type3A_2708 = arith.sitofp %and3A_2707 : vector<16xi32> to vector<16xf32>
      %sub3A_2709 = arith.subf %get3A_2701, %convert_element_type3A_2708 : vector<16xf32>
      %mul3A_2710 = arith.mulf %sub3A_2709, %sub3A_2709 : vector<16xf32>
      %add3A_2711 = arith.addf %broadcast_in_dim3A_965, %mul3A_2710 : vector<16xf32>
      %add3A_2712 = arith.constant 7 : i32
      %add3A_2713 = arith.addi %add3A_2696, %add3A_2712 : i32
      %get3A_2714 = arith.index_cast %add3A_2713 : i32 to index
      %get3A_2715 = arith.index_cast %multiple_of3A : i32 to index
      %get3A_2716 = tpu.vector_load %arg10[%get3A_2714, %get3A_2715] {strides = array<i32>} : memref<280x128xf32, #tpu.memory_space<vmem>>, vector<16xf32>,
      %shift_right_arithmetic3A_2717 = arith.constant 1 : i32
      %shift_right_arithmetic3A_2718 = vector.broadcast %shift_right_arithmetic3A_2717 : i32 to vector<16xi32>
      %shift_right_arithmetic3A_2719 = arith.shrsi %get3A_2202, %shift_right_arithmetic3A_2718 : vector<16xi32>
      %and3A_2720 = arith.constant 1 : i32
      %and3A_2721 = vector.broadcast %and3A_2720 : i32 to vector<16xi32>
      %and3A_2722 = arith.andi %shift_right_arithmetic3A_2719, %and3A_2721 : vector<16xi32>
      %convert_element_type3A_2723 = arith.sitofp %and3A_2722 : vector<16xi32> to vector<16xf32>
      %sub3A_2724 = arith.subf %get3A_2716, %convert_element_type3A_2723 : vector<16xf32>
      %mul3A_2725 = arith.mulf %sub3A_2724, %sub3A_2724 : vector<16xf32>
      %add3A_2726 = arith.addf %add3A_2711, %mul3A_2725 : vector<16xf32>
      %add3A_2727 = arith.constant 14 : i32
      %add3A_2728 = arith.addi %add3A_2696, %add3A_2727 : i32
      %get3A_2729 = arith.index_cast %add3A_2728 : i32 to index
      %get3A_2730 = arith.index_cast %multiple_of3A : i32 to index
      %get3A_2731 = tpu.vector_load %arg10[%get3A_2729, %get3A_2730] {strides = array<i32>} : memref<280x128xf32, #tpu.memory_space<vmem>>, vector<16xf32>,
      %shift_right_arithmetic3A_2732 = arith.constant 2 : i32
      %shift_right_arithmetic3A_2733 = vector.broadcast %shift_right_arithmetic3A_2732 : i32 to vector<16xi32>
      %shift_right_arithmetic3A_2734 = arith.shrsi %get3A_2202, %shift_right_arithmetic3A_2733 : vector<16xi32>
      %and3A_2735 = arith.constant 1 : i32
      %and3A_2736 = vector.broadcast %and3A_2735 : i32 to vector<16xi32>
      %and3A_2737 = arith.andi %shift_right_arithmetic3A_2734, %and3A_2736 : vector<16xi32>
      %convert_element_type3A_2738 = arith.sitofp %and3A_2737 : vector<16xi32> to vector<16xf32>
      %sub3A_2739 = arith.subf %get3A_2731, %convert_element_type3A_2738 : vector<16xf32>
      %mul3A_2740 = arith.mulf %sub3A_2739, %sub3A_2739 : vector<16xf32>
      %add3A_2741 = arith.addf %add3A_2726, %mul3A_2740 : vector<16xf32>
      %add3A_2742 = arith.constant 21 : i32
      %add3A_2743 = arith.addi %add3A_2696, %add3A_2742 : i32
      %get3A_2744 = arith.index_cast %add3A_2743 : i32 to index
      %get3A_2745 = arith.index_cast %multiple_of3A : i32 to index
      %get3A_2746 = tpu.vector_load %arg10[%get3A_2744, %get3A_2745] {strides = array<i32>} : memref<280x128xf32, #tpu.memory_space<vmem>>, vector<16xf32>,
      %shift_right_arithmetic3A_2747 = arith.constant 3 : i32
      %shift_right_arithmetic3A_2748 = vector.broadcast %shift_right_arithmetic3A_2747 : i32 to vector<16xi32>
      %shift_right_arithmetic3A_2749 = arith.shrsi %get3A_2202, %shift_right_arithmetic3A_2748 : vector<16xi32>
      %and3A_2750 = arith.constant 1 : i32
      %and3A_2751 = vector.broadcast %and3A_2750 : i32 to vector<16xi32>
      %and3A_2752 = arith.andi %shift_right_arithmetic3A_2749, %and3A_2751 : vector<16xi32>
      %convert_element_type3A_2753 = arith.sitofp %and3A_2752 : vector<16xi32> to vector<16xf32>
      %sub3A_2754 = arith.subf %get3A_2746, %convert_element_type3A_2753 : vector<16xf32>
      %mul3A_2755 = arith.mulf %sub3A_2754, %sub3A_2754 : vector<16xf32>
      %add3A_2756 = arith.addf %add3A_2741, %mul3A_2755 : vector<16xf32>
      %add3A_2757 = arith.constant 28 : i32
      %add3A_2758 = arith.addi %add3A_2696, %add3A_2757 : i32
      %get3A_2759 = arith.index_cast %add3A_2758 : i32 to index
      %get3A_2760 = arith.index_cast %multiple_of3A : i32 to index
      %get3A_2761 = tpu.vector_load %arg10[%get3A_2759, %get3A_2760] {strides = array<i32>} : memref<280x128xf32, #tpu.memory_space<vmem>>, vector<16xf32>,
      %shift_right_arithmetic3A_2762 = arith.constant 4 : i32
      %shift_right_arithmetic3A_2763 = vector.broadcast %shift_right_arithmetic3A_2762 : i32 to vector<16xi32>
      %shift_right_arithmetic3A_2764 = arith.shrsi %get3A_2202, %shift_right_arithmetic3A_2763 : vector<16xi32>
      %and3A_2765 = arith.constant 1 : i32
      %and3A_2766 = vector.broadcast %and3A_2765 : i32 to vector<16xi32>
      %and3A_2767 = arith.andi %shift_right_arithmetic3A_2764, %and3A_2766 : vector<16xi32>
      %convert_element_type3A_2768 = arith.sitofp %and3A_2767 : vector<16xi32> to vector<16xf32>
      %sub3A_2769 = arith.subf %get3A_2761, %convert_element_type3A_2768 : vector<16xf32>
      %mul3A_2770 = arith.mulf %sub3A_2769, %sub3A_2769 : vector<16xf32>
      %add3A_2771 = arith.addf %add3A_2756, %mul3A_2770 : vector<16xf32>
      %add3A_2772 = arith.constant 35 : i32
      %add3A_2773 = arith.addi %add3A_2696, %add3A_2772 : i32
      %get3A_2774 = arith.index_cast %add3A_2773 : i32 to index
      %get3A_2775 = arith.index_cast %multiple_of3A : i32 to index
      %get3A_2776 = tpu.vector_load %arg10[%get3A_2774, %get3A_2775] {strides = array<i32>} : memref<280x128xf32, #tpu.memory_space<vmem>>, vector<16xf32>,
      %shift_right_arithmetic3A_2777 = arith.constant 5 : i32
      %shift_right_arithmetic3A_2778 = vector.broadcast %shift_right_arithmetic3A_2777 : i32 to vector<16xi32>
      %shift_right_arithmetic3A_2779 = arith.shrsi %get3A_2202, %shift_right_arithmetic3A_2778 : vector<16xi32>
      %and3A_2780 = arith.constant 1 : i32
      %and3A_2781 = vector.broadcast %and3A_2780 : i32 to vector<16xi32>
      %and3A_2782 = arith.andi %shift_right_arithmetic3A_2779, %and3A_2781 : vector<16xi32>
      %convert_element_type3A_2783 = arith.sitofp %and3A_2782 : vector<16xi32> to vector<16xf32>
      %sub3A_2784 = arith.subf %get3A_2776, %convert_element_type3A_2783 : vector<16xf32>
      %mul3A_2785 = arith.mulf %sub3A_2784, %sub3A_2784 : vector<16xf32>
      %add3A_2786 = arith.addf %add3A_2771, %mul3A_2785 : vector<16xf32>
      %add3A_2787 = arith.constant 42 : i32
      %add3A_2788 = arith.addi %add3A_2696, %add3A_2787 : i32
      %get3A_2789 = arith.index_cast %add3A_2788 : i32 to index
      %get3A_2790 = arith.index_cast %multiple_of3A : i32 to index
      %get3A_2791 = tpu.vector_load %arg10[%get3A_2789, %get3A_2790] {strides = array<i32>} : memref<280x128xf32, #tpu.memory_space<vmem>>, vector<16xf32>,
      %shift_right_arithmetic3A_2792 = arith.constant 6 : i32
      %shift_right_arithmetic3A_2793 = vector.broadcast %shift_right_arithmetic3A_2792 : i32 to vector<16xi32>
      %shift_right_arithmetic3A_2794 = arith.shrsi %get3A_2202, %shift_right_arithmetic3A_2793 : vector<16xi32>
      %and3A_2795 = arith.constant 1 : i32
      %and3A_2796 = vector.broadcast %and3A_2795 : i32 to vector<16xi32>
      %and3A_2797 = arith.andi %shift_right_arithmetic3A_2794, %and3A_2796 : vector<16xi32>
      %convert_element_type3A_2798 = arith.sitofp %and3A_2797 : vector<16xi32> to vector<16xf32>
      %sub3A_2799 = arith.subf %get3A_2791, %convert_element_type3A_2798 : vector<16xf32>
      %mul3A_2800 = arith.mulf %sub3A_2799, %sub3A_2799 : vector<16xf32>
      %add3A_2801 = arith.addf %add3A_2786, %mul3A_2800 : vector<16xf32>
      %add3A_2802 = arith.constant 49 : i32
      %add3A_2803 = arith.addi %add3A_2696, %add3A_2802 : i32
      %get3A_2804 = arith.index_cast %add3A_2803 : i32 to index
      %get3A_2805 = arith.index_cast %multiple_of3A : i32 to index
      %get3A_2806 = tpu.vector_load %arg10[%get3A_2804, %get3A_2805] {strides = array<i32>} : memref<280x128xf32, #tpu.memory_space<vmem>>, vector<16xf32>,
      %shift_right_arithmetic3A_2807 = arith.constant 7 : i32
      %shift_right_arithmetic3A_2808 = vector.broadcast %shift_right_arithmetic3A_2807 : i32 to vector<16xi32>
      %shift_right_arithmetic3A_2809 = arith.shrsi %get3A_2202, %shift_right_arithmetic3A_2808 : vector<16xi32>
      %and3A_2810 = arith.constant 1 : i32
      %and3A_2811 = vector.broadcast %and3A_2810 : i32 to vector<16xi32>
      %and3A_2812 = arith.andi %shift_right_arithmetic3A_2809, %and3A_2811 : vector<16xi32>
      %convert_element_type3A_2813 = arith.sitofp %and3A_2812 : vector<16xi32> to vector<16xf32>
      %sub3A_2814 = arith.subf %get3A_2806, %convert_element_type3A_2813 : vector<16xf32>
      %mul3A_2815 = arith.mulf %sub3A_2814, %sub3A_2814 : vector<16xf32>
      %add3A_2816 = arith.addf %add3A_2801, %mul3A_2815 : vector<16xf32>
      %add3A_2817 = arith.constant 56 : i32
      %add3A_2818 = arith.addi %add3A_2696, %add3A_2817 : i32
      %get3A_2819 = arith.index_cast %add3A_2818 : i32 to index
      %get3A_2820 = arith.index_cast %multiple_of3A : i32 to index
      %get3A_2821 = tpu.vector_load %arg10[%get3A_2819, %get3A_2820] {strides = array<i32>} : memref<280x128xf32, #tpu.memory_space<vmem>>, vector<16xf32>,
      %shift_right_arithmetic3A_2822 = arith.constant 8 : i32
      %shift_right_arithmetic3A_2823 = vector.broadcast %shift_right_arithmetic3A_2822 : i32 to vector<16xi32>
      %shift_right_arithmetic3A_2824 = arith.shrsi %get3A_2202, %shift_right_arithmetic3A_2823 : vector<16xi32>
      %and3A_2825 = arith.constant 1 : i32
      %and3A_2826 = vector.broadcast %and3A_2825 : i32 to vector<16xi32>
      %and3A_2827 = arith.andi %shift_right_arithmetic3A_2824, %and3A_2826 : vector<16xi32>
      %convert_element_type3A_2828 = arith.sitofp %and3A_2827 : vector<16xi32> to vector<16xf32>
      %sub3A_2829 = arith.subf %get3A_2821, %convert_element_type3A_2828 : vector<16xf32>
      %mul3A_2830 = arith.mulf %sub3A_2829, %sub3A_2829 : vector<16xf32>
      %add3A_2831 = arith.addf %add3A_2816, %mul3A_2830 : vector<16xf32>
      %add3A_2832 = arith.constant 63 : i32
      %add3A_2833 = arith.addi %add3A_2696, %add3A_2832 : i32
      %get3A_2834 = arith.index_cast %add3A_2833 : i32 to index
      %get3A_2835 = arith.index_cast %multiple_of3A : i32 to index
      %get3A_2836 = tpu.vector_load %arg10[%get3A_2834, %get3A_2835] {strides = array<i32>} : memref<280x128xf32, #tpu.memory_space<vmem>>, vector<16xf32>,
      %shift_right_arithmetic3A_2837 = arith.constant 9 : i32
      %shift_right_arithmetic3A_2838 = vector.broadcast %shift_right_arithmetic3A_2837 : i32 to vector<16xi32>
      %shift_right_arithmetic3A_2839 = arith.shrsi %get3A_2202, %shift_right_arithmetic3A_2838 : vector<16xi32>
      %and3A_2840 = arith.constant 1 : i32
      %and3A_2841 = vector.broadcast %and3A_2840 : i32 to vector<16xi32>
      %and3A_2842 = arith.andi %shift_right_arithmetic3A_2839, %and3A_2841 : vector<16xi32>
      %convert_element_type3A_2843 = arith.sitofp %and3A_2842 : vector<16xi32> to vector<16xf32>
      %sub3A_2844 = arith.subf %get3A_2836, %convert_element_type3A_2843 : vector<16xf32>
      %mul3A_2845 = arith.mulf %sub3A_2844, %sub3A_2844 : vector<16xf32>
      %add3A_2846 = arith.addf %add3A_2831, %mul3A_2845 : vector<16xf32>
      %add3A_2847 = arith.constant 70 : i32
      %add3A_2848 = arith.addi %add3A_2696, %add3A_2847 : i32
      %get3A_2849 = arith.index_cast %add3A_2848 : i32 to index
      %get3A_2850 = arith.index_cast %multiple_of3A : i32 to index
      %get3A_2851 = tpu.vector_load %arg10[%get3A_2849, %get3A_2850] {strides = array<i32>} : memref<280x128xf32, #tpu.memory_space<vmem>>, vector<16xf32>,
      %shift_right_arithmetic3A_2852 = arith.constant 10 : i32
      %shift_right_arithmetic3A_2853 = vector.broadcast %shift_right_arithmetic3A_2852 : i32 to vector<16xi32>
      %shift_right_arithmetic3A_2854 = arith.shrsi %get3A_2202, %shift_right_arithmetic3A_2853 : vector<16xi32>
      %and3A_2855 = arith.constant 1 : i32
      %and3A_2856 = vector.broadcast %and3A_2855 : i32 to vector<16xi32>
      %and3A_2857 = arith.andi %shift_right_arithmetic3A_2854, %and3A_2856 : vector<16xi32>
      %convert_element_type3A_2858 = arith.sitofp %and3A_2857 : vector<16xi32> to vector<16xf32>
      %sub3A_2859 = arith.subf %get3A_2851, %convert_element_type3A_2858 : vector<16xf32>
      %mul3A_2860 = arith.mulf %sub3A_2859, %sub3A_2859 : vector<16xf32>
      %add3A_2861 = arith.addf %add3A_2846, %mul3A_2860 : vector<16xf32>
      %add3A_2862 = arith.constant 77 : i32
      %add3A_2863 = arith.addi %add3A_2696, %add3A_2862 : i32
      %get3A_2864 = arith.index_cast %add3A_2863 : i32 to index
      %get3A_2865 = arith.index_cast %multiple_of3A : i32 to index
      %get3A_2866 = tpu.vector_load %arg10[%get3A_2864, %get3A_2865] {strides = array<i32>} : memref<280x128xf32, #tpu.memory_space<vmem>>, vector<16xf32>,
      %shift_right_arithmetic3A_2867 = arith.constant 11 : i32
      %shift_right_arithmetic3A_2868 = vector.broadcast %shift_right_arithmetic3A_2867 : i32 to vector<16xi32>
      %shift_right_arithmetic3A_2869 = arith.shrsi %get3A_2202, %shift_right_arithmetic3A_2868 : vector<16xi32>
      %and3A_2870 = arith.constant 1 : i32
      %and3A_2871 = vector.broadcast %and3A_2870 : i32 to vector<16xi32>
      %and3A_2872 = arith.andi %shift_right_arithmetic3A_2869, %and3A_2871 : vector<16xi32>
      %convert_element_type3A_2873 = arith.sitofp %and3A_2872 : vector<16xi32> to vector<16xf32>
      %sub3A_2874 = arith.subf %get3A_2866, %convert_element_type3A_2873 : vector<16xf32>
      %mul3A_2875 = arith.mulf %sub3A_2874, %sub3A_2874 : vector<16xf32>
      %add3A_2876 = arith.addf %add3A_2861, %mul3A_2875 : vector<16xf32>
      %add3A_2877 = arith.constant 84 : i32
      %add3A_2878 = arith.addi %add3A_2696, %add3A_2877 : i32
      %get3A_2879 = arith.index_cast %add3A_2878 : i32 to index
      %get3A_2880 = arith.index_cast %multiple_of3A : i32 to index
      %get3A_2881 = tpu.vector_load %arg10[%get3A_2879, %get3A_2880] {strides = array<i32>} : memref<280x128xf32, #tpu.memory_space<vmem>>, vector<16xf32>,
      %shift_right_arithmetic3A_2882 = arith.constant 12 : i32
      %shift_right_arithmetic3A_2883 = vector.broadcast %shift_right_arithmetic3A_2882 : i32 to vector<16xi32>
      %shift_right_arithmetic3A_2884 = arith.shrsi %get3A_2202, %shift_right_arithmetic3A_2883 : vector<16xi32>
      %and3A_2885 = arith.constant 1 : i32
      %and3A_2886 = vector.broadcast %and3A_2885 : i32 to vector<16xi32>
      %and3A_2887 = arith.andi %shift_right_arithmetic3A_2884, %and3A_2886 : vector<16xi32>
      %convert_element_type3A_2888 = arith.sitofp %and3A_2887 : vector<16xi32> to vector<16xf32>
      %sub3A_2889 = arith.subf %get3A_2881, %convert_element_type3A_2888 : vector<16xf32>
      %mul3A_2890 = arith.mulf %sub3A_2889, %sub3A_2889 : vector<16xf32>
      %add3A_2891 = arith.addf %add3A_2876, %mul3A_2890 : vector<16xf32>
      %add3A_2892 = arith.constant 91 : i32
      %add3A_2893 = arith.addi %add3A_2696, %add3A_2892 : i32
      %get3A_2894 = arith.index_cast %add3A_2893 : i32 to index
      %get3A_2895 = arith.index_cast %multiple_of3A : i32 to index
      %get3A_2896 = tpu.vector_load %arg10[%get3A_2894, %get3A_2895] {strides = array<i32>} : memref<280x128xf32, #tpu.memory_space<vmem>>, vector<16xf32>,
      %shift_right_arithmetic3A_2897 = arith.constant 13 : i32
      %shift_right_arithmetic3A_2898 = vector.broadcast %shift_right_arithmetic3A_2897 : i32 to vector<16xi32>
      %shift_right_arithmetic3A_2899 = arith.shrsi %get3A_2202, %shift_right_arithmetic3A_2898 : vector<16xi32>
      %and3A_2900 = arith.constant 1 : i32
      %and3A_2901 = vector.broadcast %and3A_2900 : i32 to vector<16xi32>
      %and3A_2902 = arith.andi %shift_right_arithmetic3A_2899, %and3A_2901 : vector<16xi32>
      %convert_element_type3A_2903 = arith.sitofp %and3A_2902 : vector<16xi32> to vector<16xf32>
      %sub3A_2904 = arith.subf %get3A_2896, %convert_element_type3A_2903 : vector<16xf32>
      %mul3A_2905 = arith.mulf %sub3A_2904, %sub3A_2904 : vector<16xf32>
      %add3A_2906 = arith.addf %add3A_2891, %mul3A_2905 : vector<16xf32>
      %add3A_2907 = arith.constant 98 : i32
      %add3A_2908 = arith.addi %add3A_2696, %add3A_2907 : i32
      %get3A_2909 = arith.index_cast %add3A_2908 : i32 to index
      %get3A_2910 = arith.index_cast %multiple_of3A : i32 to index
      %get3A_2911 = tpu.vector_load %arg10[%get3A_2909, %get3A_2910] {strides = array<i32>} : memref<280x128xf32, #tpu.memory_space<vmem>>, vector<16xf32>,
      %shift_right_arithmetic3A_2912 = arith.constant 14 : i32
      %shift_right_arithmetic3A_2913 = vector.broadcast %shift_right_arithmetic3A_2912 : i32 to vector<16xi32>
      %shift_right_arithmetic3A_2914 = arith.shrsi %get3A_2202, %shift_right_arithmetic3A_2913 : vector<16xi32>
      %and3A_2915 = arith.constant 1 : i32
      %and3A_2916 = vector.broadcast %and3A_2915 : i32 to vector<16xi32>
      %and3A_2917 = arith.andi %shift_right_arithmetic3A_2914, %and3A_2916 : vector<16xi32>
      %convert_element_type3A_2918 = arith.sitofp %and3A_2917 : vector<16xi32> to vector<16xf32>
      %sub3A_2919 = arith.subf %get3A_2911, %convert_element_type3A_2918 : vector<16xf32>
      %mul3A_2920 = arith.mulf %sub3A_2919, %sub3A_2919 : vector<16xf32>
      %add3A_2921 = arith.addf %add3A_2906, %mul3A_2920 : vector<16xf32>
      %add3A_2922 = arith.constant 105 : i32
      %add3A_2923 = arith.addi %add3A_2696, %add3A_2922 : i32
      %get3A_2924 = arith.index_cast %add3A_2923 : i32 to index
      %get3A_2925 = arith.index_cast %multiple_of3A : i32 to index
      %get3A_2926 = tpu.vector_load %arg10[%get3A_2924, %get3A_2925] {strides = array<i32>} : memref<280x128xf32, #tpu.memory_space<vmem>>, vector<16xf32>,
      %shift_right_arithmetic3A_2927 = arith.constant 15 : i32
      %shift_right_arithmetic3A_2928 = vector.broadcast %shift_right_arithmetic3A_2927 : i32 to vector<16xi32>
      %shift_right_arithmetic3A_2929 = arith.shrsi %get3A_2202, %shift_right_arithmetic3A_2928 : vector<16xi32>
      %and3A_2930 = arith.constant 1 : i32
      %and3A_2931 = vector.broadcast %and3A_2930 : i32 to vector<16xi32>
      %and3A_2932 = arith.andi %shift_right_arithmetic3A_2929, %and3A_2931 : vector<16xi32>
      %convert_element_type3A_2933 = arith.sitofp %and3A_2932 : vector<16xi32> to vector<16xf32>
      %sub3A_2934 = arith.subf %get3A_2926, %convert_element_type3A_2933 : vector<16xf32>
      %mul3A_2935 = arith.mulf %sub3A_2934, %sub3A_2934 : vector<16xf32>
      %add3A_2936 = arith.addf %add3A_2921, %mul3A_2935 : vector<16xf32>
      %add3A_2937 = arith.constant 112 : i32
      %add3A_2938 = arith.addi %add3A_2696, %add3A_2937 : i32
      %get3A_2939 = arith.index_cast %add3A_2938 : i32 to index
      %get3A_2940 = arith.index_cast %multiple_of3A : i32 to index
      %get3A_2941 = tpu.vector_load %arg10[%get3A_2939, %get3A_2940] {strides = array<i32>} : memref<280x128xf32, #tpu.memory_space<vmem>>, vector<16xf32>,
      %shift_right_arithmetic3A_2942 = arith.constant 16 : i32
      %shift_right_arithmetic3A_2943 = vector.broadcast %shift_right_arithmetic3A_2942 : i32 to vector<16xi32>
      %shift_right_arithmetic3A_2944 = arith.shrsi %get3A_2202, %shift_right_arithmetic3A_2943 : vector<16xi32>
      %and3A_2945 = arith.constant 1 : i32
      %and3A_2946 = vector.broadcast %and3A_2945 : i32 to vector<16xi32>
      %and3A_2947 = arith.andi %shift_right_arithmetic3A_2944, %and3A_2946 : vector<16xi32>
      %convert_element_type3A_2948 = arith.sitofp %and3A_2947 : vector<16xi32> to vector<16xf32>
      %sub3A_2949 = arith.subf %get3A_2941, %convert_element_type3A_2948 : vector<16xf32>
      %mul3A_2950 = arith.mulf %sub3A_2949, %sub3A_2949 : vector<16xf32>
      %add3A_2951 = arith.addf %add3A_2936, %mul3A_2950 : vector<16xf32>
      %add3A_2952 = arith.constant 119 : i32
      %add3A_2953 = arith.addi %add3A_2696, %add3A_2952 : i32
      %get3A_2954 = arith.index_cast %add3A_2953 : i32 to index
      %get3A_2955 = arith.index_cast %multiple_of3A : i32 to index
      %get3A_2956 = tpu.vector_load %arg10[%get3A_2954, %get3A_2955] {strides = array<i32>} : memref<280x128xf32, #tpu.memory_space<vmem>>, vector<16xf32>,
      %shift_right_arithmetic3A_2957 = arith.constant 17 : i32
      %shift_right_arithmetic3A_2958 = vector.broadcast %shift_right_arithmetic3A_2957 : i32 to vector<16xi32>
      %shift_right_arithmetic3A_2959 = arith.shrsi %get3A_2202, %shift_right_arithmetic3A_2958 : vector<16xi32>
      %and3A_2960 = arith.constant 1 : i32
      %and3A_2961 = vector.broadcast %and3A_2960 : i32 to vector<16xi32>
      %and3A_2962 = arith.andi %shift_right_arithmetic3A_2959, %and3A_2961 : vector<16xi32>
      %convert_element_type3A_2963 = arith.sitofp %and3A_2962 : vector<16xi32> to vector<16xf32>
      %sub3A_2964 = arith.subf %get3A_2956, %convert_element_type3A_2963 : vector<16xf32>
      %mul3A_2965 = arith.mulf %sub3A_2964, %sub3A_2964 : vector<16xf32>
      %add3A_2966 = arith.addf %add3A_2951, %mul3A_2965 : vector<16xf32>
      %add3A_2967 = arith.constant 126 : i32
      %add3A_2968 = arith.addi %add3A_2696, %add3A_2967 : i32
      %get3A_2969 = arith.index_cast %add3A_2968 : i32 to index
      %get3A_2970 = arith.index_cast %multiple_of3A : i32 to index
      %get3A_2971 = tpu.vector_load %arg10[%get3A_2969, %get3A_2970] {strides = array<i32>} : memref<280x128xf32, #tpu.memory_space<vmem>>, vector<16xf32>,
      %shift_right_arithmetic3A_2972 = arith.constant 18 : i32
      %shift_right_arithmetic3A_2973 = vector.broadcast %shift_right_arithmetic3A_2972 : i32 to vector<16xi32>
      %shift_right_arithmetic3A_2974 = arith.shrsi %get3A_2202, %shift_right_arithmetic3A_2973 : vector<16xi32>
      %and3A_2975 = arith.constant 1 : i32
      %and3A_2976 = vector.broadcast %and3A_2975 : i32 to vector<16xi32>
      %and3A_2977 = arith.andi %shift_right_arithmetic3A_2974, %and3A_2976 : vector<16xi32>
      %convert_element_type3A_2978 = arith.sitofp %and3A_2977 : vector<16xi32> to vector<16xf32>
      %sub3A_2979 = arith.subf %get3A_2971, %convert_element_type3A_2978 : vector<16xf32>
      %mul3A_2980 = arith.mulf %sub3A_2979, %sub3A_2979 : vector<16xf32>
      %add3A_2981 = arith.addf %add3A_2966, %mul3A_2980 : vector<16xf32>
      %add3A_2982 = arith.constant 133 : i32
      %add3A_2983 = arith.addi %add3A_2696, %add3A_2982 : i32
      %get3A_2984 = arith.index_cast %add3A_2983 : i32 to index
      %get3A_2985 = arith.index_cast %multiple_of3A : i32 to index
      %get3A_2986 = tpu.vector_load %arg10[%get3A_2984, %get3A_2985] {strides = array<i32>} : memref<280x128xf32, #tpu.memory_space<vmem>>, vector<16xf32>,
      %shift_right_arithmetic3A_2987 = arith.constant 19 : i32
      %shift_right_arithmetic3A_2988 = vector.broadcast %shift_right_arithmetic3A_2987 : i32 to vector<16xi32>
      %shift_right_arithmetic3A_2989 = arith.shrsi %get3A_2202, %shift_right_arithmetic3A_2988 : vector<16xi32>
      %and3A_2990 = arith.constant 1 : i32
      %and3A_2991 = vector.broadcast %and3A_2990 : i32 to vector<16xi32>
      %and3A_2992 = arith.andi %shift_right_arithmetic3A_2989, %and3A_2991 : vector<16xi32>
      %convert_element_type3A_2993 = arith.sitofp %and3A_2992 : vector<16xi32> to vector<16xf32>
      %sub3A_2994 = arith.subf %get3A_2986, %convert_element_type3A_2993 : vector<16xf32>
      %mul3A_2995 = arith.mulf %sub3A_2994, %sub3A_2994 : vector<16xf32>
      %add3A_2996 = arith.addf %add3A_2981, %mul3A_2995 : vector<16xf32>
      %mul3A_2997 = arith.mulf %get3A_2192, %add3A_2996 : vector<16xf32>
      %add3A_2998 = arith.addf %add3A_2693, %mul3A_2997 : vector<16xf32>
      %mul3A_2999 = vector.broadcast %select_n3A_2179 : f32 to vector<16xf32>
      %mul3A_3000 = arith.mulf %add3A_2998, %mul3A_2999 : vector<16xf32>
      %add3A_3001 = arith.addf %scan3A_2137, %mul3A_3000 : vector<16xf32>
      scf.yield %add3A_3001 : vector<16xf32>
    }
    %scan3A_2128 = arith.constant 28 : i32
    %swap3A_2129 = arith.constant 0 : index
    %swap3A_2130 = tpu.vector_load %arg19[%swap3A_2129] {strides = array<i32>} : memref<16xf32, #tpu.memory_space<vmem>>, vector<16xf32>,
    tpu.vector_store %arg19[%swap3A_2129], %scan3A_2127 {strides = array<i32>} : memref<16xf32, #tpu.memory_space<vmem>>, vector<16xf32>,
    %mul3A_2131 = arith.constant 16 : i32
    %mul3A_2132 = arith.muli %add3A, %mul3A_2131 : i32
    "tpu.region"() ({
      %run_scoped3A = tpu.sem_alloc : memref<!tpu.dma_semaphore, #tpu.memory_space<semaphore_mem>>
      %dma_start3A_2136 = tpu.memref_slice %arg22[%mul3A_2132] : memref<256xf32, #tpu.memory_space<vmem_shared>> -> memref<16xf32, #tpu.memory_space<vmem_shared>>
      %dma_start3A_2137 = tpu.memref_slice %arg22[%mul3A_2132] : memref<256xf32, #tpu.memory_space<vmem_shared>> -> memref<16xf32, #tpu.memory_space<vmem_shared>>
      tpu.enqueue_dma source(%arg19 : memref<16xf32, #tpu.memory_space<vmem>>) target(%dma_start3A_2137 : memref<16xf32, #tpu.memory_space<vmem_shared>>) target_semaphore(%run_scoped3A : memref<!tpu.dma_semaphore, #tpu.memory_space<semaphore_mem>>)
      %dma_wait3A_2138 = tpu.memref_slice %arg22[%mul3A_2132] : memref<256xf32, #tpu.memory_space<vmem_shared>> -> memref<16xf32, #tpu.memory_space<vmem_shared>>
      %dma_wait3A_2139 = tpu.memref_slice %arg22[%mul3A_2132] : memref<256xf32, #tpu.memory_space<vmem_shared>> -> memref<16xf32, #tpu.memory_space<vmem_shared>>
      tpu.wait_dma2 semaphore(%run_scoped3A : memref<!tpu.dma_semaphore, #tpu.memory_space<semaphore_mem>>) src(%arg19 : memref<16xf32, #tpu.memory_space<vmem>>) dst(%dma_wait3A_2139 : memref<16xf32, #tpu.memory_space<vmem_shared>>)
      tpu.yield
    }) : () -> ()
    %barrier3A = arith.constant 0 : index
    tpu.barrier barrier_id(%barrier3A)
    %eq3A_2133 = arith.constant 0 : i32
    %eq3A_2134 = arith.cmpi eq, %add3A, %eq3A_2133 : i32
    %convert_element_type3A = arith.extui %eq3A_2134 : i1 to i32
    %cond3A = arith.constant 0 : i32
    %cond3A_2135 = arith.cmpi ne, %convert_element_type3A, %cond3A : i32
    scf.if %cond3A_2135 {
      "tpu.region"() ({
        %run_scoped3A = tpu.sem_alloc : memref<!tpu.dma_semaphore, #tpu.memory_space<semaphore_mem>>
        tpu.enqueue_dma source(%arg22 : memref<256xf32, #tpu.memory_space<vmem_shared>>) target(%arg20 : memref<256xf32, #tpu.memory_space<vmem>>) target_semaphore(%run_scoped3A : memref<!tpu.dma_semaphore, #tpu.memory_space<semaphore_mem>>)
        tpu.wait_dma2 semaphore(%run_scoped3A : memref<!tpu.dma_semaphore, #tpu.memory_space<semaphore_mem>>) src(%arg22 : memref<256xf32, #tpu.memory_space<vmem_shared>>) dst(%arg20 : memref<256xf32, #tpu.memory_space<vmem>>)
        tpu.yield
      }) : () -> ()
      %get3A = arith.constant 0 : index
      %get3A_2136 = tpu.vector_load %arg20[%get3A] {strides = array<i32>} : memref<256xf32, #tpu.memory_space<vmem>>, vector<16xf32>,
      %add3A_2137 = arith.addf %broadcast_in_dim3A_965, %get3A_2136 : vector<16xf32>
      %get3A_2138 = arith.constant 16 : index
      %get3A_2139 = tpu.vector_load %arg20[%get3A_2138] {strides = array<i32>} : memref<256xf32, #tpu.memory_space<vmem>>, vector<16xf32>,
      %add3A_2140 = arith.addf %add3A_2137, %get3A_2139 : vector<16xf32>
      %get3A_2141 = arith.constant 32 : index
      %get3A_2142 = tpu.vector_load %arg20[%get3A_2141] {strides = array<i32>} : memref<256xf32, #tpu.memory_space<vmem>>, vector<16xf32>,
      %add3A_2143 = arith.addf %add3A_2140, %get3A_2142 : vector<16xf32>
      %get3A_2144 = arith.constant 48 : index
      %get3A_2145 = tpu.vector_load %arg20[%get3A_2144] {strides = array<i32>} : memref<256xf32, #tpu.memory_space<vmem>>, vector<16xf32>,
      %add3A_2146 = arith.addf %add3A_2143, %get3A_2145 : vector<16xf32>
      %get3A_2147 = arith.constant 64 : index
      %get3A_2148 = tpu.vector_load %arg20[%get3A_2147] {strides = array<i32>} : memref<256xf32, #tpu.memory_space<vmem>>, vector<16xf32>,
      %add3A_2149 = arith.addf %add3A_2146, %get3A_2148 : vector<16xf32>
      %get3A_2150 = arith.constant 80 : index
      %get3A_2151 = tpu.vector_load %arg20[%get3A_2150] {strides = array<i32>} : memref<256xf32, #tpu.memory_space<vmem>>, vector<16xf32>,
      %add3A_2152 = arith.addf %add3A_2149, %get3A_2151 : vector<16xf32>
      %get3A_2153 = arith.constant 96 : index
      %get3A_2154 = tpu.vector_load %arg20[%get3A_2153] {strides = array<i32>} : memref<256xf32, #tpu.memory_space<vmem>>, vector<16xf32>,
      %add3A_2155 = arith.addf %add3A_2152, %get3A_2154 : vector<16xf32>
      %get3A_2156 = arith.constant 112 : index
      %get3A_2157 = tpu.vector_load %arg20[%get3A_2156] {strides = array<i32>} : memref<256xf32, #tpu.memory_space<vmem>>, vector<16xf32>,
      %add3A_2158 = arith.addf %add3A_2155, %get3A_2157 : vector<16xf32>
      %get3A_2159 = arith.constant 128 : index
      %get3A_2160 = tpu.vector_load %arg20[%get3A_2159] {strides = array<i32>} : memref<256xf32, #tpu.memory_space<vmem>>, vector<16xf32>,
      %add3A_2161 = arith.addf %add3A_2158, %get3A_2160 : vector<16xf32>
      %get3A_2162 = arith.constant 144 : index
      %get3A_2163 = tpu.vector_load %arg20[%get3A_2162] {strides = array<i32>} : memref<256xf32, #tpu.memory_space<vmem>>, vector<16xf32>,
      %add3A_2164 = arith.addf %add3A_2161, %get3A_2163 : vector<16xf32>
      %get3A_2165 = arith.constant 160 : index
      %get3A_2166 = tpu.vector_load %arg20[%get3A_2165] {strides = array<i32>} : memref<256xf32, #tpu.memory_space<vmem>>, vector<16xf32>,
      %add3A_2167 = arith.addf %add3A_2164, %get3A_2166 : vector<16xf32>
      %get3A_2168 = arith.constant 176 : index
      %get3A_2169 = tpu.vector_load %arg20[%get3A_2168] {strides = array<i32>} : memref<256xf32, #tpu.memory_space<vmem>>, vector<16xf32>,
      %add3A_2170 = arith.addf %add3A_2167, %get3A_2169 : vector<16xf32>
      %get3A_2171 = arith.constant 192 : index
      %get3A_2172 = tpu.vector_load %arg20[%get3A_2171] {strides = array<i32>} : memref<256xf32, #tpu.memory_space<vmem>>, vector<16xf32>,
      %add3A_2173 = arith.addf %add3A_2170, %get3A_2172 : vector<16xf32>
      %get3A_2174 = arith.constant 208 : index
      %get3A_2175 = tpu.vector_load %arg20[%get3A_2174] {strides = array<i32>} : memref<256xf32, #tpu.memory_space<vmem>>, vector<16xf32>,
      %add3A_2176 = arith.addf %add3A_2173, %get3A_2175 : vector<16xf32>
      %get3A_2177 = arith.constant 224 : index
      %get3A_2178 = tpu.vector_load %arg20[%get3A_2177] {strides = array<i32>} : memref<256xf32, #tpu.memory_space<vmem>>, vector<16xf32>,
      %add3A_2179 = arith.addf %add3A_2176, %get3A_2178 : vector<16xf32>
      %get3A_2180 = arith.constant 240 : index
      %get3A_2181 = tpu.vector_load %arg20[%get3A_2180] {strides = array<i32>} : memref<256xf32, #tpu.memory_space<vmem>>, vector<16xf32>,
      %add3A_2182 = arith.addf %add3A_2179, %get3A_2181 : vector<16xf32>
      %reduce_sum3A = arith.constant true
      %reduce_sum3A_2183 = vector.broadcast %reduce_sum3A : i1 to vector<16xi1>
      %reduce_sum3A_2184 = tpu.scan <sum>, %add3A_2182 masked %reduce_sum3A_2183 : vector<16xf32>, vector<16xi1> -> vector<16xf32>
      %reduce_sum3A_2185 = vector.extract %reduce_sum3A_2184[15] : f32 from vector<16xf32>
      %mul3A_2186 = arith.constant 7.812500e-03 : f32
      %mul3A_2187 = arith.mulf %reduce_sum3A_2185, %mul3A_2186 : f32
      %eq3A_2188 = arith.constant 0 : i32
      %eq3A_2189 = vector.broadcast %eq3A_2188 : i32 to vector<16xi32>
      %eq3A_2190 = arith.cmpi eq, %iota3A, %eq3A_2189 : vector<16xi32>
      %jit3A_2191 = arith.constant 0.000000e+00 : f32
      %broadcast_in_dim3A_2192 = vector.broadcast %mul3A_2187 : f32 to vector<16xf32>
      %broadcast_in_dim3A_2193 = vector.broadcast %jit3A_2191 : f32 to vector<16xf32>
      %select_n3A_2194 = arith.select %eq3A_2190, %broadcast_in_dim3A_2192, %broadcast_in_dim3A_2193 : vector<16xi1>, vector<16xf32>
      %swap3A_2195 = arith.constant 0 : index
      %swap3A_2196 = tpu.vector_load %arg21[%swap3A_2195] {strides = array<i32>} : memref<16xf32, #tpu.memory_space<vmem>>, vector<16xf32>,
      tpu.vector_store %arg21[%swap3A_2195], %select_n3A_2194 {strides = array<i32>} : memref<16xf32, #tpu.memory_space<vmem>>, vector<16xf32>,
      "tpu.region"() ({
        %run_scoped3A = tpu.sem_alloc : memref<!tpu.dma_semaphore, #tpu.memory_space<semaphore_mem>>
        tpu.enqueue_dma source(%arg21 : memref<16xf32, #tpu.memory_space<vmem>>) target(%arg7 : memref<16xf32, #tpu.memory_space<hbm>>) target_semaphore(%run_scoped3A : memref<!tpu.dma_semaphore, #tpu.memory_space<semaphore_mem>>)
        tpu.wait_dma2 semaphore(%run_scoped3A : memref<!tpu.dma_semaphore, #tpu.memory_space<semaphore_mem>>) src(%arg21 : memref<16xf32, #tpu.memory_space<vmem>>) dst(%arg7 : memref<16xf32, #tpu.memory_space<hbm>>)
        tpu.yield
      }) : () -> ()
    } else {
    }
    return
  }
}

</mosaic_0001>

<sc_bundles>
// kernel: kernel.3.cloned.1.call-start
scs
__scs_entry_jumppad:
0x0: {  	(pc) =	sbr.rel $0x88, $3  }
0x1: {  	(tag) =	ssettag $0x0;
	lr =	simm.s32 $0x1  }
0x2: {  	[smem:$0x3F9C] =	sst lr;
	_ =	strace $0xD0000000  }
0x3: {  	_ = 	snop  }
0x4: {  	_ = 	snop  }
0x5: {  	_ = 	snop  }
0x6: {  	_ = 	snop  }
0x7: {  	_ = 	snop  }
__scs_overlays_trampoline_lowered:
0x8: {  	[smem:$0x3FAB] =	sst s0  }
0x9: {  	[smem:$0x3FAC] =	sst s1  }
0xa: {  	[smem:$0x3FAD] =	sst s2  }
0xb: {  	[smem:$0x3FAE] =	sst s3  }
0xc: {  	[smem:$0x3FAF] =	sst s4  }
0xd: {  	[smem:$0x3FB0] =	sst s5  }
0xe: {  	[smem:$0x3FB1] =	sst s6  }
0xf: {  	[smem:$0x3FB2] =	sst s7  }
0x10: {  	[smem:$0x3FB3] =	sst s8  }
0x11: {  	[smem:$0x3FB4] =	sst s9;
	s0 =	simm.s32 @!p0 $0x0  }
0x12: {  	s1 =	sld [smem:$0x3F9A];
	s0 =	simm.s32 @p0 $0x1  }
0x13: {  	[smem:$0x3FB5] =	sst s0;
	s0 =	simm.s32 @!p1 $0x0  }
0x14: {  	s2 =	sld [smem:$0x3F99];
	s0 =	simm.s32 @p1 $0x1  }
0x15: {  	[smem:$0x3FB6] =	sst s0;
	s0 =	simm.s32 @!p2 $0x0  }
0x16: {  	s3 =	sld [smem:$0x3FDB];
	s0 =	simm.s32 @p2 $0x1  }
0x17: {  	s4 =	simm.s32 $0x1BF5;
	[smem:$0x3FB8] =	sst s0  }
0x18: {  	s0 =	sld [smem:$0x3F9B];
	_ =	swait.ge [sflag:s4], $0x0  }
0x19: {  	s7 =	sld [smem:$0x3F9C]  }
0x1a: {  	s8 =	sadd.s32 $0xFFFFE003, lr  }
0x1b: {  	s9 =	sadd.s32 $0xFFFFFEF7, lr;
	s5 =	simm.s32 $0xFFFFFFFF;
	p2 =	slt.u32 s8, $0xFFFFF086  }
0x1c: {  	p1 =	slt.u32 s9, $0xF7A;
	s5 =	simm.s32 @!p2 $0x0  }
0x1d: {  	s5 =	simm.s32 @p1 $0x1;
	p0 =	seq.s32 s7, s2  }
0x1e: {  	s7 =	smul.u32 @!p0 $0xF7A, s2;
	p2 =	seq.s32 @!p0 s5, $0x0  }
0x1f: {  	s9 =	smul.u32 $0xF7A, s1;
	s8 =	simm.s32 @!p0 $0x1BF5;
	p2 =	por !p2, p0  }
0x20: {  	[sflag:s8] =	ssyncset.s32 @!p0 $0xFFFFF086;
	s6 =	sadd.s32 @!p0 s3, s7;
	s7 =	simm.s32 @!p0 $0x108  }
0x21: {  	s3 =	sadd.s32 s3, s9;
	s6 =	sadd.s32 @!p0 $0x88, s6;
	s7 =	simm.s32 @p2 $0x1082  }
0x22: {  	[simem:s7], [sflag:s8] =	dma.local @!p0 [hbm:s6], $0xF7A  }
0x23: {  	s9 =	sor.u32 $0xD0000000, s2;
	s6 =	simm.s32 $0x108;
	_ =	swait.ge @!p0 [sflag:s8], $0x0  }
0x24: {  	s3 =	sadd.s32 $0x88, s3;
	s6 =	simm.s32 @!p1 $0x1082;
	[sflag:s4] =	ssyncset.s32 $0xFFFFF086  }
0x25: {  	[simem:s6], [sflag:s4] =	dma.local [hbm:s3], $0xF7A  }
0x26: {  	[smem:$0x3F9C] =	sst s1;
	(tag) =	ssettag s2;
	_ =	strace s9  }
0x27: {  	s1 =	sld [smem:$0x3FAC]  }
0x28: {  	s2 =	sld [smem:$0x3FAD]  }
0x29: {  	s4 =	sld [smem:$0x3FAF]  }
0x2a: {  	p0 =	seq.s32 s5, $0x0;
	s5 =	sld [smem:$0x3FB0]  }
0x2b: {  	s6 =	sld [smem:$0x3FB1]  }
0x2c: {  	s7 =	sld [smem:$0x3FB2]  }
0x2d: {  	s3 =	simm.s32 $0x108;
	s8 =	sld [smem:$0x3FB3]  }
0x2e: {  	s3 =	simm.s32 @!p0 $0x1082;
	s9 =	sld [smem:$0x3FB4]  }
0x2f: {  	lr =	sadd.s32 s0, s3;
	s0 =	sld [smem:$0x3FAB]  }
0x30: {  	s3 =	sld [smem:$0x3FAE]  }
0x31: {  	[smem:$0x3FB7] =	sst s10  }
0x32: {  	s10 =	sld [smem:$0x3FB5];
	_ =	sdelay $0x3  }
0x33: {  	p0 =	seq.s32 s10, $0x1;
	s10 =	sld [smem:$0x3FB7];
	_ =	sdelay $0x3  }
0x34: {  	[smem:$0x3FB7] =	sst s10  }
0x35: {  	s10 =	sld [smem:$0x3FB6];
	_ =	sdelay $0x3  }
0x36: {  	p1 =	seq.s32 s10, $0x1;
	s10 =	sld [smem:$0x3FB7];
	_ =	sdelay $0x3  }
0x37: {  	[smem:$0x3FB7] =	sst s10  }
0x38: {  	s10 =	sld [smem:$0x3FB8]  }
0x39: {  	_ = 	snop;
	(pc) =	sbr.ind lr, $3  }
0x3a: {  	_ = 	snop  }
0x3b: {  	_ = 	snop  }
0x3c: {  	p2 =	seq.s32 s10, $0x1;
	s10 =	sld [smem:$0x3FB7]  }
0x3d: {  	_ =	shalt  }
0x3e: {  	_ =	shalt  }
0x3f: {  	_ =	shalt  }
0x40: {  	_ =	shalt  }
0x41: {  	_ =	shalt  }
0x42: {  	_ =	shalt  }
0x43: {  	_ =	shalt  }
0x44: {  	_ =	shalt  }
0x45: {  	_ =	shalt  }
0x46: {  	_ =	shalt  }
0x47: {  	_ =	shalt  }
0x48: {  	_ =	shalt  }
0x49: {  	_ =	shalt  }
0x4a: {  	_ =	shalt  }
0x4b: {  	_ =	shalt  }
0x4c: {  	_ =	shalt  }
0x4d: {  	_ =	shalt  }
0x4e: {  	_ =	shalt  }
0x4f: {  	_ =	shalt  }
0x50: {  	_ =	shalt  }
0x51: {  	_ =	shalt  }
0x52: {  	_ =	shalt  }
0x53: {  	_ =	shalt  }
0x54: {  	_ =	shalt  }
0x55: {  	_ =	shalt  }
0x56: {  	_ =	shalt  }
0x57: {  	_ =	shalt  }
0x58: {  	_ =	shalt  }
0x59: {  	_ =	shalt  }
0x5a: {  	_ =	shalt  }
0x5b: {  	_ =	shalt  }
0x5c: {  	_ =	shalt  }
0x5d: {  	_ =	shalt  }
0x5e: {  	_ =	shalt  }
0x5f: {  	_ =	shalt  }
0x60: {  	_ =	shalt  }
0x61: {  	_ =	shalt  }
0x62: {  	_ =	shalt  }
0x63: {  	_ =	shalt  }
0x64: {  	_ =	shalt  }
0x65: {  	_ =	shalt  }
0x66: {  	_ =	shalt  }
0x67: {  	_ =	shalt  }
0x68: {  	_ =	shalt  }
0x69: {  	_ =	shalt  }
0x6a: {  	_ =	shalt  }
0x6b: {  	_ =	shalt  }
0x6c: {  	_ =	shalt  }
0x6d: {  	_ =	shalt  }
0x6e: {  	_ =	shalt  }
0x6f: {  	_ =	shalt  }
0x70: {  	_ =	shalt  }
0x71: {  	_ =	shalt  }
0x72: {  	_ =	shalt  }
0x73: {  	_ =	shalt  }
0x74: {  	_ =	shalt  }
0x75: {  	_ =	shalt  }
0x76: {  	_ =	shalt  }
0x77: {  	_ =	shalt  }
0x78: {  	_ =	shalt  }
0x79: {  	_ =	shalt  }
0x7a: {  	_ =	shalt  }
0x7b: {  	_ =	shalt  }
0x7c: {  	_ =	shalt  }
0x7d: {  	_ =	shalt  }
0x7e: {  	_ =	shalt  }
0x7f: {  	_ =	shalt  }
0x80: {  	_ =	shalt  }
0x81: {  	_ =	shalt  }
0x82: {  	_ =	shalt  }
0x83: {  	_ =	shalt  }
0x84: {  	_ =	shalt  }
0x85: {  	_ =	shalt  }
0x86: {  	_ =	shalt  }
0x87: {  	_ =	shalt  }
.Lfunc_end0:
.L_simem_size_0:
called_computation_lowered:
.L_overlay_start_0:
0x88: {  	s0 =	sld [smem:$0x3FD9]  }
0x89: {  	s1 =	sld [smem:$0x3FFE];
	_ =	sdelay $0x3  }
0x8a: {  	s0 =	sadd.s32 s1, s0  }
0x8b: {  	[smem:$0x3FC3] =	sst s0  }
0x8c: {  	_ = 	snop  }
0x8d: {  	s0 =	sld [smem:$0x3FC9]  }
0x8e: {  	s17 =	sld [smem:$0x3FC8]  }
0x8f: {  	s2 =	sld [smem:$0x3FC7]  }
0x90: {  	s3 =	sld [smem:$0x3FC6]  }
0x91: {  	s4 =	sld [smem:$0x3FC5]  }
0x92: {  	s5 =	sld [smem:$0x3FD0];
	(tm) =	ssettm $0x1  }
0x93: {  	s6 =	sld [smem:$0x3FFB];
	_ =	sdelay $0x3  }
0x94: {  	_ =	strace s6  }
0x95: {  	s6 =	sld [smem:$0x3FFC];
	_ =	sdelay $0x3  }
0x96: {  	_ =	strace s6  }
0x97: {  	s6 =	sld [smem:$0x3FFD];
	_ =	sdelay $0x3  }
0x98: {  	_ =	strace s6  }
0x99: {  	_ =	strace $0x8FFFFFFF  }
0x9a: {  	s18 =	sld [smem:$0x3FDB];
	_ =	sdelay $0x1  }
0x9b: {  	s7 =	simm.s32 $_scs_section_size  }
0x9c: {  	s8 =	simm.s32 $_size__tile_overlayer_lowered;
	s9 =	simm.s32 $_tile_overlayer_lowered  }
0x9d: {  	s21 =	simm.s32 $0x1BFF;
	s20 =	sshll.u32 s9, $0x1;
	s6 =	sadd.s32 s7, s18  }
0x9e: {  	s10 =	simm.s32 $0x0;
	s19 =	sshll.u32 s8, $0x1;
	s8 =	sadd.s32 s20, s6  }
0x9f: {  	[timem:s10], [sflag:s21] =	dma.local [hbm:s8], s19  }
0xa0: {  	_ =	swait.ge [sflag:s21], s19  }
0xa1: {  	s7 =	ssub.s32 $0x0, s19;
	[sflag:s21] =	ssyncset.done $0x0  }
0xa2: {  	[sflag:s21] =	ssyncadd.s32 s7;
	_ =	sdelay $0x1  }
0xa3: {  	s22 =	simm.s32 $0x1B8B  }
0xa4: {  	_ =	swait.ge [sflag:s22], $0x1  }
0xa5: {  	[sflag:s22] =	ssyncset.done $0x0  }
0xa6: {  	s23 =	simm.s32 $0x1B8E;
	[sflag:s22] =	ssyncadd.s32 $0xFFFFFFFF  }
0xa7: {  	s24 =	simm.s32 $execute0_lowered;
	[smem:$0x3FD2] =	sst s23  }
0xa8: {  	s7 =	sshll.u32 s24, $0x1;
	_ =	strace $0x80000046;
	[dreg:$0x1] =	wrdreg $0xFFFFFFFF  }
0xa9: {  	s25 =	simm.s32 $_size_execute0_lowered;
	s6 =	sadd.s32 s6, s7;
	[dreg:$0x0] =	wrdreg $0x0  }
0xaa: {  	s7 =	sshll.u32 s25, $0x1;
	[dreg:$0x2] =	wrdreg s6  }
0xab: {  	[dreg:$0x3] =	wrdreg s7  }
0xac: {  	[dreg:$0x4] =	wrdreg $0xC0  }
0xad: {  	_ =	task [dreg:s10], $0x5FFFF  }
0xae: {  	[dreg:$0x1] =	wrdreg $0xFFFFFFFF  }
0xaf: {  	[dreg:$0x0] =	wrdreg $0x60  }
0xb0: {  	[dreg:$0x2] =	wrdreg s0  }
0xb1: {  	[dreg:$0x3] =	wrdreg s17  }
0xb2: {  	[dreg:$0x4] =	wrdreg s2  }
0xb3: {  	[dreg:$0x5] =	wrdreg s3  }
0xb4: {  	[dreg:$0x6] =	wrdreg s4  }
0xb5: {  	[dreg:$0x7] =	wrdreg s5  }
0xb6: {  	[dreg:$0x8] =	wrdreg $0x12E000  }
0xb7: {  	[dreg:$0x9] =	wrdreg $0x9  }
0xb8: {  	_ =	task.clear_ibuf [dreg:s10], $0xAFFFF;
	_ =	strace $0x90000046  }
0xb9: {  	s26 =	simm.s32 $0x9;
	_ =	strace $0x80000048  }
0xba: {  	_ =	swait.ge [sflag:s26], $0x1  }
0xbb: {  	[sflag:s26] =	ssyncadd.s32 $0xFFFFFFFF  }
0xbc: {  	_ =	strace $0x90000048  }
0xbd: {  	_ =	sfence  }
0xbe: {  	s28 =	sld [smem:$0x0];
	_ =	sdelay $0x1  }
0xbf: {  	s29 =	srdreg.scid  }
0xc0: {  	s30 =	sshll.u32 s29, $0xD;
	s31 =	sshrl.u32 s29, $0x2  }
0xc1: {  	s1 =	sand.u32 $0x1, s29;
	s2 =	sand.u32 $0x4000, s30;
	s0 =	sadd.s32 s31, s28  }
0xc2: {  	s1 =	sor.u32 s2, s1;
	s0 =	sshll.u32 s0, $0x11  }
0xc3: {  	s0 =	sor.u32 s0, s1  }
0xc4: {  	s0 =	sadd.s32 $0x8F2B, s0  }
0xc5: {  	[sflag:s0] =	ssyncadd.remote.s32 $0x1  }
0xc6: {  	_ =	sfence.sel $0xFFFF  }
0xc7: {  	[dreg:$0x0] =	wrdreg $0xFFFFFFFF;
	(pc) =	sbr.abs _section_cstart, $3  }
0xc8: {  	[dreg:$0x1] =	wrdreg $0xFFFFFFFF  }
0xc9: {  	_ =	task.clear_ibuf [dreg:s10], $0x2FFFF;
	_ =	strace $0x9FFFFFFF  }
0xca: {  	(tm) =	ssettm $0x7FFFFFFF  }
0xcb: {  	_ =	shalt  }
tec
execute0_lowered:
.L_overlay_start_1:
0x0: {  	(tag) =	ssettag $0x1  }
0x1: {  	s8 =	rddreg [dreg:$0x0]  }
0x2: {  	s9 =	rddreg [dreg:$0x1]  }
0x3: {  	s7 =	rddreg [dreg:$0x2]  }
0x4: {  	s10 =	rddreg [dreg:$0x3]  }
0x5: {  	s11 =	rddreg [dreg:$0x4]  }
0x6: {  	s1 =	rddreg [dreg:$0x5]  }
0x7: {  	s3 =	stileid.u32;
	s2 =	rddreg [dreg:$0x6]  }
0x8: {  	s0 =	rddreg [dreg:$0x7];
	s6 =	simm.s32 $0x0;
	s5 =	sshrl.u32 s3, $0x2  }
0x9: {  	[smem:$0x7FF] =	sst s6;
	s4 =	sshll.u32 s5, $0x1  }
0xa: {  	s13 =	simm.s32 $0x11000;
	_ =	strace $0x80000047;
	s4 =	smin.u32 s4, $0x5  }
0xb: {  	[tilespmem:s13], [sflag:$0x1] =	stream.linear.gather [hbm4b:s11+s6], $0xF00, $0x38;
	[tilespmem:$0x12E10] =	vst v63  }
0xc: {  	s12 =	smul.u32 $0x380, s4  }
0xd: {  	s28 =	simm.s32 $0xD400;
	s13 =	smul.u32 $0x700, s4  }
0xe: {  	[tilespmem:s28], [sflag:$0x1] =	stream.linear.gather [hbm4b:s10+s6], $0x3C00, $0x38;
	[tilespmem:$0x12E10] =	vst v63  }
0xf: {  	s30 =	simm.s32 $0x1000;
	s9 =	sadd.s32 s9, s12;
	s29 =	sshrl.u32 s13, $0x3  }
0x10: {  	[tilespmem:s30], [sflag:$0x1] =	stream.linear.gather [hbm4b:s9+s6], $0x3800, $0x38;
	[tilespmem:$0x12E10] =	vst v63  }
0x11: {  	s31 =	sadd.s32 s8, s29  }
0x12: {  	[tilespmem:s6], [sflag:$0x1] =	stream.linear.gather [hbm4b:s31+s6], $0x100, $0x38;
	[tilespmem:$0x12E10] =	vst v63  }
0x13: {  	s12 =	simm.s32 $0x100;
	s10 =	sadd.s32 $0x20, s31  }
0x14: {  	[tilespmem:s12], [sflag:$0x1] =	stream.linear.gather [hbm4b:s10+s6], $0x100, $0x38;
	[tilespmem:$0x12E10] =	vst v63  }
0x15: {  	s15 =	simm.s32 $0x200;
	s14 =	sadd.s32 $0x40, s31  }
0x16: {  	[tilespmem:s15], [sflag:$0x1] =	stream.linear.gather [hbm4b:s14+s6], $0x100, $0x38;
	[tilespmem:$0x12E10] =	vst v63  }
0x17: {  	s17 =	simm.s32 $0x300;
	s16 =	sadd.s32 $0x60, s31  }
0x18: {  	[tilespmem:s17], [sflag:$0x1] =	stream.linear.gather [hbm4b:s16+s6], $0x100, $0x38;
	[tilespmem:$0x12E10] =	vst v63  }
0x19: {  	s19 =	simm.s32 $0x400;
	s18 =	sadd.s32 $0x80, s31  }
0x1a: {  	[tilespmem:s19], [sflag:$0x1] =	stream.linear.gather [hbm4b:s18+s6], $0x100, $0x38;
	[tilespmem:$0x12E10] =	vst v63  }
0x1b: {  	s21 =	simm.s32 $0x500;
	s11 =	smul.u32 $0x5000, s4;
	s20 =	sadd.s32 $0xA0, s31  }
0x1c: {  	[tilespmem:s21], [sflag:$0x1] =	stream.linear.gather [hbm4b:s20+s6], $0x100, $0x38;
	[tilespmem:$0x12E10] =	vst v63  }
0x1d: {  	s22 =	simm.s32 $0x600;
	s9 =	sadd.s32 $0xC0, s31;
	s14 =	sshrl.u32 s11, $0x3  }
0x1e: {  	[tilespmem:s22], [sflag:$0x1] =	stream.linear.gather [hbm4b:s9+s6], $0x100, $0x38;
	[tilespmem:$0x12E10] =	vst v63  }
0x1f: {  	s23 =	simm.s32 $0x4800;
	s15 =	sadd.s32 s7, s14;
	s9 =	sadd.s32 $0x80, s7  }
0x20: {  	[tilespmem:s23], [sflag:$0x1] =	stream.linear.gather [hbm4b:s15+s6], $0x380, $0x38;
	[tilespmem:$0x12E10] =	vst v63  }
0x21: {  	s10 =	sadd.s32 $0x100, s7;
	s16 =	simm.s32 $0x4B80;
	s24 =	sadd.s32 s14, s9  }
0x22: {  	[tilespmem:s16], [sflag:$0x1] =	stream.linear.gather [hbm4b:s24+s6], $0x380, $0x38;
	[tilespmem:$0x12E10] =	vst v63  }
0x23: {  	s12 =	sadd.s32 $0x180, s7;
	s25 =	sadd.s32 s14, s10;
	s17 =	simm.s32 $0x4F00  }
0x24: {  	[tilespmem:s17], [sflag:$0x1] =	stream.linear.gather [hbm4b:s25+s6], $0x380, $0x38;
	[tilespmem:$0x12E10] =	vst v63  }
0x25: {  	s26 =	simm.s32 $0x5280;
	s14 =	sadd.s32 s14, s12  }
0x26: {  	[tilespmem:s26], [sflag:$0x1] =	stream.linear.gather [hbm4b:s14+s6], $0x380, $0x38;
	[tilespmem:$0x12E10] =	vst v63  }
0x27: {  	s29 =	simm.s32 $0x5600;
	s28 =	sadd.s32 $0x200, s15  }
0x28: {  	[tilespmem:s29], [sflag:$0x1] =	stream.linear.gather [hbm4b:s28+s6], $0x380, $0x38;
	[tilespmem:$0x12E10] =	vst v63  }
0x29: {  	s31 =	simm.s32 $0x5980;
	s30 =	sadd.s32 $0x280, s15  }
0x2a: {  	[tilespmem:s31], [sflag:$0x1] =	stream.linear.gather [hbm4b:s30+s6], $0x380, $0x38;
	[tilespmem:$0x12E10] =	vst v63  }
0x2b: {  	s18 =	simm.s32 $0x5D00;
	s17 =	sadd.s32 $0x300, s15  }
0x2c: {  	[tilespmem:s18], [sflag:$0x1] =	stream.linear.gather [hbm4b:s17+s6], $0x380, $0x38;
	[tilespmem:$0x12E10] =	vst v63  }
0x2d: {  	s19 =	sadd.s32 $0x380, s15;
	s20 =	simm.s32 $0x6080  }
0x2e: {  	[tilespmem:s20], [sflag:$0x1] =	stream.linear.gather [hbm4b:s19+s6], $0x380, $0x38;
	[tilespmem:$0x12E10] =	vst v63  }
0x2f: {  	s21 =	sadd.s32 $0x400, s15;
	s22 =	simm.s32 $0x6400  }
0x30: {  	[tilespmem:s22], [sflag:$0x1] =	stream.linear.gather [hbm4b:s21+s6], $0x380, $0x38;
	[tilespmem:$0x12E10] =	vst v63  }
0x31: {  	s23 =	sadd.s32 $0x480, s15;
	s24 =	simm.s32 $0x6780  }
0x32: {  	[tilespmem:s24], [sflag:$0x1] =	stream.linear.gather [hbm4b:s23+s6], $0x380, $0x38;
	[tilespmem:$0x12E10] =	vst v63  }
0x33: {  	s25 =	sadd.s32 $0x500, s15;
	s26 =	simm.s32 $0x6B00  }
0x34: {  	[tilespmem:s26], [sflag:$0x1] =	stream.linear.gather [hbm4b:s25+s6], $0x380, $0x38;
	[tilespmem:$0x12E10] =	vst v63  }
0x35: {  	s28 =	sadd.s32 $0x580, s15;
	s29 =	simm.s32 $0x6E80  }
0x36: {  	[tilespmem:s29], [sflag:$0x1] =	stream.linear.gather [hbm4b:s28+s6], $0x380, $0x38;
	[tilespmem:$0x12E10] =	vst v63  }
0x37: {  	s30 =	sadd.s32 $0x600, s15;
	s31 =	simm.s32 $0x7200  }
0x38: {  	[tilespmem:s31], [sflag:$0x1] =	stream.linear.gather [hbm4b:s30+s6], $0x380, $0x38;
	[tilespmem:$0x12E10] =	vst v63  }
0x39: {  	s17 =	sadd.s32 $0x680, s15;
	s18 =	simm.s32 $0x7580  }
0x3a: {  	[tilespmem:s18], [sflag:$0x1] =	stream.linear.gather [hbm4b:s17+s6], $0x380, $0x38;
	[tilespmem:$0x12E10] =	vst v63  }
0x3b: {  	s19 =	sadd.s32 $0x700, s15;
	s20 =	simm.s32 $0x7900  }
0x3c: {  	[tilespmem:s20], [sflag:$0x1] =	stream.linear.gather [hbm4b:s19+s6], $0x380, $0x38;
	[tilespmem:$0x12E10] =	vst v63  }
0x3d: {  	s21 =	sadd.s32 $0x780, s15;
	s22 =	simm.s32 $0x7C80  }
0x3e: {  	[tilespmem:s22], [sflag:$0x1] =	stream.linear.gather [hbm4b:s21+s6], $0x380, $0x38;
	[tilespmem:$0x12E10] =	vst v63  }
0x3f: {  	s23 =	sadd.s32 $0x800, s15;
	s24 =	simm.s32 $0x8000  }
0x40: {  	[tilespmem:s24], [sflag:$0x1] =	stream.linear.gather [hbm4b:s23+s6], $0x380, $0x38;
	[tilespmem:$0x12E10] =	vst v63  }
0x41: {  	s25 =	sadd.s32 $0x880, s15;
	s26 =	simm.s32 $0x8380  }
0x42: {  	[tilespmem:s26], [sflag:$0x1] =	stream.linear.gather [hbm4b:s25+s6], $0x380, $0x38;
	[tilespmem:$0x12E10] =	vst v63  }
0x43: {  	s13 =	sadd.s32 $0x700, s13;
	s28 =	sadd.s32 $0x900, s15;
	s29 =	simm.s32 $0x8700  }
0x44: {  	[tilespmem:s29], [sflag:$0x1] =	stream.linear.gather [hbm4b:s28+s6], $0x380, $0x38;
	[tilespmem:$0x12E10] =	vst v63  }
0x45: {  	s13 =	sshrl.u32 s13, $0x3;
	s30 =	sadd.s32 $0x980, s15;
	s31 =	simm.s32 $0x8A80  }
0x46: {  	[tilespmem:s31], [sflag:$0x1] =	stream.linear.gather [hbm4b:s30+s6], $0x380, $0x38;
	[tilespmem:$0x12E10] =	vst v63  }
0x47: {  	s8 =	sadd.s32 s8, s13;
	s16 =	simm.s32 $0x700  }
0x48: {  	[tilespmem:s16], [sflag:$0x1] =	stream.linear.gather [hbm4b:s8+s6], $0x100, $0x38;
	[tilespmem:$0x12E10] =	vst v63  }
0x49: {  	s17 =	sadd.s32 $0x20, s8;
	s18 =	simm.s32 $0x800  }
0x4a: {  	[tilespmem:s18], [sflag:$0x1] =	stream.linear.gather [hbm4b:s17+s6], $0x100, $0x38;
	[tilespmem:$0x12E10] =	vst v63  }
0x4b: {  	s19 =	sadd.s32 $0x40, s8;
	s20 =	simm.s32 $0x900  }
0x4c: {  	[tilespmem:s20], [sflag:$0x1] =	stream.linear.gather [hbm4b:s19+s6], $0x100, $0x38;
	[tilespmem:$0x12E10] =	vst v63  }
0x4d: {  	s21 =	sadd.s32 $0x60, s8;
	s22 =	simm.s32 $0xA00  }
0x4e: {  	[tilespmem:s22], [sflag:$0x1] =	stream.linear.gather [hbm4b:s21+s6], $0x100, $0x38;
	[tilespmem:$0x12E10] =	vst v63  }
0x4f: {  	s23 =	sadd.s32 $0x80, s8;
	s24 =	simm.s32 $0xB00  }
0x50: {  	[tilespmem:s24], [sflag:$0x1] =	stream.linear.gather [hbm4b:s23+s6], $0x100, $0x38;
	[tilespmem:$0x12E10] =	vst v63  }
0x51: {  	s11 =	sadd.s32 $0x5000, s11;
	s25 =	sadd.s32 $0xA0, s8;
	s26 =	simm.s32 $0xC00  }
0x52: {  	[tilespmem:s26], [sflag:$0x1] =	stream.linear.gather [hbm4b:s25+s6], $0x100, $0x38;
	[tilespmem:$0x12E10] =	vst v63  }
0x53: {  	s11 =	sshrl.u32 s11, $0x3;
	s28 =	simm.s32 $0xD00;
	s8 =	sadd.s32 $0xC0, s8  }
0x54: {  	[tilespmem:s28], [sflag:$0x1] =	stream.linear.gather [hbm4b:s8+s6], $0x100, $0x38;
	[tilespmem:$0x12E10] =	vst v63  }
0x55: {  	s7 =	sadd.s32 s7, s11;
	s29 =	simm.s32 $0x8E00  }
0x56: {  	[tilespmem:s29], [sflag:$0x1] =	stream.linear.gather [hbm4b:s7+s6], $0x380, $0x38;
	[tilespmem:$0x12E10] =	vst v63  }
0x57: {  	s30 =	sadd.s32 s11, s9;
	s31 =	simm.s32 $0x9180  }
0x58: {  	[tilespmem:s31], [sflag:$0x1] =	stream.linear.gather [hbm4b:s30+s6], $0x380, $0x38;
	[tilespmem:$0x12E10] =	vst v63  }
0x59: {  	s13 =	sadd.s32 s11, s10;
	s14 =	simm.s32 $0x9500  }
0x5a: {  	[tilespmem:s14], [sflag:$0x1] =	stream.linear.gather [hbm4b:s13+s6], $0x380, $0x38;
	[tilespmem:$0x12E10] =	vst v63  }
0x5b: {  	s15 =	sadd.s32 s11, s12;
	s16 =	simm.s32 $0x9880  }
0x5c: {  	[tilespmem:s16], [sflag:$0x1] =	stream.linear.gather [hbm4b:s15+s6], $0x380, $0x38;
	[tilespmem:$0x12E10] =	vst v63  }
0x5d: {  	s17 =	sadd.s32 $0x200, s7;
	s18 =	simm.s32 $0x9C00  }
0x5e: {  	[tilespmem:s18], [sflag:$0x1] =	stream.linear.gather [hbm4b:s17+s6], $0x380, $0x38;
	[tilespmem:$0x12E10] =	vst v63  }
0x5f: {  	s19 =	sadd.s32 $0x280, s7;
	s20 =	simm.s32 $0x9F80  }
0x60: {  	[tilespmem:s20], [sflag:$0x1] =	stream.linear.gather [hbm4b:s19+s6], $0x380, $0x38;
	[tilespmem:$0x12E10] =	vst v63  }
0x61: {  	s21 =	sadd.s32 $0x300, s7;
	s22 =	simm.s32 $0xA300  }
0x62: {  	[tilespmem:s22], [sflag:$0x1] =	stream.linear.gather [hbm4b:s21+s6], $0x380, $0x38;
	[tilespmem:$0x12E10] =	vst v63  }
0x63: {  	s23 =	sadd.s32 $0x380, s7;
	s24 =	simm.s32 $0xA680  }
0x64: {  	[tilespmem:s24], [sflag:$0x1] =	stream.linear.gather [hbm4b:s23+s6], $0x380, $0x38;
	[tilespmem:$0x12E10] =	vst v63  }
0x65: {  	s25 =	sadd.s32 $0x400, s7;
	s26 =	simm.s32 $0xAA00  }
0x66: {  	[tilespmem:s26], [sflag:$0x1] =	stream.linear.gather [hbm4b:s25+s6], $0x380, $0x38;
	[tilespmem:$0x12E10] =	vst v63  }
0x67: {  	s28 =	sadd.s32 $0x480, s7;
	s29 =	simm.s32 $0xAD80  }
0x68: {  	[tilespmem:s29], [sflag:$0x1] =	stream.linear.gather [hbm4b:s28+s6], $0x380, $0x38;
	[tilespmem:$0x12E10] =	vst v63  }
0x69: {  	s30 =	sadd.s32 $0x500, s7;
	s31 =	simm.s32 $0xB100  }
0x6a: {  	[tilespmem:s31], [sflag:$0x1] =	stream.linear.gather [hbm4b:s30+s6], $0x380, $0x38;
	[tilespmem:$0x12E10] =	vst v63  }
0x6b: {  	s10 =	simm.s32 $0xB480;
	s9 =	sadd.s32 $0x580, s7  }
0x6c: {  	[tilespmem:s10], [sflag:$0x1] =	stream.linear.gather [hbm4b:s9+s6], $0x380, $0x38;
	[tilespmem:$0x12E10] =	vst v63  }
0x6d: {  	s12 =	simm.s32 $0xB800;
	s11 =	sadd.s32 $0x600, s7  }
0x6e: {  	[tilespmem:s12], [sflag:$0x1] =	stream.linear.gather [hbm4b:s11+s6], $0x380, $0x38;
	[tilespmem:$0x12E10] =	vst v63  }
0x6f: {  	s13 =	sadd.s32 $0x680, s7;
	s14 =	simm.s32 $0xBB80  }
0x70: {  	[tilespmem:s14], [sflag:$0x1] =	stream.linear.gather [hbm4b:s13+s6], $0x380, $0x38;
	[tilespmem:$0x12E10] =	vst v63  }
0x71: {  	s15 =	sadd.s32 $0x700, s7;
	s16 =	simm.s32 $0xBF00  }
0x72: {  	[tilespmem:s16], [sflag:$0x1] =	stream.linear.gather [hbm4b:s15+s6], $0x380, $0x38;
	[tilespmem:$0x12E10] =	vst v63  }
0x73: {  	s17 =	sadd.s32 $0x780, s7;
	s18 =	simm.s32 $0xC280  }
0x74: {  	[tilespmem:s18], [sflag:$0x1] =	stream.linear.gather [hbm4b:s17+s6], $0x380, $0x38;
	[tilespmem:$0x12E10] =	vst v63  }
0x75: {  	s19 =	sadd.s32 $0x800, s7;
	s20 =	simm.s32 $0xC600  }
0x76: {  	[tilespmem:s20], [sflag:$0x1] =	stream.linear.gather [hbm4b:s19+s6], $0x380, $0x38;
	[tilespmem:$0x12E10] =	vst v63  }
0x77: {  	s21 =	sadd.s32 $0x880, s7;
	s22 =	simm.s32 $0xC980  }
0x78: {  	[tilespmem:s22], [sflag:$0x1] =	stream.linear.gather [hbm4b:s21+s6], $0x380, $0x38;
	[tilespmem:$0x12E10] =	vst v63  }
0x79: {  	s23 =	sadd.s32 $0x900, s7;
	s24 =	simm.s32 $0xCD00  }
0x7a: {  	[tilespmem:s24], [sflag:$0x1] =	stream.linear.gather [hbm4b:s23+s6], $0x380, $0x38;
	[tilespmem:$0x12E10] =	vst v63  }
0x7b: {  	s7 =	sadd.s32 $0x980, s7;
	s25 =	simm.s32 $0xD080  }
0x7c: {  	v0 =	vimm.f32 $0.0e+00;
	[tilespmem:s25], [sflag:$0x1] =	stream.linear.gather [hbm4b:s7+s6], $0x380, $0x38;
	[tilespmem:$0x12E10] =	vst v63  }
0x7d: {  	[tilespmem:$0x12000] =	vst v0  }
0x7e: {  	[tilespmem:$0x12200] =	vst v0  }
0x7f: {  	[tilespmem:$0x12400] =	vst v0  }
0x80: {  	[tilespmem:$0x12600] =	vst v0  }
0x81: {  	v2 =	vimm.s32 $0x0;
	[tilespmem:$0x12800] =	vst v0  }
0x82: {  	[tilespmem:$0x12A00] =	vst v2  }
0x83: {  	[tilespmem:$0x12010] =	vst v0  }
0x84: {  	[tilespmem:$0x12210] =	vst v0  }
0x85: {  	[tilespmem:$0x12410] =	vst v0  }
0x86: {  	[tilespmem:$0x12610] =	vst v0  }
0x87: {  	[tilespmem:$0x12810] =	vst v0  }
0x88: {  	[tilespmem:$0x12A10] =	vst v2  }
0x89: {  	[tilespmem:$0x12020] =	vst v0  }
0x8a: {  	[tilespmem:$0x12220] =	vst v0  }
0x8b: {  	[tilespmem:$0x12420] =	vst v0  }
0x8c: {  	[tilespmem:$0x12620] =	vst v0  }
0x8d: {  	[tilespmem:$0x12820] =	vst v0  }
0x8e: {  	[tilespmem:$0x12A20] =	vst v2  }
0x8f: {  	[tilespmem:$0x12030] =	vst v0  }
0x90: {  	[tilespmem:$0x12230] =	vst v0  }
0x91: {  	[tilespmem:$0x12430] =	vst v0  }
0x92: {  	[tilespmem:$0x12630] =	vst v0  }
0x93: {  	[tilespmem:$0x12830] =	vst v0  }
0x94: {  	[tilespmem:$0x12A30] =	vst v2  }
0x95: {  	[tilespmem:$0x12040] =	vst v0  }
0x96: {  	[tilespmem:$0x12240] =	vst v0  }
0x97: {  	[tilespmem:$0x12440] =	vst v0  }
0x98: {  	[tilespmem:$0x12640] =	vst v0  }
0x99: {  	[tilespmem:$0x12840] =	vst v0  }
0x9a: {  	[tilespmem:$0x12A40] =	vst v2  }
0x9b: {  	[tilespmem:$0x12050] =	vst v0  }
0x9c: {  	[tilespmem:$0x12250] =	vst v0  }
0x9d: {  	[tilespmem:$0x12450] =	vst v0  }
0x9e: {  	[tilespmem:$0x12650] =	vst v0  }
0x9f: {  	[tilespmem:$0x12850] =	vst v0  }
0xa0: {  	[tilespmem:$0x12A50] =	vst v2  }
0xa1: {  	[tilespmem:$0x12060] =	vst v0  }
0xa2: {  	[tilespmem:$0x12260] =	vst v0  }
0xa3: {  	[tilespmem:$0x12460] =	vst v0  }
0xa4: {  	[tilespmem:$0x12660] =	vst v0  }
0xa5: {  	[tilespmem:$0x12860] =	vst v0  }
0xa6: {  	[tilespmem:$0x12A60] =	vst v2  }
0xa7: {  	[tilespmem:$0x12070] =	vst v0  }
0xa8: {  	[tilespmem:$0x12270] =	vst v0  }
0xa9: {  	[tilespmem:$0x12470] =	vst v0  }
0xaa: {  	[tilespmem:$0x12670] =	vst v0  }
0xab: {  	[tilespmem:$0x12870] =	vst v0  }
0xac: {  	[tilespmem:$0x12A70] =	vst v2  }
0xad: {  	[tilespmem:$0x12080] =	vst v0  }
0xae: {  	[tilespmem:$0x12280] =	vst v0  }
0xaf: {  	[tilespmem:$0x12480] =	vst v0  }
0xb0: {  	[tilespmem:$0x12680] =	vst v0  }
0xb1: {  	[tilespmem:$0x12880] =	vst v0  }
0xb2: {  	[tilespmem:$0x12A80] =	vst v2  }
0xb3: {  	[tilespmem:$0x12090] =	vst v0  }
0xb4: {  	[tilespmem:$0x12290] =	vst v0  }
0xb5: {  	[tilespmem:$0x12490] =	vst v0  }
0xb6: {  	[tilespmem:$0x12690] =	vst v0  }
0xb7: {  	[tilespmem:$0x12890] =	vst v0  }
0xb8: {  	[tilespmem:$0x12A90] =	vst v2  }
0xb9: {  	[tilespmem:$0x120A0] =	vst v0  }
0xba: {  	[tilespmem:$0x122A0] =	vst v0  }
0xbb: {  	[tilespmem:$0x124A0] =	vst v0  }
0xbc: {  	[tilespmem:$0x126A0] =	vst v0  }
0xbd: {  	[tilespmem:$0x128A0] =	vst v0  }
0xbe: {  	[tilespmem:$0x12AA0] =	vst v2  }
0xbf: {  	[tilespmem:$0x120B0] =	vst v0  }
0xc0: {  	[tilespmem:$0x122B0] =	vst v0  }
0xc1: {  	[tilespmem:$0x124B0] =	vst v0  }
0xc2: {  	[tilespmem:$0x126B0] =	vst v0  }
0xc3: {  	[tilespmem:$0x128B0] =	vst v0  }
0xc4: {  	[tilespmem:$0x12AB0] =	vst v2  }
0xc5: {  	[tilespmem:$0x120C0] =	vst v0  }
0xc6: {  	[tilespmem:$0x122C0] =	vst v0  }
0xc7: {  	[tilespmem:$0x124C0] =	vst v0  }
0xc8: {  	[tilespmem:$0x126C0] =	vst v0  }
0xc9: {  	[tilespmem:$0x128C0] =	vst v0  }
0xca: {  	[tilespmem:$0x12AC0] =	vst v2  }
0xcb: {  	[tilespmem:$0x120D0] =	vst v0  }
0xcc: {  	[tilespmem:$0x122D0] =	vst v0  }
0xcd: {  	[tilespmem:$0x124D0] =	vst v0  }
0xce: {  	[tilespmem:$0x126D0] =	vst v0  }
0xcf: {  	[tilespmem:$0x128D0] =	vst v0  }
0xd0: {  	[tilespmem:$0x12AD0] =	vst v2  }
0xd1: {  	[tilespmem:$0x120E0] =	vst v0  }
0xd2: {  	[tilespmem:$0x122E0] =	vst v0  }
0xd3: {  	[tilespmem:$0x124E0] =	vst v0  }
0xd4: {  	[tilespmem:$0x126E0] =	vst v0  }
0xd5: {  	[tilespmem:$0x128E0] =	vst v0  }
0xd6: {  	[tilespmem:$0x12AE0] =	vst v2  }
0xd7: {  	[tilespmem:$0x120F0] =	vst v0  }
0xd8: {  	[tilespmem:$0x122F0] =	vst v0  }
0xd9: {  	[tilespmem:$0x124F0] =	vst v0  }
0xda: {  	[tilespmem:$0x126F0] =	vst v0  }
0xdb: {  	[tilespmem:$0x128F0] =	vst v0  }
0xdc: {  	[tilespmem:$0x12AF0] =	vst v2  }
0xdd: {  	[tilespmem:$0x12100] =	vst v0  }
0xde: {  	[tilespmem:$0x12300] =	vst v0  }
0xdf: {  	[tilespmem:$0x12500] =	vst v0  }
0xe0: {  	[tilespmem:$0x12700] =	vst v0  }
0xe1: {  	[tilespmem:$0x12900] =	vst v0  }
0xe2: {  	[tilespmem:$0x12B00] =	vst v2  }
0xe3: {  	[tilespmem:$0x12110] =	vst v0  }
0xe4: {  	[tilespmem:$0x12310] =	vst v0  }
0xe5: {  	[tilespmem:$0x12510] =	vst v0  }
0xe6: {  	[tilespmem:$0x12710] =	vst v0  }
0xe7: {  	[tilespmem:$0x12910] =	vst v0  }
0xe8: {  	[tilespmem:$0x12B10] =	vst v2  }
0xe9: {  	[tilespmem:$0x12120] =	vst v0  }
0xea: {  	[tilespmem:$0x12320] =	vst v0  }
0xeb: {  	[tilespmem:$0x12520] =	vst v0  }
0xec: {  	[tilespmem:$0x12720] =	vst v0  }
0xed: {  	[tilespmem:$0x12920] =	vst v0  }
0xee: {  	[tilespmem:$0x12B20] =	vst v2  }
0xef: {  	[tilespmem:$0x12130] =	vst v0  }
0xf0: {  	[tilespmem:$0x12330] =	vst v0  }
0xf1: {  	[tilespmem:$0x12530] =	vst v0  }
0xf2: {  	[tilespmem:$0x12730] =	vst v0  }
0xf3: {  	[tilespmem:$0x12930] =	vst v0  }
0xf4: {  	[tilespmem:$0x12B30] =	vst v2  }
0xf5: {  	[tilespmem:$0x12140] =	vst v0  }
0xf6: {  	[tilespmem:$0x12340] =	vst v0  }
0xf7: {  	[tilespmem:$0x12540] =	vst v0  }
0xf8: {  	[tilespmem:$0x12740] =	vst v0  }
0xf9: {  	[tilespmem:$0x12940] =	vst v0  }
0xfa: {  	[tilespmem:$0x12B40] =	vst v2  }
0xfb: {  	[tilespmem:$0x12150] =	vst v0  }
0xfc: {  	[tilespmem:$0x12350] =	vst v0  }
0xfd: {  	[tilespmem:$0x12550] =	vst v0  }
0xfe: {  	[tilespmem:$0x12750] =	vst v0  }
0xff: {  	[tilespmem:$0x12950] =	vst v0  }
0x100: {  	[tilespmem:$0x12B50] =	vst v2  }
0x101: {  	[tilespmem:$0x12160] =	vst v0  }
0x102: {  	[tilespmem:$0x12360] =	vst v0  }
0x103: {  	[tilespmem:$0x12560] =	vst v0  }
0x104: {  	[tilespmem:$0x12760] =	vst v0  }
0x105: {  	[tilespmem:$0x12960] =	vst v0  }
0x106: {  	[tilespmem:$0x12B60] =	vst v2  }
0x107: {  	[tilespmem:$0x12170] =	vst v0  }
0x108: {  	[tilespmem:$0x12370] =	vst v0  }
0x109: {  	[tilespmem:$0x12570] =	vst v0  }
0x10a: {  	[tilespmem:$0x12770] =	vst v0  }
0x10b: {  	[tilespmem:$0x12970] =	vst v0  }
0x10c: {  	[tilespmem:$0x12B70] =	vst v2  }
0x10d: {  	[tilespmem:$0x12180] =	vst v0  }
0x10e: {  	[tilespmem:$0x12380] =	vst v0  }
0x10f: {  	[tilespmem:$0x12580] =	vst v0  }
0x110: {  	[tilespmem:$0x12780] =	vst v0  }
0x111: {  	[tilespmem:$0x12980] =	vst v0  }
0x112: {  	[tilespmem:$0x12B80] =	vst v2  }
0x113: {  	[tilespmem:$0x12190] =	vst v0  }
0x114: {  	[tilespmem:$0x12390] =	vst v0  }
0x115: {  	[tilespmem:$0x12590] =	vst v0  }
0x116: {  	[tilespmem:$0x12790] =	vst v0  }
0x117: {  	[tilespmem:$0x12990] =	vst v0  }
0x118: {  	[tilespmem:$0x12B90] =	vst v2  }
0x119: {  	v1 =	vimm.f32 $6.400000000e+01;
	[tilespmem:$0x121A0] =	vst v0  }
0x11a: {  	(erf) = vrcp.f32 v1;
	v1 =	vimm.f32 $4.480000000e+02;
	[tilespmem:$0x123A0] =	vst v0  }
0x11b: {  	(erf) = vrcp.f32 v1;
	[tilespmem:$0x125A0] =	vst v0  }
0x11c: {  	[tilespmem:$0x127A0] =	vst v0  }
0x11d: {  	[tilespmem:$0x129A0] =	vst v0  }
0x11e: {  	[tilespmem:$0x12BA0] =	vst v2  }
0x11f: {  	[tilespmem:$0x121B0] =	vst v0  }
0x120: {  	[tilespmem:$0x123B0] =	vst v0  }
0x121: {  	[tilespmem:$0x125B0] =	vst v0  }
0x122: {  	[tilespmem:$0x127B0] =	vst v0  }
0x123: {  	v1 =	vpop (erf);
	[tilespmem:$0x129B0] =	vst v0  }
0x124: {  	p0 =	por $0x0, $0x0;
	s15 =	simm.s32 $0x1;
	v0 =	vpop (erf);
	[tilespmem:$0x12BB0] =	vst v2  }
0x125: {  	s26 =	sshll.u32 s3, $0x5;
	s7 =	simm.s32 $0xFFFFFFE2;
	_ =	swait.ge [sflag:s15], $0xF00  }
0x126: {  	s8 =	sand.u32 $0x60, s26;
	s7 =	simm.s32 @!p0 $0x0;
	[sflag:s15] =	ssyncset.done $0x0  }
0x127: {  	s6 =	simm.s32 $0x10;
	s28 =	sadd.s32 $0x0, s7;
	[sflag:s15] =	ssyncadd.s32 $0xFFFFF100  }
0x128: {  	s6 =	simm.s32 @!p0 $0x0;
	s7 =	sshll.u32 s28, $0xB;
	_ =	swait.ge [sflag:s15], $0x3C00  }
0x129: {  	s29 =	sor.u32 s8, s6;
	s30 =	sshra.s32 s7, $0x2;
	[sflag:s15] =	ssyncset.done $0x0  }
0x12a: {  	s6 =	sor.u32 s29, s30;
	[sflag:s15] =	ssyncadd.s32 $0xFFFFC400  }
0x12b: {  	v2 =	vld [tilespmem:s6+$0xD480]  }
0x12c: {  	v3 =	vld [tilespmem:s6+$0xD580]  }
0x12d: {  	v4 =	vld [tilespmem:s6+$0xD500]  }
0x12e: {  	v5 =	vld [tilespmem:s6+$0xD400];
	_ =	sdelay $0x2  }
0x12f: {  	v7 =	vsub.f32 v3, v2;
	_ =	sdelay $0x1  }
0x130: {  	v9 =	vsub.f32 v4, v5;
	v3 =	vmul.f32 $5.000000000e-01, v7;
	_ =	sdelay $0x1  }
0x131: {  	v4 =	vmul.f32 $5.000000000e-01, v9;
	v6 =	vadd.f32 v3, v2;
	_ =	sdelay $0x1  }
0x132: {  	v10 =	vadd.f32 v4, v5;
	v2 =	vmul.f32 v6, v1;
	_ =	sdelay $0x1  }
0x133: {  	v3 =	vmul.f32 v10, v1;
	v2 =	vtrunc.f32 v2  }
0x134: {  	v8 =	vcvt.f32.s32 v2  }
0x135: {  	v2 =	vtrunc.f32 v3  }
0x136: {  	s11 =	simm.s32 $0x1;
	s6 =	smul.u32 $0x7, s4;
	v11 =	vcvt.f32.s32 v2;
	v2 =	vmul.u32 $0x7, v8  }
0x137: {  	s5 =	smul.u32 $0xE, s5;
	s11 =	simm.s32 @!p0 $0x0  }
0x138: {  	v14 =	vmov s11;
	v5 =	vmov s6;
	v12 =	vadd.s32 v11, v2  }
0x139: {  	s31 =	smin.u32 s5, $0x23;
	v14 =	vshll.u32 v14, $0x4;
	v13 =	vsub.s32 v12, v5  }
0x13a: {  	v14 =	vbroadcast v14, $0x0;
	s7 =	sadd.s32 $0xD, s31;
	vm0 =	vgt.s32 v13, $0x0  }
0x13b: {  	v4 =	vmov s7;
	v3 =	vmov s5;
	v13 =	vnsel vm0, $0x0, v13  }
0x13c: {  	v61 =	vcvt.s32.f32 v8;
	v11 =	vcvt.s32.f32 v11;
	v13 =	vmin.u32 v13, $0xD  }
0x13d: {  	vm1 =	vle.s32 v12, v4;
	vm0 =	vge.s32 v12, v3;
	v60 =	vshll.u32 v13, $0x5  }
0x13e: {  	v2 =	vlaneseq.u32;
	vm0 =	vmand vm0, vm1;
	v8 =	vor.u32 v14, v60  }
0x13f: {  	v11 =	vmul.f32 $6.400000000e+01, v11;
	v8 =	vor.u32 v2, v8  }
0x140: {  	v62 =	vmul.f32 $6.400000000e+01, v61  }
0x141: {  	s9 =	sshll.u32 s28, $0x9;
	v10 =	vsub.f32 v10, v11  }
0x142: {  	s9 =	sshra.s32 s9, $0x2;
	v11 =	vsub.f32 v6, v62  }
0x143: {  	s10 =	sor.u32 s29, s9;
	s9 =	simm.s32 $0x12000;
	v6 =	vimm.f32 $1.000000000e+00;
	v10 =	vmul.f32 v10, v1  }
0x144: {  	v63 =	vld [tilespmem:s10+$0x11000];
	s10 =	simm.s32 $0x12200;
	v11 =	vmul.f32 v11, v1;
	[tilespmem:v8+s9+$0x0] =	vst.idx.msk vm0, v6  }
0x145: {  	s11 =	simm.s32 $0x12400;
	v9 =	vmul.f32 v9, v0;
	[tilespmem:v8+s10+$0x0] =	vst.idx.msk vm0, v10  }
0x146: {  	s12 =	simm.s32 $0x12600;
	v10 =	vmul.f32 v7, v0;
	[tilespmem:v8+s11+$0x0] =	vst.idx.msk vm0, v11  }
0x147: {  	s14 =	simm.s32 $0x12800;
	[tilespmem:v8+s12+$0x0] =	vst.idx.msk vm0, v9  }
0x148: {  	s13 =	simm.s32 $0x12A00;
	[tilespmem:v8+s14+$0x0] =	vst.idx.msk vm0, v10  }
0x149: {  	s16 =	simm.s32 $0xFFFFFFE2;
	p0 =	por $0x0, $0x0;
	v9 =	vld.idx.msk [tilespmem:v8+s13+$0x0], vm0  }
0x14a: {  	s17 =	simm.s32 $0x2;
	s19 =	simm.s32 $0x10;
	s16 =	simm.s32 @!p0 $0x0;
	v7 =	vimm.s32 $0x1  }
0x14b: {  	s19 =	simm.s32 @!p0 $0x0;
	s16 =	sadd.s32 $0x1, s16;
	s15 =	simm.s32 @!p0 $0x0;
	v10 =	vshll.u32 v7, v63  }
.LBB2_1:
0x14c: {  	p0 =	sne.s32 s17, $0x3B  }
0x14d: {  	s20 =	sshll.u32 s16, $0xB;
	s18 =	smov.u32 s17;
	s17 =	sadd.s32 $0x1, s17  }
0x14e: {  	s19 =	sor.u32 s8, s19;
	v9 =	vor.u32 v10, v9;
	s20 =	sshra.s32 s20, $0x2  }
0x14f: {  	s20 =	sor.u32 s19, s20;
	[tilespmem:v8+s13+$0x0] =	vst.idx.msk vm0, v9  }
0x150: {  	v8 =	vld [tilespmem:s20+$0xD500]  }
0x151: {  	v9 =	vld [tilespmem:s20+$0xD480]  }
0x152: {  	v10 =	vld [tilespmem:s20+$0xD580]  }
0x153: {  	v11 =	vld [tilespmem:s20+$0xD400];
	_ =	sdelay $0x3  }
0x154: {  	v10 =	vsub.f32 v10, v9  }
0x155: {  	v12 =	vsub.f32 v8, v11  }
0x156: {  	v8 =	vmul.f32 $5.000000000e-01, v10  }
0x157: {  	v13 =	vmul.f32 $5.000000000e-01, v12  }
0x158: {  	v8 =	vadd.f32 v8, v9  }
0x159: {  	v9 =	vadd.f32 v13, v11  }
0x15a: {  	v11 =	vmul.f32 v8, v1  }
0x15b: {  	v13 =	vmul.f32 v9, v1  }
0x15c: {  	v11 =	vtrunc.f32 v11  }
0x15d: {  	v13 =	vtrunc.f32 v13;
	v11 =	vcvt.f32.s32 v11  }
0x15e: {  	v13 =	vcvt.f32.s32 v13  }
0x15f: {  	v14 =	vmul.u32 $0x7, v11;
	v11 =	vcvt.s32.f32 v11  }
0x160: {  	v15 =	vmov s15;
	v16 =	vcvt.s32.f32 v13  }
0x161: {  	v13 =	vadd.s32 v13, v14;
	v14 =	vshll.u32 v15, $0x4;
	v11 =	vmul.f32 $6.400000000e+01, v11  }
0x162: {  	vm0 =	vge.s32 v13, v3;
	vm1 =	vle.s32 v13, v4;
	v13 =	vsub.s32 v13, v5  }
0x163: {  	v15 =	vmul.f32 $6.400000000e+01, v16;
	vm2 =	vgt.s32 v13, $0x0;
	v11 =	vsub.f32 v8, v11  }
0x164: {  	v8 =	vnsel vm2, $0x0, v13;
	v13 =	vbroadcast v14, $0x0  }
0x165: {  	v9 =	vsub.f32 v9, v15;
	v8 =	vmin.u32 v8, $0xD  }
0x166: {  	vm0 =	vmand vm0, vm1;
	v8 =	vshll.u32 v8, $0x5  }
0x167: {  	v8 =	vor.u32 v13, v8  }
0x168: {  	s15 =	sshll.u32 s16, $0x9;
	v8 =	vor.u32 v2, v8  }
0x169: {  	s15 =	sshra.s32 s15, $0x2  }
0x16a: {  	s15 =	sor.u32 s19, s15  }
0x16b: {  	v9 =	vmul.f32 v9, v1;
	v13 =	vld [tilespmem:s15+$0x11000]  }
0x16c: {  	v11 =	vmul.f32 v11, v1  }
0x16d: {  	v12 =	vmul.f32 v12, v0;
	[tilespmem:v8+s9+$0x0] =	vst.idx.msk vm0, v6  }
0x16e: {  	[tilespmem:v8+s10+$0x0] =	vst.idx.msk vm0, v9;
	v9 =	vmul.f32 v10, v0  }
0x16f: {  	[tilespmem:v8+s11+$0x0] =	vst.idx.msk vm0, v11  }
0x170: {  	[tilespmem:v8+s12+$0x0] =	vst.idx.msk vm0, v12  }
0x171: {  	[tilespmem:v8+s14+$0x0] =	vst.idx.msk vm0, v9  }
.Ltmp0:
0x172: {  	v9 =	vld.idx.msk [tilespmem:v8+s13+$0x0], vm0;
	(pc) =	sbr.rel @p0 .LBB2_1-.Ltmp0, $4  }
0x173: {  	_ = 	snop  }
0x174: {  	s16 =	simm.s32 $0xFFFFFFE2;
	p1 =	sgt.u32 s18, $0x1D;
	s19 =	simm.s32 $0x10  }
0x175: {  	s16 =	simm.s32 @!p1 $0x0;
	s19 =	simm.s32 @!p1 $0x0;
	s15 =	simm.s32 $0x1  }
0x176: {  	s16 =	sadd.s32 s18, s16;
	s15 =	simm.s32 @!p1 $0x0;
	v10 =	vshll.u32 v7, v13  }
0x177: {  	_ =	sdelay $0x2  }
0x178: {  	s17 =	sshll.u32 s16, $0xB  }
0x179: {  	s18 =	sor.u32 s8, s19;
	v9 =	vor.u32 v10, v9;
	s17 =	sshra.s32 s17, $0x2  }
0x17a: {  	[tilespmem:v8+s13+$0x0] =	vst.idx.msk vm0, v9;
	s17 =	sor.u32 s18, s17  }
0x17b: {  	v8 =	vld [tilespmem:s17+$0xD480]  }
0x17c: {  	v9 =	vld [tilespmem:s17+$0xD580]  }
0x17d: {  	v10 =	vld [tilespmem:s17+$0xD500]  }
0x17e: {  	v11 =	vld [tilespmem:s17+$0xD400];
	_ =	sdelay $0x2  }
0x17f: {  	v9 =	vsub.f32 v9, v8;
	_ =	sdelay $0x1  }
0x180: {  	v10 =	vsub.f32 v10, v11;
	v12 =	vmul.f32 $5.000000000e-01, v9;
	_ =	sdelay $0x1  }
0x181: {  	v13 =	vmul.f32 $5.000000000e-01, v10;
	v8 =	vadd.f32 v12, v8;
	_ =	sdelay $0x1  }
0x182: {  	v11 =	vadd.f32 v13, v11;
	v12 =	vmul.f32 v8, v1;
	_ =	sdelay $0x1  }
0x183: {  	v13 =	vmul.f32 v11, v1;
	v12 =	vtrunc.f32 v12  }
0x184: {  	v12 =	vcvt.f32.s32 v12  }
0x185: {  	v13 =	vtrunc.f32 v13  }
0x186: {  	v13 =	vcvt.f32.s32 v13;
	v14 =	vmul.u32 $0x7, v12;
	_ =	sdelay $0x1  }
0x187: {  	v14 =	vadd.s32 v13, v14  }
0x188: {  	v5 =	vsub.s32 v14, v5  }
0x189: {  	v15 =	vmov s15;
	vm13 =	vgt.s32 v5, $0x0  }
0x18a: {  	v15 =	vshll.u32 v15, $0x4;
	v5 =	vnsel vm13, $0x0, v5  }
0x18b: {  	v15 =	vbroadcast v15, $0x0;
	v13 =	vcvt.s32.f32 v13;
	v5 =	vmin.u32 v5, $0xD  }
0x18c: {  	vm14 =	vge.s32 v14, v3;
	vm1 =	vle.s32 v14, v4;
	v3 =	vshll.u32 v5, $0x5  }
0x18d: {  	v4 =	vcvt.s32.f32 v12;
	vm0 =	vmand vm14, vm1;
	v3 =	vor.u32 v15, v3  }
0x18e: {  	v5 =	vmul.f32 $6.400000000e+01, v13;
	v2 =	vor.u32 v2, v3  }
0x18f: {  	v3 =	vmul.f32 $6.400000000e+01, v4  }
0x190: {  	s31 =	sshll.u32 s16, $0x9;
	v4 =	vsub.f32 v11, v5  }
0x191: {  	s15 =	sshra.s32 s31, $0x2;
	v3 =	vsub.f32 v8, v3  }
0x192: {  	s15 =	sor.u32 s18, s15;
	v4 =	vmul.f32 v4, v1  }
0x193: {  	v5 =	vld [tilespmem:s15+$0x11000];
	v1 =	vmul.f32 v3, v1;
	[tilespmem:v2+s9+$0x0] =	vst.idx.msk vm0, v6  }
0x194: {  	v3 =	vmul.f32 v10, v0;
	[tilespmem:v2+s10+$0x0] =	vst.idx.msk vm0, v4  }
0x195: {  	v0 =	vmul.f32 v9, v0;
	[tilespmem:v2+s11+$0x0] =	vst.idx.msk vm0, v1  }
0x196: {  	[tilespmem:v2+s12+$0x0] =	vst.idx.msk vm0, v3  }
0x197: {  	[tilespmem:v2+s14+$0x0] =	vst.idx.msk vm0, v0  }
0x198: {  	v0 =	vld.idx.msk [tilespmem:v2+s13+$0x0], vm0;
	_ =	sdelay $0x3  }
0x199: {  	v1 =	vshll.u32 v7, v5  }
0x19a: {  	v0 =	vor.u32 v1, v0  }
0x19b: {  	s16 =	simm.s32 $0x1;
	[tilespmem:v2+s13+$0x0] =	vst.idx.msk vm0, v0  }
0x19c: {  	_ =	swait.ge [sflag:s16], $0x3800  }
0x19d: {  	[sflag:s16] =	ssyncset.done $0x0  }
0x19e: {  	[sflag:s16] =	ssyncadd.s32 $0xFFFFC800  }
0x19f: {  	_ =	swait.ge [sflag:s16], $0x100  }
0x1a0: {  	[sflag:s16] =	ssyncset.done $0x0  }
0x1a1: {  	[sflag:s16] =	ssyncadd.s32 $0xFFFFFF00  }
0x1a2: {  	_ =	swait.ge [sflag:s16], $0x100  }
0x1a3: {  	[sflag:s16] =	ssyncset.done $0x0  }
0x1a4: {  	[sflag:s16] =	ssyncadd.s32 $0xFFFFFF00  }
0x1a5: {  	_ =	swait.ge [sflag:s16], $0x100  }
0x1a6: {  	[sflag:s16] =	ssyncset.done $0x0  }
0x1a7: {  	[sflag:s16] =	ssyncadd.s32 $0xFFFFFF00  }
0x1a8: {  	_ =	swait.ge [sflag:s16], $0x100  }
0x1a9: {  	[sflag:s16] =	ssyncset.done $0x0  }
0x1aa: {  	[sflag:s16] =	ssyncadd.s32 $0xFFFFFF00  }
0x1ab: {  	_ =	swait.ge [sflag:s16], $0x100  }
0x1ac: {  	[sflag:s16] =	ssyncset.done $0x0  }
0x1ad: {  	[sflag:s16] =	ssyncadd.s32 $0xFFFFFF00  }
0x1ae: {  	_ =	swait.ge [sflag:s16], $0x100  }
0x1af: {  	[sflag:s16] =	ssyncset.done $0x0  }
0x1b0: {  	[sflag:s16] =	ssyncadd.s32 $0xFFFFFF00  }
0x1b1: {  	_ =	swait.ge [sflag:s16], $0x100  }
0x1b2: {  	[sflag:s16] =	ssyncset.done $0x0  }
0x1b3: {  	[sflag:s16] =	ssyncadd.s32 $0xFFFFFF00  }
0x1b4: {  	_ =	swait.ge [sflag:s16], $0x380  }
0x1b5: {  	[sflag:s16] =	ssyncset.done $0x0  }
0x1b6: {  	[sflag:s16] =	ssyncadd.s32 $0xFFFFFC80  }
0x1b7: {  	_ =	swait.ge [sflag:s16], $0x380  }
0x1b8: {  	[sflag:s16] =	ssyncset.done $0x0  }
0x1b9: {  	[sflag:s16] =	ssyncadd.s32 $0xFFFFFC80  }
0x1ba: {  	_ =	swait.ge [sflag:s16], $0x380  }
0x1bb: {  	[sflag:s16] =	ssyncset.done $0x0  }
0x1bc: {  	[sflag:s16] =	ssyncadd.s32 $0xFFFFFC80  }
0x1bd: {  	_ =	swait.ge [sflag:s16], $0x380  }
0x1be: {  	[sflag:s16] =	ssyncset.done $0x0  }
0x1bf: {  	[sflag:s16] =	ssyncadd.s32 $0xFFFFFC80  }
0x1c0: {  	_ =	swait.ge [sflag:s16], $0x380  }
0x1c1: {  	[sflag:s16] =	ssyncset.done $0x0  }
0x1c2: {  	[sflag:s16] =	ssyncadd.s32 $0xFFFFFC80  }
0x1c3: {  	_ =	swait.ge [sflag:s16], $0x380  }
0x1c4: {  	[sflag:s16] =	ssyncset.done $0x0  }
0x1c5: {  	[sflag:s16] =	ssyncadd.s32 $0xFFFFFC80  }
0x1c6: {  	_ =	swait.ge [sflag:s16], $0x380  }
0x1c7: {  	[sflag:s16] =	ssyncset.done $0x0  }
0x1c8: {  	[sflag:s16] =	ssyncadd.s32 $0xFFFFFC80  }
0x1c9: {  	_ =	swait.ge [sflag:s16], $0x380  }
0x1ca: {  	[sflag:s16] =	ssyncset.done $0x0  }
0x1cb: {  	[sflag:s16] =	ssyncadd.s32 $0xFFFFFC80  }
0x1cc: {  	_ =	swait.ge [sflag:s16], $0x380  }
0x1cd: {  	[sflag:s16] =	ssyncset.done $0x0  }
0x1ce: {  	[sflag:s16] =	ssyncadd.s32 $0xFFFFFC80  }
0x1cf: {  	_ =	swait.ge [sflag:s16], $0x380  }
0x1d0: {  	[sflag:s16] =	ssyncset.done $0x0  }
0x1d1: {  	[sflag:s16] =	ssyncadd.s32 $0xFFFFFC80  }
0x1d2: {  	_ =	swait.ge [sflag:s16], $0x380  }
0x1d3: {  	[sflag:s16] =	ssyncset.done $0x0  }
0x1d4: {  	[sflag:s16] =	ssyncadd.s32 $0xFFFFFC80  }
0x1d5: {  	_ =	swait.ge [sflag:s16], $0x380  }
0x1d6: {  	[sflag:s16] =	ssyncset.done $0x0  }
0x1d7: {  	[sflag:s16] =	ssyncadd.s32 $0xFFFFFC80  }
0x1d8: {  	_ =	swait.ge [sflag:s16], $0x380  }
0x1d9: {  	[sflag:s16] =	ssyncset.done $0x0  }
0x1da: {  	[sflag:s16] =	ssyncadd.s32 $0xFFFFFC80  }
0x1db: {  	_ =	swait.ge [sflag:s16], $0x380  }
0x1dc: {  	[sflag:s16] =	ssyncset.done $0x0  }
0x1dd: {  	[sflag:s16] =	ssyncadd.s32 $0xFFFFFC80  }
0x1de: {  	_ =	swait.ge [sflag:s16], $0x380  }
0x1df: {  	[sflag:s16] =	ssyncset.done $0x0  }
0x1e0: {  	[sflag:s16] =	ssyncadd.s32 $0xFFFFFC80  }
0x1e1: {  	_ =	swait.ge [sflag:s16], $0x380  }
0x1e2: {  	[sflag:s16] =	ssyncset.done $0x0  }
0x1e3: {  	[sflag:s16] =	ssyncadd.s32 $0xFFFFFC80  }
0x1e4: {  	_ =	swait.ge [sflag:s16], $0x380  }
0x1e5: {  	[sflag:s16] =	ssyncset.done $0x0  }
0x1e6: {  	[sflag:s16] =	ssyncadd.s32 $0xFFFFFC80  }
0x1e7: {  	_ =	swait.ge [sflag:s16], $0x380  }
0x1e8: {  	[sflag:s16] =	ssyncset.done $0x0  }
0x1e9: {  	[sflag:s16] =	ssyncadd.s32 $0xFFFFFC80  }
0x1ea: {  	_ =	swait.ge [sflag:s16], $0x380  }
0x1eb: {  	[sflag:s16] =	ssyncset.done $0x0  }
0x1ec: {  	[sflag:s16] =	ssyncadd.s32 $0xFFFFFC80  }
0x1ed: {  	_ =	swait.ge [sflag:s16], $0x380  }
0x1ee: {  	[sflag:s16] =	ssyncset.done $0x0  }
0x1ef: {  	[sflag:s16] =	ssyncadd.s32 $0xFFFFFC80  }
0x1f0: {  	_ =	swait.ge [sflag:s16], $0x100  }
0x1f1: {  	[sflag:s16] =	ssyncset.done $0x0  }
0x1f2: {  	[sflag:s16] =	ssyncadd.s32 $0xFFFFFF00  }
0x1f3: {  	_ =	swait.ge [sflag:s16], $0x100  }
0x1f4: {  	[sflag:s16] =	ssyncset.done $0x0  }
0x1f5: {  	[sflag:s16] =	ssyncadd.s32 $0xFFFFFF00  }
0x1f6: {  	_ =	swait.ge [sflag:s16], $0x100  }
0x1f7: {  	[sflag:s16] =	ssyncset.done $0x0  }
0x1f8: {  	[sflag:s16] =	ssyncadd.s32 $0xFFFFFF00  }
0x1f9: {  	_ =	swait.ge [sflag:s16], $0x100  }
0x1fa: {  	[sflag:s16] =	ssyncset.done $0x0  }
0x1fb: {  	[sflag:s16] =	ssyncadd.s32 $0xFFFFFF00  }
0x1fc: {  	_ =	swait.ge [sflag:s16], $0x100  }
0x1fd: {  	[sflag:s16] =	ssyncset.done $0x0  }
0x1fe: {  	[sflag:s16] =	ssyncadd.s32 $0xFFFFFF00  }
0x1ff: {  	_ =	swait.ge [sflag:s16], $0x100  }
0x200: {  	[sflag:s16] =	ssyncset.done $0x0  }
0x201: {  	[sflag:s16] =	ssyncadd.s32 $0xFFFFFF00  }
0x202: {  	_ =	swait.ge [sflag:s16], $0x100  }
0x203: {  	[sflag:s16] =	ssyncset.done $0x0  }
0x204: {  	[sflag:s16] =	ssyncadd.s32 $0xFFFFFF00  }
0x205: {  	_ =	swait.ge [sflag:s16], $0x380  }
0x206: {  	[sflag:s16] =	ssyncset.done $0x0  }
0x207: {  	[sflag:s16] =	ssyncadd.s32 $0xFFFFFC80  }
0x208: {  	_ =	swait.ge [sflag:s16], $0x380  }
0x209: {  	[sflag:s16] =	ssyncset.done $0x0  }
0x20a: {  	[sflag:s16] =	ssyncadd.s32 $0xFFFFFC80  }
0x20b: {  	_ =	swait.ge [sflag:s16], $0x380  }
0x20c: {  	[sflag:s16] =	ssyncset.done $0x0  }
0x20d: {  	[sflag:s16] =	ssyncadd.s32 $0xFFFFFC80  }
0x20e: {  	_ =	swait.ge [sflag:s16], $0x380  }
0x20f: {  	[sflag:s16] =	ssyncset.done $0x0  }
0x210: {  	[sflag:s16] =	ssyncadd.s32 $0xFFFFFC80  }
0x211: {  	_ =	swait.ge [sflag:s16], $0x380  }
0x212: {  	[sflag:s16] =	ssyncset.done $0x0  }
0x213: {  	[sflag:s16] =	ssyncadd.s32 $0xFFFFFC80  }
0x214: {  	_ =	swait.ge [sflag:s16], $0x380  }
0x215: {  	[sflag:s16] =	ssyncset.done $0x0  }
0x216: {  	[sflag:s16] =	ssyncadd.s32 $0xFFFFFC80  }
0x217: {  	_ =	swait.ge [sflag:s16], $0x380  }
0x218: {  	[sflag:s16] =	ssyncset.done $0x0  }
0x219: {  	[sflag:s16] =	ssyncadd.s32 $0xFFFFFC80  }
0x21a: {  	_ =	swait.ge [sflag:s16], $0x380  }
0x21b: {  	[sflag:s16] =	ssyncset.done $0x0  }
0x21c: {  	[sflag:s16] =	ssyncadd.s32 $0xFFFFFC80  }
0x21d: {  	_ =	swait.ge [sflag:s16], $0x380  }
0x21e: {  	[sflag:s16] =	ssyncset.done $0x0  }
0x21f: {  	[sflag:s16] =	ssyncadd.s32 $0xFFFFFC80  }
0x220: {  	_ =	swait.ge [sflag:s16], $0x380  }
0x221: {  	[sflag:s16] =	ssyncset.done $0x0  }
0x222: {  	[sflag:s16] =	ssyncadd.s32 $0xFFFFFC80  }
0x223: {  	_ =	swait.ge [sflag:s16], $0x380  }
0x224: {  	[sflag:s16] =	ssyncset.done $0x0  }
0x225: {  	[sflag:s16] =	ssyncadd.s32 $0xFFFFFC80  }
0x226: {  	_ =	swait.ge [sflag:s16], $0x380  }
0x227: {  	[sflag:s16] =	ssyncset.done $0x0  }
0x228: {  	[sflag:s16] =	ssyncadd.s32 $0xFFFFFC80  }
0x229: {  	_ =	swait.ge [sflag:s16], $0x380  }
0x22a: {  	[sflag:s16] =	ssyncset.done $0x0  }
0x22b: {  	[sflag:s16] =	ssyncadd.s32 $0xFFFFFC80  }
0x22c: {  	_ =	swait.ge [sflag:s16], $0x380  }
0x22d: {  	[sflag:s16] =	ssyncset.done $0x0  }
0x22e: {  	[sflag:s16] =	ssyncadd.s32 $0xFFFFFC80  }
0x22f: {  	_ =	swait.ge [sflag:s16], $0x380  }
0x230: {  	[sflag:s16] =	ssyncset.done $0x0  }
0x231: {  	[sflag:s16] =	ssyncadd.s32 $0xFFFFFC80  }
0x232: {  	_ =	swait.ge [sflag:s16], $0x380  }
0x233: {  	[sflag:s16] =	ssyncset.done $0x0  }
0x234: {  	[sflag:s16] =	ssyncadd.s32 $0xFFFFFC80  }
0x235: {  	_ =	swait.ge [sflag:s16], $0x380  }
0x236: {  	[sflag:s16] =	ssyncset.done $0x0  }
0x237: {  	[sflag:s16] =	ssyncadd.s32 $0xFFFFFC80  }
0x238: {  	_ =	swait.ge [sflag:s16], $0x380  }
0x239: {  	[sflag:s16] =	ssyncset.done $0x0  }
0x23a: {  	[sflag:s16] =	ssyncadd.s32 $0xFFFFFC80  }
0x23b: {  	_ =	swait.ge [sflag:s16], $0x380  }
0x23c: {  	[sflag:s16] =	ssyncset.done $0x0  }
0x23d: {  	[sflag:s16] =	ssyncadd.s32 $0xFFFFFC80  }
0x23e: {  	_ =	swait.ge [sflag:s16], $0x380  }
0x23f: {  	[sflag:s16] =	ssyncset.done $0x0  }
0x240: {  	s12 =	simm.s32 $0x12A00;
	[sflag:s16] =	ssyncadd.s32 $0xFFFFFC80  }
0x241: {  	v1 =	vld [tilespmem:s12+$0x0];
	_ =	sdelay $0x2  }
0x242: {  	s13 =	simm.s32 $0x12200  }
0x243: {  	s18 =	simm.s32 $0x0;
	s14 =	simm.s32 $0x12400;
	v0 =	vimm.f32 $0.0e+00;
	v11 =	vld [tilespmem:s13+$0x0]  }
0x244: {  	s19 =	simm.s32 $0x0;
	s15 =	simm.s32 $0x12600;
	s9 =	sand.u32 $0x10, s18;
	v13 =	vld [tilespmem:s14+$0x0];
	v4 =	vshrl.u32 v1, $0x11;
	v5 =	vshrl.u32 v1, $0x12;
	v6 =	vshrl.u32 v1, $0x13  }
0x245: {  	s17 =	simm.s32 $0x12800;
	s9 =	sor.u32 s8, s9;
	s10 =	sand.u32 $0x3FFFFC00, s19;
	v2 =	vld [tilespmem:s15+$0x0];
	v7 =	vshrl.u32 v1, $0xE;
	v8 =	vshrl.u32 v1, $0xF;
	v9 =	vshrl.u32 v1, $0x10  }
0x246: {  	s10 =	sor.u32 s9, s10;
	v3 =	vld [tilespmem:s17+$0x0];
	v10 =	vshrl.u32 v1, $0xD;
	v12 =	vshrl.u32 v1, $0xA;
	v14 =	vshrl.u32 v1, $0xB  }
0x247: {  	v33 =	vld [tilespmem:s10+$0x1000];
	v15 =	vshrl.u32 v1, $0xC;
	v16 =	vshrl.u32 v1, $0x8;
	v17 =	vshrl.u32 v1, $0x9  }
0x248: {  	v39 =	vld [tilespmem:s10+$0x1300];
	v18 =	vshrl.u32 v1, $0x5;
	v19 =	vshrl.u32 v1, $0x6;
	v20 =	vshrl.u32 v1, $0x7  }
0x249: {  	v21 =	vshrl.u32 v1, $0x3;
	v23 =	vshrl.u32 v1, $0x4;
	v22 =	vand.u32 $0x1, v1  }
0x24a: {  	v24 =	vshrl.u32 v1, $0x1;
	v26 =	vmul.f32 $6.400000000e+01, v11;
	v27 =	vmul.f32 $6.400000000e+01, v13  }
0x24b: {  	v25 =	vshrl.u32 v1, $0x2;
	v28 =	vmul.f32 $4.480000000e+02, v2;
	v29 =	vmul.f32 $4.480000000e+02, v3  }
0x24c: {  	v2 =	vmax.f32 v2, $9.999999930e-09;
	v3 =	vmax.f32 v3, $9.999999930e-09;
	v41 =	vmul.f32 $6.400000000e+01, v33  }
0x24d: {  	v57 =	vmul.f32 $4.480000000e+02, v39;
	v1 =	vand.u32 $0x1, v5;
	v5 =	vand.u32 $0x1, v6  }
0x24e: {  	v6 =	vand.u32 $0x1, v8;
	v8 =	vand.u32 $0x1, v9;
	v9 =	vand.u32 $0x1, v4  }
0x24f: {  	v4 =	vand.u32 $0x1, v15;
	v10 =	vand.u32 $0x1, v10;
	v15 =	vand.u32 $0x1, v7  }
0x250: {  	v17 =	vand.u32 $0x1, v17;
	v30 =	vand.u32 $0x1, v12;
	v12 =	vand.u32 $0x1, v14  }
0x251: {  	v22 =	vcvt.s32.f32 v22;
	v14 =	vand.u32 $0x1, v20;
	v16 =	vand.u32 $0x1, v16  }
0x252: {  	s20 =	simm.s32 $0xFFFFFFF9;
	v19 =	vand.u32 $0x1, v19;
	v31 =	vcvt.s32.f32 v1;
	v1 =	vcvt.s32.f32 v5  }
0x253: {  	[dreg:$0x8] =	wrdreg s20;
	v18 =	vand.u32 $0x1, v18;
	v7 =	vcvt.s32.f32 v8;
	v32 =	vcvt.s32.f32 v9  }
0x254: {  	p0 =	por $0x0, $0x0;
	s11 =	simm.s32 $0x1;
	s12 =	rddreg [dreg:$0x8];
	v20 =	vand.u32 $0x1, v23;
	v5 =	vcvt.s32.f32 v15;
	v9 =	vcvt.s32.f32 v6  }
0x255: {  	s11 =	simm.s32 @!p0 $0x0;
	s12 =	simm.s32 @!p0 $0x0;
	v21 =	vand.u32 $0x1, v21;
	v8 =	vcvt.s32.f32 v12;
	v6 =	vcvt.s32.f32 v10  }
0x256: {  	s11 =	sadd.s32 s11, s4;
	s12 =	sadd.s32 $0x0, s12;
	v25 =	vand.u32 $0x1, v25;
	v12 =	vcvt.s32.f32 v17;
	v10 =	vcvt.s32.f32 v30  }
0x257: {  	s11 =	sshll.u32 s11, $0x6;
	s21 =	scvt.s32.f32 s12;
	v24 =	vand.u32 $0x1, v24;
	v34 =	vcvt.s32.f32 v14;
	v17 =	vcvt.s32.f32 v16  }
0x258: {  	s11 =	scvt.s32.f32 s11;
	v23 =	vld [tilespmem:s10+$0x1200];
	v14 =	vshra.s32 v2, $0x1;
	v35 =	vcvt.s32.f32 v18;
	v36 =	vcvt.s32.f32 v19  }
0x259: {  	s23 =	smul.f32 $6.400000000e+01, s21;
	v15 =	vld [tilespmem:s10+$0x1080];
	v18 =	vshra.s32 v3, $0x1;
	v37 =	vcvt.s32.f32 v21;
	v38 =	vcvt.s32.f32 v20  }
0x25a: {  	v30 =	vld [tilespmem:s10+$0x1280];
	v27 =	vadd.f32 s11, v27;
	v40 =	vcvt.s32.f32 v24;
	v25 =	vcvt.s32.f32 v25  }
0x25b: {  	v16 =	vld [tilespmem:s10+$0x1100];
	v24 =	vmul.f32 $5.000000000e-01, v28;
	v28 =	vmul.f32 $5.000000000e-01, v29;
	v26 =	vadd.f32 s23, v26  }
0x25c: {  	v19 =	vld [tilespmem:s10+$0x1180];
	v41 =	vadd.f32 s23, v41;
	v4 =	vcvt.s32.f32 v4;
	v20 =	vadd.s32 $0x1FBD1DF5, v14  }
0x25d: {  	v29 =	vld [tilespmem:s10+$0x1380];
	v21 =	vadd.s32 $0x1FBD1DF5, v18;
	(erf) = vrcp.f32 v20;
	v49 =	vsub.f32 v26, v24  }
0x25e: {  	v26 =	vadd.f32 v24, v26;
	(erf) = vrcp.f32 v21;
	v42 =	vsub.f32 v23, v11  }
0x25f: {  	v23 =	vmul.f32 $6.400000000e+01, v23;
	v11 =	vsub.f32 v33, v11;
	v33 =	vmul.f32 $5.000000000e-01, v57  }
0x260: {  	s22 =	simm.s32 $0x8C;
	v26 =	vmax.f32 v26, $0.0e+00;
	v43 =	vmul.f32 $6.400000000e+01, v15;
	v44 =	vmul.f32 $4.480000000e+02, v16  }
0x261: {  	[dreg:$0xa] =	wrdreg s22;
	v45 =	vsub.f32 v30, v13;
	v46 =	vmul.f32 $4.480000000e+02, v19;
	v30 =	vmul.f32 $6.400000000e+01, v30  }
0x262: {  	s10 =	rddreg [dreg:$0xa];
	v13 =	vsub.f32 v15, v13;
	v47 =	vmul.f32 $4.480000000e+02, v29;
	v15 =	vmax.f32 v39, $9.999999930e-09  }
0x263: {  	s10 =	simm.s32 @!p0 $0x0;
	v14 =	vmax.f32 v29, $9.999999930e-09;
	v29 =	vsub.f32 v27, v28;
	v18 =	vmax.f32 v16, $9.999999930e-09  }
0x264: {  	s10 =	sadd.s32 s10, s12;
	v19 =	vmax.f32 v19, $9.999999930e-09;
	v27 =	vadd.f32 v28, v27;
	v26 =	vmin.f32 v26, $4.470000000e+02  }
0x265: {  	s10 =	sshll.u32 s10, $0x9;
	v16 =	vshra.s32 v15, $0x1;
	v28 =	vshra.s32 v14, $0x1;
	v58 =	vshra.s32 v18, $0x1  }
0x266: {  	s10 =	sshra.s32 s10, $0x2;
	v48 =	vshra.s32 v19, $0x1;
	v42 =	vmul.f32 v42, v42;
	v50 =	vmul.f32 v11, v11  }
0x267: {  	s10 =	sor.u32 s9, s10;
	v23 =	vadd.f32 s23, v23;
	v11 =	vmul.f32 v45, v45;
	v13 =	vmul.f32 v13, v13  }
0x268: {  	v60 =	vld [tilespmem:s10+$0x8700];
	v43 =	vadd.f32 s11, v43;
	v44 =	vmul.f32 $5.000000000e-01, v44;
	v59 =	vmul.f32 $5.000000000e-01, v46  }
0x269: {  	v51 =	vld [tilespmem:s10+$0x8380];
	v30 =	vadd.f32 s11, v30;
	v47 =	vmul.f32 $5.000000000e-01, v47;
	v52 =	vadd.s32 $0x1FBD1DF5, v16  }
0x26a: {  	v61 =	vld [tilespmem:s10+$0x5D00];
	v24 =	vadd.s32 $0x1FBD1DF5, v28;
	v39 =	vadd.s32 $0x1FBD1DF5, v58;
	v48 =	vadd.s32 $0x1FBD1DF5, v48  }
0x26b: {  	v62 =	vld [tilespmem:s10+$0x5980];
	v29 =	vmax.f32 v29, $0.0e+00;
	v27 =	vmax.f32 v27, $0.0e+00;
	v45 =	vsub.f32 v23, v33  }
0x26c: {  	v63 =	vld [tilespmem:s10+$0x5600];
	(erf) = vrcp.f32 v52;
	v33 =	vadd.f32 v33, v23;
	v53 =	vsub.f32 v41, v44  }
0x26d: {  	v55 =	vld [tilespmem:s10+$0x5280];
	v29 =	vmin.f32 v29, $4.470000000e+02;
	v16 =	vadd.f32 v13, v50;
	v54 =	vsub.f32 v43, v59  }
0x26e: {  	v57 =	vld [tilespmem:s10+$0x4F00];
	v27 =	vmin.f32 v27, $4.470000000e+02;
	v41 =	vadd.f32 v44, v41;
	v43 =	vadd.f32 v59, v43  }
0x26f: {  	v56 =	vsub.f32 v30, v47;
	(erf) = vrcp.f32 v24;
	v30 =	vadd.f32 v47, v30  }
0x270: {  	(erf) = vrcp.f32 v39;
	v13 =	vsub.f32 v60, v31;
	v23 =	vsub.f32 v51, v32  }
0x271: {  	v45 =	vmax.f32 v45, $0.0e+00;
	v58 =	vsub.f32 v62, v35;
	v59 =	vsub.f32 v61, v36  }
0x272: {  	v28 =	vld [tilespmem:s10+$0x6080];
	v33 =	vmax.f32 v33, $0.0e+00;
	v61 =	vsub.f32 v55, v37;
	v62 =	vsub.f32 v63, v38  }
0x273: {  	v60 =	vmax.f32 v49, $0.0e+00;
	v63 =	vsub.f32 v27, v29;
	v25 =	vsub.f32 v57, v25  }
0x274: {  	(erf) = vrcp.f32 v48;
	v50 =	vmax.f32 v53, $0.0e+00;
	v51 =	vmax.f32 v54, $0.0e+00  }
0x275: {  	v41 =	vmax.f32 v41, $0.0e+00;
	v43 =	vmax.f32 v43, $0.0e+00;
	v53 =	vmax.f32 v56, $0.0e+00  }
0x276: {  	v30 =	vmax.f32 v30, $0.0e+00;
	v45 =	vmin.f32 v45, $4.470000000e+02;
	v33 =	vmin.f32 v33, $4.470000000e+02  }
0x277: {  	v28 =	vsub.f32 v28, v34;
	v35 =	vmin.f32 v60, $4.470000000e+02;
	v44 =	vmin.f32 v51, $4.470000000e+02  }
0x278: {  	v41 =	vmin.f32 v41, $4.470000000e+02;
	v43 =	vmin.f32 v43, $4.470000000e+02;
	v46 =	vmin.f32 v53, $4.470000000e+02  }
0x279: {  	v47 =	vld [tilespmem:s10+$0x4800];
	v30 =	vmin.f32 v30, $4.470000000e+02;
	v56 =	vsub.f32 v33, v45;
	v32 =	vmul.f32 v58, v58  }
0x27a: {  	v49 =	vsub.f32 v26, v35;
	v34 =	vmul.f32 v59, v59;
	v36 =	vmul.f32 v61, v61  }
0x27b: {  	v31 =	vld [tilespmem:s10+$0x4B80];
	v37 =	vmul.f32 v62, v62;
	v25 =	vmul.f32 v25, v25;
	v55 =	vsub.f32 v43, v44  }
0x27c: {  	v43 =	vmin.f32 v43, v27;
	v44 =	vmax.f32 v44, v29;
	v57 =	vsub.f32 v30, v46  }
0x27d: {  	v27 =	vmin.f32 v30, v27;
	v29 =	vmax.f32 v46, v29;
	v23 =	vmul.f32 v23, v23  }
0x27e: {  	v22 =	vsub.f32 v47, v22;
	v59 =	vsub.f32 v43, v44;
	v28 =	vmul.f32 v28, v28  }
0x27f: {  	v51 =	vld [tilespmem:s10+$0x6B00];
	v27 =	vsub.f32 v27, v29;
	v38 =	vmul.f32 v63, v49;
	v62 =	vmul.f32 v57, v56  }
0x280: {  	v30 =	vpop (erf);
	v31 =	vsub.f32 v31, v40;
	v40 =	vmin.f32 v50, $4.470000000e+02;
	v22 =	vmul.f32 v22, v22  }
0x281: {  	v47 =	vld [tilespmem:s10+$0x6400];
	v29 =	vmul.f32 v30, v2;
	v63 =	vmax.f32 v59, $0.0e+00;
	v27 =	vmax.f32 v27, $0.0e+00  }
0x282: {  	v60 =	vpop (erf);
	v54 =	vsub.f32 v41, v40;
	v41 =	vmin.f32 v41, v26;
	v40 =	vmax.f32 v40, v35  }
0x283: {  	v26 =	vmin.f32 v33, v26;
	v35 =	vmax.f32 v45, v35;
	v30 =	vmul.f32 v60, v3  }
0x284: {  	v10 =	vsub.f32 v51, v10;
	v31 =	vmul.f32 v31, v31;
	v58 =	vsub.f32 v41, v40  }
0x285: {  	v26 =	vsub.f32 v26, v35;
	v20 =	vadd.f32 v20, v29;
	v61 =	vmul.f32 v55, v54  }
0x286: {  	v21 =	vadd.f32 v21, v30;
	v17 =	vsub.f32 v47, v17;
	v10 =	vmul.f32 v10, v10  }
0x287: {  	v22 =	vadd.f32 v31, v22;
	v31 =	vmax.f32 v58, $0.0e+00;
	v26 =	vmax.f32 v26, $0.0e+00  }
0x288: {  	v40 =	vpop (erf);
	v20 =	vmul.f32 $5.000000000e-01, v20;
	v31 =	vmul.f32 v63, v31;
	v43 =	vadd.f32 v61, v38  }
0x289: {  	v26 =	vmul.f32 v27, v26;
	v27 =	vadd.f32 v62, v38;
	v29 =	vmul.f32 v40, v15  }
0x28a: {  	v21 =	vmul.f32 $5.000000000e-01, v21;
	v22 =	vadd.f32 v25, v22;
	v25 =	vpop (erf);
	(erf) = vrcp.f32 v20  }
0x28b: {  	v44 =	vpop (erf);
	v25 =	vmul.f32 v25, v14;
	v33 =	vsub.f32 v43, v31;
	v27 =	vsub.f32 v27, v26  }
0x28c: {  	v29 =	vadd.f32 v52, v29;
	v30 =	vpop (erf);
	v45 =	vmul.f32 v44, v18;
	v22 =	vadd.f32 v36, v22  }
0x28d: {  	v46 =	vld [tilespmem:s10+$0x8000];
	v30 =	vmul.f32 v30, v19;
	v33 =	vadd.f32 $9.999999740e-05, v33;
	v27 =	vadd.f32 $9.999999740e-05, v27  }
0x28e: {  	v50 =	vld [tilespmem:s10+$0x7900];
	v17 =	vmul.f32 v17, v17;
	v22 =	vadd.f32 v37, v22;
	v35 =	vadd.f32 v39, v45  }
0x28f: {  	(erf) = vrcp.f32 v21;
	v24 =	vadd.f32 v24, v25;
	v25 =	vld [tilespmem:s10+$0x6780];
	v30 =	vadd.f32 v48, v30  }
0x290: {  	v52 =	vld [tilespmem:s10+$0x7580];
	(erf) = vrcp.f32 v33;
	v35 =	vmul.f32 $5.000000000e-01, v35;
	v22 =	vadd.f32 v32, v22  }
0x291: {  	v11 =	vadd.f32 v11, v42;
	(erf) = vrcp.f32 v27;
	v30 =	vmul.f32 $5.000000000e-01, v30  }
0x292: {  	v27 =	vmul.f32 $5.000000000e-01, v29;
	v29 =	vld [tilespmem:s10+$0x6E80];
	(erf) = vrcp.f32 v35;
	v22 =	vadd.f32 v34, v22  }
0x293: {  	v7 =	vsub.f32 v46, v7;
	v24 =	vmul.f32 $5.000000000e-01, v24;
	(erf) = vrcp.f32 v30  }
0x294: {  	v49 =	vld [tilespmem:s10+$0x7C80];
	v12 =	vsub.f32 v25, v12;
	(erf) = vrcp.f32 v27;
	v22 =	vadd.f32 v28, v22  }
0x295: {  	v5 =	vsub.f32 v50, v5;
	v6 =	vsub.f32 v52, v6;
	v25 =	vld [tilespmem:s10+$0x7200];
	v28 =	vpop (erf);
	(erf) = vrcp.f32 v24  }
0x296: {  	v12 =	vmul.f32 v12, v12;
	v2 =	vmul.f32 v28, v2;
	v17 =	vadd.f32 v17, v22  }
0x297: {  	v7 =	vmul.f32 v7, v7;
	v5 =	vmul.f32 v5, v5;
	v8 =	vsub.f32 v29, v8  }
0x298: {  	s24 =	simm.s32 $0x0;
	v6 =	vmul.f32 v6, v6;
	v2 =	vadd.f32 v2, v20;
	v22 =	vpop (erf);
	v12 =	vadd.f32 v12, v17  }
0x299: {  	s11 =	sand.u32 $0x3FFFFF00, s24;
	v9 =	vsub.f32 v49, v9;
	v8 =	vmul.f32 v8, v8;
	v29 =	vpop (erf);
	v3 =	vmul.f32 v22, v3  }
0x29a: {  	s11 =	sor.u32 s9, s11;
	v4 =	vsub.f32 v25, v4;
	v2 =	vmul.f32 $5.000000000e-01, v2;
	v17 =	vpop (erf);
	v10 =	vadd.f32 v10, v12  }
0x29b: {  	v28 =	vld [tilespmem:s11+$0x80];
	v25 =	vmul.f32 v29, v31;
	v22 =	vpop (erf);
	v17 =	vmul.f32 v17, v26;
	v3 =	vadd.f32 v3, v21  }
0x29c: {  	v4 =	vmul.f32 v4, v4;
	v12 =	vpop (erf);
	v18 =	vmul.f32 v22, v18;
	v8 =	vadd.f32 v8, v10  }
0x29d: {  	v12 =	vmul.f32 v12, v19;
	v19 =	vpop (erf);
	v3 =	vmul.f32 $5.000000000e-01, v3;
	vm15 =	vgt.f32 v17, v25  }
0x29e: {  	v15 =	vmul.f32 v19, v15;
	v10 =	vpop (erf);
	v18 =	vadd.f32 v18, v35;
	v4 =	vadd.f32 v4, v8  }
0x29f: {  	s9 =	simm.s32 $0x12000;
	v12 =	vadd.f32 v12, v30;
	v10 =	vmul.f32 v10, v14;
	v14 =	vmax.f32 v25, v17  }
0x2a0: {  	v20 =	vld [tilespmem:s9+$0x0];
	v18 =	vmul.f32 $5.000000000e-01, v18;
	v19 =	vsub.f32 v28, v14;
	v15 =	vadd.f32 v15, v27  }
0x2a1: {  	v21 =	vld [tilespmem:s11+$0x0];
	v4 =	vadd.f32 v6, v4;
	v12 =	vmul.f32 $5.000000000e-01, v12;
	v10 =	vadd.f32 v10, v24  }
0x2a2: {  	v17 =	vsub.f32 v18, v2;
	v18 =	vsel vm15, $0x3F800000, v0;
	v15 =	vmul.f32 $5.000000000e-01, v15  }
0x2a3: {  	v4 =	vadd.f32 v5, v4;
	v5 =	vmul.f32 v9, v9;
	v9 =	vld [tilespmem:s10+$0x8A80];
	v12 =	vsub.f32 v12, v3  }
0x2a4: {  	v10 =	vmul.f32 $5.000000000e-01, v10;
	v8 =	vsub.f32 $1.000000000e+00, v18;
	v17 =	vmul.f32 v17, v17  }
0x2a5: {  	v2 =	vsub.f32 v15, v2;
	v4 =	vadd.f32 v5, v4;
	v12 =	vmul.f32 v12, v12  }
0x2a6: {  	s10 =	simm.s32 $0x12A10;
	v3 =	vsub.f32 v10, v3;
	v8 =	vmul.f32 v8, v20;
	v10 =	vsub.f32 v21, v14  }
0x2a7: {  	v2 =	vmul.f32 v2, v2;
	v4 =	vadd.f32 v7, v4;
	v7 =	vld [tilespmem:s10+$0x0];
	v12 =	vadd.f32 v12, v17  }
0x2a8: {  	v3 =	vmul.f32 v3, v3;
	v10 =	vmul.f32 v10, v10;
	v1 =	vsub.f32 v9, v1  }
0x2a9: {  	v9 =	vmul.f32 v13, v13;
	v6 =	vadd.f32 v12, v16;
	v12 =	vsub.f32 $1.000000000e+00, v8  }
0x2aa: {  	v2 =	vadd.f32 v3, v2;
	v3 =	vmul.f32 v18, v20;
	v1 =	vmul.f32 v1, v1  }
0x2ab: {  	v4 =	vadd.f32 v23, v4;
	v6 =	vmul.f32 $5.000000000e+00, v6;
	v12 =	vmul.f32 $5.000000000e-01, v12  }
0x2ac: {  	v2 =	vadd.f32 v2, v11;
	v11 =	vsub.f32 $1.000000000e+00, v3;
	v13 =	vshrl.u32 v7, $0xD  }
0x2ad: {  	v15 =	vshrl.u32 v7, $0xA;
	v16 =	vshrl.u32 v7, $0xB;
	v17 =	vshrl.u32 v7, $0xC  }
0x2ae: {  	v18 =	vshrl.u32 v7, $0x8;
	v22 =	vshrl.u32 v7, $0x3;
	v23 =	vshrl.u32 v7, $0x4  }
0x2af: {  	v24 =	vand.u32 $0x1, v7;
	v25 =	vshrl.u32 v7, $0x1;
	v5 =	vadd.f32 v10, v6  }
0x2b0: {  	v26 =	vshrl.u32 v7, $0x2;
	v6 =	vmul.f32 v19, v19;
	v10 =	vmul.f32 v12, v21  }
0x2b1: {  	v13 =	vand.u32 $0x1, v13;
	v2 =	vmul.f32 $5.000000000e+00, v2;
	v5 =	vmul.f32 v5, v8  }
0x2b2: {  	v15 =	vand.u32 $0x1, v15;
	v16 =	vand.u32 $0x1, v16;
	v8 =	vmul.f32 $5.000000000e-01, v11  }
0x2b3: {  	v10 =	vmul.f32 v10, v21;
	v2 =	vadd.f32 v2, v6;
	v5 =	vadd.f32 $0.0e+00, v5  }
0x2b4: {  	v29 =	vcvt.s32.f32 v24;
	v18 =	vand.u32 $0x1, v18;
	v6 =	vmul.f32 v8, v28  }
0x2b5: {  	v2 =	vmul.f32 v2, v3;
	v3 =	vadd.f32 v9, v4;
	v5 =	vadd.f32 v10, v5  }
0x2b6: {  	s11 =	simm.s32 $0x12210;
	v23 =	vand.u32 $0x1, v23;
	v22 =	vand.u32 $0x1, v22;
	v26 =	vand.u32 $0x1, v26  }
0x2b7: {  	v12 =	vld [tilespmem:s11+$0x0];
	v4 =	vmul.f32 v6, v28;
	v1 =	vadd.f32 v1, v3;
	v2 =	vadd.f32 v5, v2  }
0x2b8: {  	s25 =	simm.f32 $1.000000000e+00;
	s12 =	simm.s32 $0x12410;
	v19 =	vshrl.u32 v7, $0x9;
	v44 =	vcvt.s32.f32 v22;
	v46 =	vcvt.s32.f32 v23  }
0x2b9: {  	s26 =	sadd.s32 $0x0, s6;
	[dreg:$0x9] =	wrdreg s25;
	v14 =	vld [tilespmem:s12+$0x0];
	v11 =	vshrl.u32 v7, $0x10;
	v1 =	vmul.f32 v1, v20;
	v2 =	vadd.f32 v2, v4  }
0x2ba: {  	s15 =	rddreg [dreg:$0x9];
	s13 =	simm.s32 $0x12610;
	p0 =	sle.u32 s26, s7;
	v47 =	vcvt.s32.f32 v26;
	v21 =	vshrl.u32 v7, $0x7;
	v11 =	vand.u32 $0x1, v11  }
0x2bb: {  	p1 =	sge.u32 s26, s5;
	s15 =	simm.s32 @!p0 $0x0;
	v8 =	vshrl.u32 v7, $0x11;
	v9 =	vshrl.u32 v7, $0x12;
	v3 =	vld [tilespmem:s13+$0x0];
	v1 =	vadd.f32 v1, v2  }
0x2bc: {  	s15 =	simm.s32 @!p1 $0x0;
	v27 =	vmul.f32 $6.400000000e+01, v12;
	v53 =	vand.u32 $0x1, v8;
	v8 =	vcvt.s32.f32 v11  }
0x2bd: {  	s29 =	simm.s32 $0x200;
	v10 =	vshrl.u32 v7, $0x13;
	v6 =	vshrl.u32 v7, $0xE;
	v1 =	vmul.f32 s15, v1;
	s15 =	simm.s32 $0x10  }
0x2be: {  	s30 =	sand.u32 $0x3FFFFC00, s29;
	v28 =	vmul.f32 $6.400000000e+01, v14;
	v34 =	vcvt.s32.f32 v53;
	v20 =	vshrl.u32 v7, $0x5;
	s28 =	sand.u32 $0x10, s15  }
0x2bf: {  	s14 =	simm.s32 $0x12810;
	p0 =	por $0x0, $0x0;
	v5 =	vshrl.u32 v7, $0xF;
	v24 =	vand.u32 $0x1, v20;
	v20 =	vcvt.s32.f32 v18;
	s18 =	sor.u32 s8, s28  }
0x2c0: {  	s16 =	simm.s32 @!p0 $0x0;
	v4 =	vld [tilespmem:s14+$0x0];
	v42 =	vcvt.s32.f32 v24;
	v30 =	vmul.f32 $4.480000000e+02, v3;
	v2 =	vshrl.u32 v7, $0x6;
	s17 =	sor.u32 s18, s30  }
0x2c1: {  	s16 =	sadd.s32 s16, s4;
	v7 =	vand.u32 $0x1, v9;
	v9 =	vand.u32 $0x1, v10;
	v10 =	vand.u32 $0x1, v5;
	v54 =	vld [tilespmem:s17+$0x1000]  }
0x2c2: {  	s16 =	sshll.u32 s16, $0x6;
	v5 =	vand.u32 $0x1, v17;
	v17 =	vand.u32 $0x1, v19;
	v19 =	vand.u32 $0x1, v21;
	v55 =	vld [tilespmem:s17+$0x1080]  }
0x2c3: {  	s19 =	rddreg [dreg:$0x8];
	s16 =	scvt.s32.f32 s16;
	v21 =	vand.u32 $0x1, v2;
	v2 =	vcvt.s32.f32 v9;
	v9 =	vcvt.s32.f32 v16;
	v16 =	vld [tilespmem:s17+$0x1200]  }
0x2c4: {  	s19 =	simm.s32 @!p0 $0x0;
	v6 =	vand.u32 $0x1, v6;
	v11 =	vcvt.s32.f32 v10;
	v10 =	vcvt.s32.f32 v15;
	v15 =	vld [tilespmem:s17+$0x1280]  }
0x2c5: {  	s19 =	sadd.s32 $0x0, s19;
	v23 =	vadd.f32 s16, v28;
	v33 =	vcvt.s32.f32 v7;
	v7 =	vcvt.s32.f32 v6;
	v18 =	vld [tilespmem:s17+$0x1100]  }
0x2c6: {  	s31 =	scvt.s32.f32 s19;
	v3 =	vmax.f32 v3, $9.999999930e-09;
	v6 =	vcvt.s32.f32 v13;
	v13 =	vcvt.s32.f32 v17;
	v24 =	vld [tilespmem:s17+$0x1180]  }
0x2c7: {  	v17 =	vand.u32 $0x1, v25;
	v36 =	vcvt.s32.f32 v19;
	v43 =	vcvt.s32.f32 v21;
	v28 =	vld [tilespmem:s17+$0x1300]  }
0x2c8: {  	v19 =	vshra.s32 v3, $0x1;
	v50 =	vcvt.s32.f32 v17;
	v17 =	vmul.f32 $5.000000000e-01, v30;
	v30 =	vld [tilespmem:s17+$0x1380];
	s17 =	smul.f32 $6.400000000e+01, s31  }
0x2c9: {  	v21 =	vadd.s32 $0x1FBD1DF5, v19;
	v31 =	vmul.f32 $4.480000000e+02, v4;
	v4 =	vmax.f32 v4, $9.999999930e-09  }
0x2ca: {  	(erf) = vrcp.f32 v21;
	v25 =	vshra.s32 v4, $0x1;
	v27 =	vadd.f32 s17, v27  }
0x2cb: {  	v1 =	vadd.f32 v1, v0;
	v26 =	vmul.f32 $5.000000000e-01, v31;
	v22 =	vadd.s32 $0x1FBD1DF5, v25  }
0x2cc: {  	(erf) = vrcp.f32 v22;
	v51 =	vsub.f32 v27, v17;
	v53 =	vadd.f32 v17, v27  }
0x2cd: {  	v31 =	vmul.f32 $6.400000000e+01, v54;
	v25 =	vsub.f32 v16, v12;
	v37 =	vmul.f32 $6.400000000e+01, v55  }
0x2ce: {  	v38 =	vmul.f32 $4.480000000e+02, v18;
	v56 =	vsub.f32 v15, v14;
	v60 =	vmul.f32 $4.480000000e+02, v24  }
0x2cf: {  	v61 =	vmul.f32 $6.400000000e+01, v16;
	v12 =	vsub.f32 v54, v12;
	v57 =	vmul.f32 $6.400000000e+01, v15  }
0x2d0: {  	s20 =	rddreg [dreg:$0xa];
	v58 =	vmul.f32 $4.480000000e+02, v28;
	v14 =	vsub.f32 v55, v14;
	v59 =	vmul.f32 $4.480000000e+02, v30  }
0x2d1: {  	s20 =	simm.s32 @!p0 $0x0;
	v16 =	vmax.f32 v28, $9.999999930e-09;
	v15 =	vmax.f32 v30, $9.999999930e-09;
	v28 =	vsub.f32 v23, v26  }
0x2d2: {  	s19 =	sadd.s32 s20, s19;
	v18 =	vmax.f32 v18, $9.999999930e-09;
	v19 =	vmax.f32 v24, $9.999999930e-09;
	v23 =	vadd.f32 v26, v23  }
0x2d3: {  	s19 =	sshll.u32 s19, $0x9;
	v24 =	vshra.s32 v16, $0x1;
	v26 =	vshra.s32 v15, $0x1;
	v30 =	vshra.s32 v18, $0x1  }
0x2d4: {  	s19 =	sshra.s32 s19, $0x2;
	v48 =	vshra.s32 v19, $0x1;
	v62 =	vmul.f32 v25, v25;
	v63 =	vmul.f32 v12, v12  }
0x2d5: {  	s19 =	sor.u32 s18, s19;
	v12 =	vmul.f32 v56, v56;
	v31 =	vadd.f32 s17, v31;
	v14 =	vmul.f32 v14, v14  }
0x2d6: {  	v54 =	vld [tilespmem:s19+$0x8700];
	v37 =	vadd.f32 s16, v37;
	v38 =	vmul.f32 $5.000000000e-01, v38;
	v60 =	vmul.f32 $5.000000000e-01, v60  }
0x2d7: {  	v55 =	vld [tilespmem:s19+$0x8380];
	v61 =	vadd.f32 s17, v61;
	v32 =	vadd.f32 s16, v57;
	v45 =	vmul.f32 $5.000000000e-01, v58  }
0x2d8: {  	v35 =	vmul.f32 $5.000000000e-01, v59;
	v25 =	vadd.s32 $0x1FBD1DF5, v24;
	v24 =	vadd.s32 $0x1FBD1DF5, v26;
	v56 =	vld [tilespmem:s19+$0x6080]  }
0x2d9: {  	v27 =	vadd.s32 $0x1FBD1DF5, v30;
	v26 =	vadd.s32 $0x1FBD1DF5, v48;
	v30 =	vld [tilespmem:s19+$0x5D00];
	v12 =	vadd.f32 v12, v62  }
0x2da: {  	v28 =	vmax.f32 v28, $0.0e+00;
	v48 =	vld [tilespmem:s19+$0x5980];
	v57 =	vsub.f32 v31, v38;
	v17 =	vadd.f32 v14, v63  }
0x2db: {  	v49 =	vmax.f32 v23, $0.0e+00;
	v59 =	vld [tilespmem:s19+$0x5280];
	v52 =	vsub.f32 v37, v60;
	v58 =	vadd.f32 v38, v31  }
0x2dc: {  	(erf) = vrcp.f32 v25;
	v31 =	vld [tilespmem:s19+$0x5600];
	v37 =	vadd.f32 v60, v37;
	v38 =	vsub.f32 v61, v45  }
0x2dd: {  	v41 =	vsub.f32 v32, v35;
	v40 =	vadd.f32 v45, v61;
	v60 =	vld [tilespmem:s19+$0x4F00];
	(erf) = vrcp.f32 v24  }
0x2de: {  	v39 =	vadd.f32 v35, v32;
	v61 =	vld [tilespmem:s19+$0x4800];
	v32 =	vmin.f32 v28, $4.470000000e+02;
	v63 =	vmax.f32 v51, $0.0e+00  }
0x2df: {  	v62 =	vld [tilespmem:s19+$0x4B80];
	v14 =	vsub.f32 v54, v33;
	(erf) = vrcp.f32 v27;
	v23 =	vsub.f32 v55, v34  }
0x2e0: {  	v33 =	vmin.f32 v49, $4.470000000e+02;
	v35 =	vmin.f32 v63, $4.470000000e+02;
	v28 =	vsub.f32 v56, v36  }
0x2e1: {  	v48 =	vsub.f32 v48, v42;
	v46 =	vsub.f32 v31, v46;
	v31 =	vmax.f32 v53, $0.0e+00  }
0x2e2: {  	v51 =	vmax.f32 v57, $0.0e+00;
	v49 =	vsub.f32 v30, v43;
	v45 =	vsub.f32 v59, v44  }
0x2e3: {  	v52 =	vmax.f32 v52, $0.0e+00;
	v42 =	vsub.f32 v33, v32;
	v30 =	vpop (erf);
	v47 =	vsub.f32 v60, v47  }
0x2e4: {  	v43 =	vsub.f32 v61, v29;
	v34 =	vsub.f32 v62, v50;
	v36 =	vmin.f32 v31, $4.470000000e+02;
	v31 =	vpop (erf)  }
0x2e5: {  	s20 =	simm.s32 $0x2;
	s16 =	simm.s32 $0x1;
	s17 =	simm.s32 $0x0;
	v50 =	vmax.f32 v58, $0.0e+00;
	v44 =	vsub.f32 v36, v35;
	(erf) = vrcp.f32 v26;
	v29 =	vpop (erf)  }
.LBB2_3:
0x2e6: {  	v37 =	vmax.f32 v37, $0.0e+00  }
0x2e7: {  	v38 =	vmax.f32 v38, $0.0e+00;
	v41 =	vmax.f32 v41, $0.0e+00;
	v40 =	vmax.f32 v40, $0.0e+00  }
0x2e8: {  	v39 =	vmax.f32 v39, $0.0e+00;
	v45 =	vmul.f32 v45, v45;
	v47 =	vmul.f32 v47, v47  }
0x2e9: {  	v51 =	vmin.f32 v51, $4.470000000e+02;
	v30 =	vmul.f32 v30, v3;
	v31 =	vmul.f32 v31, v4  }
0x2ea: {  	v52 =	vmin.f32 v52, $4.470000000e+02;
	v29 =	vmul.f32 v29, v16;
	v5 =	vcvt.s32.f32 v5  }
0x2eb: {  	v50 =	vmin.f32 v50, $4.470000000e+02;
	v48 =	vmul.f32 v48, v48;
	v49 =	vmul.f32 v49, v49  }
0x2ec: {  	v46 =	vmul.f32 v46, v46;
	v37 =	vmin.f32 v37, $4.470000000e+02;
	v38 =	vmin.f32 v38, $4.470000000e+02  }
0x2ed: {  	v41 =	vmin.f32 v41, $4.470000000e+02;
	v40 =	vmin.f32 v40, $4.470000000e+02;
	v43 =	vmul.f32 v43, v43  }
0x2ee: {  	v42 =	vmul.f32 v42, v44;
	v39 =	vmin.f32 v39, $4.470000000e+02;
	v34 =	vmul.f32 v34, v34  }
0x2ef: {  	v44 =	vsub.f32 v50, v51;
	v50 =	vmin.f32 v50, v36;
	v51 =	vmax.f32 v51, v35  }
0x2f0: {  	v28 =	vmul.f32 v28, v28;
	v55 =	vsub.f32 v37, v52;
	v37 =	vmin.f32 v37, v33  }
0x2f1: {  	v52 =	vmax.f32 v52, v32;
	v57 =	vsub.f32 v40, v38;
	v58 =	vsub.f32 v39, v41  }
0x2f2: {  	v63 =	vmin.f32 v40, v36;
	v59 =	vsub.f32 v50, v51;
	v60 =	vmax.f32 v38, v35  }
0x2f3: {  	v61 =	vmin.f32 v39, v33;
	v21 =	vadd.f32 v21, v30;
	v22 =	vadd.f32 v22, v31  }
0x2f4: {  	v62 =	vmax.f32 v41, v32;
	v25 =	vadd.f32 v25, v29;
	v37 =	vsub.f32 v37, v52  }
0x2f5: {  	v23 =	vmul.f32 v23, v23;
	v35 =	vsub.f32 v63, v60;
	v32 =	vsub.f32 v61, v62  }
0x2f6: {  	v63 =	vmul.f32 v55, v44;
	v41 =	vmul.f32 v58, v57;
	v44 =	vadd.f32 v34, v43  }
0x2f7: {  	v50 =	vmax.f32 v59, $0.0e+00;
	v21 =	vmul.f32 $5.000000000e-01, v21;
	v22 =	vmul.f32 $5.000000000e-01, v22  }
0x2f8: {  	v37 =	vmax.f32 v37, $0.0e+00;
	v35 =	vmax.f32 v35, $0.0e+00;
	v32 =	vmax.f32 v32, $0.0e+00  }
0x2f9: {  	v53 =	vpop (erf);
	v34 =	vmul.f32 v37, v50;
	v33 =	vadd.f32 v47, v44;
	v36 =	vadd.f32 v63, v42  }
0x2fa: {  	v32 =	vmul.f32 v32, v35;
	v51 =	vadd.f32 v41, v42;
	v54 =	vpop (erf);
	v31 =	vmul.f32 v53, v15  }
0x2fb: {  	v56 =	vpop (erf);
	v30 =	vmul.f32 v54, v18;
	v33 =	vadd.f32 v45, v33;
	v36 =	vsub.f32 v36, v34  }
0x2fc: {  	v55 =	vld [tilespmem:s19+$0x6E80];
	v35 =	vsub.f32 v51, v32;
	v52 =	vmul.f32 v56, v19;
	v24 =	vadd.f32 v24, v31  }
0x2fd: {  	(erf) = vrcp.f32 v21;
	v36 =	vadd.f32 $9.999999740e-05, v36;
	v27 =	vadd.f32 v27, v30;
	v30 =	vld [tilespmem:s19+$0x6400]  }
0x2fe: {  	(erf) = vrcp.f32 v22;
	v31 =	vld [tilespmem:s19+$0x6780];
	v35 =	vadd.f32 $9.999999740e-05, v35;
	v26 =	vadd.f32 v26, v52  }
0x2ff: {  	v29 =	vld [tilespmem:s19+$0x7900];
	v33 =	vadd.f32 v46, v33;
	v27 =	vmul.f32 $5.000000000e-01, v27;
	(erf) = vrcp.f32 v36  }
0x300: {  	v53 =	vld [tilespmem:s19+$0x8000];
	v26 =	vmul.f32 $5.000000000e-01, v26;
	(erf) = vrcp.f32 v35  }
0x301: {  	v25 =	vmul.f32 $5.000000000e-01, v25;
	v56 =	vld [tilespmem:s19+$0x7580];
	v33 =	vadd.f32 v48, v33;
	(erf) = vrcp.f32 v27  }
0x302: {  	v9 =	vsub.f32 v55, v9;
	v20 =	vsub.f32 v30, v20;
	v30 =	vld [tilespmem:s19+$0x6B00];
	(erf) = vrcp.f32 v26  }
0x303: {  	v24 =	vmul.f32 $5.000000000e-01, v24;
	v33 =	vadd.f32 v49, v33;
	v13 =	vsub.f32 v31, v13;
	v31 =	vld [tilespmem:s19+$0x7200]  }
0x304: {  	v7 =	vsub.f32 v29, v7;
	v9 =	vmul.f32 v9, v9;
	(erf) = vrcp.f32 v25  }
0x305: {  	v33 =	vadd.f32 v28, v33;
	(erf) = vrcp.f32 v24;
	v20 =	vmul.f32 v20, v20  }
0x306: {  	v8 =	vsub.f32 v53, v8;
	v6 =	vsub.f32 v56, v6;
	v13 =	vmul.f32 v13, v13;
	v29 =	vpop (erf)  }
0x307: {  	v54 =	vld [tilespmem:s19+$0x7C80];
	v28 =	vpop (erf);
	v3 =	vmul.f32 v29, v3;
	v33 =	vadd.f32 v20, v33;
	v10 =	vsub.f32 v30, v10  }
0x308: {  	s21 =	sshll.u32 s16, $0x7;
	v6 =	vmul.f32 v6, v6;
	v4 =	vmul.f32 v28, v4;
	v5 =	vsub.f32 v31, v5;
	v30 =	vpop (erf)  }
0x309: {  	s21 =	sand.u32 $0x3FFFFF00, s21;
	v3 =	vadd.f32 v3, v21;
	v33 =	vadd.f32 v13, v33;
	v10 =	vmul.f32 v10, v10;
	v20 =	vpop (erf)  }
0x30a: {  	s18 =	sor.u32 s18, s21;
	v4 =	vadd.f32 v4, v22;
	v5 =	vmul.f32 v5, v5;
	v29 =	vmul.f32 v30, v34;
	v28 =	vpop (erf)  }
0x30b: {  	v30 =	vld [tilespmem:s18+$0x80];
	v3 =	vmul.f32 $5.000000000e-01, v3;
	v20 =	vmul.f32 v20, v32;
	v31 =	vadd.f32 v10, v33;
	v13 =	vpop (erf)  }
0x30c: {  	v11 =	vsub.f32 v54, v11;
	v18 =	vmul.f32 v28, v18;
	v13 =	vmul.f32 v13, v19  }
0x30d: {  	v4 =	vmul.f32 $5.000000000e-01, v4;
	v19 =	vpop (erf);
	vm0 =	vgt.f32 v20, v29;
	v9 =	vadd.f32 v9, v31  }
0x30e: {  	v16 =	vmul.f32 v19, v16;
	v10 =	vpop (erf);
	v18 =	vadd.f32 v18, v27;
	v13 =	vadd.f32 v13, v26  }
0x30f: {  	v10 =	vmul.f32 v10, v15;
	v15 =	vmax.f32 v29, v20;
	v20 =	vsel vm0, $0x3F800000, v0  }
0x310: {  	v18 =	vmul.f32 $5.000000000e-01, v18;
	v19 =	vsub.f32 v30, v15;
	v16 =	vadd.f32 v16, v25  }
0x311: {  	s9 =	sadd.s32 $0x10, s9;
	v22 =	vld [tilespmem:s18+$0x0];
	v5 =	vadd.f32 v5, v9;
	v9 =	vsub.f32 $1.000000000e+00, v20;
	v13 =	vmul.f32 $5.000000000e-01, v13  }
0x312: {  	v21 =	vld [tilespmem:s9+$0x0];
	v10 =	vadd.f32 v10, v24;
	v18 =	vsub.f32 v18, v3;
	v16 =	vmul.f32 $5.000000000e-01, v16  }
0x313: {  	v7 =	vmul.f32 v7, v7;
	v5 =	vadd.f32 v6, v5;
	v13 =	vsub.f32 v13, v4  }
0x314: {  	v10 =	vmul.f32 $5.000000000e-01, v10;
	v18 =	vmul.f32 v18, v18;
	v3 =	vsub.f32 v16, v3  }
0x315: {  	v5 =	vadd.f32 v7, v5;
	v7 =	vmul.f32 v11, v11;
	v13 =	vmul.f32 v13, v13  }
0x316: {  	s12 =	sadd.s32 $0x10, s12;
	v8 =	vmul.f32 v8, v8;
	v11 =	vld [tilespmem:s19+$0x8A80];
	v4 =	vsub.f32 v10, v4;
	v10 =	vsub.f32 v22, v15  }
0x317: {  	v9 =	vmul.f32 v9, v21;
	v15 =	vld [tilespmem:s12+$0x0];
	v5 =	vadd.f32 v7, v5;
	v13 =	vadd.f32 v13, v18  }
0x318: {  	s14 =	sadd.s32 $0x10, s14;
	v3 =	vmul.f32 v3, v3;
	v4 =	vmul.f32 v4, v4  }
0x319: {  	s10 =	sadd.s32 $0x10, s10;
	v7 =	vmul.f32 v19, v19;
	v18 =	vld [tilespmem:s14+$0x0];
	v5 =	vadd.f32 v8, v5;
	v6 =	vadd.f32 v13, v17  }
0x31a: {  	v10 =	vmul.f32 v10, v10;
	v8 =	vld [tilespmem:s10+$0x0];
	v13 =	vsub.f32 $1.000000000e+00, v9;
	v3 =	vadd.f32 v4, v3  }
0x31b: {  	v4 =	vmul.f32 v20, v21;
	v2 =	vsub.f32 v11, v2;
	v11 =	vmul.f32 v14, v14  }
0x31c: {  	v5 =	vadd.f32 v23, v5;
	v31 =	vmul.f32 $6.400000000e+01, v15;
	v6 =	vmul.f32 $5.000000000e+00, v6  }
0x31d: {  	v13 =	vmul.f32 $5.000000000e-01, v13;
	v3 =	vadd.f32 v3, v12;
	v12 =	vsub.f32 $1.000000000e+00, v4  }
0x31e: {  	v2 =	vmul.f32 v2, v2;
	v58 =	vmul.f32 $4.480000000e+02, v18;
	v6 =	vadd.f32 v10, v6  }
0x31f: {  	s17 =	sadd.s32 s6, s17;
	v10 =	vmul.f32 v13, v22;
	v3 =	vmul.f32 $5.000000000e+00, v3;
	v13 =	vshrl.u32 v8, $0x10  }
0x320: {  	p1 =	sle.u32 s17, s7;
	p2 =	sge.u32 s17, s5;
	s18 =	rddreg [dreg:$0x9];
	v14 =	vshrl.u32 v8, $0xD;
	v16 =	vshrl.u32 v8, $0xB;
	v17 =	vshrl.u32 v8, $0xC  }
0x321: {  	s17 =	simm.s32 $0x1;
	s18 =	simm.s32 @!p1 $0x0;
	p1 =	sgt.u32 s20, $0xD;
	v19 =	vshrl.u32 v8, $0x8;
	v20 =	vshrl.u32 v8, $0x9;
	v23 =	vshrl.u32 v8, $0x7  }
0x322: {  	s17 =	simm.s32 @!p1 $0x0;
	v24 =	vshrl.u32 v8, $0x3;
	v25 =	vshrl.u32 v8, $0x4;
	v26 =	vand.u32 $0x1, v8  }
0x323: {  	s17 =	sadd.s32 s17, s4;
	v27 =	vshrl.u32 v8, $0x1;
	v28 =	vshrl.u32 v8, $0x2;
	v29 =	vcvt.s32.f32 v26  }
0x324: {  	s17 =	sshll.u32 s17, $0x6;
	v19 =	vand.u32 $0x1, v19;
	v25 =	vand.u32 $0x1, v25;
	v24 =	vand.u32 $0x1, v24  }
0x325: {  	s30 =	scvt.s32.f32 s17;
	v28 =	vand.u32 $0x1, v28;
	v6 =	vmul.f32 v6, v9;
	v9 =	vmul.f32 $5.000000000e-01, v12  }
0x326: {  	v10 =	vmul.f32 v10, v22;
	v3 =	vadd.f32 v3, v7;
	v22 =	vshrl.u32 v8, $0x6  }
0x327: {  	v45 =	vcvt.s32.f32 v24;
	v46 =	vcvt.s32.f32 v25;
	v24 =	vadd.f32 s30, v31  }
0x328: {  	v47 =	vcvt.s32.f32 v28;
	v31 =	vmul.f32 $5.000000000e-01, v58;
	v22 =	vand.u32 $0x1, v22  }
0x329: {  	s11 =	sadd.s32 $0x10, s11;
	v6 =	vadd.f32 $0.0e+00, v6;
	v7 =	vmul.f32 v9, v30;
	v3 =	vmul.f32 v3, v4  }
0x32a: {  	v12 =	vld [tilespmem:s11+$0x0];
	v4 =	vadd.f32 v11, v5;
	v5 =	vshrl.u32 v8, $0x11;
	v9 =	vshrl.u32 v8, $0x12  }
0x32b: {  	v11 =	vshrl.u32 v8, $0xF;
	v49 =	vadd.f32 v31, v24;
	v6 =	vadd.f32 v10, v6  }
0x32c: {  	s13 =	sadd.s32 $0x10, s13;
	v44 =	vcvt.s32.f32 v22;
	v48 =	vsub.f32 v24, v31;
	v2 =	vadd.f32 v2, v4  }
0x32d: {  	v10 =	vshrl.u32 v8, $0x13;
	v4 =	vld [tilespmem:s13+$0x0];
	v49 =	vmax.f32 v49, $0.0e+00;
	v3 =	vadd.f32 v6, v3  }
0x32e: {  	v6 =	vmul.f32 v7, v30;
	v7 =	vshrl.u32 v8, $0xE;
	v2 =	vmul.f32 v2, v21  }
0x32f: {  	s22 =	rddreg [dreg:$0x8];
	v21 =	vshrl.u32 v8, $0x5;
	v30 =	vmul.f32 $6.400000000e+01, v12;
	v7 =	vand.u32 $0x1, v7  }
0x330: {  	s22 =	simm.s32 @!p1 $0x0;
	s17 =	sshrl.u32 s20, $0x1;
	v21 =	vand.u32 $0x1, v21;
	v3 =	vadd.f32 v3, v6;
	v6 =	vshrl.u32 v8, $0xA  }
0x331: {  	s22 =	sadd.s32 s17, s22;
	v8 =	vand.u32 $0x1, v10;
	v10 =	vand.u32 $0x1, v13;
	v7 =	vcvt.s32.f32 v7  }
0x332: {  	s31 =	scvt.s32.f32 s22;
	v13 =	vand.u32 $0x1, v14;
	v43 =	vcvt.s32.f32 v21;
	v57 =	vmul.f32 $4.480000000e+02, v4  }
0x333: {  	s15 =	sadd.s32 $0x10, s15;
	s28 =	sshll.u32 s20, $0x9;
	v2 =	vadd.f32 v2, v3;
	v3 =	vmax.f32 v4, $9.999999930e-09;
	v4 =	vmax.f32 v18, $9.999999930e-09  }
0x334: {  	s26 =	sand.u32 $0x10, s15;
	s18 =	simm.s32 @!p2 $0x0;
	s23 =	smul.f32 $6.400000000e+01, s31;
	v18 =	vand.u32 $0x1, v6;
	v6 =	vand.u32 $0x1, v16;
	v16 =	vand.u32 $0x1, v23  }
0x335: {  	s29 =	sand.u32 $0x3FFFFC00, s28;
	v42 =	vcvt.s32.f32 v16;
	v16 =	vshra.s32 v3, $0x1;
	v2 =	vmul.f32 s18, v2;
	s18 =	sor.u32 s8, s26  }
0x336: {  	v30 =	vadd.f32 s23, v30;
	v28 =	vmul.f32 $5.000000000e-01, v57;
	v21 =	vadd.s32 $0x1FBD1DF5, v16;
	s19 =	sor.u32 s18, s29  }
0x337: {  	(erf) = vrcp.f32 v21;
	v1 =	vadd.f32 v2, v1;
	v2 =	vand.u32 $0x1, v9;
	v26 =	vld [tilespmem:s19+$0x1000]  }
0x338: {  	v9 =	vand.u32 $0x1, v11;
	v11 =	vand.u32 $0x1, v5;
	v5 =	vand.u32 $0x1, v17;
	v59 =	vld [tilespmem:s19+$0x1080]  }
0x339: {  	v17 =	vand.u32 $0x1, v20;
	v60 =	vld [tilespmem:s19+$0x1200];
	v20 =	vcvt.s32.f32 v19;
	v14 =	vcvt.s32.f32 v2  }
0x33a: {  	v22 =	vshra.s32 v4, $0x1;
	v19 =	vld [tilespmem:s19+$0x1100];
	v2 =	vcvt.s32.f32 v8;
	v23 =	vcvt.s32.f32 v11  }
0x33b: {  	v22 =	vadd.s32 $0x1FBD1DF5, v22;
	v25 =	vld [tilespmem:s19+$0x1300];
	v11 =	vcvt.s32.f32 v9;
	v9 =	vcvt.s32.f32 v6  }
0x33c: {  	v51 =	vsub.f32 v30, v28;
	v6 =	vcvt.s32.f32 v13;
	v13 =	vcvt.s32.f32 v17;
	v17 =	vld [tilespmem:s19+$0x1280]  }
0x33d: {  	v8 =	vcvt.s32.f32 v10;
	v10 =	vcvt.s32.f32 v18;
	v18 =	vand.u32 $0x1, v27;
	v27 =	vld [tilespmem:s19+$0x1180]  }
0x33e: {  	v53 =	vadd.f32 v28, v30;
	(erf) = vrcp.f32 v22;
	v34 =	vcvt.s32.f32 v18;
	v18 =	vld [tilespmem:s19+$0x1380]  }
0x33f: {  	v32 =	vmul.f32 $6.400000000e+01, v26;
	v61 =	vsub.f32 v60, v12;
	v62 =	vmul.f32 $6.400000000e+01, v59  }
0x340: {  	v56 =	vmul.f32 $4.480000000e+02, v19;
	v36 =	vmul.f32 $6.400000000e+01, v60;
	v12 =	vsub.f32 v26, v12  }
0x341: {  	v26 =	vmul.f32 $4.480000000e+02, v25;
	v35 =	vsub.f32 v59, v15;
	v16 =	vmax.f32 v25, $9.999999930e-09  }
0x342: {  	s19 =	rddreg [dreg:$0xa];
	v57 =	vsub.f32 v17, v15;
	v58 =	vmul.f32 $4.480000000e+02, v27;
	v17 =	vmul.f32 $6.400000000e+01, v17  }
0x343: {  	s19 =	simm.s32 @!p1 $0x0;
	v24 =	vshra.s32 v16, $0x1;
	v59 =	vmul.f32 $4.480000000e+02, v18;
	v15 =	vmax.f32 v18, $9.999999930e-09  }
0x344: {  	s19 =	sadd.s32 s19, s22;
	v18 =	vmax.f32 v19, $9.999999930e-09;
	v19 =	vmax.f32 v27, $9.999999930e-09;
	v33 =	vmul.f32 v61, v61  }
0x345: {  	s19 =	sshll.u32 s19, $0x9;
	v60 =	vmul.f32 v12, v12;
	v28 =	vadd.f32 s23, v32;
	v61 =	vmul.f32 v35, v35  }
0x346: {  	s19 =	sshra.s32 s19, $0x2;
	v35 =	vadd.f32 s30, v62;
	v62 =	vmul.f32 $5.000000000e-01, v56;
	v36 =	vadd.f32 s23, v36  }
0x347: {  	s19 =	sor.u32 s18, s19;
	v40 =	vmul.f32 $5.000000000e-01, v26;
	v25 =	vadd.s32 $0x1FBD1DF5, v24;
	v27 =	vshra.s32 v15, $0x1  }
0x348: {  	v31 =	vshra.s32 v18, $0x1;
	v63 =	vshra.s32 v19, $0x1;
	v12 =	vmul.f32 v57, v57;
	v54 =	vld [tilespmem:s19+$0x8700]  }
0x349: {  	v38 =	vmul.f32 $5.000000000e-01, v58;
	v39 =	vadd.f32 s30, v17;
	v55 =	vld [tilespmem:s19+$0x8380];
	v56 =	vmul.f32 $5.000000000e-01, v59  }
0x34a: {  	v57 =	vld [tilespmem:s19+$0x6080];
	v24 =	vadd.s32 $0x1FBD1DF5, v27;
	v27 =	vadd.s32 $0x1FBD1DF5, v31;
	v58 =	vsub.f32 v28, v62  }
0x34b: {  	v50 =	vld [tilespmem:s19+$0x5D00];
	v26 =	vadd.s32 $0x1FBD1DF5, v63;
	v17 =	vadd.f32 v61, v60;
	v59 =	vadd.f32 v62, v28  }
0x34c: {  	v30 =	vpop (erf);
	v60 =	vld [tilespmem:s19+$0x5600];
	v62 =	vmax.f32 v51, $0.0e+00;
	v12 =	vadd.f32 v12, v33;
	v33 =	vmax.f32 v48, $0.0e+00  }
0x34d: {  	v63 =	vld [tilespmem:s19+$0x5280];
	v52 =	vsub.f32 v35, v38;
	v37 =	vadd.f32 v38, v35;
	v31 =	vpop (erf);
	(erf) = vrcp.f32 v25  }
0x34e: {  	v61 =	vld [tilespmem:s19+$0x4B80];
	v38 =	vsub.f32 v36, v40;
	v40 =	vadd.f32 v40, v36;
	v35 =	vmin.f32 v62, $4.470000000e+02  }
0x34f: {  	v48 =	vld [tilespmem:s19+$0x5980];
	v41 =	vsub.f32 v39, v56;
	v39 =	vadd.f32 v56, v39;
	v32 =	vmin.f32 v33, $4.470000000e+02  }
0x350: {  	v36 =	vld [tilespmem:s19+$0x4F00];
	v33 =	vmin.f32 v49, $4.470000000e+02;
	v51 =	vmax.f32 v58, $0.0e+00;
	(erf) = vrcp.f32 v24  }
0x351: {  	p0 =	sne.s32 s20, $0x1B;
	v56 =	vld [tilespmem:s19+$0x4800];
	v52 =	vmax.f32 v52, $0.0e+00;
	v14 =	vsub.f32 v54, v14;
	v28 =	vsub.f32 v57, v42  }
.Ltmp1:
0x352: {  	(erf) = vrcp.f32 v27;
	v23 =	vsub.f32 v55, v23;
	v49 =	vsub.f32 v50, v44;
	(pc) =	sbr.rel @p0 .LBB2_3-.Ltmp1, $4  }
0x353: {  	v42 =	vsub.f32 v33, v32;
	v50 =	vmax.f32 v59, $0.0e+00;
	v45 =	vsub.f32 v63, v45  }
0x354: {  	v46 =	vsub.f32 v60, v46;
	v63 =	vmax.f32 v53, $0.0e+00;
	v34 =	vsub.f32 v61, v34  }
0x355: {  	v48 =	vsub.f32 v48, v43;
	v47 =	vsub.f32 v36, v47;
	v36 =	vmin.f32 v63, $4.470000000e+02  }
0x356: {  	s16 =	smov.u32 s20;
	s20 =	sadd.s32 $0x1, s20;
	(erf) = vrcp.f32 v26;
	v43 =	vsub.f32 v56, v29;
	v44 =	vsub.f32 v36, v35;
	v29 =	vpop (erf)  }
0x357: {  	v37 =	vmax.f32 v37, $0.0e+00;
	v38 =	vmax.f32 v38, $0.0e+00  }
0x358: {  	v41 =	vmax.f32 v41, $0.0e+00;
	v48 =	vmul.f32 v48, v48;
	v49 =	vmul.f32 v49, v49  }
0x359: {  	v40 =	vmax.f32 v40, $0.0e+00;
	v45 =	vmul.f32 v45, v45;
	v46 =	vmul.f32 v46, v46  }
0x35a: {  	v39 =	vmax.f32 v39, $0.0e+00;
	v47 =	vmul.f32 v47, v47;
	v34 =	vmul.f32 v34, v34  }
0x35b: {  	v51 =	vmin.f32 v51, $4.470000000e+02;
	v30 =	vmul.f32 v30, v3;
	v31 =	vmul.f32 v31, v4  }
0x35c: {  	v52 =	vmin.f32 v52, $4.470000000e+02;
	v29 =	vmul.f32 v29, v16;
	v28 =	vmul.f32 v28, v28  }
0x35d: {  	v50 =	vmin.f32 v50, $4.470000000e+02;
	v5 =	vcvt.s32.f32 v5;
	v23 =	vmul.f32 v23, v23  }
0x35e: {  	v37 =	vmin.f32 v37, $4.470000000e+02;
	v38 =	vmin.f32 v38, $4.470000000e+02;
	v41 =	vmin.f32 v41, $4.470000000e+02  }
0x35f: {  	v40 =	vmin.f32 v40, $4.470000000e+02;
	v43 =	vmul.f32 v43, v43;
	v42 =	vmul.f32 v42, v44  }
0x360: {  	v39 =	vmin.f32 v39, $4.470000000e+02;
	v63 =	vsub.f32 v50, v51;
	v50 =	vmin.f32 v50, v36  }
0x361: {  	v51 =	vmax.f32 v51, v35;
	v53 =	vsub.f32 v37, v52;
	v37 =	vmin.f32 v37, v33  }
0x362: {  	v52 =	vmax.f32 v52, v32;
	v54 =	vsub.f32 v40, v38;
	v55 =	vsub.f32 v39, v41  }
0x363: {  	v57 =	vmin.f32 v40, v36;
	v58 =	vsub.f32 v50, v51;
	v59 =	vmax.f32 v38, v35  }
0x364: {  	v60 =	vmin.f32 v39, v33;
	v21 =	vadd.f32 v21, v30;
	v22 =	vadd.f32 v22, v31  }
0x365: {  	v61 =	vmax.f32 v41, v32;
	v37 =	vsub.f32 v37, v52;
	v35 =	vsub.f32 v57, v59  }
0x366: {  	v32 =	vsub.f32 v60, v61;
	v41 =	vadd.f32 v34, v43;
	v62 =	vmul.f32 v53, v63  }
0x367: {  	v63 =	vmul.f32 v55, v54;
	v43 =	vmax.f32 v58, $0.0e+00;
	v21 =	vmul.f32 $5.000000000e-01, v21  }
0x368: {  	v22 =	vmul.f32 $5.000000000e-01, v22;
	v37 =	vmax.f32 v37, $0.0e+00;
	v35 =	vmax.f32 v35, $0.0e+00  }
0x369: {  	v44 =	vpop (erf);
	v32 =	vmax.f32 v32, $0.0e+00;
	v34 =	vmul.f32 v37, v43;
	v36 =	vadd.f32 v62, v42  }
0x36a: {  	v50 =	vpop (erf);
	v33 =	vadd.f32 v47, v41;
	v32 =	vmul.f32 v32, v35;
	v47 =	vadd.f32 v63, v42  }
0x36b: {  	v52 =	vmul.f32 v50, v18;
	v37 =	vmul.f32 v44, v15;
	v51 =	vpop (erf);
	v36 =	vsub.f32 v36, v34  }
0x36c: {  	v56 =	vld [tilespmem:s19+$0x7900];
	v33 =	vadd.f32 v45, v33;
	v35 =	vsub.f32 v47, v32;
	v30 =	vmul.f32 v51, v19  }
0x36d: {  	v57 =	vld [tilespmem:s19+$0x6780];
	(erf) = vrcp.f32 v21;
	v27 =	vadd.f32 v27, v52;
	v36 =	vadd.f32 $9.999999740e-05, v36  }
0x36e: {  	v54 =	vld [tilespmem:s19+$0x6400];
	(erf) = vrcp.f32 v22;
	v35 =	vadd.f32 $9.999999740e-05, v35;
	v26 =	vadd.f32 v26, v30  }
0x36f: {  	v59 =	vld [tilespmem:s19+$0x6B00];
	v33 =	vadd.f32 v46, v33;
	v27 =	vmul.f32 $5.000000000e-01, v27;
	(erf) = vrcp.f32 v36  }
0x370: {  	v25 =	vadd.f32 v25, v29;
	v60 =	vld [tilespmem:s19+$0x7580];
	v26 =	vmul.f32 $5.000000000e-01, v26;
	(erf) = vrcp.f32 v35  }
0x371: {  	v61 =	vld [tilespmem:s19+$0x7200];
	v24 =	vadd.f32 v24, v37;
	v33 =	vadd.f32 v48, v33;
	(erf) = vrcp.f32 v27  }
0x372: {  	v25 =	vmul.f32 $5.000000000e-01, v25;
	v7 =	vsub.f32 v56, v7;
	(erf) = vrcp.f32 v26  }
0x373: {  	v58 =	vld [tilespmem:s19+$0x6E80];
	v20 =	vsub.f32 v54, v20;
	v24 =	vmul.f32 $5.000000000e-01, v24;
	v33 =	vadd.f32 v49, v33  }
0x374: {  	v13 =	vsub.f32 v57, v13;
	v10 =	vsub.f32 v59, v10;
	(erf) = vrcp.f32 v25  }
0x375: {  	v20 =	vmul.f32 v20, v20;
	v28 =	vadd.f32 v28, v33;
	(erf) = vrcp.f32 v24  }
0x376: {  	v7 =	vmul.f32 v7, v7;
	v6 =	vsub.f32 v60, v6;
	v5 =	vsub.f32 v61, v5;
	v62 =	vpop (erf)  }
0x377: {  	v55 =	vld [tilespmem:s19+$0x7C80];
	v13 =	vmul.f32 v13, v13;
	v63 =	vpop (erf);
	v36 =	vmul.f32 v62, v3;
	v20 =	vadd.f32 v20, v28  }
0x378: {  	v60 =	vmul.f32 v14, v14;
	v9 =	vsub.f32 v58, v9;
	v10 =	vmul.f32 v10, v10;
	v33 =	vpop (erf)  }
0x379: {  	v37 =	vmul.f32 v63, v4;
	v3 =	vadd.f32 v36, v21;
	v13 =	vadd.f32 v13, v20;
	v35 =	vpop (erf)  }
0x37a: {  	v53 =	vld [tilespmem:s19+$0x8000];
	v5 =	vmul.f32 v5, v5;
	v9 =	vmul.f32 v9, v9;
	v38 =	vpop (erf)  }
0x37b: {  	s4 =	sshll.u32 s16, $0x7;
	v4 =	vadd.f32 v37, v22;
	v3 =	vmul.f32 $5.000000000e-01, v3;
	v10 =	vadd.f32 v10, v13;
	v41 =	vpop (erf)  }
0x37c: {  	s4 =	sand.u32 $0x3FFFFF00, s4;
	v11 =	vsub.f32 v55, v11;
	v42 =	vmul.f32 v38, v18;
	v13 =	vmul.f32 v41, v19  }
0x37d: {  	s4 =	sor.u32 s18, s4;
	v4 =	vmul.f32 $5.000000000e-01, v4;
	v39 =	vmul.f32 v33, v34;
	v9 =	vadd.f32 v9, v10;
	v43 =	vpop (erf)  }
0x37e: {  	v40 =	vld [tilespmem:s4+$0x80];
	v20 =	vmul.f32 v35, v32;
	v45 =	vpop (erf);
	v18 =	vadd.f32 v42, v27;
	v13 =	vadd.f32 v13, v26  }
0x37f: {  	v8 =	vsub.f32 v53, v8;
	v44 =	vmul.f32 v43, v16;
	v10 =	vmul.f32 v45, v15  }
0x380: {  	s8 =	sadd.s32 $0x10, s9;
	v5 =	vadd.f32 v5, v9;
	v18 =	vmul.f32 $5.000000000e-01, v18;
	v13 =	vmul.f32 $5.000000000e-01, v13  }
0x381: {  	v48 =	vld [tilespmem:s8+$0x0];
	v46 =	vmax.f32 v39, v20;
	v16 =	vadd.f32 v44, v25;
	v10 =	vadd.f32 v10, v24  }
0x382: {  	v49 =	vld [tilespmem:s4+$0x0];
	vm0 =	vgt.f32 v20, v39;
	v18 =	vsub.f32 v18, v3;
	v13 =	vsub.f32 v13, v4  }
0x383: {  	v47 =	vsub.f32 v40, v46;
	v16 =	vmul.f32 $5.000000000e-01, v16;
	v10 =	vmul.f32 $5.000000000e-01, v10  }
0x384: {  	v0 =	vsel vm0, $0x3F800000, v0;
	v18 =	vmul.f32 v18, v18;
	v13 =	vmul.f32 v13, v13  }
0x385: {  	v6 =	vmul.f32 v6, v6;
	v50 =	vsub.f32 $1.000000000e+00, v0;
	v3 =	vsub.f32 v16, v3  }
0x386: {  	v8 =	vmul.f32 v8, v8;
	v4 =	vsub.f32 v10, v4;
	v13 =	vadd.f32 v13, v18  }
0x387: {  	v51 =	vsub.f32 v49, v46;
	v5 =	vadd.f32 v6, v5;
	v9 =	vmul.f32 v50, v48  }
0x388: {  	v3 =	vmul.f32 v3, v3;
	v4 =	vmul.f32 v4, v4;
	v52 =	vadd.f32 v13, v17  }
0x389: {  	v54 =	vmul.f32 v11, v11;
	v5 =	vadd.f32 v7, v5;
	v53 =	vsub.f32 $1.000000000e+00, v9  }
0x38a: {  	v55 =	vld [tilespmem:s19+$0x8A80];
	v10 =	vmul.f32 v51, v51;
	v3 =	vadd.f32 v4, v3;
	v6 =	vmul.f32 $5.000000000e+00, v52  }
0x38b: {  	v0 =	vmul.f32 v0, v48;
	v5 =	vadd.f32 v54, v5;
	v56 =	vmul.f32 $5.000000000e-01, v53  }
0x38c: {  	v57 =	vmul.f32 v47, v47;
	v3 =	vadd.f32 v3, v12;
	v6 =	vadd.f32 v10, v6  }
0x38d: {  	v58 =	vsub.f32 $1.000000000e+00, v0;
	v5 =	vadd.f32 v8, v5;
	v4 =	vmul.f32 v56, v49  }
0x38e: {  	v3 =	vmul.f32 $5.000000000e+00, v3;
	v6 =	vmul.f32 v6, v9  }
0x38f: {  	v2 =	vsub.f32 v55, v2;
	v59 =	vmul.f32 $5.000000000e-01, v58;
	v5 =	vadd.f32 v23, v5  }
0x390: {  	v4 =	vmul.f32 v4, v49;
	v3 =	vadd.f32 v3, v57;
	v6 =	vadd.f32 $0.0e+00, v6  }
0x391: {  	v2 =	vmul.f32 v2, v2;
	v61 =	vmul.f32 v59, v40  }
0x392: {  	v62 =	vadd.f32 v60, v5;
	v0 =	vmul.f32 v3, v0;
	v4 =	vadd.f32 v4, v6;
	_ =	sdelay $0x1  }
0x393: {  	v63 =	vmul.f32 v61, v40;
	v2 =	vadd.f32 v2, v62;
	v0 =	vadd.f32 v4, v0;
	_ =	sdelay $0x1  }
0x394: {  	s6 =	sadd.s32 s6, s17;
	v2 =	vmul.f32 v2, v48;
	v0 =	vadd.f32 v0, v63  }
0x395: {  	p0 =	sle.u32 s6, s7;
	s4 =	rddreg [dreg:$0x9]  }
0x396: {  	p1 =	sge.u32 s6, s5;
	s4 =	simm.s32 @!p0 $0x0;
	v0 =	vadd.f32 v2, v0  }
0x397: {  	s4 =	simm.s32 @!p1 $0x0  }
0x398: {  	v0 =	vmul.f32 s4, v0;
	_ =	sdelay $0x1  }
0x399: {  	v0 =	vadd.f32 v0, v1  }
0x39a: {  	s29 =	sshll.u32 s3, $0x4  }
0x39b: {  	s30 =	simm.s32 $0x12C00;
	s31 =	simm.s32 $0x2;
	s4 =	sadd.s32 s29, s2;
	[tilespmem:$0x12C00] =	vst v0  }
0x39c: {  	[spmem:s4] =	stream.linear.scatter [tilespmem:s30], [sflag:$0x2], $0x10, $0x38;
	[tilespmem:$0x12E10] =	vst v63  }
0x39d: {  	_ =	swait.ge [sflag:s31], $0x10  }
0x39e: {  	[sflag:s31] =	ssyncset.done $0x0  }
0x39f: {  	[sflag:s31] =	ssyncadd.s32 $0xFFFFFFF0  }
0x3a0: {  	p0 =	sne.s32 s3, $0x0;
	[bflag:$0x0] =	sbarrier.arrive $0xFFFF  }
0x3a1: {  	_ =	sfence.sel @p0 $0x180000  }
0x3a2: {  	[bflag:$0x0] =	sbarrier.arrive @p0 $0xFFFF  }
0x3a3: {  	_ =	strace @p0 $0x90000047  }
0x3a4: {  	s3 =	simm.s32 @!p0 $0x12C80;
	[bflag:$0x2] =	sbarrier.arrive @p0 $0xFFFF  }
0x3a5: {  	[tilespmem:s3], [sflag:$0x2] =	stream.linear.gather @!p0 [spmem:s2], $0x100, $0x38;
	[tilespmem:$0x12E10] =	vst v63  }
0x3a6: {  	s2 =	simm.s32 @!p0 $0x2  }
0x3a7: {  	_ =	swait.ge @!p0 [sflag:s2], $0x100  }
0x3a8: {  	[sflag:s2] =	ssyncset.done @!p0 $0x0  }
0x3a9: {  	[sflag:s2] =	ssyncadd.s32 @!p0 $0xFFFFFF00  }
0x3aa: {  	v0 =	vld @!p0 [tilespmem:$0x12C80];
	_ =	sdelay $0x1  }
0x3ab: {  	v1 =	vld @!p0 [tilespmem:$0x12C90];
	_ =	sdelay $0x1  }
0x3ac: {  	v2 =	vld @!p0 [tilespmem:$0x12CA0]  }
0x3ad: {  	v0 =	vadd.f32 @!p0 $0.0e+00, v0  }
0x3ae: {  	v3 =	vld @!p0 [tilespmem:$0x12CB0]  }
0x3af: {  	v0 =	vadd.f32 @!p0 v1, v0  }
0x3b0: {  	v1 =	vld @!p0 [tilespmem:$0x12CC0]  }
0x3b1: {  	v0 =	vadd.f32 @!p0 v2, v0  }
0x3b2: {  	v2 =	vld @!p0 [tilespmem:$0x12CD0]  }
0x3b3: {  	v0 =	vadd.f32 @!p0 v3, v0  }
0x3b4: {  	v3 =	vld @!p0 [tilespmem:$0x12CE0]  }
0x3b5: {  	v0 =	vadd.f32 @!p0 v1, v0  }
0x3b6: {  	v1 =	vld @!p0 [tilespmem:$0x12CF0]  }
0x3b7: {  	v0 =	vadd.f32 @!p0 v2, v0  }
0x3b8: {  	v2 =	vld @!p0 [tilespmem:$0x12D00]  }
0x3b9: {  	v0 =	vadd.f32 @!p0 v3, v0  }
0x3ba: {  	v3 =	vld @!p0 [tilespmem:$0x12D10]  }
0x3bb: {  	v0 =	vadd.f32 @!p0 v1, v0  }
0x3bc: {  	v1 =	vld @!p0 [tilespmem:$0x12D20]  }
0x3bd: {  	v0 =	vadd.f32 @!p0 v2, v0  }
0x3be: {  	v2 =	vld @!p0 [tilespmem:$0x12D30]  }
0x3bf: {  	v0 =	vadd.f32 @!p0 v3, v0  }
0x3c0: {  	v3 =	vld @!p0 [tilespmem:$0x12D40]  }
0x3c1: {  	v0 =	vadd.f32 @!p0 v1, v0  }
0x3c2: {  	v1 =	vld @!p0 [tilespmem:$0x12D50]  }
0x3c3: {  	v0 =	vadd.f32 @!p0 v2, v0  }
0x3c4: {  	v2 =	vld @!p0 [tilespmem:$0x12D60]  }
0x3c5: {  	v0 =	vadd.f32 @!p0 v3, v0  }
0x3c6: {  	v3 =	vld @!p0 [tilespmem:$0x12D70]  }
0x3c7: {  	v0 =	vadd.f32 @!p0 v1, v0;
	_ =	sdelay $0x1  }
0x3c8: {  	v0 =	vadd.f32 @!p0 v2, v0;
	_ =	sdelay $0x1  }
0x3c9: {  	v0 =	vadd.f32 @!p0 v3, v0;
	_ =	sdelay $0x1  }
0x3ca: {  	(xrf2) =	vadd.scan.msk.f32 @!p0 $0xffff, v0;
	_ =	sdelay $0x9  }
0x3cb: {  	v0, _, _ =	vpop @!p0 (xrf2)  }
0x3cc: {  	(v2sf) =	vpush @!p0 v0, $0xF;
	_ =	sdelay $0xe  }
0x3cd: {  	s3 =	spop @!p0 (v2sf)  }
0x3ce: {  	s3 =	smul.f32 @!p0 $7.812500000e-03, s3;
	_ =	sdelay $0x1  }
0x3cf: {  	vm0 =	vcmask @!p0 $0x300;
	v0 =	vmov @!p0 s3  }
0x3d0: {  	v0 =	vnsel @!p0 vm0, $0x0, v0  }
0x3d1: {  	s4 =	simm.s32 @!p0 $0x12D80;
	s3 =	simm.s32 @!p0 $0x0;
	[tilespmem:$0x12D80] =	vst @!p0 v0  }
0x3d2: {  	[hbm4b:s1+s3] =	stream.linear.scatter @!p0 [tilespmem:s4], [sflag:$0x2], $0x80, $0x38;
	[tilespmem:$0x12E10] =	vst v63  }
0x3d3: {  	_ =	swait.ge @!p0 [sflag:s2], $0x80  }
0x3d4: {  	[sflag:s2] =	ssyncset.done @!p0 $0x0  }
0x3d5: {  	[sflag:s2] =	ssyncadd.s32 @!p0 $0xFFFFFF80  }
0x3d6: {  	_ =	sfence.sel @!p0 $0x180000  }
0x3d7: {  	[bflag:$0x0] =	sbarrier.arrive @!p0 $0xFFFF  }
0x3d8: {  	_ =	strace @!p0 $0x90000047  }
0x3d9: {  	s0 =	sadd.s32 @!p0 $0x100000, s0;
	[bflag:$0x2] =	sbarrier.arrive @!p0 $0xFFFF  }
0x3da: {  	[sflag:s0] =	ssyncadd.tile.s32 @!p0 $0x1;
	_ =	shalt  }
.Lfunc_end2:
_tile_overlayer_lowered:
.L_overlay_start_2:
0x3db: {  	(tag) =	ssettag $0x2  }
0x3dc: {  	s0 =	rddreg [dreg:$0x0];
	s2 =	stileid.u32  }
0x3dd: {  	s1 =	rddreg [dreg:$0x1];
	p0 =	sne.s32 s2, $0x0  }
0x3de: {  	s3 =	rddreg [dreg:$0x2];
	[bflag:$0x3] =	sbarrier.arrive $0xFFFF;
	s2 =	simm.s32 @!p0 $0x1C02  }
0x3df: {  	[timem:s3], [sflag:s2] =	dma.local @!p0 [hbm:s0], s1  }
0x3e0: {  	s0 =	simm.s32 @!p0 $0x2  }
0x3e1: {  	_ =	swait.ge @!p0 [sflag:s0], s1  }
0x3e2: {  	s1 =	ssub.s32 @!p0 $0x0, s1;
	[sflag:s0] =	ssyncset.done @!p0 $0x0  }
0x3e3: {  	[sflag:s0] =	ssyncadd.s32 @!p0 s1  }
0x3e4: {  	[bflag:$0x3] =	sbarrier.arrive $0xFFFF  }
0x3e5: {  	_ =	shalt  }

</sc_bundles>
